<compile_context>
chip_gen: v7x
topology: tpu7x:2x2x1
jax: 0.10.2.dev20260603
libtpu: 0.0.44.dev20260713+nightly
codegen_flags: <defaults>
</compile_context>

<pallas_src>
import functools

import jax
import jax.numpy as jnp
from jax import lax
from jax.experimental import pallas as pl
from jax.experimental.pallas import tpu as pltpu
from jax.experimental.pallas import tpu_sc as plsc

PAD = 1
B, T, D = 4096, 200, 64
TP = 224
NW = 32
RPW = B // NW
SEQ = 202
DT = D // 8


def _make_sc_kernel():
    mesh = plsc.VectorSubcoreMesh(core_axis_name="c", subcore_axis_name="s")

    @functools.partial(
        pl.kernel,
        mesh=mesh,
        out_type=jax.ShapeDtypeStruct((T, DT * NW, 8 * RPW), jnp.float32),
        compiler_params=pltpu.CompilerParams(
            needs_layout_passes=False, use_tc_tiling_on_sc=False),
        scratch_types=[
            pltpu.VMEM((RPW * T + 8,), jnp.int32),
            pltpu.VMEM((TP, RPW + 1), jnp.int32),
            pltpu.VMEM((D, SEQ), jnp.float32),
            pltpu.VMEM((2, D * RPW), jnp.float32),
            pltpu.SemaphoreType.DMA,
            pltpu.SemaphoreType.DMA,
        ],
    )
    def k(tok_hbm, w_hbm, out_hbm, tok_v, idx_tv, w_v, blk_v, s0, s1):
        sems = (s0, s1)
        wid = lax.axis_index("s") * 2 + lax.axis_index("c")
        base = wid * RPW
        lanes = lax.iota(jnp.int32, 16)

        pltpu.sync_copy(w_hbm, w_v)
        pltpu.sync_copy(tok_hbm.at[pl.ds(base * T, RPW * T)],
                        tok_v.at[pl.ds(0, RPW * T)])

        @plsc.parallel_loop(0, RPW, unroll=2)
        def _index_body(rl):
            carry = jnp.int32(0)
            col = jnp.zeros((16,), jnp.int32) + rl
            for c in range(13):
                t = tok_v[pl.ds(rl * T + c * 16, 16)]
                ok = t != PAD
                if c == 12:
                    ok = ok & (lanes < 8)
                m = jnp.where(ok, jnp.int32(1), jnp.int32(0))
                cs = plsc.cumsum(m) + carry
                plsc.store_scatter(idx_tv, [lanes + c * 16, col], cs * m + PAD)
                carry = carry + jnp.sum(m)

        zero16 = jnp.zeros((16,), jnp.int32)

        def compute_block(t, slot):
            ivecs = [idx_tv[t, pl.ds(16 * kk, 16)] for kk in range(8)]

            @plsc.parallel_loop(0, D, unroll=8)
            def _gather(d):
                drow = zero16 + d
                for bc in range(8):
                    vals = plsc.load_gather(w_v, [drow, ivecs[bc]])
                    blk_v[slot, pl.ds(d * 128 + bc * 16, 16)] = vals

            for dt in range(DT):
                pltpu.async_copy(blk_v.at[slot, pl.ds(dt * 8 * RPW, 8 * RPW)],
                                 out_hbm.at[t, dt * NW + wid], sems[slot])

        def drain_block(t, slot):
            for dt in range(DT):
                pltpu.make_async_copy(blk_v.at[slot, pl.ds(dt * 8 * RPW, 8 * RPW)],
                                      out_hbm.at[t, dt * NW + wid],
                                      sems[slot]).wait()

        compute_block(0, 0)
        compute_block(1, 1)

        def body(g, carry_none):
            t0 = 2 * g
            drain_block(t0 - 2, 0)
            compute_block(t0, 0)
            drain_block(t0 - 1, 1)
            compute_block(t0 + 1, 1)
            return carry_none

        lax.fori_loop(1, T // 2, body, 0)
        drain_block(T - 2, 0)
        drain_block(T - 1, 1)

    return k


def kernel(tokens, weight):
    out5 = _make_sc_kernel()(tokens.astype(jnp.int32).reshape(-1), weight.T)
    out5 = out5.reshape(T, DT, NW, 8, RPW)
    return out5.transpose(2, 4, 0, 1, 3).reshape(B, T, D)

# --- scband reference (transcript-rebuilt; emitter-appended) ---
"""Pipeline reference for scband-sinusoidal-embedding-89807766159389 (READ-ONLY COPY).

The authoritative reference and input builder live on the scoring server;
editing this copy changes nothing except your own understanding.
"""

import jax, jax.numpy as jnp
import numpy as np

SEQ_LEN = 200
DIM = 64
PAD_TOKEN = 1
BATCH = 4096
HIST = 200
VOCAB = 1000


def sinusoidal_embedding(seq_len, dim, pad_token=None):
    half = dim // 2
    pos = np.arange(seq_len, dtype=np.float32)
    inv = np.power(10000.0, -np.arange(half, dtype=np.float32) / float(half - 1))
    sinusoid = np.outer(pos, inv)
    x = np.concatenate([np.sin(sinusoid), np.cos(sinusoid)], axis=1)
    if dim % 2 == 1:
        x = np.concatenate([x, np.zeros_like(x[:, :1])], axis=1)
    if pad_token is not None:
        x[pad_token, :] = 0.0
    return x.astype(np.float32)


def setup_inputs(seed: int = 0) -> dict:
    key = jax.random.key(seed)
    tokens = jax.random.randint(key, (BATCH, HIST), 0, VOCAB, dtype=jnp.int64 if jax.config.jax_enable_x64 else jnp.int32)
    weight = jnp.asarray(sinusoidal_embedding(SEQ_LEN + 2, DIM, PAD_TOKEN))
    return {"tokens": tokens, "weight": weight}


def reference(tokens, weight):
    mask = (tokens != PAD_TOKEN).astype(jnp.int32)
    indices = jnp.cumsum(mask, axis=1) * mask + PAD_TOKEN
    flat = indices.reshape(-1)
    pos_embeds = jnp.take(weight, flat, axis=0)
    return pos_embeds.reshape(tokens.shape + (weight.shape[-1],))

if __name__ == "__main__":
    import jax
    _d = setup_inputs()
    print(jax.jit(kernel)(*tuple(_d.values())))

</pallas_src>

<mosaic_0001>
#map = affine_map<(d0, d1) -> (0)>
#map1 = affine_map<(d0, d1) -> (0, 0)>
#map2 = affine_map<(d0, d1) -> (0, 0, 0)>
module attributes {stable_mosaic.version = 14 : i64} {
  func.func @k(%arg0: i32, %arg1: i32, %arg2: memref<819200xi32, #tpu.memory_space<hbm>>, %arg3: memref<64x202xf32, #tpu.memory_space<hbm>>, %arg4: memref<200x256x1024xf32, #tpu.memory_space<hbm>>, %arg5: memref<25608xi32, #tpu.memory_space<vmem>>, %arg6: memref<224x129xi32, #tpu.memory_space<vmem>>, %arg7: memref<64x202xf32, #tpu.memory_space<vmem>>, %arg8: memref<2x8192xf32, #tpu.memory_space<vmem>>, %arg9: memref<!tpu.dma_semaphore, #tpu.memory_space<semaphore_mem>>, %arg10: memref<!tpu.dma_semaphore, #tpu.memory_space<semaphore_mem>>) attributes {dimension_semantics = [#tpu.dimension_semantics<core_parallel>, #tpu.dimension_semantics<subcore_parallel>], iteration_bounds = array<i64: 2, 16>, scalar_prefetch = 0 : i64, scratch_operands = 6 : i64, tpu.core_type = #tpu.core_type<sc_vector_subcore>, window_params = [{transform_indices = #map}, {transform_indices = #map1}, {transform_indices = #map2}]} {
    %mul3A = arith.constant 2 : i32
    %mul3A_0 = arith.muli %arg1, %mul3A : i32
    %add3A = arith.addi %mul3A_0, %arg0 : i32
    %mul3A_1 = arith.constant 128 : i32
    %mul3A_2 = arith.muli %add3A, %mul3A_1 : i32
    %iota3A = tpu.iota {dimensions = array<i32: 0>} : vector<16xi32>
    "tpu.region"() ({
      %run_scoped3A = tpu.sem_alloc : memref<!tpu.dma_semaphore, #tpu.memory_space<semaphore_mem>>
      tpu.enqueue_dma source(%arg3 : memref<64x202xf32, #tpu.memory_space<hbm>>) target(%arg7 : memref<64x202xf32, #tpu.memory_space<vmem>>) target_semaphore(%run_scoped3A : memref<!tpu.dma_semaphore, #tpu.memory_space<semaphore_mem>>)
      tpu.wait_dma2 semaphore(%run_scoped3A : memref<!tpu.dma_semaphore, #tpu.memory_space<semaphore_mem>>) src(%arg3 : memref<64x202xf32, #tpu.memory_space<hbm>>) dst(%arg7 : memref<64x202xf32, #tpu.memory_space<vmem>>)
      tpu.yield
    }) : () -> ()
    %mul3A_3 = arith.constant 200 : i32
    %mul3A_4 = arith.muli %mul3A_2, %mul3A_3 : i32
    "tpu.region"() ({
      %run_scoped3A = tpu.sem_alloc : memref<!tpu.dma_semaphore, #tpu.memory_space<semaphore_mem>>
      %dma_start3A_592 = arith.constant 0 : i32
      %dma_start3A_593 = tpu.memref_slice %arg5[%dma_start3A_592] : memref<25608xi32, #tpu.memory_space<vmem>> -> memref<25600xi32, #tpu.memory_space<vmem>>
      %dma_start3A_594 = tpu.memref_slice %arg2[%mul3A_4] : memref<819200xi32, #tpu.memory_space<hbm>> -> memref<25600xi32, #tpu.memory_space<hbm>>
      %dma_start3A_595 = arith.constant 0 : i32
      %dma_start3A_596 = tpu.memref_slice %arg5[%dma_start3A_595] : memref<25608xi32, #tpu.memory_space<vmem>> -> memref<25600xi32, #tpu.memory_space<vmem>>
      %dma_start3A_597 = tpu.memref_slice %arg2[%mul3A_4] : memref<819200xi32, #tpu.memory_space<hbm>> -> memref<25600xi32, #tpu.memory_space<hbm>>
      tpu.enqueue_dma source(%dma_start3A_597 : memref<25600xi32, #tpu.memory_space<hbm>>) target(%dma_start3A_596 : memref<25600xi32, #tpu.memory_space<vmem>>) target_semaphore(%run_scoped3A : memref<!tpu.dma_semaphore, #tpu.memory_space<semaphore_mem>>)
      %dma_wait3A_598 = arith.constant 0 : i32
      %dma_wait3A_599 = tpu.memref_slice %arg5[%dma_wait3A_598] : memref<25608xi32, #tpu.memory_space<vmem>> -> memref<25600xi32, #tpu.memory_space<vmem>>
      %dma_wait3A_600 = tpu.memref_slice %arg2[%mul3A_4] : memref<819200xi32, #tpu.memory_space<hbm>> -> memref<25600xi32, #tpu.memory_space<hbm>>
      %dma_wait3A_601 = arith.constant 0 : i32
      %dma_wait3A_602 = tpu.memref_slice %arg5[%dma_wait3A_601] : memref<25608xi32, #tpu.memory_space<vmem>> -> memref<25600xi32, #tpu.memory_space<vmem>>
      %dma_wait3A_603 = tpu.memref_slice %arg2[%mul3A_4] : memref<819200xi32, #tpu.memory_space<hbm>> -> memref<25600xi32, #tpu.memory_space<hbm>>
      tpu.wait_dma2 semaphore(%run_scoped3A : memref<!tpu.dma_semaphore, #tpu.memory_space<semaphore_mem>>) src(%dma_wait3A_603 : memref<25600xi32, #tpu.memory_space<hbm>>) dst(%dma_wait3A_602 : memref<25600xi32, #tpu.memory_space<vmem>>)
      tpu.yield
    }) : () -> ()
    %parallel_loop3A = arith.constant 0 : i32
    %parallel_loop3A_5 = arith.constant 128 : i32
    %parallel_loop3A_6 = arith.constant 1 : i32
    scf.for %parallel_loop3A_592 = %parallel_loop3A to %parallel_loop3A_5 step %parallel_loop3A_6  : i32 {
      %parallel_loop3A_593 = arith.constant 0 : i32
      %parallel_loop3A_594 = vector.broadcast %parallel_loop3A_593 : i32 to vector<16xi32>
      %parallel_loop3A_595 = vector.broadcast %parallel_loop3A_592 : i32 to vector<16xi32>
      %parallel_loop3A_596 = arith.addi %parallel_loop3A_594, %parallel_loop3A_595 : vector<16xi32>
      %parallel_loop3A_597 = arith.constant 200 : i32
      %parallel_loop3A_598 = arith.muli %parallel_loop3A_592, %parallel_loop3A_597 : i32
      %parallel_loop3A_599 = arith.constant 0 : i32
      %parallel_loop3A_600 = arith.addi %parallel_loop3A_598, %parallel_loop3A_599 : i32
      %parallel_loop3A_601 = arith.index_cast %parallel_loop3A_600 : i32 to index
      %parallel_loop3A_602 = tpu.vector_load %arg5[%parallel_loop3A_601] {strides = array<i32>} : memref<25608xi32, #tpu.memory_space<vmem>>, vector<16xi32>,
      %parallel_loop3A_603 = arith.constant 1 : i32
      %parallel_loop3A_604 = vector.broadcast %parallel_loop3A_603 : i32 to vector<16xi32>
      %parallel_loop3A_605 = arith.cmpi ne, %parallel_loop3A_602, %parallel_loop3A_604 : vector<16xi32>
      %parallel_loop3A_606 = arith.constant 1 : i32
      %parallel_loop3A_607 = arith.constant 0 : i32
      %parallel_loop3A_608 = vector.broadcast %parallel_loop3A_606 : i32 to vector<16xi32>
      %parallel_loop3A_609 = vector.broadcast %parallel_loop3A_607 : i32 to vector<16xi32>
      %parallel_loop3A_610 = arith.select %parallel_loop3A_605, %parallel_loop3A_608, %parallel_loop3A_609 : vector<16xi1>, vector<16xi32>
      %parallel_loop3A_611 = arith.constant true
      %parallel_loop3A_612 = vector.broadcast %parallel_loop3A_611 : i1 to vector<16xi1>
      %parallel_loop3A_613 = tpu.scan <sum>, %parallel_loop3A_610 masked %parallel_loop3A_612 : vector<16xi32>, vector<16xi1> -> vector<16xi32>
      %parallel_loop3A_614 = arith.constant 0 : i32
      %parallel_loop3A_615 = vector.broadcast %parallel_loop3A_614 : i32 to vector<16xi32>
      %parallel_loop3A_616 = arith.addi %parallel_loop3A_613, %parallel_loop3A_615 : vector<16xi32>
      %parallel_loop3A_617 = arith.constant 0 : i32
      %parallel_loop3A_618 = vector.broadcast %parallel_loop3A_617 : i32 to vector<16xi32>
      %parallel_loop3A_619 = arith.addi %iota3A, %parallel_loop3A_618 : vector<16xi32>
      %parallel_loop3A_620 = arith.muli %parallel_loop3A_616, %parallel_loop3A_610 : vector<16xi32>
      %parallel_loop3A_621 = arith.constant 1 : i32
      %parallel_loop3A_622 = vector.broadcast %parallel_loop3A_621 : i32 to vector<16xi32>
      %parallel_loop3A_623 = arith.addi %parallel_loop3A_620, %parallel_loop3A_622 : vector<16xi32>
      tpu.vector_store_idx %arg6[%parallel_loop3A_619, %parallel_loop3A_596], %parallel_loop3A_623 : memref<224x129xi32, #tpu.memory_space<vmem>>[vector<16xi32>, vector<16xi32>], vector<16xi32>,
      %parallel_loop3A_624 = arith.constant true
      %parallel_loop3A_625 = vector.broadcast %parallel_loop3A_624 : i1 to vector<16xi1>
      %parallel_loop3A_626 = tpu.scan <sum>, %parallel_loop3A_610 masked %parallel_loop3A_625 : vector<16xi32>, vector<16xi1> -> vector<16xi32>
      %parallel_loop3A_627 = vector.extract %parallel_loop3A_626[15] : i32 from vector<16xi32>
      %parallel_loop3A_628 = arith.constant 0 : i32
      %parallel_loop3A_629 = arith.addi %parallel_loop3A_628, %parallel_loop3A_627 : i32
      %parallel_loop3A_630 = arith.constant 200 : i32
      %parallel_loop3A_631 = arith.muli %parallel_loop3A_592, %parallel_loop3A_630 : i32
      %parallel_loop3A_632 = arith.constant 16 : i32
      %parallel_loop3A_633 = arith.addi %parallel_loop3A_631, %parallel_loop3A_632 : i32
      %parallel_loop3A_634 = arith.index_cast %parallel_loop3A_633 : i32 to index
      %parallel_loop3A_635 = tpu.vector_load %arg5[%parallel_loop3A_634] {strides = array<i32>} : memref<25608xi32, #tpu.memory_space<vmem>>, vector<16xi32>,
      %parallel_loop3A_636 = arith.constant 1 : i32
      %parallel_loop3A_637 = vector.broadcast %parallel_loop3A_636 : i32 to vector<16xi32>
      %parallel_loop3A_638 = arith.cmpi ne, %parallel_loop3A_635, %parallel_loop3A_637 : vector<16xi32>
      %parallel_loop3A_639 = arith.constant 1 : i32
      %parallel_loop3A_640 = arith.constant 0 : i32
      %parallel_loop3A_641 = vector.broadcast %parallel_loop3A_639 : i32 to vector<16xi32>
      %parallel_loop3A_642 = vector.broadcast %parallel_loop3A_640 : i32 to vector<16xi32>
      %parallel_loop3A_643 = arith.select %parallel_loop3A_638, %parallel_loop3A_641, %parallel_loop3A_642 : vector<16xi1>, vector<16xi32>
      %parallel_loop3A_644 = arith.constant true
      %parallel_loop3A_645 = vector.broadcast %parallel_loop3A_644 : i1 to vector<16xi1>
      %parallel_loop3A_646 = tpu.scan <sum>, %parallel_loop3A_643 masked %parallel_loop3A_645 : vector<16xi32>, vector<16xi1> -> vector<16xi32>
      %parallel_loop3A_647 = vector.broadcast %parallel_loop3A_629 : i32 to vector<16xi32>
      %parallel_loop3A_648 = arith.addi %parallel_loop3A_646, %parallel_loop3A_647 : vector<16xi32>
      %parallel_loop3A_649 = arith.constant 16 : i32
      %parallel_loop3A_650 = vector.broadcast %parallel_loop3A_649 : i32 to vector<16xi32>
      %parallel_loop3A_651 = arith.addi %iota3A, %parallel_loop3A_650 : vector<16xi32>
      %parallel_loop3A_652 = arith.muli %parallel_loop3A_648, %parallel_loop3A_643 : vector<16xi32>
      %parallel_loop3A_653 = arith.constant 1 : i32
      %parallel_loop3A_654 = vector.broadcast %parallel_loop3A_653 : i32 to vector<16xi32>
      %parallel_loop3A_655 = arith.addi %parallel_loop3A_652, %parallel_loop3A_654 : vector<16xi32>
      tpu.vector_store_idx %arg6[%parallel_loop3A_651, %parallel_loop3A_596], %parallel_loop3A_655 : memref<224x129xi32, #tpu.memory_space<vmem>>[vector<16xi32>, vector<16xi32>], vector<16xi32>,
      %parallel_loop3A_656 = arith.constant true
      %parallel_loop3A_657 = vector.broadcast %parallel_loop3A_656 : i1 to vector<16xi1>
      %parallel_loop3A_658 = tpu.scan <sum>, %parallel_loop3A_643 masked %parallel_loop3A_657 : vector<16xi32>, vector<16xi1> -> vector<16xi32>
      %parallel_loop3A_659 = vector.extract %parallel_loop3A_658[15] : i32 from vector<16xi32>
      %parallel_loop3A_660 = arith.addi %parallel_loop3A_629, %parallel_loop3A_659 : i32
      %parallel_loop3A_661 = arith.constant 200 : i32
      %parallel_loop3A_662 = arith.muli %parallel_loop3A_592, %parallel_loop3A_661 : i32
      %parallel_loop3A_663 = arith.constant 32 : i32
      %parallel_loop3A_664 = arith.addi %parallel_loop3A_662, %parallel_loop3A_663 : i32
      %parallel_loop3A_665 = arith.index_cast %parallel_loop3A_664 : i32 to index
      %parallel_loop3A_666 = tpu.vector_load %arg5[%parallel_loop3A_665] {strides = array<i32>} : memref<25608xi32, #tpu.memory_space<vmem>>, vector<16xi32>,
      %parallel_loop3A_667 = arith.constant 1 : i32
      %parallel_loop3A_668 = vector.broadcast %parallel_loop3A_667 : i32 to vector<16xi32>
      %parallel_loop3A_669 = arith.cmpi ne, %parallel_loop3A_666, %parallel_loop3A_668 : vector<16xi32>
      %parallel_loop3A_670 = arith.constant 1 : i32
      %parallel_loop3A_671 = arith.constant 0 : i32
      %parallel_loop3A_672 = vector.broadcast %parallel_loop3A_670 : i32 to vector<16xi32>
      %parallel_loop3A_673 = vector.broadcast %parallel_loop3A_671 : i32 to vector<16xi32>
      %parallel_loop3A_674 = arith.select %parallel_loop3A_669, %parallel_loop3A_672, %parallel_loop3A_673 : vector<16xi1>, vector<16xi32>
      %parallel_loop3A_675 = arith.constant true
      %parallel_loop3A_676 = vector.broadcast %parallel_loop3A_675 : i1 to vector<16xi1>
      %parallel_loop3A_677 = tpu.scan <sum>, %parallel_loop3A_674 masked %parallel_loop3A_676 : vector<16xi32>, vector<16xi1> -> vector<16xi32>
      %parallel_loop3A_678 = vector.broadcast %parallel_loop3A_660 : i32 to vector<16xi32>
      %parallel_loop3A_679 = arith.addi %parallel_loop3A_677, %parallel_loop3A_678 : vector<16xi32>
      %parallel_loop3A_680 = arith.constant 32 : i32
      %parallel_loop3A_681 = vector.broadcast %parallel_loop3A_680 : i32 to vector<16xi32>
      %parallel_loop3A_682 = arith.addi %iota3A, %parallel_loop3A_681 : vector<16xi32>
      %parallel_loop3A_683 = arith.muli %parallel_loop3A_679, %parallel_loop3A_674 : vector<16xi32>
      %parallel_loop3A_684 = arith.constant 1 : i32
      %parallel_loop3A_685 = vector.broadcast %parallel_loop3A_684 : i32 to vector<16xi32>
      %parallel_loop3A_686 = arith.addi %parallel_loop3A_683, %parallel_loop3A_685 : vector<16xi32>
      tpu.vector_store_idx %arg6[%parallel_loop3A_682, %parallel_loop3A_596], %parallel_loop3A_686 : memref<224x129xi32, #tpu.memory_space<vmem>>[vector<16xi32>, vector<16xi32>], vector<16xi32>,
      %parallel_loop3A_687 = arith.constant true
      %parallel_loop3A_688 = vector.broadcast %parallel_loop3A_687 : i1 to vector<16xi1>
      %parallel_loop3A_689 = tpu.scan <sum>, %parallel_loop3A_674 masked %parallel_loop3A_688 : vector<16xi32>, vector<16xi1> -> vector<16xi32>
      %parallel_loop3A_690 = vector.extract %parallel_loop3A_689[15] : i32 from vector<16xi32>
      %parallel_loop3A_691 = arith.addi %parallel_loop3A_660, %parallel_loop3A_690 : i32
      %parallel_loop3A_692 = arith.constant 200 : i32
      %parallel_loop3A_693 = arith.muli %parallel_loop3A_592, %parallel_loop3A_692 : i32
      %parallel_loop3A_694 = arith.constant 48 : i32
      %parallel_loop3A_695 = arith.addi %parallel_loop3A_693, %parallel_loop3A_694 : i32
      %parallel_loop3A_696 = arith.index_cast %parallel_loop3A_695 : i32 to index
      %parallel_loop3A_697 = tpu.vector_load %arg5[%parallel_loop3A_696] {strides = array<i32>} : memref<25608xi32, #tpu.memory_space<vmem>>, vector<16xi32>,
      %parallel_loop3A_698 = arith.constant 1 : i32
      %parallel_loop3A_699 = vector.broadcast %parallel_loop3A_698 : i32 to vector<16xi32>
      %parallel_loop3A_700 = arith.cmpi ne, %parallel_loop3A_697, %parallel_loop3A_699 : vector<16xi32>
      %parallel_loop3A_701 = arith.constant 1 : i32
      %parallel_loop3A_702 = arith.constant 0 : i32
      %parallel_loop3A_703 = vector.broadcast %parallel_loop3A_701 : i32 to vector<16xi32>
      %parallel_loop3A_704 = vector.broadcast %parallel_loop3A_702 : i32 to vector<16xi32>
      %parallel_loop3A_705 = arith.select %parallel_loop3A_700, %parallel_loop3A_703, %parallel_loop3A_704 : vector<16xi1>, vector<16xi32>
      %parallel_loop3A_706 = arith.constant true
      %parallel_loop3A_707 = vector.broadcast %parallel_loop3A_706 : i1 to vector<16xi1>
      %parallel_loop3A_708 = tpu.scan <sum>, %parallel_loop3A_705 masked %parallel_loop3A_707 : vector<16xi32>, vector<16xi1> -> vector<16xi32>
      %parallel_loop3A_709 = vector.broadcast %parallel_loop3A_691 : i32 to vector<16xi32>
      %parallel_loop3A_710 = arith.addi %parallel_loop3A_708, %parallel_loop3A_709 : vector<16xi32>
      %parallel_loop3A_711 = arith.constant 48 : i32
      %parallel_loop3A_712 = vector.broadcast %parallel_loop3A_711 : i32 to vector<16xi32>
      %parallel_loop3A_713 = arith.addi %iota3A, %parallel_loop3A_712 : vector<16xi32>
      %parallel_loop3A_714 = arith.muli %parallel_loop3A_710, %parallel_loop3A_705 : vector<16xi32>
      %parallel_loop3A_715 = arith.constant 1 : i32
      %parallel_loop3A_716 = vector.broadcast %parallel_loop3A_715 : i32 to vector<16xi32>
      %parallel_loop3A_717 = arith.addi %parallel_loop3A_714, %parallel_loop3A_716 : vector<16xi32>
      tpu.vector_store_idx %arg6[%parallel_loop3A_713, %parallel_loop3A_596], %parallel_loop3A_717 : memref<224x129xi32, #tpu.memory_space<vmem>>[vector<16xi32>, vector<16xi32>], vector<16xi32>,
      %parallel_loop3A_718 = arith.constant true
      %parallel_loop3A_719 = vector.broadcast %parallel_loop3A_718 : i1 to vector<16xi1>
      %parallel_loop3A_720 = tpu.scan <sum>, %parallel_loop3A_705 masked %parallel_loop3A_719 : vector<16xi32>, vector<16xi1> -> vector<16xi32>
      %parallel_loop3A_721 = vector.extract %parallel_loop3A_720[15] : i32 from vector<16xi32>
      %parallel_loop3A_722 = arith.addi %parallel_loop3A_691, %parallel_loop3A_721 : i32
      %parallel_loop3A_723 = arith.constant 200 : i32
      %parallel_loop3A_724 = arith.muli %parallel_loop3A_592, %parallel_loop3A_723 : i32
      %parallel_loop3A_725 = arith.constant 64 : i32
      %parallel_loop3A_726 = arith.addi %parallel_loop3A_724, %parallel_loop3A_725 : i32
      %parallel_loop3A_727 = arith.index_cast %parallel_loop3A_726 : i32 to index
      %parallel_loop3A_728 = tpu.vector_load %arg5[%parallel_loop3A_727] {strides = array<i32>} : memref<25608xi32, #tpu.memory_space<vmem>>, vector<16xi32>,
      %parallel_loop3A_729 = arith.constant 1 : i32
      %parallel_loop3A_730 = vector.broadcast %parallel_loop3A_729 : i32 to vector<16xi32>
      %parallel_loop3A_731 = arith.cmpi ne, %parallel_loop3A_728, %parallel_loop3A_730 : vector<16xi32>
      %parallel_loop3A_732 = arith.constant 1 : i32
      %parallel_loop3A_733 = arith.constant 0 : i32
      %parallel_loop3A_734 = vector.broadcast %parallel_loop3A_732 : i32 to vector<16xi32>
      %parallel_loop3A_735 = vector.broadcast %parallel_loop3A_733 : i32 to vector<16xi32>
      %parallel_loop3A_736 = arith.select %parallel_loop3A_731, %parallel_loop3A_734, %parallel_loop3A_735 : vector<16xi1>, vector<16xi32>
      %parallel_loop3A_737 = arith.constant true
      %parallel_loop3A_738 = vector.broadcast %parallel_loop3A_737 : i1 to vector<16xi1>
      %parallel_loop3A_739 = tpu.scan <sum>, %parallel_loop3A_736 masked %parallel_loop3A_738 : vector<16xi32>, vector<16xi1> -> vector<16xi32>
      %parallel_loop3A_740 = vector.broadcast %parallel_loop3A_722 : i32 to vector<16xi32>
      %parallel_loop3A_741 = arith.addi %parallel_loop3A_739, %parallel_loop3A_740 : vector<16xi32>
      %parallel_loop3A_742 = arith.constant 64 : i32
      %parallel_loop3A_743 = vector.broadcast %parallel_loop3A_742 : i32 to vector<16xi32>
      %parallel_loop3A_744 = arith.addi %iota3A, %parallel_loop3A_743 : vector<16xi32>
      %parallel_loop3A_745 = arith.muli %parallel_loop3A_741, %parallel_loop3A_736 : vector<16xi32>
      %parallel_loop3A_746 = arith.constant 1 : i32
      %parallel_loop3A_747 = vector.broadcast %parallel_loop3A_746 : i32 to vector<16xi32>
      %parallel_loop3A_748 = arith.addi %parallel_loop3A_745, %parallel_loop3A_747 : vector<16xi32>
      tpu.vector_store_idx %arg6[%parallel_loop3A_744, %parallel_loop3A_596], %parallel_loop3A_748 : memref<224x129xi32, #tpu.memory_space<vmem>>[vector<16xi32>, vector<16xi32>], vector<16xi32>,
      %parallel_loop3A_749 = arith.constant true
      %parallel_loop3A_750 = vector.broadcast %parallel_loop3A_749 : i1 to vector<16xi1>
      %parallel_loop3A_751 = tpu.scan <sum>, %parallel_loop3A_736 masked %parallel_loop3A_750 : vector<16xi32>, vector<16xi1> -> vector<16xi32>
      %parallel_loop3A_752 = vector.extract %parallel_loop3A_751[15] : i32 from vector<16xi32>
      %parallel_loop3A_753 = arith.addi %parallel_loop3A_722, %parallel_loop3A_752 : i32
      %parallel_loop3A_754 = arith.constant 200 : i32
      %parallel_loop3A_755 = arith.muli %parallel_loop3A_592, %parallel_loop3A_754 : i32
      %parallel_loop3A_756 = arith.constant 80 : i32
      %parallel_loop3A_757 = arith.addi %parallel_loop3A_755, %parallel_loop3A_756 : i32
      %parallel_loop3A_758 = arith.index_cast %parallel_loop3A_757 : i32 to index
      %parallel_loop3A_759 = tpu.vector_load %arg5[%parallel_loop3A_758] {strides = array<i32>} : memref<25608xi32, #tpu.memory_space<vmem>>, vector<16xi32>,
      %parallel_loop3A_760 = arith.constant 1 : i32
      %parallel_loop3A_761 = vector.broadcast %parallel_loop3A_760 : i32 to vector<16xi32>
      %parallel_loop3A_762 = arith.cmpi ne, %parallel_loop3A_759, %parallel_loop3A_761 : vector<16xi32>
      %parallel_loop3A_763 = arith.constant 1 : i32
      %parallel_loop3A_764 = arith.constant 0 : i32
      %parallel_loop3A_765 = vector.broadcast %parallel_loop3A_763 : i32 to vector<16xi32>
      %parallel_loop3A_766 = vector.broadcast %parallel_loop3A_764 : i32 to vector<16xi32>
      %parallel_loop3A_767 = arith.select %parallel_loop3A_762, %parallel_loop3A_765, %parallel_loop3A_766 : vector<16xi1>, vector<16xi32>
      %parallel_loop3A_768 = arith.constant true
      %parallel_loop3A_769 = vector.broadcast %parallel_loop3A_768 : i1 to vector<16xi1>
      %parallel_loop3A_770 = tpu.scan <sum>, %parallel_loop3A_767 masked %parallel_loop3A_769 : vector<16xi32>, vector<16xi1> -> vector<16xi32>
      %parallel_loop3A_771 = vector.broadcast %parallel_loop3A_753 : i32 to vector<16xi32>
      %parallel_loop3A_772 = arith.addi %parallel_loop3A_770, %parallel_loop3A_771 : vector<16xi32>
      %parallel_loop3A_773 = arith.constant 80 : i32
      %parallel_loop3A_774 = vector.broadcast %parallel_loop3A_773 : i32 to vector<16xi32>
      %parallel_loop3A_775 = arith.addi %iota3A, %parallel_loop3A_774 : vector<16xi32>
      %parallel_loop3A_776 = arith.muli %parallel_loop3A_772, %parallel_loop3A_767 : vector<16xi32>
      %parallel_loop3A_777 = arith.constant 1 : i32
      %parallel_loop3A_778 = vector.broadcast %parallel_loop3A_777 : i32 to vector<16xi32>
      %parallel_loop3A_779 = arith.addi %parallel_loop3A_776, %parallel_loop3A_778 : vector<16xi32>
      tpu.vector_store_idx %arg6[%parallel_loop3A_775, %parallel_loop3A_596], %parallel_loop3A_779 : memref<224x129xi32, #tpu.memory_space<vmem>>[vector<16xi32>, vector<16xi32>], vector<16xi32>,
      %parallel_loop3A_780 = arith.constant true
      %parallel_loop3A_781 = vector.broadcast %parallel_loop3A_780 : i1 to vector<16xi1>
      %parallel_loop3A_782 = tpu.scan <sum>, %parallel_loop3A_767 masked %parallel_loop3A_781 : vector<16xi32>, vector<16xi1> -> vector<16xi32>
      %parallel_loop3A_783 = vector.extract %parallel_loop3A_782[15] : i32 from vector<16xi32>
      %parallel_loop3A_784 = arith.addi %parallel_loop3A_753, %parallel_loop3A_783 : i32
      %parallel_loop3A_785 = arith.constant 200 : i32
      %parallel_loop3A_786 = arith.muli %parallel_loop3A_592, %parallel_loop3A_785 : i32
      %parallel_loop3A_787 = arith.constant 96 : i32
      %parallel_loop3A_788 = arith.addi %parallel_loop3A_786, %parallel_loop3A_787 : i32
      %parallel_loop3A_789 = arith.index_cast %parallel_loop3A_788 : i32 to index
      %parallel_loop3A_790 = tpu.vector_load %arg5[%parallel_loop3A_789] {strides = array<i32>} : memref<25608xi32, #tpu.memory_space<vmem>>, vector<16xi32>,
      %parallel_loop3A_791 = arith.constant 1 : i32
      %parallel_loop3A_792 = vector.broadcast %parallel_loop3A_791 : i32 to vector<16xi32>
      %parallel_loop3A_793 = arith.cmpi ne, %parallel_loop3A_790, %parallel_loop3A_792 : vector<16xi32>
      %parallel_loop3A_794 = arith.constant 1 : i32
      %parallel_loop3A_795 = arith.constant 0 : i32
      %parallel_loop3A_796 = vector.broadcast %parallel_loop3A_794 : i32 to vector<16xi32>
      %parallel_loop3A_797 = vector.broadcast %parallel_loop3A_795 : i32 to vector<16xi32>
      %parallel_loop3A_798 = arith.select %parallel_loop3A_793, %parallel_loop3A_796, %parallel_loop3A_797 : vector<16xi1>, vector<16xi32>
      %parallel_loop3A_799 = arith.constant true
      %parallel_loop3A_800 = vector.broadcast %parallel_loop3A_799 : i1 to vector<16xi1>
      %parallel_loop3A_801 = tpu.scan <sum>, %parallel_loop3A_798 masked %parallel_loop3A_800 : vector<16xi32>, vector<16xi1> -> vector<16xi32>
      %parallel_loop3A_802 = vector.broadcast %parallel_loop3A_784 : i32 to vector<16xi32>
      %parallel_loop3A_803 = arith.addi %parallel_loop3A_801, %parallel_loop3A_802 : vector<16xi32>
      %parallel_loop3A_804 = arith.constant 96 : i32
      %parallel_loop3A_805 = vector.broadcast %parallel_loop3A_804 : i32 to vector<16xi32>
      %parallel_loop3A_806 = arith.addi %iota3A, %parallel_loop3A_805 : vector<16xi32>
      %parallel_loop3A_807 = arith.muli %parallel_loop3A_803, %parallel_loop3A_798 : vector<16xi32>
      %parallel_loop3A_808 = arith.constant 1 : i32
      %parallel_loop3A_809 = vector.broadcast %parallel_loop3A_808 : i32 to vector<16xi32>
      %parallel_loop3A_810 = arith.addi %parallel_loop3A_807, %parallel_loop3A_809 : vector<16xi32>
      tpu.vector_store_idx %arg6[%parallel_loop3A_806, %parallel_loop3A_596], %parallel_loop3A_810 : memref<224x129xi32, #tpu.memory_space<vmem>>[vector<16xi32>, vector<16xi32>], vector<16xi32>,
      %parallel_loop3A_811 = arith.constant true
      %parallel_loop3A_812 = vector.broadcast %parallel_loop3A_811 : i1 to vector<16xi1>
      %parallel_loop3A_813 = tpu.scan <sum>, %parallel_loop3A_798 masked %parallel_loop3A_812 : vector<16xi32>, vector<16xi1> -> vector<16xi32>
      %parallel_loop3A_814 = vector.extract %parallel_loop3A_813[15] : i32 from vector<16xi32>
      %parallel_loop3A_815 = arith.addi %parallel_loop3A_784, %parallel_loop3A_814 : i32
      %parallel_loop3A_816 = arith.constant 200 : i32
      %parallel_loop3A_817 = arith.muli %parallel_loop3A_592, %parallel_loop3A_816 : i32
      %parallel_loop3A_818 = arith.constant 112 : i32
      %parallel_loop3A_819 = arith.addi %parallel_loop3A_817, %parallel_loop3A_818 : i32
      %parallel_loop3A_820 = arith.index_cast %parallel_loop3A_819 : i32 to index
      %parallel_loop3A_821 = tpu.vector_load %arg5[%parallel_loop3A_820] {strides = array<i32>} : memref<25608xi32, #tpu.memory_space<vmem>>, vector<16xi32>,
      %parallel_loop3A_822 = arith.constant 1 : i32
      %parallel_loop3A_823 = vector.broadcast %parallel_loop3A_822 : i32 to vector<16xi32>
      %parallel_loop3A_824 = arith.cmpi ne, %parallel_loop3A_821, %parallel_loop3A_823 : vector<16xi32>
      %parallel_loop3A_825 = arith.constant 1 : i32
      %parallel_loop3A_826 = arith.constant 0 : i32
      %parallel_loop3A_827 = vector.broadcast %parallel_loop3A_825 : i32 to vector<16xi32>
      %parallel_loop3A_828 = vector.broadcast %parallel_loop3A_826 : i32 to vector<16xi32>
      %parallel_loop3A_829 = arith.select %parallel_loop3A_824, %parallel_loop3A_827, %parallel_loop3A_828 : vector<16xi1>, vector<16xi32>
      %parallel_loop3A_830 = arith.constant true
      %parallel_loop3A_831 = vector.broadcast %parallel_loop3A_830 : i1 to vector<16xi1>
      %parallel_loop3A_832 = tpu.scan <sum>, %parallel_loop3A_829 masked %parallel_loop3A_831 : vector<16xi32>, vector<16xi1> -> vector<16xi32>
      %parallel_loop3A_833 = vector.broadcast %parallel_loop3A_815 : i32 to vector<16xi32>
      %parallel_loop3A_834 = arith.addi %parallel_loop3A_832, %parallel_loop3A_833 : vector<16xi32>
      %parallel_loop3A_835 = arith.constant 112 : i32
      %parallel_loop3A_836 = vector.broadcast %parallel_loop3A_835 : i32 to vector<16xi32>
      %parallel_loop3A_837 = arith.addi %iota3A, %parallel_loop3A_836 : vector<16xi32>
      %parallel_loop3A_838 = arith.muli %parallel_loop3A_834, %parallel_loop3A_829 : vector<16xi32>
      %parallel_loop3A_839 = arith.constant 1 : i32
      %parallel_loop3A_840 = vector.broadcast %parallel_loop3A_839 : i32 to vector<16xi32>
      %parallel_loop3A_841 = arith.addi %parallel_loop3A_838, %parallel_loop3A_840 : vector<16xi32>
      tpu.vector_store_idx %arg6[%parallel_loop3A_837, %parallel_loop3A_596], %parallel_loop3A_841 : memref<224x129xi32, #tpu.memory_space<vmem>>[vector<16xi32>, vector<16xi32>], vector<16xi32>,
      %parallel_loop3A_842 = arith.constant true
      %parallel_loop3A_843 = vector.broadcast %parallel_loop3A_842 : i1 to vector<16xi1>
      %parallel_loop3A_844 = tpu.scan <sum>, %parallel_loop3A_829 masked %parallel_loop3A_843 : vector<16xi32>, vector<16xi1> -> vector<16xi32>
      %parallel_loop3A_845 = vector.extract %parallel_loop3A_844[15] : i32 from vector<16xi32>
      %parallel_loop3A_846 = arith.addi %parallel_loop3A_815, %parallel_loop3A_845 : i32
      %parallel_loop3A_847 = arith.constant 200 : i32
      %parallel_loop3A_848 = arith.muli %parallel_loop3A_592, %parallel_loop3A_847 : i32
      %parallel_loop3A_849 = arith.constant 128 : i32
      %parallel_loop3A_850 = arith.addi %parallel_loop3A_848, %parallel_loop3A_849 : i32
      %parallel_loop3A_851 = arith.index_cast %parallel_loop3A_850 : i32 to index
      %parallel_loop3A_852 = tpu.vector_load %arg5[%parallel_loop3A_851] {strides = array<i32>} : memref<25608xi32, #tpu.memory_space<vmem>>, vector<16xi32>,
      %parallel_loop3A_853 = arith.constant 1 : i32
      %parallel_loop3A_854 = vector.broadcast %parallel_loop3A_853 : i32 to vector<16xi32>
      %parallel_loop3A_855 = arith.cmpi ne, %parallel_loop3A_852, %parallel_loop3A_854 : vector<16xi32>
      %parallel_loop3A_856 = arith.constant 1 : i32
      %parallel_loop3A_857 = arith.constant 0 : i32
      %parallel_loop3A_858 = vector.broadcast %parallel_loop3A_856 : i32 to vector<16xi32>
      %parallel_loop3A_859 = vector.broadcast %parallel_loop3A_857 : i32 to vector<16xi32>
      %parallel_loop3A_860 = arith.select %parallel_loop3A_855, %parallel_loop3A_858, %parallel_loop3A_859 : vector<16xi1>, vector<16xi32>
      %parallel_loop3A_861 = arith.constant true
      %parallel_loop3A_862 = vector.broadcast %parallel_loop3A_861 : i1 to vector<16xi1>
      %parallel_loop3A_863 = tpu.scan <sum>, %parallel_loop3A_860 masked %parallel_loop3A_862 : vector<16xi32>, vector<16xi1> -> vector<16xi32>
      %parallel_loop3A_864 = vector.broadcast %parallel_loop3A_846 : i32 to vector<16xi32>
      %parallel_loop3A_865 = arith.addi %parallel_loop3A_863, %parallel_loop3A_864 : vector<16xi32>
      %parallel_loop3A_866 = arith.constant 128 : i32
      %parallel_loop3A_867 = vector.broadcast %parallel_loop3A_866 : i32 to vector<16xi32>
      %parallel_loop3A_868 = arith.addi %iota3A, %parallel_loop3A_867 : vector<16xi32>
      %parallel_loop3A_869 = arith.muli %parallel_loop3A_865, %parallel_loop3A_860 : vector<16xi32>
      %parallel_loop3A_870 = arith.constant 1 : i32
      %parallel_loop3A_871 = vector.broadcast %parallel_loop3A_870 : i32 to vector<16xi32>
      %parallel_loop3A_872 = arith.addi %parallel_loop3A_869, %parallel_loop3A_871 : vector<16xi32>
      tpu.vector_store_idx %arg6[%parallel_loop3A_868, %parallel_loop3A_596], %parallel_loop3A_872 : memref<224x129xi32, #tpu.memory_space<vmem>>[vector<16xi32>, vector<16xi32>], vector<16xi32>,
      %parallel_loop3A_873 = arith.constant true
      %parallel_loop3A_874 = vector.broadcast %parallel_loop3A_873 : i1 to vector<16xi1>
      %parallel_loop3A_875 = tpu.scan <sum>, %parallel_loop3A_860 masked %parallel_loop3A_874 : vector<16xi32>, vector<16xi1> -> vector<16xi32>
      %parallel_loop3A_876 = vector.extract %parallel_loop3A_875[15] : i32 from vector<16xi32>
      %parallel_loop3A_877 = arith.addi %parallel_loop3A_846, %parallel_loop3A_876 : i32
      %parallel_loop3A_878 = arith.constant 200 : i32
      %parallel_loop3A_879 = arith.muli %parallel_loop3A_592, %parallel_loop3A_878 : i32
      %parallel_loop3A_880 = arith.constant 144 : i32
      %parallel_loop3A_881 = arith.addi %parallel_loop3A_879, %parallel_loop3A_880 : i32
      %parallel_loop3A_882 = arith.index_cast %parallel_loop3A_881 : i32 to index
      %parallel_loop3A_883 = tpu.vector_load %arg5[%parallel_loop3A_882] {strides = array<i32>} : memref<25608xi32, #tpu.memory_space<vmem>>, vector<16xi32>,
      %parallel_loop3A_884 = arith.constant 1 : i32
      %parallel_loop3A_885 = vector.broadcast %parallel_loop3A_884 : i32 to vector<16xi32>
      %parallel_loop3A_886 = arith.cmpi ne, %parallel_loop3A_883, %parallel_loop3A_885 : vector<16xi32>
      %parallel_loop3A_887 = arith.constant 1 : i32
      %parallel_loop3A_888 = arith.constant 0 : i32
      %parallel_loop3A_889 = vector.broadcast %parallel_loop3A_887 : i32 to vector<16xi32>
      %parallel_loop3A_890 = vector.broadcast %parallel_loop3A_888 : i32 to vector<16xi32>
      %parallel_loop3A_891 = arith.select %parallel_loop3A_886, %parallel_loop3A_889, %parallel_loop3A_890 : vector<16xi1>, vector<16xi32>
      %parallel_loop3A_892 = arith.constant true
      %parallel_loop3A_893 = vector.broadcast %parallel_loop3A_892 : i1 to vector<16xi1>
      %parallel_loop3A_894 = tpu.scan <sum>, %parallel_loop3A_891 masked %parallel_loop3A_893 : vector<16xi32>, vector<16xi1> -> vector<16xi32>
      %parallel_loop3A_895 = vector.broadcast %parallel_loop3A_877 : i32 to vector<16xi32>
      %parallel_loop3A_896 = arith.addi %parallel_loop3A_894, %parallel_loop3A_895 : vector<16xi32>
      %parallel_loop3A_897 = arith.constant 144 : i32
      %parallel_loop3A_898 = vector.broadcast %parallel_loop3A_897 : i32 to vector<16xi32>
      %parallel_loop3A_899 = arith.addi %iota3A, %parallel_loop3A_898 : vector<16xi32>
      %parallel_loop3A_900 = arith.muli %parallel_loop3A_896, %parallel_loop3A_891 : vector<16xi32>
      %parallel_loop3A_901 = arith.constant 1 : i32
      %parallel_loop3A_902 = vector.broadcast %parallel_loop3A_901 : i32 to vector<16xi32>
      %parallel_loop3A_903 = arith.addi %parallel_loop3A_900, %parallel_loop3A_902 : vector<16xi32>
      tpu.vector_store_idx %arg6[%parallel_loop3A_899, %parallel_loop3A_596], %parallel_loop3A_903 : memref<224x129xi32, #tpu.memory_space<vmem>>[vector<16xi32>, vector<16xi32>], vector<16xi32>,
      %parallel_loop3A_904 = arith.constant true
      %parallel_loop3A_905 = vector.broadcast %parallel_loop3A_904 : i1 to vector<16xi1>
      %parallel_loop3A_906 = tpu.scan <sum>, %parallel_loop3A_891 masked %parallel_loop3A_905 : vector<16xi32>, vector<16xi1> -> vector<16xi32>
      %parallel_loop3A_907 = vector.extract %parallel_loop3A_906[15] : i32 from vector<16xi32>
      %parallel_loop3A_908 = arith.addi %parallel_loop3A_877, %parallel_loop3A_907 : i32
      %parallel_loop3A_909 = arith.constant 200 : i32
      %parallel_loop3A_910 = arith.muli %parallel_loop3A_592, %parallel_loop3A_909 : i32
      %parallel_loop3A_911 = arith.constant 160 : i32
      %parallel_loop3A_912 = arith.addi %parallel_loop3A_910, %parallel_loop3A_911 : i32
      %parallel_loop3A_913 = arith.index_cast %parallel_loop3A_912 : i32 to index
      %parallel_loop3A_914 = tpu.vector_load %arg5[%parallel_loop3A_913] {strides = array<i32>} : memref<25608xi32, #tpu.memory_space<vmem>>, vector<16xi32>,
      %parallel_loop3A_915 = arith.constant 1 : i32
      %parallel_loop3A_916 = vector.broadcast %parallel_loop3A_915 : i32 to vector<16xi32>
      %parallel_loop3A_917 = arith.cmpi ne, %parallel_loop3A_914, %parallel_loop3A_916 : vector<16xi32>
      %parallel_loop3A_918 = arith.constant 1 : i32
      %parallel_loop3A_919 = arith.constant 0 : i32
      %parallel_loop3A_920 = vector.broadcast %parallel_loop3A_918 : i32 to vector<16xi32>
      %parallel_loop3A_921 = vector.broadcast %parallel_loop3A_919 : i32 to vector<16xi32>
      %parallel_loop3A_922 = arith.select %parallel_loop3A_917, %parallel_loop3A_920, %parallel_loop3A_921 : vector<16xi1>, vector<16xi32>
      %parallel_loop3A_923 = arith.constant true
      %parallel_loop3A_924 = vector.broadcast %parallel_loop3A_923 : i1 to vector<16xi1>
      %parallel_loop3A_925 = tpu.scan <sum>, %parallel_loop3A_922 masked %parallel_loop3A_924 : vector<16xi32>, vector<16xi1> -> vector<16xi32>
      %parallel_loop3A_926 = vector.broadcast %parallel_loop3A_908 : i32 to vector<16xi32>
      %parallel_loop3A_927 = arith.addi %parallel_loop3A_925, %parallel_loop3A_926 : vector<16xi32>
      %parallel_loop3A_928 = arith.constant 160 : i32
      %parallel_loop3A_929 = vector.broadcast %parallel_loop3A_928 : i32 to vector<16xi32>
      %parallel_loop3A_930 = arith.addi %iota3A, %parallel_loop3A_929 : vector<16xi32>
      %parallel_loop3A_931 = arith.muli %parallel_loop3A_927, %parallel_loop3A_922 : vector<16xi32>
      %parallel_loop3A_932 = arith.constant 1 : i32
      %parallel_loop3A_933 = vector.broadcast %parallel_loop3A_932 : i32 to vector<16xi32>
      %parallel_loop3A_934 = arith.addi %parallel_loop3A_931, %parallel_loop3A_933 : vector<16xi32>
      tpu.vector_store_idx %arg6[%parallel_loop3A_930, %parallel_loop3A_596], %parallel_loop3A_934 : memref<224x129xi32, #tpu.memory_space<vmem>>[vector<16xi32>, vector<16xi32>], vector<16xi32>,
      %parallel_loop3A_935 = arith.constant true
      %parallel_loop3A_936 = vector.broadcast %parallel_loop3A_935 : i1 to vector<16xi1>
      %parallel_loop3A_937 = tpu.scan <sum>, %parallel_loop3A_922 masked %parallel_loop3A_936 : vector<16xi32>, vector<16xi1> -> vector<16xi32>
      %parallel_loop3A_938 = vector.extract %parallel_loop3A_937[15] : i32 from vector<16xi32>
      %parallel_loop3A_939 = arith.addi %parallel_loop3A_908, %parallel_loop3A_938 : i32
      %parallel_loop3A_940 = arith.constant 200 : i32
      %parallel_loop3A_941 = arith.muli %parallel_loop3A_592, %parallel_loop3A_940 : i32
      %parallel_loop3A_942 = arith.constant 176 : i32
      %parallel_loop3A_943 = arith.addi %parallel_loop3A_941, %parallel_loop3A_942 : i32
      %parallel_loop3A_944 = arith.index_cast %parallel_loop3A_943 : i32 to index
      %parallel_loop3A_945 = tpu.vector_load %arg5[%parallel_loop3A_944] {strides = array<i32>} : memref<25608xi32, #tpu.memory_space<vmem>>, vector<16xi32>,
      %parallel_loop3A_946 = arith.constant 1 : i32
      %parallel_loop3A_947 = vector.broadcast %parallel_loop3A_946 : i32 to vector<16xi32>
      %parallel_loop3A_948 = arith.cmpi ne, %parallel_loop3A_945, %parallel_loop3A_947 : vector<16xi32>
      %parallel_loop3A_949 = arith.constant 1 : i32
      %parallel_loop3A_950 = arith.constant 0 : i32
      %parallel_loop3A_951 = vector.broadcast %parallel_loop3A_949 : i32 to vector<16xi32>
      %parallel_loop3A_952 = vector.broadcast %parallel_loop3A_950 : i32 to vector<16xi32>
      %parallel_loop3A_953 = arith.select %parallel_loop3A_948, %parallel_loop3A_951, %parallel_loop3A_952 : vector<16xi1>, vector<16xi32>
      %parallel_loop3A_954 = arith.constant true
      %parallel_loop3A_955 = vector.broadcast %parallel_loop3A_954 : i1 to vector<16xi1>
      %parallel_loop3A_956 = tpu.scan <sum>, %parallel_loop3A_953 masked %parallel_loop3A_955 : vector<16xi32>, vector<16xi1> -> vector<16xi32>
      %parallel_loop3A_957 = vector.broadcast %parallel_loop3A_939 : i32 to vector<16xi32>
      %parallel_loop3A_958 = arith.addi %parallel_loop3A_956, %parallel_loop3A_957 : vector<16xi32>
      %parallel_loop3A_959 = arith.constant 176 : i32
      %parallel_loop3A_960 = vector.broadcast %parallel_loop3A_959 : i32 to vector<16xi32>
      %parallel_loop3A_961 = arith.addi %iota3A, %parallel_loop3A_960 : vector<16xi32>
      %parallel_loop3A_962 = arith.muli %parallel_loop3A_958, %parallel_loop3A_953 : vector<16xi32>
      %parallel_loop3A_963 = arith.constant 1 : i32
      %parallel_loop3A_964 = vector.broadcast %parallel_loop3A_963 : i32 to vector<16xi32>
      %parallel_loop3A_965 = arith.addi %parallel_loop3A_962, %parallel_loop3A_964 : vector<16xi32>
      tpu.vector_store_idx %arg6[%parallel_loop3A_961, %parallel_loop3A_596], %parallel_loop3A_965 : memref<224x129xi32, #tpu.memory_space<vmem>>[vector<16xi32>, vector<16xi32>], vector<16xi32>,
      %parallel_loop3A_966 = arith.constant true
      %parallel_loop3A_967 = vector.broadcast %parallel_loop3A_966 : i1 to vector<16xi1>
      %parallel_loop3A_968 = tpu.scan <sum>, %parallel_loop3A_953 masked %parallel_loop3A_967 : vector<16xi32>, vector<16xi1> -> vector<16xi32>
      %parallel_loop3A_969 = vector.extract %parallel_loop3A_968[15] : i32 from vector<16xi32>
      %parallel_loop3A_970 = arith.addi %parallel_loop3A_939, %parallel_loop3A_969 : i32
      %parallel_loop3A_971 = arith.constant 200 : i32
      %parallel_loop3A_972 = arith.muli %parallel_loop3A_592, %parallel_loop3A_971 : i32
      %parallel_loop3A_973 = arith.constant 192 : i32
      %parallel_loop3A_974 = arith.addi %parallel_loop3A_972, %parallel_loop3A_973 : i32
      %parallel_loop3A_975 = arith.index_cast %parallel_loop3A_974 : i32 to index
      %parallel_loop3A_976 = tpu.vector_load %arg5[%parallel_loop3A_975] {strides = array<i32>} : memref<25608xi32, #tpu.memory_space<vmem>>, vector<16xi32>,
      %parallel_loop3A_977 = arith.constant 1 : i32
      %parallel_loop3A_978 = vector.broadcast %parallel_loop3A_977 : i32 to vector<16xi32>
      %parallel_loop3A_979 = arith.cmpi ne, %parallel_loop3A_976, %parallel_loop3A_978 : vector<16xi32>
      %parallel_loop3A_980 = arith.constant 8 : i32
      %parallel_loop3A_981 = vector.broadcast %parallel_loop3A_980 : i32 to vector<16xi32>
      %parallel_loop3A_982 = arith.cmpi slt, %iota3A, %parallel_loop3A_981 : vector<16xi32>
      %parallel_loop3A_983 = arith.andi %parallel_loop3A_979, %parallel_loop3A_982 : vector<16xi1>
      %parallel_loop3A_984 = arith.constant 1 : i32
      %parallel_loop3A_985 = arith.constant 0 : i32
      %parallel_loop3A_986 = vector.broadcast %parallel_loop3A_984 : i32 to vector<16xi32>
      %parallel_loop3A_987 = vector.broadcast %parallel_loop3A_985 : i32 to vector<16xi32>
      %parallel_loop3A_988 = arith.select %parallel_loop3A_983, %parallel_loop3A_986, %parallel_loop3A_987 : vector<16xi1>, vector<16xi32>
      %parallel_loop3A_989 = arith.constant true
      %parallel_loop3A_990 = vector.broadcast %parallel_loop3A_989 : i1 to vector<16xi1>
      %parallel_loop3A_991 = tpu.scan <sum>, %parallel_loop3A_988 masked %parallel_loop3A_990 : vector<16xi32>, vector<16xi1> -> vector<16xi32>
      %parallel_loop3A_992 = vector.broadcast %parallel_loop3A_970 : i32 to vector<16xi32>
      %parallel_loop3A_993 = arith.addi %parallel_loop3A_991, %parallel_loop3A_992 : vector<16xi32>
      %parallel_loop3A_994 = arith.constant 192 : i32
      %parallel_loop3A_995 = vector.broadcast %parallel_loop3A_994 : i32 to vector<16xi32>
      %parallel_loop3A_996 = arith.addi %iota3A, %parallel_loop3A_995 : vector<16xi32>
      %parallel_loop3A_997 = arith.muli %parallel_loop3A_993, %parallel_loop3A_988 : vector<16xi32>
      %parallel_loop3A_998 = arith.constant 1 : i32
      %parallel_loop3A_999 = vector.broadcast %parallel_loop3A_998 : i32 to vector<16xi32>
      %parallel_loop3A_1000 = arith.addi %parallel_loop3A_997, %parallel_loop3A_999 : vector<16xi32>
      tpu.vector_store_idx %arg6[%parallel_loop3A_996, %parallel_loop3A_596], %parallel_loop3A_1000 : memref<224x129xi32, #tpu.memory_space<vmem>>[vector<16xi32>, vector<16xi32>], vector<16xi32>,
      %parallel_loop3A_1001 = arith.constant true
      %parallel_loop3A_1002 = vector.broadcast %parallel_loop3A_1001 : i1 to vector<16xi1>
      %parallel_loop3A_1003 = tpu.scan <sum>, %parallel_loop3A_988 masked %parallel_loop3A_1002 : vector<16xi32>, vector<16xi1> -> vector<16xi32>
      %parallel_loop3A_1004 = vector.extract %parallel_loop3A_1003[15] : i32 from vector<16xi32>
      %parallel_loop3A_1005 = arith.addi %parallel_loop3A_970, %parallel_loop3A_1004 : i32
    } {sc.loop_unroll_factor = 2 : i64, sc.parallel_access}
    %broadcast_in_dim3A = arith.constant 0 : i32
    %broadcast_in_dim3A_7 = vector.broadcast %broadcast_in_dim3A : i32 to vector<16xi32>
    %get3A = arith.constant 0 : i32
    %get3A_8 = arith.index_cast %get3A : i32 to index
    %get3A_9 = arith.constant 0 : index
    %get3A_10 = tpu.vector_load %arg6[%get3A_8, %get3A_9] {strides = array<i32>} : memref<224x129xi32, #tpu.memory_space<vmem>>, vector<16xi32>,
    %get3A_11 = arith.constant 0 : i32
    %get3A_12 = arith.index_cast %get3A_11 : i32 to index
    %get3A_13 = arith.constant 16 : index
    %get3A_14 = tpu.vector_load %arg6[%get3A_12, %get3A_13] {strides = array<i32>} : memref<224x129xi32, #tpu.memory_space<vmem>>, vector<16xi32>,
    %get3A_15 = arith.constant 0 : i32
    %get3A_16 = arith.index_cast %get3A_15 : i32 to index
    %get3A_17 = arith.constant 32 : index
    %get3A_18 = tpu.vector_load %arg6[%get3A_16, %get3A_17] {strides = array<i32>} : memref<224x129xi32, #tpu.memory_space<vmem>>, vector<16xi32>,
    %get3A_19 = arith.constant 0 : i32
    %get3A_20 = arith.index_cast %get3A_19 : i32 to index
    %get3A_21 = arith.constant 48 : index
    %get3A_22 = tpu.vector_load %arg6[%get3A_20, %get3A_21] {strides = array<i32>} : memref<224x129xi32, #tpu.memory_space<vmem>>, vector<16xi32>,
    %get3A_23 = arith.constant 0 : i32
    %get3A_24 = arith.index_cast %get3A_23 : i32 to index
    %get3A_25 = arith.constant 64 : index
    %get3A_26 = tpu.vector_load %arg6[%get3A_24, %get3A_25] {strides = array<i32>} : memref<224x129xi32, #tpu.memory_space<vmem>>, vector<16xi32>,
    %get3A_27 = arith.constant 0 : i32
    %get3A_28 = arith.index_cast %get3A_27 : i32 to index
    %get3A_29 = arith.constant 80 : index
    %get3A_30 = tpu.vector_load %arg6[%get3A_28, %get3A_29] {strides = array<i32>} : memref<224x129xi32, #tpu.memory_space<vmem>>, vector<16xi32>,
    %get3A_31 = arith.constant 0 : i32
    %get3A_32 = arith.index_cast %get3A_31 : i32 to index
    %get3A_33 = arith.constant 96 : index
    %get3A_34 = tpu.vector_load %arg6[%get3A_32, %get3A_33] {strides = array<i32>} : memref<224x129xi32, #tpu.memory_space<vmem>>, vector<16xi32>,
    %get3A_35 = arith.constant 0 : i32
    %get3A_36 = arith.index_cast %get3A_35 : i32 to index
    %get3A_37 = arith.constant 112 : index
    %get3A_38 = tpu.vector_load %arg6[%get3A_36, %get3A_37] {strides = array<i32>} : memref<224x129xi32, #tpu.memory_space<vmem>>, vector<16xi32>,
    %parallel_loop3A_39 = arith.constant 0 : i32
    %parallel_loop3A_40 = arith.constant 64 : i32
    %parallel_loop3A_41 = arith.constant 1 : i32
    scf.for %parallel_loop3A_592 = %parallel_loop3A_39 to %parallel_loop3A_40 step %parallel_loop3A_41  : i32 {
      %parallel_loop3A_593 = vector.broadcast %parallel_loop3A_592 : i32 to vector<16xi32>
      %parallel_loop3A_594 = arith.addi %broadcast_in_dim3A_7, %parallel_loop3A_593 : vector<16xi32>
      %parallel_loop3A_595 = tpu.vector_load_idx %arg7[%parallel_loop3A_594, %get3A_10] : memref<64x202xf32, #tpu.memory_space<vmem>>[vector<16xi32>, vector<16xi32>], vector<16xf32>,
      %parallel_loop3A_596 = arith.constant 128 : i32
      %parallel_loop3A_597 = arith.muli %parallel_loop3A_592, %parallel_loop3A_596 : i32
      %parallel_loop3A_598 = arith.constant 0 : i32
      %parallel_loop3A_599 = arith.addi %parallel_loop3A_597, %parallel_loop3A_598 : i32
      %parallel_loop3A_600 = arith.constant 0 : i32
      %parallel_loop3A_601 = arith.index_cast %parallel_loop3A_600 : i32 to index
      %parallel_loop3A_602 = arith.index_cast %parallel_loop3A_599 : i32 to index
      %parallel_loop3A_603 = tpu.vector_load %arg8[%parallel_loop3A_601, %parallel_loop3A_602] {strides = array<i32>} : memref<2x8192xf32, #tpu.memory_space<vmem>>, vector<16xf32>,
      tpu.vector_store %arg8[%parallel_loop3A_601, %parallel_loop3A_602], %parallel_loop3A_595 {strides = array<i32>} : memref<2x8192xf32, #tpu.memory_space<vmem>>, vector<16xf32>,
      %parallel_loop3A_604 = tpu.vector_load_idx %arg7[%parallel_loop3A_594, %get3A_14] : memref<64x202xf32, #tpu.memory_space<vmem>>[vector<16xi32>, vector<16xi32>], vector<16xf32>,
      %parallel_loop3A_605 = arith.constant 128 : i32
      %parallel_loop3A_606 = arith.muli %parallel_loop3A_592, %parallel_loop3A_605 : i32
      %parallel_loop3A_607 = arith.constant 16 : i32
      %parallel_loop3A_608 = arith.addi %parallel_loop3A_606, %parallel_loop3A_607 : i32
      %parallel_loop3A_609 = arith.constant 0 : i32
      %parallel_loop3A_610 = arith.index_cast %parallel_loop3A_609 : i32 to index
      %parallel_loop3A_611 = arith.index_cast %parallel_loop3A_608 : i32 to index
      %parallel_loop3A_612 = tpu.vector_load %arg8[%parallel_loop3A_610, %parallel_loop3A_611] {strides = array<i32>} : memref<2x8192xf32, #tpu.memory_space<vmem>>, vector<16xf32>,
      tpu.vector_store %arg8[%parallel_loop3A_610, %parallel_loop3A_611], %parallel_loop3A_604 {strides = array<i32>} : memref<2x8192xf32, #tpu.memory_space<vmem>>, vector<16xf32>,
      %parallel_loop3A_613 = tpu.vector_load_idx %arg7[%parallel_loop3A_594, %get3A_18] : memref<64x202xf32, #tpu.memory_space<vmem>>[vector<16xi32>, vector<16xi32>], vector<16xf32>,
      %parallel_loop3A_614 = arith.constant 128 : i32
      %parallel_loop3A_615 = arith.muli %parallel_loop3A_592, %parallel_loop3A_614 : i32
      %parallel_loop3A_616 = arith.constant 32 : i32
      %parallel_loop3A_617 = arith.addi %parallel_loop3A_615, %parallel_loop3A_616 : i32
      %parallel_loop3A_618 = arith.constant 0 : i32
      %parallel_loop3A_619 = arith.index_cast %parallel_loop3A_618 : i32 to index
      %parallel_loop3A_620 = arith.index_cast %parallel_loop3A_617 : i32 to index
      %parallel_loop3A_621 = tpu.vector_load %arg8[%parallel_loop3A_619, %parallel_loop3A_620] {strides = array<i32>} : memref<2x8192xf32, #tpu.memory_space<vmem>>, vector<16xf32>,
      tpu.vector_store %arg8[%parallel_loop3A_619, %parallel_loop3A_620], %parallel_loop3A_613 {strides = array<i32>} : memref<2x8192xf32, #tpu.memory_space<vmem>>, vector<16xf32>,
      %parallel_loop3A_622 = tpu.vector_load_idx %arg7[%parallel_loop3A_594, %get3A_22] : memref<64x202xf32, #tpu.memory_space<vmem>>[vector<16xi32>, vector<16xi32>], vector<16xf32>,
      %parallel_loop3A_623 = arith.constant 128 : i32
      %parallel_loop3A_624 = arith.muli %parallel_loop3A_592, %parallel_loop3A_623 : i32
      %parallel_loop3A_625 = arith.constant 48 : i32
      %parallel_loop3A_626 = arith.addi %parallel_loop3A_624, %parallel_loop3A_625 : i32
      %parallel_loop3A_627 = arith.constant 0 : i32
      %parallel_loop3A_628 = arith.index_cast %parallel_loop3A_627 : i32 to index
      %parallel_loop3A_629 = arith.index_cast %parallel_loop3A_626 : i32 to index
      %parallel_loop3A_630 = tpu.vector_load %arg8[%parallel_loop3A_628, %parallel_loop3A_629] {strides = array<i32>} : memref<2x8192xf32, #tpu.memory_space<vmem>>, vector<16xf32>,
      tpu.vector_store %arg8[%parallel_loop3A_628, %parallel_loop3A_629], %parallel_loop3A_622 {strides = array<i32>} : memref<2x8192xf32, #tpu.memory_space<vmem>>, vector<16xf32>,
      %parallel_loop3A_631 = tpu.vector_load_idx %arg7[%parallel_loop3A_594, %get3A_26] : memref<64x202xf32, #tpu.memory_space<vmem>>[vector<16xi32>, vector<16xi32>], vector<16xf32>,
      %parallel_loop3A_632 = arith.constant 128 : i32
      %parallel_loop3A_633 = arith.muli %parallel_loop3A_592, %parallel_loop3A_632 : i32
      %parallel_loop3A_634 = arith.constant 64 : i32
      %parallel_loop3A_635 = arith.addi %parallel_loop3A_633, %parallel_loop3A_634 : i32
      %parallel_loop3A_636 = arith.constant 0 : i32
      %parallel_loop3A_637 = arith.index_cast %parallel_loop3A_636 : i32 to index
      %parallel_loop3A_638 = arith.index_cast %parallel_loop3A_635 : i32 to index
      %parallel_loop3A_639 = tpu.vector_load %arg8[%parallel_loop3A_637, %parallel_loop3A_638] {strides = array<i32>} : memref<2x8192xf32, #tpu.memory_space<vmem>>, vector<16xf32>,
      tpu.vector_store %arg8[%parallel_loop3A_637, %parallel_loop3A_638], %parallel_loop3A_631 {strides = array<i32>} : memref<2x8192xf32, #tpu.memory_space<vmem>>, vector<16xf32>,
      %parallel_loop3A_640 = tpu.vector_load_idx %arg7[%parallel_loop3A_594, %get3A_30] : memref<64x202xf32, #tpu.memory_space<vmem>>[vector<16xi32>, vector<16xi32>], vector<16xf32>,
      %parallel_loop3A_641 = arith.constant 128 : i32
      %parallel_loop3A_642 = arith.muli %parallel_loop3A_592, %parallel_loop3A_641 : i32
      %parallel_loop3A_643 = arith.constant 80 : i32
      %parallel_loop3A_644 = arith.addi %parallel_loop3A_642, %parallel_loop3A_643 : i32
      %parallel_loop3A_645 = arith.constant 0 : i32
      %parallel_loop3A_646 = arith.index_cast %parallel_loop3A_645 : i32 to index
      %parallel_loop3A_647 = arith.index_cast %parallel_loop3A_644 : i32 to index
      %parallel_loop3A_648 = tpu.vector_load %arg8[%parallel_loop3A_646, %parallel_loop3A_647] {strides = array<i32>} : memref<2x8192xf32, #tpu.memory_space<vmem>>, vector<16xf32>,
      tpu.vector_store %arg8[%parallel_loop3A_646, %parallel_loop3A_647], %parallel_loop3A_640 {strides = array<i32>} : memref<2x8192xf32, #tpu.memory_space<vmem>>, vector<16xf32>,
      %parallel_loop3A_649 = tpu.vector_load_idx %arg7[%parallel_loop3A_594, %get3A_34] : memref<64x202xf32, #tpu.memory_space<vmem>>[vector<16xi32>, vector<16xi32>], vector<16xf32>,
      %parallel_loop3A_650 = arith.constant 128 : i32
      %parallel_loop3A_651 = arith.muli %parallel_loop3A_592, %parallel_loop3A_650 : i32
      %parallel_loop3A_652 = arith.constant 96 : i32
      %parallel_loop3A_653 = arith.addi %parallel_loop3A_651, %parallel_loop3A_652 : i32
      %parallel_loop3A_654 = arith.constant 0 : i32
      %parallel_loop3A_655 = arith.index_cast %parallel_loop3A_654 : i32 to index
      %parallel_loop3A_656 = arith.index_cast %parallel_loop3A_653 : i32 to index
      %parallel_loop3A_657 = tpu.vector_load %arg8[%parallel_loop3A_655, %parallel_loop3A_656] {strides = array<i32>} : memref<2x8192xf32, #tpu.memory_space<vmem>>, vector<16xf32>,
      tpu.vector_store %arg8[%parallel_loop3A_655, %parallel_loop3A_656], %parallel_loop3A_649 {strides = array<i32>} : memref<2x8192xf32, #tpu.memory_space<vmem>>, vector<16xf32>,
      %parallel_loop3A_658 = tpu.vector_load_idx %arg7[%parallel_loop3A_594, %get3A_38] : memref<64x202xf32, #tpu.memory_space<vmem>>[vector<16xi32>, vector<16xi32>], vector<16xf32>,
      %parallel_loop3A_659 = arith.constant 128 : i32
      %parallel_loop3A_660 = arith.muli %parallel_loop3A_592, %parallel_loop3A_659 : i32
      %parallel_loop3A_661 = arith.constant 112 : i32
      %parallel_loop3A_662 = arith.addi %parallel_loop3A_660, %parallel_loop3A_661 : i32
      %parallel_loop3A_663 = arith.constant 0 : i32
      %parallel_loop3A_664 = arith.index_cast %parallel_loop3A_663 : i32 to index
      %parallel_loop3A_665 = arith.index_cast %parallel_loop3A_662 : i32 to index
      %parallel_loop3A_666 = tpu.vector_load %arg8[%parallel_loop3A_664, %parallel_loop3A_665] {strides = array<i32>} : memref<2x8192xf32, #tpu.memory_space<vmem>>, vector<16xf32>,
      tpu.vector_store %arg8[%parallel_loop3A_664, %parallel_loop3A_665], %parallel_loop3A_658 {strides = array<i32>} : memref<2x8192xf32, #tpu.memory_space<vmem>>, vector<16xf32>,
    } {sc.loop_unroll_factor = 8 : i64, sc.parallel_access}
    %add3A_42 = arith.constant 0 : i32
    %add3A_43 = arith.addi %add3A_42, %add3A : i32
    %dma_start3A = arith.constant 0 : i32
    %dma_start3A_44 = arith.constant 0 : i32
    %dma_start3A_45 = arith.constant 0 : i32
    %dma_start3A_46 = tpu.memref_slice %arg8[%dma_start3A, %dma_start3A_45] : memref<2x8192xf32, #tpu.memory_space<vmem>> -> memref<1x1024xf32, #tpu.memory_space<vmem>>
    %dma_start3A_47 = tpu.memref_squeeze %dma_start3A_46 : memref<1x1024xf32, #tpu.memory_space<vmem>> -> memref<1024xf32, #tpu.memory_space<vmem>>
    %dma_start3A_48 = arith.constant 0 : i32
    %dma_start3A_49 = tpu.memref_slice %arg4[%dma_start3A_44, %add3A_43, %dma_start3A_48] : memref<200x256x1024xf32, #tpu.memory_space<hbm>> -> memref<1x1x1024xf32, #tpu.memory_space<hbm>>
    %dma_start3A_50 = tpu.memref_squeeze %dma_start3A_49 : memref<1x1x1024xf32, #tpu.memory_space<hbm>> -> memref<1024xf32, #tpu.memory_space<hbm>>
    %dma_start3A_51 = arith.constant 0 : i32
    %dma_start3A_52 = tpu.memref_slice %arg4[%dma_start3A_44, %add3A_43, %dma_start3A_51] : memref<200x256x1024xf32, #tpu.memory_space<hbm>> -> memref<1x1x1024xf32, #tpu.memory_space<hbm>>
    %dma_start3A_53 = tpu.memref_squeeze %dma_start3A_52 : memref<1x1x1024xf32, #tpu.memory_space<hbm>> -> memref<1024xf32, #tpu.memory_space<hbm>>
    %dma_start3A_54 = arith.constant 0 : i32
    %dma_start3A_55 = tpu.memref_slice %arg8[%dma_start3A, %dma_start3A_54] : memref<2x8192xf32, #tpu.memory_space<vmem>> -> memref<1x1024xf32, #tpu.memory_space<vmem>>
    %dma_start3A_56 = tpu.memref_squeeze %dma_start3A_55 : memref<1x1024xf32, #tpu.memory_space<vmem>> -> memref<1024xf32, #tpu.memory_space<vmem>>
    tpu.enqueue_dma source(%dma_start3A_56 : memref<1024xf32, #tpu.memory_space<vmem>>) target(%dma_start3A_53 : memref<1024xf32, #tpu.memory_space<hbm>>) target_semaphore(%arg9 : memref<!tpu.dma_semaphore, #tpu.memory_space<semaphore_mem>>)
    %add3A_57 = arith.constant 32 : i32
    %add3A_58 = arith.addi %add3A_57, %add3A : i32
    %dma_start3A_59 = arith.constant 0 : i32
    %dma_start3A_60 = arith.constant 0 : i32
    %dma_start3A_61 = arith.constant 1024 : i32
    %dma_start3A_62 = tpu.memref_slice %arg8[%dma_start3A_59, %dma_start3A_61] : memref<2x8192xf32, #tpu.memory_space<vmem>> -> memref<1x1024xf32, #tpu.memory_space<vmem>>
    %dma_start3A_63 = tpu.memref_squeeze %dma_start3A_62 : memref<1x1024xf32, #tpu.memory_space<vmem>> -> memref<1024xf32, #tpu.memory_space<vmem>>
    %dma_start3A_64 = arith.constant 0 : i32
    %dma_start3A_65 = tpu.memref_slice %arg4[%dma_start3A_60, %add3A_58, %dma_start3A_64] : memref<200x256x1024xf32, #tpu.memory_space<hbm>> -> memref<1x1x1024xf32, #tpu.memory_space<hbm>>
    %dma_start3A_66 = tpu.memref_squeeze %dma_start3A_65 : memref<1x1x1024xf32, #tpu.memory_space<hbm>> -> memref<1024xf32, #tpu.memory_space<hbm>>
    %dma_start3A_67 = arith.constant 0 : i32
    %dma_start3A_68 = tpu.memref_slice %arg4[%dma_start3A_60, %add3A_58, %dma_start3A_67] : memref<200x256x1024xf32, #tpu.memory_space<hbm>> -> memref<1x1x1024xf32, #tpu.memory_space<hbm>>
    %dma_start3A_69 = tpu.memref_squeeze %dma_start3A_68 : memref<1x1x1024xf32, #tpu.memory_space<hbm>> -> memref<1024xf32, #tpu.memory_space<hbm>>
    %dma_start3A_70 = arith.constant 1024 : i32
    %dma_start3A_71 = tpu.memref_slice %arg8[%dma_start3A_59, %dma_start3A_70] : memref<2x8192xf32, #tpu.memory_space<vmem>> -> memref<1x1024xf32, #tpu.memory_space<vmem>>
    %dma_start3A_72 = tpu.memref_squeeze %dma_start3A_71 : memref<1x1024xf32, #tpu.memory_space<vmem>> -> memref<1024xf32, #tpu.memory_space<vmem>>
    tpu.enqueue_dma source(%dma_start3A_72 : memref<1024xf32, #tpu.memory_space<vmem>>) target(%dma_start3A_69 : memref<1024xf32, #tpu.memory_space<hbm>>) target_semaphore(%arg9 : memref<!tpu.dma_semaphore, #tpu.memory_space<semaphore_mem>>)
    %add3A_73 = arith.constant 64 : i32
    %add3A_74 = arith.addi %add3A_73, %add3A : i32
    %dma_start3A_75 = arith.constant 0 : i32
    %dma_start3A_76 = arith.constant 0 : i32
    %dma_start3A_77 = arith.constant 2048 : i32
    %dma_start3A_78 = tpu.memref_slice %arg8[%dma_start3A_75, %dma_start3A_77] : memref<2x8192xf32, #tpu.memory_space<vmem>> -> memref<1x1024xf32, #tpu.memory_space<vmem>>
    %dma_start3A_79 = tpu.memref_squeeze %dma_start3A_78 : memref<1x1024xf32, #tpu.memory_space<vmem>> -> memref<1024xf32, #tpu.memory_space<vmem>>
    %dma_start3A_80 = arith.constant 0 : i32
    %dma_start3A_81 = tpu.memref_slice %arg4[%dma_start3A_76, %add3A_74, %dma_start3A_80] : memref<200x256x1024xf32, #tpu.memory_space<hbm>> -> memref<1x1x1024xf32, #tpu.memory_space<hbm>>
    %dma_start3A_82 = tpu.memref_squeeze %dma_start3A_81 : memref<1x1x1024xf32, #tpu.memory_space<hbm>> -> memref<1024xf32, #tpu.memory_space<hbm>>
    %dma_start3A_83 = arith.constant 0 : i32
    %dma_start3A_84 = tpu.memref_slice %arg4[%dma_start3A_76, %add3A_74, %dma_start3A_83] : memref<200x256x1024xf32, #tpu.memory_space<hbm>> -> memref<1x1x1024xf32, #tpu.memory_space<hbm>>
    %dma_start3A_85 = tpu.memref_squeeze %dma_start3A_84 : memref<1x1x1024xf32, #tpu.memory_space<hbm>> -> memref<1024xf32, #tpu.memory_space<hbm>>
    %dma_start3A_86 = arith.constant 2048 : i32
    %dma_start3A_87 = tpu.memref_slice %arg8[%dma_start3A_75, %dma_start3A_86] : memref<2x8192xf32, #tpu.memory_space<vmem>> -> memref<1x1024xf32, #tpu.memory_space<vmem>>
    %dma_start3A_88 = tpu.memref_squeeze %dma_start3A_87 : memref<1x1024xf32, #tpu.memory_space<vmem>> -> memref<1024xf32, #tpu.memory_space<vmem>>
    tpu.enqueue_dma source(%dma_start3A_88 : memref<1024xf32, #tpu.memory_space<vmem>>) target(%dma_start3A_85 : memref<1024xf32, #tpu.memory_space<hbm>>) target_semaphore(%arg9 : memref<!tpu.dma_semaphore, #tpu.memory_space<semaphore_mem>>)
    %add3A_89 = arith.constant 96 : i32
    %add3A_90 = arith.addi %add3A_89, %add3A : i32
    %dma_start3A_91 = arith.constant 0 : i32
    %dma_start3A_92 = arith.constant 0 : i32
    %dma_start3A_93 = arith.constant 3072 : i32
    %dma_start3A_94 = tpu.memref_slice %arg8[%dma_start3A_91, %dma_start3A_93] : memref<2x8192xf32, #tpu.memory_space<vmem>> -> memref<1x1024xf32, #tpu.memory_space<vmem>>
    %dma_start3A_95 = tpu.memref_squeeze %dma_start3A_94 : memref<1x1024xf32, #tpu.memory_space<vmem>> -> memref<1024xf32, #tpu.memory_space<vmem>>
    %dma_start3A_96 = arith.constant 0 : i32
    %dma_start3A_97 = tpu.memref_slice %arg4[%dma_start3A_92, %add3A_90, %dma_start3A_96] : memref<200x256x1024xf32, #tpu.memory_space<hbm>> -> memref<1x1x1024xf32, #tpu.memory_space<hbm>>
    %dma_start3A_98 = tpu.memref_squeeze %dma_start3A_97 : memref<1x1x1024xf32, #tpu.memory_space<hbm>> -> memref<1024xf32, #tpu.memory_space<hbm>>
    %dma_start3A_99 = arith.constant 0 : i32
    %dma_start3A_100 = tpu.memref_slice %arg4[%dma_start3A_92, %add3A_90, %dma_start3A_99] : memref<200x256x1024xf32, #tpu.memory_space<hbm>> -> memref<1x1x1024xf32, #tpu.memory_space<hbm>>
    %dma_start3A_101 = tpu.memref_squeeze %dma_start3A_100 : memref<1x1x1024xf32, #tpu.memory_space<hbm>> -> memref<1024xf32, #tpu.memory_space<hbm>>
    %dma_start3A_102 = arith.constant 3072 : i32
    %dma_start3A_103 = tpu.memref_slice %arg8[%dma_start3A_91, %dma_start3A_102] : memref<2x8192xf32, #tpu.memory_space<vmem>> -> memref<1x1024xf32, #tpu.memory_space<vmem>>
    %dma_start3A_104 = tpu.memref_squeeze %dma_start3A_103 : memref<1x1024xf32, #tpu.memory_space<vmem>> -> memref<1024xf32, #tpu.memory_space<vmem>>
    tpu.enqueue_dma source(%dma_start3A_104 : memref<1024xf32, #tpu.memory_space<vmem>>) target(%dma_start3A_101 : memref<1024xf32, #tpu.memory_space<hbm>>) target_semaphore(%arg9 : memref<!tpu.dma_semaphore, #tpu.memory_space<semaphore_mem>>)
    %add3A_105 = arith.constant 128 : i32
    %add3A_106 = arith.addi %add3A_105, %add3A : i32
    %dma_start3A_107 = arith.constant 0 : i32
    %dma_start3A_108 = arith.constant 0 : i32
    %dma_start3A_109 = arith.constant 4096 : i32
    %dma_start3A_110 = tpu.memref_slice %arg8[%dma_start3A_107, %dma_start3A_109] : memref<2x8192xf32, #tpu.memory_space<vmem>> -> memref<1x1024xf32, #tpu.memory_space<vmem>>
    %dma_start3A_111 = tpu.memref_squeeze %dma_start3A_110 : memref<1x1024xf32, #tpu.memory_space<vmem>> -> memref<1024xf32, #tpu.memory_space<vmem>>
    %dma_start3A_112 = arith.constant 0 : i32
    %dma_start3A_113 = tpu.memref_slice %arg4[%dma_start3A_108, %add3A_106, %dma_start3A_112] : memref<200x256x1024xf32, #tpu.memory_space<hbm>> -> memref<1x1x1024xf32, #tpu.memory_space<hbm>>
    %dma_start3A_114 = tpu.memref_squeeze %dma_start3A_113 : memref<1x1x1024xf32, #tpu.memory_space<hbm>> -> memref<1024xf32, #tpu.memory_space<hbm>>
    %dma_start3A_115 = arith.constant 0 : i32
    %dma_start3A_116 = tpu.memref_slice %arg4[%dma_start3A_108, %add3A_106, %dma_start3A_115] : memref<200x256x1024xf32, #tpu.memory_space<hbm>> -> memref<1x1x1024xf32, #tpu.memory_space<hbm>>
    %dma_start3A_117 = tpu.memref_squeeze %dma_start3A_116 : memref<1x1x1024xf32, #tpu.memory_space<hbm>> -> memref<1024xf32, #tpu.memory_space<hbm>>
    %dma_start3A_118 = arith.constant 4096 : i32
    %dma_start3A_119 = tpu.memref_slice %arg8[%dma_start3A_107, %dma_start3A_118] : memref<2x8192xf32, #tpu.memory_space<vmem>> -> memref<1x1024xf32, #tpu.memory_space<vmem>>
    %dma_start3A_120 = tpu.memref_squeeze %dma_start3A_119 : memref<1x1024xf32, #tpu.memory_space<vmem>> -> memref<1024xf32, #tpu.memory_space<vmem>>
    tpu.enqueue_dma source(%dma_start3A_120 : memref<1024xf32, #tpu.memory_space<vmem>>) target(%dma_start3A_117 : memref<1024xf32, #tpu.memory_space<hbm>>) target_semaphore(%arg9 : memref<!tpu.dma_semaphore, #tpu.memory_space<semaphore_mem>>)
    %add3A_121 = arith.constant 160 : i32
    %add3A_122 = arith.addi %add3A_121, %add3A : i32
    %dma_start3A_123 = arith.constant 0 : i32
    %dma_start3A_124 = arith.constant 0 : i32
    %dma_start3A_125 = arith.constant 5120 : i32
    %dma_start3A_126 = tpu.memref_slice %arg8[%dma_start3A_123, %dma_start3A_125] : memref<2x8192xf32, #tpu.memory_space<vmem>> -> memref<1x1024xf32, #tpu.memory_space<vmem>>
    %dma_start3A_127 = tpu.memref_squeeze %dma_start3A_126 : memref<1x1024xf32, #tpu.memory_space<vmem>> -> memref<1024xf32, #tpu.memory_space<vmem>>
    %dma_start3A_128 = arith.constant 0 : i32
    %dma_start3A_129 = tpu.memref_slice %arg4[%dma_start3A_124, %add3A_122, %dma_start3A_128] : memref<200x256x1024xf32, #tpu.memory_space<hbm>> -> memref<1x1x1024xf32, #tpu.memory_space<hbm>>
    %dma_start3A_130 = tpu.memref_squeeze %dma_start3A_129 : memref<1x1x1024xf32, #tpu.memory_space<hbm>> -> memref<1024xf32, #tpu.memory_space<hbm>>
    %dma_start3A_131 = arith.constant 0 : i32
    %dma_start3A_132 = tpu.memref_slice %arg4[%dma_start3A_124, %add3A_122, %dma_start3A_131] : memref<200x256x1024xf32, #tpu.memory_space<hbm>> -> memref<1x1x1024xf32, #tpu.memory_space<hbm>>
    %dma_start3A_133 = tpu.memref_squeeze %dma_start3A_132 : memref<1x1x1024xf32, #tpu.memory_space<hbm>> -> memref<1024xf32, #tpu.memory_space<hbm>>
    %dma_start3A_134 = arith.constant 5120 : i32
    %dma_start3A_135 = tpu.memref_slice %arg8[%dma_start3A_123, %dma_start3A_134] : memref<2x8192xf32, #tpu.memory_space<vmem>> -> memref<1x1024xf32, #tpu.memory_space<vmem>>
    %dma_start3A_136 = tpu.memref_squeeze %dma_start3A_135 : memref<1x1024xf32, #tpu.memory_space<vmem>> -> memref<1024xf32, #tpu.memory_space<vmem>>
    tpu.enqueue_dma source(%dma_start3A_136 : memref<1024xf32, #tpu.memory_space<vmem>>) target(%dma_start3A_133 : memref<1024xf32, #tpu.memory_space<hbm>>) target_semaphore(%arg9 : memref<!tpu.dma_semaphore, #tpu.memory_space<semaphore_mem>>)
    %add3A_137 = arith.constant 192 : i32
    %add3A_138 = arith.addi %add3A_137, %add3A : i32
    %dma_start3A_139 = arith.constant 0 : i32
    %dma_start3A_140 = arith.constant 0 : i32
    %dma_start3A_141 = arith.constant 6144 : i32
    %dma_start3A_142 = tpu.memref_slice %arg8[%dma_start3A_139, %dma_start3A_141] : memref<2x8192xf32, #tpu.memory_space<vmem>> -> memref<1x1024xf32, #tpu.memory_space<vmem>>
    %dma_start3A_143 = tpu.memref_squeeze %dma_start3A_142 : memref<1x1024xf32, #tpu.memory_space<vmem>> -> memref<1024xf32, #tpu.memory_space<vmem>>
    %dma_start3A_144 = arith.constant 0 : i32
    %dma_start3A_145 = tpu.memref_slice %arg4[%dma_start3A_140, %add3A_138, %dma_start3A_144] : memref<200x256x1024xf32, #tpu.memory_space<hbm>> -> memref<1x1x1024xf32, #tpu.memory_space<hbm>>
    %dma_start3A_146 = tpu.memref_squeeze %dma_start3A_145 : memref<1x1x1024xf32, #tpu.memory_space<hbm>> -> memref<1024xf32, #tpu.memory_space<hbm>>
    %dma_start3A_147 = arith.constant 0 : i32
    %dma_start3A_148 = tpu.memref_slice %arg4[%dma_start3A_140, %add3A_138, %dma_start3A_147] : memref<200x256x1024xf32, #tpu.memory_space<hbm>> -> memref<1x1x1024xf32, #tpu.memory_space<hbm>>
    %dma_start3A_149 = tpu.memref_squeeze %dma_start3A_148 : memref<1x1x1024xf32, #tpu.memory_space<hbm>> -> memref<1024xf32, #tpu.memory_space<hbm>>
    %dma_start3A_150 = arith.constant 6144 : i32
    %dma_start3A_151 = tpu.memref_slice %arg8[%dma_start3A_139, %dma_start3A_150] : memref<2x8192xf32, #tpu.memory_space<vmem>> -> memref<1x1024xf32, #tpu.memory_space<vmem>>
    %dma_start3A_152 = tpu.memref_squeeze %dma_start3A_151 : memref<1x1024xf32, #tpu.memory_space<vmem>> -> memref<1024xf32, #tpu.memory_space<vmem>>
    tpu.enqueue_dma source(%dma_start3A_152 : memref<1024xf32, #tpu.memory_space<vmem>>) target(%dma_start3A_149 : memref<1024xf32, #tpu.memory_space<hbm>>) target_semaphore(%arg9 : memref<!tpu.dma_semaphore, #tpu.memory_space<semaphore_mem>>)
    %add3A_153 = arith.constant 224 : i32
    %add3A_154 = arith.addi %add3A_153, %add3A : i32
    %dma_start3A_155 = arith.constant 0 : i32
    %dma_start3A_156 = arith.constant 0 : i32
    %dma_start3A_157 = arith.constant 7168 : i32
    %dma_start3A_158 = tpu.memref_slice %arg8[%dma_start3A_155, %dma_start3A_157] : memref<2x8192xf32, #tpu.memory_space<vmem>> -> memref<1x1024xf32, #tpu.memory_space<vmem>>
    %dma_start3A_159 = tpu.memref_squeeze %dma_start3A_158 : memref<1x1024xf32, #tpu.memory_space<vmem>> -> memref<1024xf32, #tpu.memory_space<vmem>>
    %dma_start3A_160 = arith.constant 0 : i32
    %dma_start3A_161 = tpu.memref_slice %arg4[%dma_start3A_156, %add3A_154, %dma_start3A_160] : memref<200x256x1024xf32, #tpu.memory_space<hbm>> -> memref<1x1x1024xf32, #tpu.memory_space<hbm>>
    %dma_start3A_162 = tpu.memref_squeeze %dma_start3A_161 : memref<1x1x1024xf32, #tpu.memory_space<hbm>> -> memref<1024xf32, #tpu.memory_space<hbm>>
    %dma_start3A_163 = arith.constant 0 : i32
    %dma_start3A_164 = tpu.memref_slice %arg4[%dma_start3A_156, %add3A_154, %dma_start3A_163] : memref<200x256x1024xf32, #tpu.memory_space<hbm>> -> memref<1x1x1024xf32, #tpu.memory_space<hbm>>
    %dma_start3A_165 = tpu.memref_squeeze %dma_start3A_164 : memref<1x1x1024xf32, #tpu.memory_space<hbm>> -> memref<1024xf32, #tpu.memory_space<hbm>>
    %dma_start3A_166 = arith.constant 7168 : i32
    %dma_start3A_167 = tpu.memref_slice %arg8[%dma_start3A_155, %dma_start3A_166] : memref<2x8192xf32, #tpu.memory_space<vmem>> -> memref<1x1024xf32, #tpu.memory_space<vmem>>
    %dma_start3A_168 = tpu.memref_squeeze %dma_start3A_167 : memref<1x1024xf32, #tpu.memory_space<vmem>> -> memref<1024xf32, #tpu.memory_space<vmem>>
    tpu.enqueue_dma source(%dma_start3A_168 : memref<1024xf32, #tpu.memory_space<vmem>>) target(%dma_start3A_165 : memref<1024xf32, #tpu.memory_space<hbm>>) target_semaphore(%arg9 : memref<!tpu.dma_semaphore, #tpu.memory_space<semaphore_mem>>)
    %get3A_169 = arith.constant 1 : i32
    %get3A_170 = arith.index_cast %get3A_169 : i32 to index
    %get3A_171 = arith.constant 0 : index
    %get3A_172 = tpu.vector_load %arg6[%get3A_170, %get3A_171] {strides = array<i32>} : memref<224x129xi32, #tpu.memory_space<vmem>>, vector<16xi32>,
    %get3A_173 = arith.constant 1 : i32
    %get3A_174 = arith.index_cast %get3A_173 : i32 to index
    %get3A_175 = arith.constant 16 : index
    %get3A_176 = tpu.vector_load %arg6[%get3A_174, %get3A_175] {strides = array<i32>} : memref<224x129xi32, #tpu.memory_space<vmem>>, vector<16xi32>,
    %get3A_177 = arith.constant 1 : i32
    %get3A_178 = arith.index_cast %get3A_177 : i32 to index
    %get3A_179 = arith.constant 32 : index
    %get3A_180 = tpu.vector_load %arg6[%get3A_178, %get3A_179] {strides = array<i32>} : memref<224x129xi32, #tpu.memory_space<vmem>>, vector<16xi32>,
    %get3A_181 = arith.constant 1 : i32
    %get3A_182 = arith.index_cast %get3A_181 : i32 to index
    %get3A_183 = arith.constant 48 : index
    %get3A_184 = tpu.vector_load %arg6[%get3A_182, %get3A_183] {strides = array<i32>} : memref<224x129xi32, #tpu.memory_space<vmem>>, vector<16xi32>,
    %get3A_185 = arith.constant 1 : i32
    %get3A_186 = arith.index_cast %get3A_185 : i32 to index
    %get3A_187 = arith.constant 64 : index
    %get3A_188 = tpu.vector_load %arg6[%get3A_186, %get3A_187] {strides = array<i32>} : memref<224x129xi32, #tpu.memory_space<vmem>>, vector<16xi32>,
    %get3A_189 = arith.constant 1 : i32
    %get3A_190 = arith.index_cast %get3A_189 : i32 to index
    %get3A_191 = arith.constant 80 : index
    %get3A_192 = tpu.vector_load %arg6[%get3A_190, %get3A_191] {strides = array<i32>} : memref<224x129xi32, #tpu.memory_space<vmem>>, vector<16xi32>,
    %get3A_193 = arith.constant 1 : i32
    %get3A_194 = arith.index_cast %get3A_193 : i32 to index
    %get3A_195 = arith.constant 96 : index
    %get3A_196 = tpu.vector_load %arg6[%get3A_194, %get3A_195] {strides = array<i32>} : memref<224x129xi32, #tpu.memory_space<vmem>>, vector<16xi32>,
    %get3A_197 = arith.constant 1 : i32
    %get3A_198 = arith.index_cast %get3A_197 : i32 to index
    %get3A_199 = arith.constant 112 : index
    %get3A_200 = tpu.vector_load %arg6[%get3A_198, %get3A_199] {strides = array<i32>} : memref<224x129xi32, #tpu.memory_space<vmem>>, vector<16xi32>,
    %parallel_loop3A_201 = arith.constant 0 : i32
    %parallel_loop3A_202 = arith.constant 64 : i32
    %parallel_loop3A_203 = arith.constant 1 : i32
    scf.for %parallel_loop3A_592 = %parallel_loop3A_201 to %parallel_loop3A_202 step %parallel_loop3A_203  : i32 {
      %parallel_loop3A_593 = vector.broadcast %parallel_loop3A_592 : i32 to vector<16xi32>
      %parallel_loop3A_594 = arith.addi %broadcast_in_dim3A_7, %parallel_loop3A_593 : vector<16xi32>
      %parallel_loop3A_595 = tpu.vector_load_idx %arg7[%parallel_loop3A_594, %get3A_172] : memref<64x202xf32, #tpu.memory_space<vmem>>[vector<16xi32>, vector<16xi32>], vector<16xf32>,
      %parallel_loop3A_596 = arith.constant 128 : i32
      %parallel_loop3A_597 = arith.muli %parallel_loop3A_592, %parallel_loop3A_596 : i32
      %parallel_loop3A_598 = arith.constant 0 : i32
      %parallel_loop3A_599 = arith.addi %parallel_loop3A_597, %parallel_loop3A_598 : i32
      %parallel_loop3A_600 = arith.constant 1 : i32
      %parallel_loop3A_601 = arith.index_cast %parallel_loop3A_600 : i32 to index
      %parallel_loop3A_602 = arith.index_cast %parallel_loop3A_599 : i32 to index
      %parallel_loop3A_603 = tpu.vector_load %arg8[%parallel_loop3A_601, %parallel_loop3A_602] {strides = array<i32>} : memref<2x8192xf32, #tpu.memory_space<vmem>>, vector<16xf32>,
      tpu.vector_store %arg8[%parallel_loop3A_601, %parallel_loop3A_602], %parallel_loop3A_595 {strides = array<i32>} : memref<2x8192xf32, #tpu.memory_space<vmem>>, vector<16xf32>,
      %parallel_loop3A_604 = tpu.vector_load_idx %arg7[%parallel_loop3A_594, %get3A_176] : memref<64x202xf32, #tpu.memory_space<vmem>>[vector<16xi32>, vector<16xi32>], vector<16xf32>,
      %parallel_loop3A_605 = arith.constant 128 : i32
      %parallel_loop3A_606 = arith.muli %parallel_loop3A_592, %parallel_loop3A_605 : i32
      %parallel_loop3A_607 = arith.constant 16 : i32
      %parallel_loop3A_608 = arith.addi %parallel_loop3A_606, %parallel_loop3A_607 : i32
      %parallel_loop3A_609 = arith.constant 1 : i32
      %parallel_loop3A_610 = arith.index_cast %parallel_loop3A_609 : i32 to index
      %parallel_loop3A_611 = arith.index_cast %parallel_loop3A_608 : i32 to index
      %parallel_loop3A_612 = tpu.vector_load %arg8[%parallel_loop3A_610, %parallel_loop3A_611] {strides = array<i32>} : memref<2x8192xf32, #tpu.memory_space<vmem>>, vector<16xf32>,
      tpu.vector_store %arg8[%parallel_loop3A_610, %parallel_loop3A_611], %parallel_loop3A_604 {strides = array<i32>} : memref<2x8192xf32, #tpu.memory_space<vmem>>, vector<16xf32>,
      %parallel_loop3A_613 = tpu.vector_load_idx %arg7[%parallel_loop3A_594, %get3A_180] : memref<64x202xf32, #tpu.memory_space<vmem>>[vector<16xi32>, vector<16xi32>], vector<16xf32>,
      %parallel_loop3A_614 = arith.constant 128 : i32
      %parallel_loop3A_615 = arith.muli %parallel_loop3A_592, %parallel_loop3A_614 : i32
      %parallel_loop3A_616 = arith.constant 32 : i32
      %parallel_loop3A_617 = arith.addi %parallel_loop3A_615, %parallel_loop3A_616 : i32
      %parallel_loop3A_618 = arith.constant 1 : i32
      %parallel_loop3A_619 = arith.index_cast %parallel_loop3A_618 : i32 to index
      %parallel_loop3A_620 = arith.index_cast %parallel_loop3A_617 : i32 to index
      %parallel_loop3A_621 = tpu.vector_load %arg8[%parallel_loop3A_619, %parallel_loop3A_620] {strides = array<i32>} : memref<2x8192xf32, #tpu.memory_space<vmem>>, vector<16xf32>,
      tpu.vector_store %arg8[%parallel_loop3A_619, %parallel_loop3A_620], %parallel_loop3A_613 {strides = array<i32>} : memref<2x8192xf32, #tpu.memory_space<vmem>>, vector<16xf32>,
      %parallel_loop3A_622 = tpu.vector_load_idx %arg7[%parallel_loop3A_594, %get3A_184] : memref<64x202xf32, #tpu.memory_space<vmem>>[vector<16xi32>, vector<16xi32>], vector<16xf32>,
      %parallel_loop3A_623 = arith.constant 128 : i32
      %parallel_loop3A_624 = arith.muli %parallel_loop3A_592, %parallel_loop3A_623 : i32
      %parallel_loop3A_625 = arith.constant 48 : i32
      %parallel_loop3A_626 = arith.addi %parallel_loop3A_624, %parallel_loop3A_625 : i32
      %parallel_loop3A_627 = arith.constant 1 : i32
      %parallel_loop3A_628 = arith.index_cast %parallel_loop3A_627 : i32 to index
      %parallel_loop3A_629 = arith.index_cast %parallel_loop3A_626 : i32 to index
      %parallel_loop3A_630 = tpu.vector_load %arg8[%parallel_loop3A_628, %parallel_loop3A_629] {strides = array<i32>} : memref<2x8192xf32, #tpu.memory_space<vmem>>, vector<16xf32>,
      tpu.vector_store %arg8[%parallel_loop3A_628, %parallel_loop3A_629], %parallel_loop3A_622 {strides = array<i32>} : memref<2x8192xf32, #tpu.memory_space<vmem>>, vector<16xf32>,
      %parallel_loop3A_631 = tpu.vector_load_idx %arg7[%parallel_loop3A_594, %get3A_188] : memref<64x202xf32, #tpu.memory_space<vmem>>[vector<16xi32>, vector<16xi32>], vector<16xf32>,
      %parallel_loop3A_632 = arith.constant 128 : i32
      %parallel_loop3A_633 = arith.muli %parallel_loop3A_592, %parallel_loop3A_632 : i32
      %parallel_loop3A_634 = arith.constant 64 : i32
      %parallel_loop3A_635 = arith.addi %parallel_loop3A_633, %parallel_loop3A_634 : i32
      %parallel_loop3A_636 = arith.constant 1 : i32
      %parallel_loop3A_637 = arith.index_cast %parallel_loop3A_636 : i32 to index
      %parallel_loop3A_638 = arith.index_cast %parallel_loop3A_635 : i32 to index
      %parallel_loop3A_639 = tpu.vector_load %arg8[%parallel_loop3A_637, %parallel_loop3A_638] {strides = array<i32>} : memref<2x8192xf32, #tpu.memory_space<vmem>>, vector<16xf32>,
      tpu.vector_store %arg8[%parallel_loop3A_637, %parallel_loop3A_638], %parallel_loop3A_631 {strides = array<i32>} : memref<2x8192xf32, #tpu.memory_space<vmem>>, vector<16xf32>,
      %parallel_loop3A_640 = tpu.vector_load_idx %arg7[%parallel_loop3A_594, %get3A_192] : memref<64x202xf32, #tpu.memory_space<vmem>>[vector<16xi32>, vector<16xi32>], vector<16xf32>,
      %parallel_loop3A_641 = arith.constant 128 : i32
      %parallel_loop3A_642 = arith.muli %parallel_loop3A_592, %parallel_loop3A_641 : i32
      %parallel_loop3A_643 = arith.constant 80 : i32
      %parallel_loop3A_644 = arith.addi %parallel_loop3A_642, %parallel_loop3A_643 : i32
      %parallel_loop3A_645 = arith.constant 1 : i32
      %parallel_loop3A_646 = arith.index_cast %parallel_loop3A_645 : i32 to index
      %parallel_loop3A_647 = arith.index_cast %parallel_loop3A_644 : i32 to index
      %parallel_loop3A_648 = tpu.vector_load %arg8[%parallel_loop3A_646, %parallel_loop3A_647] {strides = array<i32>} : memref<2x8192xf32, #tpu.memory_space<vmem>>, vector<16xf32>,
      tpu.vector_store %arg8[%parallel_loop3A_646, %parallel_loop3A_647], %parallel_loop3A_640 {strides = array<i32>} : memref<2x8192xf32, #tpu.memory_space<vmem>>, vector<16xf32>,
      %parallel_loop3A_649 = tpu.vector_load_idx %arg7[%parallel_loop3A_594, %get3A_196] : memref<64x202xf32, #tpu.memory_space<vmem>>[vector<16xi32>, vector<16xi32>], vector<16xf32>,
      %parallel_loop3A_650 = arith.constant 128 : i32
      %parallel_loop3A_651 = arith.muli %parallel_loop3A_592, %parallel_loop3A_650 : i32
      %parallel_loop3A_652 = arith.constant 96 : i32
      %parallel_loop3A_653 = arith.addi %parallel_loop3A_651, %parallel_loop3A_652 : i32
      %parallel_loop3A_654 = arith.constant 1 : i32
      %parallel_loop3A_655 = arith.index_cast %parallel_loop3A_654 : i32 to index
      %parallel_loop3A_656 = arith.index_cast %parallel_loop3A_653 : i32 to index
      %parallel_loop3A_657 = tpu.vector_load %arg8[%parallel_loop3A_655, %parallel_loop3A_656] {strides = array<i32>} : memref<2x8192xf32, #tpu.memory_space<vmem>>, vector<16xf32>,
      tpu.vector_store %arg8[%parallel_loop3A_655, %parallel_loop3A_656], %parallel_loop3A_649 {strides = array<i32>} : memref<2x8192xf32, #tpu.memory_space<vmem>>, vector<16xf32>,
      %parallel_loop3A_658 = tpu.vector_load_idx %arg7[%parallel_loop3A_594, %get3A_200] : memref<64x202xf32, #tpu.memory_space<vmem>>[vector<16xi32>, vector<16xi32>], vector<16xf32>,
      %parallel_loop3A_659 = arith.constant 128 : i32
      %parallel_loop3A_660 = arith.muli %parallel_loop3A_592, %parallel_loop3A_659 : i32
      %parallel_loop3A_661 = arith.constant 112 : i32
      %parallel_loop3A_662 = arith.addi %parallel_loop3A_660, %parallel_loop3A_661 : i32
      %parallel_loop3A_663 = arith.constant 1 : i32
      %parallel_loop3A_664 = arith.index_cast %parallel_loop3A_663 : i32 to index
      %parallel_loop3A_665 = arith.index_cast %parallel_loop3A_662 : i32 to index
      %parallel_loop3A_666 = tpu.vector_load %arg8[%parallel_loop3A_664, %parallel_loop3A_665] {strides = array<i32>} : memref<2x8192xf32, #tpu.memory_space<vmem>>, vector<16xf32>,
      tpu.vector_store %arg8[%parallel_loop3A_664, %parallel_loop3A_665], %parallel_loop3A_658 {strides = array<i32>} : memref<2x8192xf32, #tpu.memory_space<vmem>>, vector<16xf32>,
    } {sc.loop_unroll_factor = 8 : i64, sc.parallel_access}
    %add3A_204 = arith.constant 0 : i32
    %add3A_205 = arith.addi %add3A_204, %add3A : i32
    %dma_start3A_206 = arith.constant 1 : i32
    %dma_start3A_207 = arith.constant 1 : i32
    %dma_start3A_208 = arith.constant 0 : i32
    %dma_start3A_209 = tpu.memref_slice %arg8[%dma_start3A_206, %dma_start3A_208] : memref<2x8192xf32, #tpu.memory_space<vmem>> -> memref<1x1024xf32, #tpu.memory_space<vmem>>
    %dma_start3A_210 = tpu.memref_squeeze %dma_start3A_209 : memref<1x1024xf32, #tpu.memory_space<vmem>> -> memref<1024xf32, #tpu.memory_space<vmem>>
    %dma_start3A_211 = arith.constant 0 : i32
    %dma_start3A_212 = tpu.memref_slice %arg4[%dma_start3A_207, %add3A_205, %dma_start3A_211] : memref<200x256x1024xf32, #tpu.memory_space<hbm>> -> memref<1x1x1024xf32, #tpu.memory_space<hbm>>
    %dma_start3A_213 = tpu.memref_squeeze %dma_start3A_212 : memref<1x1x1024xf32, #tpu.memory_space<hbm>> -> memref<1024xf32, #tpu.memory_space<hbm>>
    %dma_start3A_214 = arith.constant 0 : i32
    %dma_start3A_215 = tpu.memref_slice %arg4[%dma_start3A_207, %add3A_205, %dma_start3A_214] : memref<200x256x1024xf32, #tpu.memory_space<hbm>> -> memref<1x1x1024xf32, #tpu.memory_space<hbm>>
    %dma_start3A_216 = tpu.memref_squeeze %dma_start3A_215 : memref<1x1x1024xf32, #tpu.memory_space<hbm>> -> memref<1024xf32, #tpu.memory_space<hbm>>
    %dma_start3A_217 = arith.constant 0 : i32
    %dma_start3A_218 = tpu.memref_slice %arg8[%dma_start3A_206, %dma_start3A_217] : memref<2x8192xf32, #tpu.memory_space<vmem>> -> memref<1x1024xf32, #tpu.memory_space<vmem>>
    %dma_start3A_219 = tpu.memref_squeeze %dma_start3A_218 : memref<1x1024xf32, #tpu.memory_space<vmem>> -> memref<1024xf32, #tpu.memory_space<vmem>>
    tpu.enqueue_dma source(%dma_start3A_219 : memref<1024xf32, #tpu.memory_space<vmem>>) target(%dma_start3A_216 : memref<1024xf32, #tpu.memory_space<hbm>>) target_semaphore(%arg10 : memref<!tpu.dma_semaphore, #tpu.memory_space<semaphore_mem>>)
    %add3A_220 = arith.constant 32 : i32
    %add3A_221 = arith.addi %add3A_220, %add3A : i32
    %dma_start3A_222 = arith.constant 1 : i32
    %dma_start3A_223 = arith.constant 1 : i32
    %dma_start3A_224 = arith.constant 1024 : i32
    %dma_start3A_225 = tpu.memref_slice %arg8[%dma_start3A_222, %dma_start3A_224] : memref<2x8192xf32, #tpu.memory_space<vmem>> -> memref<1x1024xf32, #tpu.memory_space<vmem>>
    %dma_start3A_226 = tpu.memref_squeeze %dma_start3A_225 : memref<1x1024xf32, #tpu.memory_space<vmem>> -> memref<1024xf32, #tpu.memory_space<vmem>>
    %dma_start3A_227 = arith.constant 0 : i32
    %dma_start3A_228 = tpu.memref_slice %arg4[%dma_start3A_223, %add3A_221, %dma_start3A_227] : memref<200x256x1024xf32, #tpu.memory_space<hbm>> -> memref<1x1x1024xf32, #tpu.memory_space<hbm>>
    %dma_start3A_229 = tpu.memref_squeeze %dma_start3A_228 : memref<1x1x1024xf32, #tpu.memory_space<hbm>> -> memref<1024xf32, #tpu.memory_space<hbm>>
    %dma_start3A_230 = arith.constant 0 : i32
    %dma_start3A_231 = tpu.memref_slice %arg4[%dma_start3A_223, %add3A_221, %dma_start3A_230] : memref<200x256x1024xf32, #tpu.memory_space<hbm>> -> memref<1x1x1024xf32, #tpu.memory_space<hbm>>
    %dma_start3A_232 = tpu.memref_squeeze %dma_start3A_231 : memref<1x1x1024xf32, #tpu.memory_space<hbm>> -> memref<1024xf32, #tpu.memory_space<hbm>>
    %dma_start3A_233 = arith.constant 1024 : i32
    %dma_start3A_234 = tpu.memref_slice %arg8[%dma_start3A_222, %dma_start3A_233] : memref<2x8192xf32, #tpu.memory_space<vmem>> -> memref<1x1024xf32, #tpu.memory_space<vmem>>
    %dma_start3A_235 = tpu.memref_squeeze %dma_start3A_234 : memref<1x1024xf32, #tpu.memory_space<vmem>> -> memref<1024xf32, #tpu.memory_space<vmem>>
    tpu.enqueue_dma source(%dma_start3A_235 : memref<1024xf32, #tpu.memory_space<vmem>>) target(%dma_start3A_232 : memref<1024xf32, #tpu.memory_space<hbm>>) target_semaphore(%arg10 : memref<!tpu.dma_semaphore, #tpu.memory_space<semaphore_mem>>)
    %add3A_236 = arith.constant 64 : i32
    %add3A_237 = arith.addi %add3A_236, %add3A : i32
    %dma_start3A_238 = arith.constant 1 : i32
    %dma_start3A_239 = arith.constant 1 : i32
    %dma_start3A_240 = arith.constant 2048 : i32
    %dma_start3A_241 = tpu.memref_slice %arg8[%dma_start3A_238, %dma_start3A_240] : memref<2x8192xf32, #tpu.memory_space<vmem>> -> memref<1x1024xf32, #tpu.memory_space<vmem>>
    %dma_start3A_242 = tpu.memref_squeeze %dma_start3A_241 : memref<1x1024xf32, #tpu.memory_space<vmem>> -> memref<1024xf32, #tpu.memory_space<vmem>>
    %dma_start3A_243 = arith.constant 0 : i32
    %dma_start3A_244 = tpu.memref_slice %arg4[%dma_start3A_239, %add3A_237, %dma_start3A_243] : memref<200x256x1024xf32, #tpu.memory_space<hbm>> -> memref<1x1x1024xf32, #tpu.memory_space<hbm>>
    %dma_start3A_245 = tpu.memref_squeeze %dma_start3A_244 : memref<1x1x1024xf32, #tpu.memory_space<hbm>> -> memref<1024xf32, #tpu.memory_space<hbm>>
    %dma_start3A_246 = arith.constant 0 : i32
    %dma_start3A_247 = tpu.memref_slice %arg4[%dma_start3A_239, %add3A_237, %dma_start3A_246] : memref<200x256x1024xf32, #tpu.memory_space<hbm>> -> memref<1x1x1024xf32, #tpu.memory_space<hbm>>
    %dma_start3A_248 = tpu.memref_squeeze %dma_start3A_247 : memref<1x1x1024xf32, #tpu.memory_space<hbm>> -> memref<1024xf32, #tpu.memory_space<hbm>>
    %dma_start3A_249 = arith.constant 2048 : i32
    %dma_start3A_250 = tpu.memref_slice %arg8[%dma_start3A_238, %dma_start3A_249] : memref<2x8192xf32, #tpu.memory_space<vmem>> -> memref<1x1024xf32, #tpu.memory_space<vmem>>
    %dma_start3A_251 = tpu.memref_squeeze %dma_start3A_250 : memref<1x1024xf32, #tpu.memory_space<vmem>> -> memref<1024xf32, #tpu.memory_space<vmem>>
    tpu.enqueue_dma source(%dma_start3A_251 : memref<1024xf32, #tpu.memory_space<vmem>>) target(%dma_start3A_248 : memref<1024xf32, #tpu.memory_space<hbm>>) target_semaphore(%arg10 : memref<!tpu.dma_semaphore, #tpu.memory_space<semaphore_mem>>)
    %add3A_252 = arith.constant 96 : i32
    %add3A_253 = arith.addi %add3A_252, %add3A : i32
    %dma_start3A_254 = arith.constant 1 : i32
    %dma_start3A_255 = arith.constant 1 : i32
    %dma_start3A_256 = arith.constant 3072 : i32
    %dma_start3A_257 = tpu.memref_slice %arg8[%dma_start3A_254, %dma_start3A_256] : memref<2x8192xf32, #tpu.memory_space<vmem>> -> memref<1x1024xf32, #tpu.memory_space<vmem>>
    %dma_start3A_258 = tpu.memref_squeeze %dma_start3A_257 : memref<1x1024xf32, #tpu.memory_space<vmem>> -> memref<1024xf32, #tpu.memory_space<vmem>>
    %dma_start3A_259 = arith.constant 0 : i32
    %dma_start3A_260 = tpu.memref_slice %arg4[%dma_start3A_255, %add3A_253, %dma_start3A_259] : memref<200x256x1024xf32, #tpu.memory_space<hbm>> -> memref<1x1x1024xf32, #tpu.memory_space<hbm>>
    %dma_start3A_261 = tpu.memref_squeeze %dma_start3A_260 : memref<1x1x1024xf32, #tpu.memory_space<hbm>> -> memref<1024xf32, #tpu.memory_space<hbm>>
    %dma_start3A_262 = arith.constant 0 : i32
    %dma_start3A_263 = tpu.memref_slice %arg4[%dma_start3A_255, %add3A_253, %dma_start3A_262] : memref<200x256x1024xf32, #tpu.memory_space<hbm>> -> memref<1x1x1024xf32, #tpu.memory_space<hbm>>
    %dma_start3A_264 = tpu.memref_squeeze %dma_start3A_263 : memref<1x1x1024xf32, #tpu.memory_space<hbm>> -> memref<1024xf32, #tpu.memory_space<hbm>>
    %dma_start3A_265 = arith.constant 3072 : i32
    %dma_start3A_266 = tpu.memref_slice %arg8[%dma_start3A_254, %dma_start3A_265] : memref<2x8192xf32, #tpu.memory_space<vmem>> -> memref<1x1024xf32, #tpu.memory_space<vmem>>
    %dma_start3A_267 = tpu.memref_squeeze %dma_start3A_266 : memref<1x1024xf32, #tpu.memory_space<vmem>> -> memref<1024xf32, #tpu.memory_space<vmem>>
    tpu.enqueue_dma source(%dma_start3A_267 : memref<1024xf32, #tpu.memory_space<vmem>>) target(%dma_start3A_264 : memref<1024xf32, #tpu.memory_space<hbm>>) target_semaphore(%arg10 : memref<!tpu.dma_semaphore, #tpu.memory_space<semaphore_mem>>)
    %add3A_268 = arith.constant 128 : i32
    %add3A_269 = arith.addi %add3A_268, %add3A : i32
    %dma_start3A_270 = arith.constant 1 : i32
    %dma_start3A_271 = arith.constant 1 : i32
    %dma_start3A_272 = arith.constant 4096 : i32
    %dma_start3A_273 = tpu.memref_slice %arg8[%dma_start3A_270, %dma_start3A_272] : memref<2x8192xf32, #tpu.memory_space<vmem>> -> memref<1x1024xf32, #tpu.memory_space<vmem>>
    %dma_start3A_274 = tpu.memref_squeeze %dma_start3A_273 : memref<1x1024xf32, #tpu.memory_space<vmem>> -> memref<1024xf32, #tpu.memory_space<vmem>>
    %dma_start3A_275 = arith.constant 0 : i32
    %dma_start3A_276 = tpu.memref_slice %arg4[%dma_start3A_271, %add3A_269, %dma_start3A_275] : memref<200x256x1024xf32, #tpu.memory_space<hbm>> -> memref<1x1x1024xf32, #tpu.memory_space<hbm>>
    %dma_start3A_277 = tpu.memref_squeeze %dma_start3A_276 : memref<1x1x1024xf32, #tpu.memory_space<hbm>> -> memref<1024xf32, #tpu.memory_space<hbm>>
    %dma_start3A_278 = arith.constant 0 : i32
    %dma_start3A_279 = tpu.memref_slice %arg4[%dma_start3A_271, %add3A_269, %dma_start3A_278] : memref<200x256x1024xf32, #tpu.memory_space<hbm>> -> memref<1x1x1024xf32, #tpu.memory_space<hbm>>
    %dma_start3A_280 = tpu.memref_squeeze %dma_start3A_279 : memref<1x1x1024xf32, #tpu.memory_space<hbm>> -> memref<1024xf32, #tpu.memory_space<hbm>>
    %dma_start3A_281 = arith.constant 4096 : i32
    %dma_start3A_282 = tpu.memref_slice %arg8[%dma_start3A_270, %dma_start3A_281] : memref<2x8192xf32, #tpu.memory_space<vmem>> -> memref<1x1024xf32, #tpu.memory_space<vmem>>
    %dma_start3A_283 = tpu.memref_squeeze %dma_start3A_282 : memref<1x1024xf32, #tpu.memory_space<vmem>> -> memref<1024xf32, #tpu.memory_space<vmem>>
    tpu.enqueue_dma source(%dma_start3A_283 : memref<1024xf32, #tpu.memory_space<vmem>>) target(%dma_start3A_280 : memref<1024xf32, #tpu.memory_space<hbm>>) target_semaphore(%arg10 : memref<!tpu.dma_semaphore, #tpu.memory_space<semaphore_mem>>)
    %add3A_284 = arith.constant 160 : i32
    %add3A_285 = arith.addi %add3A_284, %add3A : i32
    %dma_start3A_286 = arith.constant 1 : i32
    %dma_start3A_287 = arith.constant 1 : i32
    %dma_start3A_288 = arith.constant 5120 : i32
    %dma_start3A_289 = tpu.memref_slice %arg8[%dma_start3A_286, %dma_start3A_288] : memref<2x8192xf32, #tpu.memory_space<vmem>> -> memref<1x1024xf32, #tpu.memory_space<vmem>>
    %dma_start3A_290 = tpu.memref_squeeze %dma_start3A_289 : memref<1x1024xf32, #tpu.memory_space<vmem>> -> memref<1024xf32, #tpu.memory_space<vmem>>
    %dma_start3A_291 = arith.constant 0 : i32
    %dma_start3A_292 = tpu.memref_slice %arg4[%dma_start3A_287, %add3A_285, %dma_start3A_291] : memref<200x256x1024xf32, #tpu.memory_space<hbm>> -> memref<1x1x1024xf32, #tpu.memory_space<hbm>>
    %dma_start3A_293 = tpu.memref_squeeze %dma_start3A_292 : memref<1x1x1024xf32, #tpu.memory_space<hbm>> -> memref<1024xf32, #tpu.memory_space<hbm>>
    %dma_start3A_294 = arith.constant 0 : i32
    %dma_start3A_295 = tpu.memref_slice %arg4[%dma_start3A_287, %add3A_285, %dma_start3A_294] : memref<200x256x1024xf32, #tpu.memory_space<hbm>> -> memref<1x1x1024xf32, #tpu.memory_space<hbm>>
    %dma_start3A_296 = tpu.memref_squeeze %dma_start3A_295 : memref<1x1x1024xf32, #tpu.memory_space<hbm>> -> memref<1024xf32, #tpu.memory_space<hbm>>
    %dma_start3A_297 = arith.constant 5120 : i32
    %dma_start3A_298 = tpu.memref_slice %arg8[%dma_start3A_286, %dma_start3A_297] : memref<2x8192xf32, #tpu.memory_space<vmem>> -> memref<1x1024xf32, #tpu.memory_space<vmem>>
    %dma_start3A_299 = tpu.memref_squeeze %dma_start3A_298 : memref<1x1024xf32, #tpu.memory_space<vmem>> -> memref<1024xf32, #tpu.memory_space<vmem>>
    tpu.enqueue_dma source(%dma_start3A_299 : memref<1024xf32, #tpu.memory_space<vmem>>) target(%dma_start3A_296 : memref<1024xf32, #tpu.memory_space<hbm>>) target_semaphore(%arg10 : memref<!tpu.dma_semaphore, #tpu.memory_space<semaphore_mem>>)
    %add3A_300 = arith.constant 192 : i32
    %add3A_301 = arith.addi %add3A_300, %add3A : i32
    %dma_start3A_302 = arith.constant 1 : i32
    %dma_start3A_303 = arith.constant 1 : i32
    %dma_start3A_304 = arith.constant 6144 : i32
    %dma_start3A_305 = tpu.memref_slice %arg8[%dma_start3A_302, %dma_start3A_304] : memref<2x8192xf32, #tpu.memory_space<vmem>> -> memref<1x1024xf32, #tpu.memory_space<vmem>>
    %dma_start3A_306 = tpu.memref_squeeze %dma_start3A_305 : memref<1x1024xf32, #tpu.memory_space<vmem>> -> memref<1024xf32, #tpu.memory_space<vmem>>
    %dma_start3A_307 = arith.constant 0 : i32
    %dma_start3A_308 = tpu.memref_slice %arg4[%dma_start3A_303, %add3A_301, %dma_start3A_307] : memref<200x256x1024xf32, #tpu.memory_space<hbm>> -> memref<1x1x1024xf32, #tpu.memory_space<hbm>>
    %dma_start3A_309 = tpu.memref_squeeze %dma_start3A_308 : memref<1x1x1024xf32, #tpu.memory_space<hbm>> -> memref<1024xf32, #tpu.memory_space<hbm>>
    %dma_start3A_310 = arith.constant 0 : i32
    %dma_start3A_311 = tpu.memref_slice %arg4[%dma_start3A_303, %add3A_301, %dma_start3A_310] : memref<200x256x1024xf32, #tpu.memory_space<hbm>> -> memref<1x1x1024xf32, #tpu.memory_space<hbm>>
    %dma_start3A_312 = tpu.memref_squeeze %dma_start3A_311 : memref<1x1x1024xf32, #tpu.memory_space<hbm>> -> memref<1024xf32, #tpu.memory_space<hbm>>
    %dma_start3A_313 = arith.constant 6144 : i32
    %dma_start3A_314 = tpu.memref_slice %arg8[%dma_start3A_302, %dma_start3A_313] : memref<2x8192xf32, #tpu.memory_space<vmem>> -> memref<1x1024xf32, #tpu.memory_space<vmem>>
    %dma_start3A_315 = tpu.memref_squeeze %dma_start3A_314 : memref<1x1024xf32, #tpu.memory_space<vmem>> -> memref<1024xf32, #tpu.memory_space<vmem>>
    tpu.enqueue_dma source(%dma_start3A_315 : memref<1024xf32, #tpu.memory_space<vmem>>) target(%dma_start3A_312 : memref<1024xf32, #tpu.memory_space<hbm>>) target_semaphore(%arg10 : memref<!tpu.dma_semaphore, #tpu.memory_space<semaphore_mem>>)
    %add3A_316 = arith.constant 224 : i32
    %add3A_317 = arith.addi %add3A_316, %add3A : i32
    %dma_start3A_318 = arith.constant 1 : i32
    %dma_start3A_319 = arith.constant 1 : i32
    %dma_start3A_320 = arith.constant 7168 : i32
    %dma_start3A_321 = tpu.memref_slice %arg8[%dma_start3A_318, %dma_start3A_320] : memref<2x8192xf32, #tpu.memory_space<vmem>> -> memref<1x1024xf32, #tpu.memory_space<vmem>>
    %dma_start3A_322 = tpu.memref_squeeze %dma_start3A_321 : memref<1x1024xf32, #tpu.memory_space<vmem>> -> memref<1024xf32, #tpu.memory_space<vmem>>
    %dma_start3A_323 = arith.constant 0 : i32
    %dma_start3A_324 = tpu.memref_slice %arg4[%dma_start3A_319, %add3A_317, %dma_start3A_323] : memref<200x256x1024xf32, #tpu.memory_space<hbm>> -> memref<1x1x1024xf32, #tpu.memory_space<hbm>>
    %dma_start3A_325 = tpu.memref_squeeze %dma_start3A_324 : memref<1x1x1024xf32, #tpu.memory_space<hbm>> -> memref<1024xf32, #tpu.memory_space<hbm>>
    %dma_start3A_326 = arith.constant 0 : i32
    %dma_start3A_327 = tpu.memref_slice %arg4[%dma_start3A_319, %add3A_317, %dma_start3A_326] : memref<200x256x1024xf32, #tpu.memory_space<hbm>> -> memref<1x1x1024xf32, #tpu.memory_space<hbm>>
    %dma_start3A_328 = tpu.memref_squeeze %dma_start3A_327 : memref<1x1x1024xf32, #tpu.memory_space<hbm>> -> memref<1024xf32, #tpu.memory_space<hbm>>
    %dma_start3A_329 = arith.constant 7168 : i32
    %dma_start3A_330 = tpu.memref_slice %arg8[%dma_start3A_318, %dma_start3A_329] : memref<2x8192xf32, #tpu.memory_space<vmem>> -> memref<1x1024xf32, #tpu.memory_space<vmem>>
    %dma_start3A_331 = tpu.memref_squeeze %dma_start3A_330 : memref<1x1024xf32, #tpu.memory_space<vmem>> -> memref<1024xf32, #tpu.memory_space<vmem>>
    tpu.enqueue_dma source(%dma_start3A_331 : memref<1024xf32, #tpu.memory_space<vmem>>) target(%dma_start3A_328 : memref<1024xf32, #tpu.memory_space<hbm>>) target_semaphore(%arg10 : memref<!tpu.dma_semaphore, #tpu.memory_space<semaphore_mem>>)
    %scan3A = arith.constant 0 : i32
    %scan3A_332 = arith.constant 1 : i32
    %scan3A_333 = arith.constant 99 : i32
    %scan3A_334 = arith.addi %scan3A_332, %scan3A_333 : i32
    %scan3A_335 = arith.constant 1 : i32
    scf.for %scan3A_592 = %scan3A_332 to %scan3A_334 step %scan3A_335  : i32 {
      %mul3A_593 = arith.constant 2 : i32
      %mul3A_594 = arith.muli %mul3A_593, %scan3A_592 : i32
      %sub3A = arith.constant 2 : i32
      %sub3A_595 = arith.subi %mul3A_594, %sub3A : i32
      %add3A_596 = arith.constant 0 : i32
      %add3A_597 = arith.addi %add3A_596, %add3A : i32
      %dma_wait3A_598 = arith.constant 0 : i32
      %dma_wait3A_599 = arith.constant 0 : i32
      %dma_wait3A_600 = tpu.memref_slice %arg8[%dma_wait3A_598, %dma_wait3A_599] : memref<2x8192xf32, #tpu.memory_space<vmem>> -> memref<1x1024xf32, #tpu.memory_space<vmem>>
      %dma_wait3A_601 = tpu.memref_squeeze %dma_wait3A_600 : memref<1x1024xf32, #tpu.memory_space<vmem>> -> memref<1024xf32, #tpu.memory_space<vmem>>
      %dma_wait3A_602 = arith.constant 0 : i32
      %dma_wait3A_603 = tpu.memref_slice %arg4[%sub3A_595, %add3A_597, %dma_wait3A_602] : memref<200x256x1024xf32, #tpu.memory_space<hbm>> -> memref<1x1x1024xf32, #tpu.memory_space<hbm>>
      %dma_wait3A_604 = tpu.memref_squeeze %dma_wait3A_603 : memref<1x1x1024xf32, #tpu.memory_space<hbm>> -> memref<1024xf32, #tpu.memory_space<hbm>>
      %dma_wait3A_605 = arith.constant 0 : i32
      %dma_wait3A_606 = tpu.memref_slice %arg4[%sub3A_595, %add3A_597, %dma_wait3A_605] : memref<200x256x1024xf32, #tpu.memory_space<hbm>> -> memref<1x1x1024xf32, #tpu.memory_space<hbm>>
      %dma_wait3A_607 = tpu.memref_squeeze %dma_wait3A_606 : memref<1x1x1024xf32, #tpu.memory_space<hbm>> -> memref<1024xf32, #tpu.memory_space<hbm>>
      %dma_wait3A_608 = arith.constant 0 : i32
      %dma_wait3A_609 = tpu.memref_slice %arg8[%dma_wait3A_598, %dma_wait3A_608] : memref<2x8192xf32, #tpu.memory_space<vmem>> -> memref<1x1024xf32, #tpu.memory_space<vmem>>
      %dma_wait3A_610 = tpu.memref_squeeze %dma_wait3A_609 : memref<1x1024xf32, #tpu.memory_space<vmem>> -> memref<1024xf32, #tpu.memory_space<vmem>>
      tpu.wait_dma2 semaphore(%arg9 : memref<!tpu.dma_semaphore, #tpu.memory_space<semaphore_mem>>) src(%dma_wait3A_610 : memref<1024xf32, #tpu.memory_space<vmem>>) dst(%dma_wait3A_607 : memref<1024xf32, #tpu.memory_space<hbm>>)
      %add3A_611 = arith.constant 32 : i32
      %add3A_612 = arith.addi %add3A_611, %add3A : i32
      %dma_wait3A_613 = arith.constant 0 : i32
      %dma_wait3A_614 = arith.constant 1024 : i32
      %dma_wait3A_615 = tpu.memref_slice %arg8[%dma_wait3A_613, %dma_wait3A_614] : memref<2x8192xf32, #tpu.memory_space<vmem>> -> memref<1x1024xf32, #tpu.memory_space<vmem>>
      %dma_wait3A_616 = tpu.memref_squeeze %dma_wait3A_615 : memref<1x1024xf32, #tpu.memory_space<vmem>> -> memref<1024xf32, #tpu.memory_space<vmem>>
      %dma_wait3A_617 = arith.constant 0 : i32
      %dma_wait3A_618 = tpu.memref_slice %arg4[%sub3A_595, %add3A_612, %dma_wait3A_617] : memref<200x256x1024xf32, #tpu.memory_space<hbm>> -> memref<1x1x1024xf32, #tpu.memory_space<hbm>>
      %dma_wait3A_619 = tpu.memref_squeeze %dma_wait3A_618 : memref<1x1x1024xf32, #tpu.memory_space<hbm>> -> memref<1024xf32, #tpu.memory_space<hbm>>
      %dma_wait3A_620 = arith.constant 0 : i32
      %dma_wait3A_621 = tpu.memref_slice %arg4[%sub3A_595, %add3A_612, %dma_wait3A_620] : memref<200x256x1024xf32, #tpu.memory_space<hbm>> -> memref<1x1x1024xf32, #tpu.memory_space<hbm>>
      %dma_wait3A_622 = tpu.memref_squeeze %dma_wait3A_621 : memref<1x1x1024xf32, #tpu.memory_space<hbm>> -> memref<1024xf32, #tpu.memory_space<hbm>>
      %dma_wait3A_623 = arith.constant 1024 : i32
      %dma_wait3A_624 = tpu.memref_slice %arg8[%dma_wait3A_613, %dma_wait3A_623] : memref<2x8192xf32, #tpu.memory_space<vmem>> -> memref<1x1024xf32, #tpu.memory_space<vmem>>
      %dma_wait3A_625 = tpu.memref_squeeze %dma_wait3A_624 : memref<1x1024xf32, #tpu.memory_space<vmem>> -> memref<1024xf32, #tpu.memory_space<vmem>>
      tpu.wait_dma2 semaphore(%arg9 : memref<!tpu.dma_semaphore, #tpu.memory_space<semaphore_mem>>) src(%dma_wait3A_625 : memref<1024xf32, #tpu.memory_space<vmem>>) dst(%dma_wait3A_622 : memref<1024xf32, #tpu.memory_space<hbm>>)
      %add3A_626 = arith.constant 64 : i32
      %add3A_627 = arith.addi %add3A_626, %add3A : i32
      %dma_wait3A_628 = arith.constant 0 : i32
      %dma_wait3A_629 = arith.constant 2048 : i32
      %dma_wait3A_630 = tpu.memref_slice %arg8[%dma_wait3A_628, %dma_wait3A_629] : memref<2x8192xf32, #tpu.memory_space<vmem>> -> memref<1x1024xf32, #tpu.memory_space<vmem>>
      %dma_wait3A_631 = tpu.memref_squeeze %dma_wait3A_630 : memref<1x1024xf32, #tpu.memory_space<vmem>> -> memref<1024xf32, #tpu.memory_space<vmem>>
      %dma_wait3A_632 = arith.constant 0 : i32
      %dma_wait3A_633 = tpu.memref_slice %arg4[%sub3A_595, %add3A_627, %dma_wait3A_632] : memref<200x256x1024xf32, #tpu.memory_space<hbm>> -> memref<1x1x1024xf32, #tpu.memory_space<hbm>>
      %dma_wait3A_634 = tpu.memref_squeeze %dma_wait3A_633 : memref<1x1x1024xf32, #tpu.memory_space<hbm>> -> memref<1024xf32, #tpu.memory_space<hbm>>
      %dma_wait3A_635 = arith.constant 0 : i32
      %dma_wait3A_636 = tpu.memref_slice %arg4[%sub3A_595, %add3A_627, %dma_wait3A_635] : memref<200x256x1024xf32, #tpu.memory_space<hbm>> -> memref<1x1x1024xf32, #tpu.memory_space<hbm>>
      %dma_wait3A_637 = tpu.memref_squeeze %dma_wait3A_636 : memref<1x1x1024xf32, #tpu.memory_space<hbm>> -> memref<1024xf32, #tpu.memory_space<hbm>>
      %dma_wait3A_638 = arith.constant 2048 : i32
      %dma_wait3A_639 = tpu.memref_slice %arg8[%dma_wait3A_628, %dma_wait3A_638] : memref<2x8192xf32, #tpu.memory_space<vmem>> -> memref<1x1024xf32, #tpu.memory_space<vmem>>
      %dma_wait3A_640 = tpu.memref_squeeze %dma_wait3A_639 : memref<1x1024xf32, #tpu.memory_space<vmem>> -> memref<1024xf32, #tpu.memory_space<vmem>>
      tpu.wait_dma2 semaphore(%arg9 : memref<!tpu.dma_semaphore, #tpu.memory_space<semaphore_mem>>) src(%dma_wait3A_640 : memref<1024xf32, #tpu.memory_space<vmem>>) dst(%dma_wait3A_637 : memref<1024xf32, #tpu.memory_space<hbm>>)
      %add3A_641 = arith.constant 96 : i32
      %add3A_642 = arith.addi %add3A_641, %add3A : i32
      %dma_wait3A_643 = arith.constant 0 : i32
      %dma_wait3A_644 = arith.constant 3072 : i32
      %dma_wait3A_645 = tpu.memref_slice %arg8[%dma_wait3A_643, %dma_wait3A_644] : memref<2x8192xf32, #tpu.memory_space<vmem>> -> memref<1x1024xf32, #tpu.memory_space<vmem>>
      %dma_wait3A_646 = tpu.memref_squeeze %dma_wait3A_645 : memref<1x1024xf32, #tpu.memory_space<vmem>> -> memref<1024xf32, #tpu.memory_space<vmem>>
      %dma_wait3A_647 = arith.constant 0 : i32
      %dma_wait3A_648 = tpu.memref_slice %arg4[%sub3A_595, %add3A_642, %dma_wait3A_647] : memref<200x256x1024xf32, #tpu.memory_space<hbm>> -> memref<1x1x1024xf32, #tpu.memory_space<hbm>>
      %dma_wait3A_649 = tpu.memref_squeeze %dma_wait3A_648 : memref<1x1x1024xf32, #tpu.memory_space<hbm>> -> memref<1024xf32, #tpu.memory_space<hbm>>
      %dma_wait3A_650 = arith.constant 0 : i32
      %dma_wait3A_651 = tpu.memref_slice %arg4[%sub3A_595, %add3A_642, %dma_wait3A_650] : memref<200x256x1024xf32, #tpu.memory_space<hbm>> -> memref<1x1x1024xf32, #tpu.memory_space<hbm>>
      %dma_wait3A_652 = tpu.memref_squeeze %dma_wait3A_651 : memref<1x1x1024xf32, #tpu.memory_space<hbm>> -> memref<1024xf32, #tpu.memory_space<hbm>>
      %dma_wait3A_653 = arith.constant 3072 : i32
      %dma_wait3A_654 = tpu.memref_slice %arg8[%dma_wait3A_643, %dma_wait3A_653] : memref<2x8192xf32, #tpu.memory_space<vmem>> -> memref<1x1024xf32, #tpu.memory_space<vmem>>
      %dma_wait3A_655 = tpu.memref_squeeze %dma_wait3A_654 : memref<1x1024xf32, #tpu.memory_space<vmem>> -> memref<1024xf32, #tpu.memory_space<vmem>>
      tpu.wait_dma2 semaphore(%arg9 : memref<!tpu.dma_semaphore, #tpu.memory_space<semaphore_mem>>) src(%dma_wait3A_655 : memref<1024xf32, #tpu.memory_space<vmem>>) dst(%dma_wait3A_652 : memref<1024xf32, #tpu.memory_space<hbm>>)
      %add3A_656 = arith.constant 128 : i32
      %add3A_657 = arith.addi %add3A_656, %add3A : i32
      %dma_wait3A_658 = arith.constant 0 : i32
      %dma_wait3A_659 = arith.constant 4096 : i32
      %dma_wait3A_660 = tpu.memref_slice %arg8[%dma_wait3A_658, %dma_wait3A_659] : memref<2x8192xf32, #tpu.memory_space<vmem>> -> memref<1x1024xf32, #tpu.memory_space<vmem>>
      %dma_wait3A_661 = tpu.memref_squeeze %dma_wait3A_660 : memref<1x1024xf32, #tpu.memory_space<vmem>> -> memref<1024xf32, #tpu.memory_space<vmem>>
      %dma_wait3A_662 = arith.constant 0 : i32
      %dma_wait3A_663 = tpu.memref_slice %arg4[%sub3A_595, %add3A_657, %dma_wait3A_662] : memref<200x256x1024xf32, #tpu.memory_space<hbm>> -> memref<1x1x1024xf32, #tpu.memory_space<hbm>>
      %dma_wait3A_664 = tpu.memref_squeeze %dma_wait3A_663 : memref<1x1x1024xf32, #tpu.memory_space<hbm>> -> memref<1024xf32, #tpu.memory_space<hbm>>
      %dma_wait3A_665 = arith.constant 0 : i32
      %dma_wait3A_666 = tpu.memref_slice %arg4[%sub3A_595, %add3A_657, %dma_wait3A_665] : memref<200x256x1024xf32, #tpu.memory_space<hbm>> -> memref<1x1x1024xf32, #tpu.memory_space<hbm>>
      %dma_wait3A_667 = tpu.memref_squeeze %dma_wait3A_666 : memref<1x1x1024xf32, #tpu.memory_space<hbm>> -> memref<1024xf32, #tpu.memory_space<hbm>>
      %dma_wait3A_668 = arith.constant 4096 : i32
      %dma_wait3A_669 = tpu.memref_slice %arg8[%dma_wait3A_658, %dma_wait3A_668] : memref<2x8192xf32, #tpu.memory_space<vmem>> -> memref<1x1024xf32, #tpu.memory_space<vmem>>
      %dma_wait3A_670 = tpu.memref_squeeze %dma_wait3A_669 : memref<1x1024xf32, #tpu.memory_space<vmem>> -> memref<1024xf32, #tpu.memory_space<vmem>>
      tpu.wait_dma2 semaphore(%arg9 : memref<!tpu.dma_semaphore, #tpu.memory_space<semaphore_mem>>) src(%dma_wait3A_670 : memref<1024xf32, #tpu.memory_space<vmem>>) dst(%dma_wait3A_667 : memref<1024xf32, #tpu.memory_space<hbm>>)
      %add3A_671 = arith.constant 160 : i32
      %add3A_672 = arith.addi %add3A_671, %add3A : i32
      %dma_wait3A_673 = arith.constant 0 : i32
      %dma_wait3A_674 = arith.constant 5120 : i32
      %dma_wait3A_675 = tpu.memref_slice %arg8[%dma_wait3A_673, %dma_wait3A_674] : memref<2x8192xf32, #tpu.memory_space<vmem>> -> memref<1x1024xf32, #tpu.memory_space<vmem>>
      %dma_wait3A_676 = tpu.memref_squeeze %dma_wait3A_675 : memref<1x1024xf32, #tpu.memory_space<vmem>> -> memref<1024xf32, #tpu.memory_space<vmem>>
      %dma_wait3A_677 = arith.constant 0 : i32
      %dma_wait3A_678 = tpu.memref_slice %arg4[%sub3A_595, %add3A_672, %dma_wait3A_677] : memref<200x256x1024xf32, #tpu.memory_space<hbm>> -> memref<1x1x1024xf32, #tpu.memory_space<hbm>>
      %dma_wait3A_679 = tpu.memref_squeeze %dma_wait3A_678 : memref<1x1x1024xf32, #tpu.memory_space<hbm>> -> memref<1024xf32, #tpu.memory_space<hbm>>
      %dma_wait3A_680 = arith.constant 0 : i32
      %dma_wait3A_681 = tpu.memref_slice %arg4[%sub3A_595, %add3A_672, %dma_wait3A_680] : memref<200x256x1024xf32, #tpu.memory_space<hbm>> -> memref<1x1x1024xf32, #tpu.memory_space<hbm>>
      %dma_wait3A_682 = tpu.memref_squeeze %dma_wait3A_681 : memref<1x1x1024xf32, #tpu.memory_space<hbm>> -> memref<1024xf32, #tpu.memory_space<hbm>>
      %dma_wait3A_683 = arith.constant 5120 : i32
      %dma_wait3A_684 = tpu.memref_slice %arg8[%dma_wait3A_673, %dma_wait3A_683] : memref<2x8192xf32, #tpu.memory_space<vmem>> -> memref<1x1024xf32, #tpu.memory_space<vmem>>
      %dma_wait3A_685 = tpu.memref_squeeze %dma_wait3A_684 : memref<1x1024xf32, #tpu.memory_space<vmem>> -> memref<1024xf32, #tpu.memory_space<vmem>>
      tpu.wait_dma2 semaphore(%arg9 : memref<!tpu.dma_semaphore, #tpu.memory_space<semaphore_mem>>) src(%dma_wait3A_685 : memref<1024xf32, #tpu.memory_space<vmem>>) dst(%dma_wait3A_682 : memref<1024xf32, #tpu.memory_space<hbm>>)
      %add3A_686 = arith.constant 192 : i32
      %add3A_687 = arith.addi %add3A_686, %add3A : i32
      %dma_wait3A_688 = arith.constant 0 : i32
      %dma_wait3A_689 = arith.constant 6144 : i32
      %dma_wait3A_690 = tpu.memref_slice %arg8[%dma_wait3A_688, %dma_wait3A_689] : memref<2x8192xf32, #tpu.memory_space<vmem>> -> memref<1x1024xf32, #tpu.memory_space<vmem>>
      %dma_wait3A_691 = tpu.memref_squeeze %dma_wait3A_690 : memref<1x1024xf32, #tpu.memory_space<vmem>> -> memref<1024xf32, #tpu.memory_space<vmem>>
      %dma_wait3A_692 = arith.constant 0 : i32
      %dma_wait3A_693 = tpu.memref_slice %arg4[%sub3A_595, %add3A_687, %dma_wait3A_692] : memref<200x256x1024xf32, #tpu.memory_space<hbm>> -> memref<1x1x1024xf32, #tpu.memory_space<hbm>>
      %dma_wait3A_694 = tpu.memref_squeeze %dma_wait3A_693 : memref<1x1x1024xf32, #tpu.memory_space<hbm>> -> memref<1024xf32, #tpu.memory_space<hbm>>
      %dma_wait3A_695 = arith.constant 0 : i32
      %dma_wait3A_696 = tpu.memref_slice %arg4[%sub3A_595, %add3A_687, %dma_wait3A_695] : memref<200x256x1024xf32, #tpu.memory_space<hbm>> -> memref<1x1x1024xf32, #tpu.memory_space<hbm>>
      %dma_wait3A_697 = tpu.memref_squeeze %dma_wait3A_696 : memref<1x1x1024xf32, #tpu.memory_space<hbm>> -> memref<1024xf32, #tpu.memory_space<hbm>>
      %dma_wait3A_698 = arith.constant 6144 : i32
      %dma_wait3A_699 = tpu.memref_slice %arg8[%dma_wait3A_688, %dma_wait3A_698] : memref<2x8192xf32, #tpu.memory_space<vmem>> -> memref<1x1024xf32, #tpu.memory_space<vmem>>
      %dma_wait3A_700 = tpu.memref_squeeze %dma_wait3A_699 : memref<1x1024xf32, #tpu.memory_space<vmem>> -> memref<1024xf32, #tpu.memory_space<vmem>>
      tpu.wait_dma2 semaphore(%arg9 : memref<!tpu.dma_semaphore, #tpu.memory_space<semaphore_mem>>) src(%dma_wait3A_700 : memref<1024xf32, #tpu.memory_space<vmem>>) dst(%dma_wait3A_697 : memref<1024xf32, #tpu.memory_space<hbm>>)
      %add3A_701 = arith.constant 224 : i32
      %add3A_702 = arith.addi %add3A_701, %add3A : i32
      %dma_wait3A_703 = arith.constant 0 : i32
      %dma_wait3A_704 = arith.constant 7168 : i32
      %dma_wait3A_705 = tpu.memref_slice %arg8[%dma_wait3A_703, %dma_wait3A_704] : memref<2x8192xf32, #tpu.memory_space<vmem>> -> memref<1x1024xf32, #tpu.memory_space<vmem>>
      %dma_wait3A_706 = tpu.memref_squeeze %dma_wait3A_705 : memref<1x1024xf32, #tpu.memory_space<vmem>> -> memref<1024xf32, #tpu.memory_space<vmem>>
      %dma_wait3A_707 = arith.constant 0 : i32
      %dma_wait3A_708 = tpu.memref_slice %arg4[%sub3A_595, %add3A_702, %dma_wait3A_707] : memref<200x256x1024xf32, #tpu.memory_space<hbm>> -> memref<1x1x1024xf32, #tpu.memory_space<hbm>>
      %dma_wait3A_709 = tpu.memref_squeeze %dma_wait3A_708 : memref<1x1x1024xf32, #tpu.memory_space<hbm>> -> memref<1024xf32, #tpu.memory_space<hbm>>
      %dma_wait3A_710 = arith.constant 0 : i32
      %dma_wait3A_711 = tpu.memref_slice %arg4[%sub3A_595, %add3A_702, %dma_wait3A_710] : memref<200x256x1024xf32, #tpu.memory_space<hbm>> -> memref<1x1x1024xf32, #tpu.memory_space<hbm>>
      %dma_wait3A_712 = tpu.memref_squeeze %dma_wait3A_711 : memref<1x1x1024xf32, #tpu.memory_space<hbm>> -> memref<1024xf32, #tpu.memory_space<hbm>>
      %dma_wait3A_713 = arith.constant 7168 : i32
      %dma_wait3A_714 = tpu.memref_slice %arg8[%dma_wait3A_703, %dma_wait3A_713] : memref<2x8192xf32, #tpu.memory_space<vmem>> -> memref<1x1024xf32, #tpu.memory_space<vmem>>
      %dma_wait3A_715 = tpu.memref_squeeze %dma_wait3A_714 : memref<1x1024xf32, #tpu.memory_space<vmem>> -> memref<1024xf32, #tpu.memory_space<vmem>>
      tpu.wait_dma2 semaphore(%arg9 : memref<!tpu.dma_semaphore, #tpu.memory_space<semaphore_mem>>) src(%dma_wait3A_715 : memref<1024xf32, #tpu.memory_space<vmem>>) dst(%dma_wait3A_712 : memref<1024xf32, #tpu.memory_space<hbm>>)
      %get3A_716 = arith.index_cast %mul3A_594 : i32 to index
      %get3A_717 = arith.constant 0 : index
      %get3A_718 = tpu.vector_load %arg6[%get3A_716, %get3A_717] {strides = array<i32>} : memref<224x129xi32, #tpu.memory_space<vmem>>, vector<16xi32>,
      %get3A_719 = arith.index_cast %mul3A_594 : i32 to index
      %get3A_720 = arith.constant 16 : index
      %get3A_721 = tpu.vector_load %arg6[%get3A_719, %get3A_720] {strides = array<i32>} : memref<224x129xi32, #tpu.memory_space<vmem>>, vector<16xi32>,
      %get3A_722 = arith.index_cast %mul3A_594 : i32 to index
      %get3A_723 = arith.constant 32 : index
      %get3A_724 = tpu.vector_load %arg6[%get3A_722, %get3A_723] {strides = array<i32>} : memref<224x129xi32, #tpu.memory_space<vmem>>, vector<16xi32>,
      %get3A_725 = arith.index_cast %mul3A_594 : i32 to index
      %get3A_726 = arith.constant 48 : index
      %get3A_727 = tpu.vector_load %arg6[%get3A_725, %get3A_726] {strides = array<i32>} : memref<224x129xi32, #tpu.memory_space<vmem>>, vector<16xi32>,
      %get3A_728 = arith.index_cast %mul3A_594 : i32 to index
      %get3A_729 = arith.constant 64 : index
      %get3A_730 = tpu.vector_load %arg6[%get3A_728, %get3A_729] {strides = array<i32>} : memref<224x129xi32, #tpu.memory_space<vmem>>, vector<16xi32>,
      %get3A_731 = arith.index_cast %mul3A_594 : i32 to index
      %get3A_732 = arith.constant 80 : index
      %get3A_733 = tpu.vector_load %arg6[%get3A_731, %get3A_732] {strides = array<i32>} : memref<224x129xi32, #tpu.memory_space<vmem>>, vector<16xi32>,
      %get3A_734 = arith.index_cast %mul3A_594 : i32 to index
      %get3A_735 = arith.constant 96 : index
      %get3A_736 = tpu.vector_load %arg6[%get3A_734, %get3A_735] {strides = array<i32>} : memref<224x129xi32, #tpu.memory_space<vmem>>, vector<16xi32>,
      %get3A_737 = arith.index_cast %mul3A_594 : i32 to index
      %get3A_738 = arith.constant 112 : index
      %get3A_739 = tpu.vector_load %arg6[%get3A_737, %get3A_738] {strides = array<i32>} : memref<224x129xi32, #tpu.memory_space<vmem>>, vector<16xi32>,
      %parallel_loop3A_740 = arith.constant 0 : i32
      %parallel_loop3A_741 = arith.constant 64 : i32
      %parallel_loop3A_742 = arith.constant 1 : i32
      scf.for %parallel_loop3A_1134 = %parallel_loop3A_740 to %parallel_loop3A_741 step %parallel_loop3A_742  : i32 {
        %parallel_loop3A_1135 = vector.broadcast %parallel_loop3A_1134 : i32 to vector<16xi32>
        %parallel_loop3A_1136 = arith.addi %broadcast_in_dim3A_7, %parallel_loop3A_1135 : vector<16xi32>
        %parallel_loop3A_1137 = tpu.vector_load_idx %arg7[%parallel_loop3A_1136, %get3A_718] : memref<64x202xf32, #tpu.memory_space<vmem>>[vector<16xi32>, vector<16xi32>], vector<16xf32>,
        %parallel_loop3A_1138 = arith.constant 128 : i32
        %parallel_loop3A_1139 = arith.muli %parallel_loop3A_1134, %parallel_loop3A_1138 : i32
        %parallel_loop3A_1140 = arith.constant 0 : i32
        %parallel_loop3A_1141 = arith.addi %parallel_loop3A_1139, %parallel_loop3A_1140 : i32
        %parallel_loop3A_1142 = arith.constant 0 : i32
        %parallel_loop3A_1143 = arith.index_cast %parallel_loop3A_1142 : i32 to index
        %parallel_loop3A_1144 = arith.index_cast %parallel_loop3A_1141 : i32 to index
        %parallel_loop3A_1145 = tpu.vector_load %arg8[%parallel_loop3A_1143, %parallel_loop3A_1144] {strides = array<i32>} : memref<2x8192xf32, #tpu.memory_space<vmem>>, vector<16xf32>,
        tpu.vector_store %arg8[%parallel_loop3A_1143, %parallel_loop3A_1144], %parallel_loop3A_1137 {strides = array<i32>} : memref<2x8192xf32, #tpu.memory_space<vmem>>, vector<16xf32>,
        %parallel_loop3A_1146 = tpu.vector_load_idx %arg7[%parallel_loop3A_1136, %get3A_721] : memref<64x202xf32, #tpu.memory_space<vmem>>[vector<16xi32>, vector<16xi32>], vector<16xf32>,
        %parallel_loop3A_1147 = arith.constant 128 : i32
        %parallel_loop3A_1148 = arith.muli %parallel_loop3A_1134, %parallel_loop3A_1147 : i32
        %parallel_loop3A_1149 = arith.constant 16 : i32
        %parallel_loop3A_1150 = arith.addi %parallel_loop3A_1148, %parallel_loop3A_1149 : i32
        %parallel_loop3A_1151 = arith.constant 0 : i32
        %parallel_loop3A_1152 = arith.index_cast %parallel_loop3A_1151 : i32 to index
        %parallel_loop3A_1153 = arith.index_cast %parallel_loop3A_1150 : i32 to index
        %parallel_loop3A_1154 = tpu.vector_load %arg8[%parallel_loop3A_1152, %parallel_loop3A_1153] {strides = array<i32>} : memref<2x8192xf32, #tpu.memory_space<vmem>>, vector<16xf32>,
        tpu.vector_store %arg8[%parallel_loop3A_1152, %parallel_loop3A_1153], %parallel_loop3A_1146 {strides = array<i32>} : memref<2x8192xf32, #tpu.memory_space<vmem>>, vector<16xf32>,
        %parallel_loop3A_1155 = tpu.vector_load_idx %arg7[%parallel_loop3A_1136, %get3A_724] : memref<64x202xf32, #tpu.memory_space<vmem>>[vector<16xi32>, vector<16xi32>], vector<16xf32>,
        %parallel_loop3A_1156 = arith.constant 128 : i32
        %parallel_loop3A_1157 = arith.muli %parallel_loop3A_1134, %parallel_loop3A_1156 : i32
        %parallel_loop3A_1158 = arith.constant 32 : i32
        %parallel_loop3A_1159 = arith.addi %parallel_loop3A_1157, %parallel_loop3A_1158 : i32
        %parallel_loop3A_1160 = arith.constant 0 : i32
        %parallel_loop3A_1161 = arith.index_cast %parallel_loop3A_1160 : i32 to index
        %parallel_loop3A_1162 = arith.index_cast %parallel_loop3A_1159 : i32 to index
        %parallel_loop3A_1163 = tpu.vector_load %arg8[%parallel_loop3A_1161, %parallel_loop3A_1162] {strides = array<i32>} : memref<2x8192xf32, #tpu.memory_space<vmem>>, vector<16xf32>,
        tpu.vector_store %arg8[%parallel_loop3A_1161, %parallel_loop3A_1162], %parallel_loop3A_1155 {strides = array<i32>} : memref<2x8192xf32, #tpu.memory_space<vmem>>, vector<16xf32>,
        %parallel_loop3A_1164 = tpu.vector_load_idx %arg7[%parallel_loop3A_1136, %get3A_727] : memref<64x202xf32, #tpu.memory_space<vmem>>[vector<16xi32>, vector<16xi32>], vector<16xf32>,
        %parallel_loop3A_1165 = arith.constant 128 : i32
        %parallel_loop3A_1166 = arith.muli %parallel_loop3A_1134, %parallel_loop3A_1165 : i32
        %parallel_loop3A_1167 = arith.constant 48 : i32
        %parallel_loop3A_1168 = arith.addi %parallel_loop3A_1166, %parallel_loop3A_1167 : i32
        %parallel_loop3A_1169 = arith.constant 0 : i32
        %parallel_loop3A_1170 = arith.index_cast %parallel_loop3A_1169 : i32 to index
        %parallel_loop3A_1171 = arith.index_cast %parallel_loop3A_1168 : i32 to index
        %parallel_loop3A_1172 = tpu.vector_load %arg8[%parallel_loop3A_1170, %parallel_loop3A_1171] {strides = array<i32>} : memref<2x8192xf32, #tpu.memory_space<vmem>>, vector<16xf32>,
        tpu.vector_store %arg8[%parallel_loop3A_1170, %parallel_loop3A_1171], %parallel_loop3A_1164 {strides = array<i32>} : memref<2x8192xf32, #tpu.memory_space<vmem>>, vector<16xf32>,
        %parallel_loop3A_1173 = tpu.vector_load_idx %arg7[%parallel_loop3A_1136, %get3A_730] : memref<64x202xf32, #tpu.memory_space<vmem>>[vector<16xi32>, vector<16xi32>], vector<16xf32>,
        %parallel_loop3A_1174 = arith.constant 128 : i32
        %parallel_loop3A_1175 = arith.muli %parallel_loop3A_1134, %parallel_loop3A_1174 : i32
        %parallel_loop3A_1176 = arith.constant 64 : i32
        %parallel_loop3A_1177 = arith.addi %parallel_loop3A_1175, %parallel_loop3A_1176 : i32
        %parallel_loop3A_1178 = arith.constant 0 : i32
        %parallel_loop3A_1179 = arith.index_cast %parallel_loop3A_1178 : i32 to index
        %parallel_loop3A_1180 = arith.index_cast %parallel_loop3A_1177 : i32 to index
        %parallel_loop3A_1181 = tpu.vector_load %arg8[%parallel_loop3A_1179, %parallel_loop3A_1180] {strides = array<i32>} : memref<2x8192xf32, #tpu.memory_space<vmem>>, vector<16xf32>,
        tpu.vector_store %arg8[%parallel_loop3A_1179, %parallel_loop3A_1180], %parallel_loop3A_1173 {strides = array<i32>} : memref<2x8192xf32, #tpu.memory_space<vmem>>, vector<16xf32>,
        %parallel_loop3A_1182 = tpu.vector_load_idx %arg7[%parallel_loop3A_1136, %get3A_733] : memref<64x202xf32, #tpu.memory_space<vmem>>[vector<16xi32>, vector<16xi32>], vector<16xf32>,
        %parallel_loop3A_1183 = arith.constant 128 : i32
        %parallel_loop3A_1184 = arith.muli %parallel_loop3A_1134, %parallel_loop3A_1183 : i32
        %parallel_loop3A_1185 = arith.constant 80 : i32
        %parallel_loop3A_1186 = arith.addi %parallel_loop3A_1184, %parallel_loop3A_1185 : i32
        %parallel_loop3A_1187 = arith.constant 0 : i32
        %parallel_loop3A_1188 = arith.index_cast %parallel_loop3A_1187 : i32 to index
        %parallel_loop3A_1189 = arith.index_cast %parallel_loop3A_1186 : i32 to index
        %parallel_loop3A_1190 = tpu.vector_load %arg8[%parallel_loop3A_1188, %parallel_loop3A_1189] {strides = array<i32>} : memref<2x8192xf32, #tpu.memory_space<vmem>>, vector<16xf32>,
        tpu.vector_store %arg8[%parallel_loop3A_1188, %parallel_loop3A_1189], %parallel_loop3A_1182 {strides = array<i32>} : memref<2x8192xf32, #tpu.memory_space<vmem>>, vector<16xf32>,
        %parallel_loop3A_1191 = tpu.vector_load_idx %arg7[%parallel_loop3A_1136, %get3A_736] : memref<64x202xf32, #tpu.memory_space<vmem>>[vector<16xi32>, vector<16xi32>], vector<16xf32>,
        %parallel_loop3A_1192 = arith.constant 128 : i32
        %parallel_loop3A_1193 = arith.muli %parallel_loop3A_1134, %parallel_loop3A_1192 : i32
        %parallel_loop3A_1194 = arith.constant 96 : i32
        %parallel_loop3A_1195 = arith.addi %parallel_loop3A_1193, %parallel_loop3A_1194 : i32
        %parallel_loop3A_1196 = arith.constant 0 : i32
        %parallel_loop3A_1197 = arith.index_cast %parallel_loop3A_1196 : i32 to index
        %parallel_loop3A_1198 = arith.index_cast %parallel_loop3A_1195 : i32 to index
        %parallel_loop3A_1199 = tpu.vector_load %arg8[%parallel_loop3A_1197, %parallel_loop3A_1198] {strides = array<i32>} : memref<2x8192xf32, #tpu.memory_space<vmem>>, vector<16xf32>,
        tpu.vector_store %arg8[%parallel_loop3A_1197, %parallel_loop3A_1198], %parallel_loop3A_1191 {strides = array<i32>} : memref<2x8192xf32, #tpu.memory_space<vmem>>, vector<16xf32>,
        %parallel_loop3A_1200 = tpu.vector_load_idx %arg7[%parallel_loop3A_1136, %get3A_739] : memref<64x202xf32, #tpu.memory_space<vmem>>[vector<16xi32>, vector<16xi32>], vector<16xf32>,
        %parallel_loop3A_1201 = arith.constant 128 : i32
        %parallel_loop3A_1202 = arith.muli %parallel_loop3A_1134, %parallel_loop3A_1201 : i32
        %parallel_loop3A_1203 = arith.constant 112 : i32
        %parallel_loop3A_1204 = arith.addi %parallel_loop3A_1202, %parallel_loop3A_1203 : i32
        %parallel_loop3A_1205 = arith.constant 0 : i32
        %parallel_loop3A_1206 = arith.index_cast %parallel_loop3A_1205 : i32 to index
        %parallel_loop3A_1207 = arith.index_cast %parallel_loop3A_1204 : i32 to index
        %parallel_loop3A_1208 = tpu.vector_load %arg8[%parallel_loop3A_1206, %parallel_loop3A_1207] {strides = array<i32>} : memref<2x8192xf32, #tpu.memory_space<vmem>>, vector<16xf32>,
        tpu.vector_store %arg8[%parallel_loop3A_1206, %parallel_loop3A_1207], %parallel_loop3A_1200 {strides = array<i32>} : memref<2x8192xf32, #tpu.memory_space<vmem>>, vector<16xf32>,
      } {sc.loop_unroll_factor = 8 : i64, sc.parallel_access}
      %add3A_743 = arith.constant 0 : i32
      %add3A_744 = arith.addi %add3A_743, %add3A : i32
      %dma_start3A_745 = arith.constant 0 : i32
      %dma_start3A_746 = arith.constant 0 : i32
      %dma_start3A_747 = tpu.memref_slice %arg8[%dma_start3A_745, %dma_start3A_746] : memref<2x8192xf32, #tpu.memory_space<vmem>> -> memref<1x1024xf32, #tpu.memory_space<vmem>>
      %dma_start3A_748 = tpu.memref_squeeze %dma_start3A_747 : memref<1x1024xf32, #tpu.memory_space<vmem>> -> memref<1024xf32, #tpu.memory_space<vmem>>
      %dma_start3A_749 = arith.constant 0 : i32
      %dma_start3A_750 = tpu.memref_slice %arg4[%mul3A_594, %add3A_744, %dma_start3A_749] : memref<200x256x1024xf32, #tpu.memory_space<hbm>> -> memref<1x1x1024xf32, #tpu.memory_space<hbm>>
      %dma_start3A_751 = tpu.memref_squeeze %dma_start3A_750 : memref<1x1x1024xf32, #tpu.memory_space<hbm>> -> memref<1024xf32, #tpu.memory_space<hbm>>
      %dma_start3A_752 = arith.constant 0 : i32
      %dma_start3A_753 = tpu.memref_slice %arg4[%mul3A_594, %add3A_744, %dma_start3A_752] : memref<200x256x1024xf32, #tpu.memory_space<hbm>> -> memref<1x1x1024xf32, #tpu.memory_space<hbm>>
      %dma_start3A_754 = tpu.memref_squeeze %dma_start3A_753 : memref<1x1x1024xf32, #tpu.memory_space<hbm>> -> memref<1024xf32, #tpu.memory_space<hbm>>
      %dma_start3A_755 = arith.constant 0 : i32
      %dma_start3A_756 = tpu.memref_slice %arg8[%dma_start3A_745, %dma_start3A_755] : memref<2x8192xf32, #tpu.memory_space<vmem>> -> memref<1x1024xf32, #tpu.memory_space<vmem>>
      %dma_start3A_757 = tpu.memref_squeeze %dma_start3A_756 : memref<1x1024xf32, #tpu.memory_space<vmem>> -> memref<1024xf32, #tpu.memory_space<vmem>>
      tpu.enqueue_dma source(%dma_start3A_757 : memref<1024xf32, #tpu.memory_space<vmem>>) target(%dma_start3A_754 : memref<1024xf32, #tpu.memory_space<hbm>>) target_semaphore(%arg9 : memref<!tpu.dma_semaphore, #tpu.memory_space<semaphore_mem>>)
      %add3A_758 = arith.constant 32 : i32
      %add3A_759 = arith.addi %add3A_758, %add3A : i32
      %dma_start3A_760 = arith.constant 0 : i32
      %dma_start3A_761 = arith.constant 1024 : i32
      %dma_start3A_762 = tpu.memref_slice %arg8[%dma_start3A_760, %dma_start3A_761] : memref<2x8192xf32, #tpu.memory_space<vmem>> -> memref<1x1024xf32, #tpu.memory_space<vmem>>
      %dma_start3A_763 = tpu.memref_squeeze %dma_start3A_762 : memref<1x1024xf32, #tpu.memory_space<vmem>> -> memref<1024xf32, #tpu.memory_space<vmem>>
      %dma_start3A_764 = arith.constant 0 : i32
      %dma_start3A_765 = tpu.memref_slice %arg4[%mul3A_594, %add3A_759, %dma_start3A_764] : memref<200x256x1024xf32, #tpu.memory_space<hbm>> -> memref<1x1x1024xf32, #tpu.memory_space<hbm>>
      %dma_start3A_766 = tpu.memref_squeeze %dma_start3A_765 : memref<1x1x1024xf32, #tpu.memory_space<hbm>> -> memref<1024xf32, #tpu.memory_space<hbm>>
      %dma_start3A_767 = arith.constant 0 : i32
      %dma_start3A_768 = tpu.memref_slice %arg4[%mul3A_594, %add3A_759, %dma_start3A_767] : memref<200x256x1024xf32, #tpu.memory_space<hbm>> -> memref<1x1x1024xf32, #tpu.memory_space<hbm>>
      %dma_start3A_769 = tpu.memref_squeeze %dma_start3A_768 : memref<1x1x1024xf32, #tpu.memory_space<hbm>> -> memref<1024xf32, #tpu.memory_space<hbm>>
      %dma_start3A_770 = arith.constant 1024 : i32
      %dma_start3A_771 = tpu.memref_slice %arg8[%dma_start3A_760, %dma_start3A_770] : memref<2x8192xf32, #tpu.memory_space<vmem>> -> memref<1x1024xf32, #tpu.memory_space<vmem>>
      %dma_start3A_772 = tpu.memref_squeeze %dma_start3A_771 : memref<1x1024xf32, #tpu.memory_space<vmem>> -> memref<1024xf32, #tpu.memory_space<vmem>>
      tpu.enqueue_dma source(%dma_start3A_772 : memref<1024xf32, #tpu.memory_space<vmem>>) target(%dma_start3A_769 : memref<1024xf32, #tpu.memory_space<hbm>>) target_semaphore(%arg9 : memref<!tpu.dma_semaphore, #tpu.memory_space<semaphore_mem>>)
      %add3A_773 = arith.constant 64 : i32
      %add3A_774 = arith.addi %add3A_773, %add3A : i32
      %dma_start3A_775 = arith.constant 0 : i32
      %dma_start3A_776 = arith.constant 2048 : i32
      %dma_start3A_777 = tpu.memref_slice %arg8[%dma_start3A_775, %dma_start3A_776] : memref<2x8192xf32, #tpu.memory_space<vmem>> -> memref<1x1024xf32, #tpu.memory_space<vmem>>
      %dma_start3A_778 = tpu.memref_squeeze %dma_start3A_777 : memref<1x1024xf32, #tpu.memory_space<vmem>> -> memref<1024xf32, #tpu.memory_space<vmem>>
      %dma_start3A_779 = arith.constant 0 : i32
      %dma_start3A_780 = tpu.memref_slice %arg4[%mul3A_594, %add3A_774, %dma_start3A_779] : memref<200x256x1024xf32, #tpu.memory_space<hbm>> -> memref<1x1x1024xf32, #tpu.memory_space<hbm>>
      %dma_start3A_781 = tpu.memref_squeeze %dma_start3A_780 : memref<1x1x1024xf32, #tpu.memory_space<hbm>> -> memref<1024xf32, #tpu.memory_space<hbm>>
      %dma_start3A_782 = arith.constant 0 : i32
      %dma_start3A_783 = tpu.memref_slice %arg4[%mul3A_594, %add3A_774, %dma_start3A_782] : memref<200x256x1024xf32, #tpu.memory_space<hbm>> -> memref<1x1x1024xf32, #tpu.memory_space<hbm>>
      %dma_start3A_784 = tpu.memref_squeeze %dma_start3A_783 : memref<1x1x1024xf32, #tpu.memory_space<hbm>> -> memref<1024xf32, #tpu.memory_space<hbm>>
      %dma_start3A_785 = arith.constant 2048 : i32
      %dma_start3A_786 = tpu.memref_slice %arg8[%dma_start3A_775, %dma_start3A_785] : memref<2x8192xf32, #tpu.memory_space<vmem>> -> memref<1x1024xf32, #tpu.memory_space<vmem>>
      %dma_start3A_787 = tpu.memref_squeeze %dma_start3A_786 : memref<1x1024xf32, #tpu.memory_space<vmem>> -> memref<1024xf32, #tpu.memory_space<vmem>>
      tpu.enqueue_dma source(%dma_start3A_787 : memref<1024xf32, #tpu.memory_space<vmem>>) target(%dma_start3A_784 : memref<1024xf32, #tpu.memory_space<hbm>>) target_semaphore(%arg9 : memref<!tpu.dma_semaphore, #tpu.memory_space<semaphore_mem>>)
      %add3A_788 = arith.constant 96 : i32
      %add3A_789 = arith.addi %add3A_788, %add3A : i32
      %dma_start3A_790 = arith.constant 0 : i32
      %dma_start3A_791 = arith.constant 3072 : i32
      %dma_start3A_792 = tpu.memref_slice %arg8[%dma_start3A_790, %dma_start3A_791] : memref<2x8192xf32, #tpu.memory_space<vmem>> -> memref<1x1024xf32, #tpu.memory_space<vmem>>
      %dma_start3A_793 = tpu.memref_squeeze %dma_start3A_792 : memref<1x1024xf32, #tpu.memory_space<vmem>> -> memref<1024xf32, #tpu.memory_space<vmem>>
      %dma_start3A_794 = arith.constant 0 : i32
      %dma_start3A_795 = tpu.memref_slice %arg4[%mul3A_594, %add3A_789, %dma_start3A_794] : memref<200x256x1024xf32, #tpu.memory_space<hbm>> -> memref<1x1x1024xf32, #tpu.memory_space<hbm>>
      %dma_start3A_796 = tpu.memref_squeeze %dma_start3A_795 : memref<1x1x1024xf32, #tpu.memory_space<hbm>> -> memref<1024xf32, #tpu.memory_space<hbm>>
      %dma_start3A_797 = arith.constant 0 : i32
      %dma_start3A_798 = tpu.memref_slice %arg4[%mul3A_594, %add3A_789, %dma_start3A_797] : memref<200x256x1024xf32, #tpu.memory_space<hbm>> -> memref<1x1x1024xf32, #tpu.memory_space<hbm>>
      %dma_start3A_799 = tpu.memref_squeeze %dma_start3A_798 : memref<1x1x1024xf32, #tpu.memory_space<hbm>> -> memref<1024xf32, #tpu.memory_space<hbm>>
      %dma_start3A_800 = arith.constant 3072 : i32
      %dma_start3A_801 = tpu.memref_slice %arg8[%dma_start3A_790, %dma_start3A_800] : memref<2x8192xf32, #tpu.memory_space<vmem>> -> memref<1x1024xf32, #tpu.memory_space<vmem>>
      %dma_start3A_802 = tpu.memref_squeeze %dma_start3A_801 : memref<1x1024xf32, #tpu.memory_space<vmem>> -> memref<1024xf32, #tpu.memory_space<vmem>>
      tpu.enqueue_dma source(%dma_start3A_802 : memref<1024xf32, #tpu.memory_space<vmem>>) target(%dma_start3A_799 : memref<1024xf32, #tpu.memory_space<hbm>>) target_semaphore(%arg9 : memref<!tpu.dma_semaphore, #tpu.memory_space<semaphore_mem>>)
      %add3A_803 = arith.constant 128 : i32
      %add3A_804 = arith.addi %add3A_803, %add3A : i32
      %dma_start3A_805 = arith.constant 0 : i32
      %dma_start3A_806 = arith.constant 4096 : i32
      %dma_start3A_807 = tpu.memref_slice %arg8[%dma_start3A_805, %dma_start3A_806] : memref<2x8192xf32, #tpu.memory_space<vmem>> -> memref<1x1024xf32, #tpu.memory_space<vmem>>
      %dma_start3A_808 = tpu.memref_squeeze %dma_start3A_807 : memref<1x1024xf32, #tpu.memory_space<vmem>> -> memref<1024xf32, #tpu.memory_space<vmem>>
      %dma_start3A_809 = arith.constant 0 : i32
      %dma_start3A_810 = tpu.memref_slice %arg4[%mul3A_594, %add3A_804, %dma_start3A_809] : memref<200x256x1024xf32, #tpu.memory_space<hbm>> -> memref<1x1x1024xf32, #tpu.memory_space<hbm>>
      %dma_start3A_811 = tpu.memref_squeeze %dma_start3A_810 : memref<1x1x1024xf32, #tpu.memory_space<hbm>> -> memref<1024xf32, #tpu.memory_space<hbm>>
      %dma_start3A_812 = arith.constant 0 : i32
      %dma_start3A_813 = tpu.memref_slice %arg4[%mul3A_594, %add3A_804, %dma_start3A_812] : memref<200x256x1024xf32, #tpu.memory_space<hbm>> -> memref<1x1x1024xf32, #tpu.memory_space<hbm>>
      %dma_start3A_814 = tpu.memref_squeeze %dma_start3A_813 : memref<1x1x1024xf32, #tpu.memory_space<hbm>> -> memref<1024xf32, #tpu.memory_space<hbm>>
      %dma_start3A_815 = arith.constant 4096 : i32
      %dma_start3A_816 = tpu.memref_slice %arg8[%dma_start3A_805, %dma_start3A_815] : memref<2x8192xf32, #tpu.memory_space<vmem>> -> memref<1x1024xf32, #tpu.memory_space<vmem>>
      %dma_start3A_817 = tpu.memref_squeeze %dma_start3A_816 : memref<1x1024xf32, #tpu.memory_space<vmem>> -> memref<1024xf32, #tpu.memory_space<vmem>>
      tpu.enqueue_dma source(%dma_start3A_817 : memref<1024xf32, #tpu.memory_space<vmem>>) target(%dma_start3A_814 : memref<1024xf32, #tpu.memory_space<hbm>>) target_semaphore(%arg9 : memref<!tpu.dma_semaphore, #tpu.memory_space<semaphore_mem>>)
      %add3A_818 = arith.constant 160 : i32
      %add3A_819 = arith.addi %add3A_818, %add3A : i32
      %dma_start3A_820 = arith.constant 0 : i32
      %dma_start3A_821 = arith.constant 5120 : i32
      %dma_start3A_822 = tpu.memref_slice %arg8[%dma_start3A_820, %dma_start3A_821] : memref<2x8192xf32, #tpu.memory_space<vmem>> -> memref<1x1024xf32, #tpu.memory_space<vmem>>
      %dma_start3A_823 = tpu.memref_squeeze %dma_start3A_822 : memref<1x1024xf32, #tpu.memory_space<vmem>> -> memref<1024xf32, #tpu.memory_space<vmem>>
      %dma_start3A_824 = arith.constant 0 : i32
      %dma_start3A_825 = tpu.memref_slice %arg4[%mul3A_594, %add3A_819, %dma_start3A_824] : memref<200x256x1024xf32, #tpu.memory_space<hbm>> -> memref<1x1x1024xf32, #tpu.memory_space<hbm>>
      %dma_start3A_826 = tpu.memref_squeeze %dma_start3A_825 : memref<1x1x1024xf32, #tpu.memory_space<hbm>> -> memref<1024xf32, #tpu.memory_space<hbm>>
      %dma_start3A_827 = arith.constant 0 : i32
      %dma_start3A_828 = tpu.memref_slice %arg4[%mul3A_594, %add3A_819, %dma_start3A_827] : memref<200x256x1024xf32, #tpu.memory_space<hbm>> -> memref<1x1x1024xf32, #tpu.memory_space<hbm>>
      %dma_start3A_829 = tpu.memref_squeeze %dma_start3A_828 : memref<1x1x1024xf32, #tpu.memory_space<hbm>> -> memref<1024xf32, #tpu.memory_space<hbm>>
      %dma_start3A_830 = arith.constant 5120 : i32
      %dma_start3A_831 = tpu.memref_slice %arg8[%dma_start3A_820, %dma_start3A_830] : memref<2x8192xf32, #tpu.memory_space<vmem>> -> memref<1x1024xf32, #tpu.memory_space<vmem>>
      %dma_start3A_832 = tpu.memref_squeeze %dma_start3A_831 : memref<1x1024xf32, #tpu.memory_space<vmem>> -> memref<1024xf32, #tpu.memory_space<vmem>>
      tpu.enqueue_dma source(%dma_start3A_832 : memref<1024xf32, #tpu.memory_space<vmem>>) target(%dma_start3A_829 : memref<1024xf32, #tpu.memory_space<hbm>>) target_semaphore(%arg9 : memref<!tpu.dma_semaphore, #tpu.memory_space<semaphore_mem>>)
      %add3A_833 = arith.constant 192 : i32
      %add3A_834 = arith.addi %add3A_833, %add3A : i32
      %dma_start3A_835 = arith.constant 0 : i32
      %dma_start3A_836 = arith.constant 6144 : i32
      %dma_start3A_837 = tpu.memref_slice %arg8[%dma_start3A_835, %dma_start3A_836] : memref<2x8192xf32, #tpu.memory_space<vmem>> -> memref<1x1024xf32, #tpu.memory_space<vmem>>
      %dma_start3A_838 = tpu.memref_squeeze %dma_start3A_837 : memref<1x1024xf32, #tpu.memory_space<vmem>> -> memref<1024xf32, #tpu.memory_space<vmem>>
      %dma_start3A_839 = arith.constant 0 : i32
      %dma_start3A_840 = tpu.memref_slice %arg4[%mul3A_594, %add3A_834, %dma_start3A_839] : memref<200x256x1024xf32, #tpu.memory_space<hbm>> -> memref<1x1x1024xf32, #tpu.memory_space<hbm>>
      %dma_start3A_841 = tpu.memref_squeeze %dma_start3A_840 : memref<1x1x1024xf32, #tpu.memory_space<hbm>> -> memref<1024xf32, #tpu.memory_space<hbm>>
      %dma_start3A_842 = arith.constant 0 : i32
      %dma_start3A_843 = tpu.memref_slice %arg4[%mul3A_594, %add3A_834, %dma_start3A_842] : memref<200x256x1024xf32, #tpu.memory_space<hbm>> -> memref<1x1x1024xf32, #tpu.memory_space<hbm>>
      %dma_start3A_844 = tpu.memref_squeeze %dma_start3A_843 : memref<1x1x1024xf32, #tpu.memory_space<hbm>> -> memref<1024xf32, #tpu.memory_space<hbm>>
      %dma_start3A_845 = arith.constant 6144 : i32
      %dma_start3A_846 = tpu.memref_slice %arg8[%dma_start3A_835, %dma_start3A_845] : memref<2x8192xf32, #tpu.memory_space<vmem>> -> memref<1x1024xf32, #tpu.memory_space<vmem>>
      %dma_start3A_847 = tpu.memref_squeeze %dma_start3A_846 : memref<1x1024xf32, #tpu.memory_space<vmem>> -> memref<1024xf32, #tpu.memory_space<vmem>>
      tpu.enqueue_dma source(%dma_start3A_847 : memref<1024xf32, #tpu.memory_space<vmem>>) target(%dma_start3A_844 : memref<1024xf32, #tpu.memory_space<hbm>>) target_semaphore(%arg9 : memref<!tpu.dma_semaphore, #tpu.memory_space<semaphore_mem>>)
      %add3A_848 = arith.constant 224 : i32
      %add3A_849 = arith.addi %add3A_848, %add3A : i32
      %dma_start3A_850 = arith.constant 0 : i32
      %dma_start3A_851 = arith.constant 7168 : i32
      %dma_start3A_852 = tpu.memref_slice %arg8[%dma_start3A_850, %dma_start3A_851] : memref<2x8192xf32, #tpu.memory_space<vmem>> -> memref<1x1024xf32, #tpu.memory_space<vmem>>
      %dma_start3A_853 = tpu.memref_squeeze %dma_start3A_852 : memref<1x1024xf32, #tpu.memory_space<vmem>> -> memref<1024xf32, #tpu.memory_space<vmem>>
      %dma_start3A_854 = arith.constant 0 : i32
      %dma_start3A_855 = tpu.memref_slice %arg4[%mul3A_594, %add3A_849, %dma_start3A_854] : memref<200x256x1024xf32, #tpu.memory_space<hbm>> -> memref<1x1x1024xf32, #tpu.memory_space<hbm>>
      %dma_start3A_856 = tpu.memref_squeeze %dma_start3A_855 : memref<1x1x1024xf32, #tpu.memory_space<hbm>> -> memref<1024xf32, #tpu.memory_space<hbm>>
      %dma_start3A_857 = arith.constant 0 : i32
      %dma_start3A_858 = tpu.memref_slice %arg4[%mul3A_594, %add3A_849, %dma_start3A_857] : memref<200x256x1024xf32, #tpu.memory_space<hbm>> -> memref<1x1x1024xf32, #tpu.memory_space<hbm>>
      %dma_start3A_859 = tpu.memref_squeeze %dma_start3A_858 : memref<1x1x1024xf32, #tpu.memory_space<hbm>> -> memref<1024xf32, #tpu.memory_space<hbm>>
      %dma_start3A_860 = arith.constant 7168 : i32
      %dma_start3A_861 = tpu.memref_slice %arg8[%dma_start3A_850, %dma_start3A_860] : memref<2x8192xf32, #tpu.memory_space<vmem>> -> memref<1x1024xf32, #tpu.memory_space<vmem>>
      %dma_start3A_862 = tpu.memref_squeeze %dma_start3A_861 : memref<1x1024xf32, #tpu.memory_space<vmem>> -> memref<1024xf32, #tpu.memory_space<vmem>>
      tpu.enqueue_dma source(%dma_start3A_862 : memref<1024xf32, #tpu.memory_space<vmem>>) target(%dma_start3A_859 : memref<1024xf32, #tpu.memory_space<hbm>>) target_semaphore(%arg9 : memref<!tpu.dma_semaphore, #tpu.memory_space<semaphore_mem>>)
      %sub3A_863 = arith.constant 1 : i32
      %sub3A_864 = arith.subi %mul3A_594, %sub3A_863 : i32
      %add3A_865 = arith.constant 0 : i32
      %add3A_866 = arith.addi %add3A_865, %add3A : i32
      %dma_wait3A_867 = arith.constant 1 : i32
      %dma_wait3A_868 = arith.constant 0 : i32
      %dma_wait3A_869 = tpu.memref_slice %arg8[%dma_wait3A_867, %dma_wait3A_868] : memref<2x8192xf32, #tpu.memory_space<vmem>> -> memref<1x1024xf32, #tpu.memory_space<vmem>>
      %dma_wait3A_870 = tpu.memref_squeeze %dma_wait3A_869 : memref<1x1024xf32, #tpu.memory_space<vmem>> -> memref<1024xf32, #tpu.memory_space<vmem>>
      %dma_wait3A_871 = arith.constant 0 : i32
      %dma_wait3A_872 = tpu.memref_slice %arg4[%sub3A_864, %add3A_866, %dma_wait3A_871] : memref<200x256x1024xf32, #tpu.memory_space<hbm>> -> memref<1x1x1024xf32, #tpu.memory_space<hbm>>
      %dma_wait3A_873 = tpu.memref_squeeze %dma_wait3A_872 : memref<1x1x1024xf32, #tpu.memory_space<hbm>> -> memref<1024xf32, #tpu.memory_space<hbm>>
      %dma_wait3A_874 = arith.constant 0 : i32
      %dma_wait3A_875 = tpu.memref_slice %arg4[%sub3A_864, %add3A_866, %dma_wait3A_874] : memref<200x256x1024xf32, #tpu.memory_space<hbm>> -> memref<1x1x1024xf32, #tpu.memory_space<hbm>>
      %dma_wait3A_876 = tpu.memref_squeeze %dma_wait3A_875 : memref<1x1x1024xf32, #tpu.memory_space<hbm>> -> memref<1024xf32, #tpu.memory_space<hbm>>
      %dma_wait3A_877 = arith.constant 0 : i32
      %dma_wait3A_878 = tpu.memref_slice %arg8[%dma_wait3A_867, %dma_wait3A_877] : memref<2x8192xf32, #tpu.memory_space<vmem>> -> memref<1x1024xf32, #tpu.memory_space<vmem>>
      %dma_wait3A_879 = tpu.memref_squeeze %dma_wait3A_878 : memref<1x1024xf32, #tpu.memory_space<vmem>> -> memref<1024xf32, #tpu.memory_space<vmem>>
      tpu.wait_dma2 semaphore(%arg10 : memref<!tpu.dma_semaphore, #tpu.memory_space<semaphore_mem>>) src(%dma_wait3A_879 : memref<1024xf32, #tpu.memory_space<vmem>>) dst(%dma_wait3A_876 : memref<1024xf32, #tpu.memory_space<hbm>>)
      %add3A_880 = arith.constant 32 : i32
      %add3A_881 = arith.addi %add3A_880, %add3A : i32
      %dma_wait3A_882 = arith.constant 1 : i32
      %dma_wait3A_883 = arith.constant 1024 : i32
      %dma_wait3A_884 = tpu.memref_slice %arg8[%dma_wait3A_882, %dma_wait3A_883] : memref<2x8192xf32, #tpu.memory_space<vmem>> -> memref<1x1024xf32, #tpu.memory_space<vmem>>
      %dma_wait3A_885 = tpu.memref_squeeze %dma_wait3A_884 : memref<1x1024xf32, #tpu.memory_space<vmem>> -> memref<1024xf32, #tpu.memory_space<vmem>>
      %dma_wait3A_886 = arith.constant 0 : i32
      %dma_wait3A_887 = tpu.memref_slice %arg4[%sub3A_864, %add3A_881, %dma_wait3A_886] : memref<200x256x1024xf32, #tpu.memory_space<hbm>> -> memref<1x1x1024xf32, #tpu.memory_space<hbm>>
      %dma_wait3A_888 = tpu.memref_squeeze %dma_wait3A_887 : memref<1x1x1024xf32, #tpu.memory_space<hbm>> -> memref<1024xf32, #tpu.memory_space<hbm>>
      %dma_wait3A_889 = arith.constant 0 : i32
      %dma_wait3A_890 = tpu.memref_slice %arg4[%sub3A_864, %add3A_881, %dma_wait3A_889] : memref<200x256x1024xf32, #tpu.memory_space<hbm>> -> memref<1x1x1024xf32, #tpu.memory_space<hbm>>
      %dma_wait3A_891 = tpu.memref_squeeze %dma_wait3A_890 : memref<1x1x1024xf32, #tpu.memory_space<hbm>> -> memref<1024xf32, #tpu.memory_space<hbm>>
      %dma_wait3A_892 = arith.constant 1024 : i32
      %dma_wait3A_893 = tpu.memref_slice %arg8[%dma_wait3A_882, %dma_wait3A_892] : memref<2x8192xf32, #tpu.memory_space<vmem>> -> memref<1x1024xf32, #tpu.memory_space<vmem>>
      %dma_wait3A_894 = tpu.memref_squeeze %dma_wait3A_893 : memref<1x1024xf32, #tpu.memory_space<vmem>> -> memref<1024xf32, #tpu.memory_space<vmem>>
      tpu.wait_dma2 semaphore(%arg10 : memref<!tpu.dma_semaphore, #tpu.memory_space<semaphore_mem>>) src(%dma_wait3A_894 : memref<1024xf32, #tpu.memory_space<vmem>>) dst(%dma_wait3A_891 : memref<1024xf32, #tpu.memory_space<hbm>>)
      %add3A_895 = arith.constant 64 : i32
      %add3A_896 = arith.addi %add3A_895, %add3A : i32
      %dma_wait3A_897 = arith.constant 1 : i32
      %dma_wait3A_898 = arith.constant 2048 : i32
      %dma_wait3A_899 = tpu.memref_slice %arg8[%dma_wait3A_897, %dma_wait3A_898] : memref<2x8192xf32, #tpu.memory_space<vmem>> -> memref<1x1024xf32, #tpu.memory_space<vmem>>
      %dma_wait3A_900 = tpu.memref_squeeze %dma_wait3A_899 : memref<1x1024xf32, #tpu.memory_space<vmem>> -> memref<1024xf32, #tpu.memory_space<vmem>>
      %dma_wait3A_901 = arith.constant 0 : i32
      %dma_wait3A_902 = tpu.memref_slice %arg4[%sub3A_864, %add3A_896, %dma_wait3A_901] : memref<200x256x1024xf32, #tpu.memory_space<hbm>> -> memref<1x1x1024xf32, #tpu.memory_space<hbm>>
      %dma_wait3A_903 = tpu.memref_squeeze %dma_wait3A_902 : memref<1x1x1024xf32, #tpu.memory_space<hbm>> -> memref<1024xf32, #tpu.memory_space<hbm>>
      %dma_wait3A_904 = arith.constant 0 : i32
      %dma_wait3A_905 = tpu.memref_slice %arg4[%sub3A_864, %add3A_896, %dma_wait3A_904] : memref<200x256x1024xf32, #tpu.memory_space<hbm>> -> memref<1x1x1024xf32, #tpu.memory_space<hbm>>
      %dma_wait3A_906 = tpu.memref_squeeze %dma_wait3A_905 : memref<1x1x1024xf32, #tpu.memory_space<hbm>> -> memref<1024xf32, #tpu.memory_space<hbm>>
      %dma_wait3A_907 = arith.constant 2048 : i32
      %dma_wait3A_908 = tpu.memref_slice %arg8[%dma_wait3A_897, %dma_wait3A_907] : memref<2x8192xf32, #tpu.memory_space<vmem>> -> memref<1x1024xf32, #tpu.memory_space<vmem>>
      %dma_wait3A_909 = tpu.memref_squeeze %dma_wait3A_908 : memref<1x1024xf32, #tpu.memory_space<vmem>> -> memref<1024xf32, #tpu.memory_space<vmem>>
      tpu.wait_dma2 semaphore(%arg10 : memref<!tpu.dma_semaphore, #tpu.memory_space<semaphore_mem>>) src(%dma_wait3A_909 : memref<1024xf32, #tpu.memory_space<vmem>>) dst(%dma_wait3A_906 : memref<1024xf32, #tpu.memory_space<hbm>>)
      %add3A_910 = arith.constant 96 : i32
      %add3A_911 = arith.addi %add3A_910, %add3A : i32
      %dma_wait3A_912 = arith.constant 1 : i32
      %dma_wait3A_913 = arith.constant 3072 : i32
      %dma_wait3A_914 = tpu.memref_slice %arg8[%dma_wait3A_912, %dma_wait3A_913] : memref<2x8192xf32, #tpu.memory_space<vmem>> -> memref<1x1024xf32, #tpu.memory_space<vmem>>
      %dma_wait3A_915 = tpu.memref_squeeze %dma_wait3A_914 : memref<1x1024xf32, #tpu.memory_space<vmem>> -> memref<1024xf32, #tpu.memory_space<vmem>>
      %dma_wait3A_916 = arith.constant 0 : i32
      %dma_wait3A_917 = tpu.memref_slice %arg4[%sub3A_864, %add3A_911, %dma_wait3A_916] : memref<200x256x1024xf32, #tpu.memory_space<hbm>> -> memref<1x1x1024xf32, #tpu.memory_space<hbm>>
      %dma_wait3A_918 = tpu.memref_squeeze %dma_wait3A_917 : memref<1x1x1024xf32, #tpu.memory_space<hbm>> -> memref<1024xf32, #tpu.memory_space<hbm>>
      %dma_wait3A_919 = arith.constant 0 : i32
      %dma_wait3A_920 = tpu.memref_slice %arg4[%sub3A_864, %add3A_911, %dma_wait3A_919] : memref<200x256x1024xf32, #tpu.memory_space<hbm>> -> memref<1x1x1024xf32, #tpu.memory_space<hbm>>
      %dma_wait3A_921 = tpu.memref_squeeze %dma_wait3A_920 : memref<1x1x1024xf32, #tpu.memory_space<hbm>> -> memref<1024xf32, #tpu.memory_space<hbm>>
      %dma_wait3A_922 = arith.constant 3072 : i32
      %dma_wait3A_923 = tpu.memref_slice %arg8[%dma_wait3A_912, %dma_wait3A_922] : memref<2x8192xf32, #tpu.memory_space<vmem>> -> memref<1x1024xf32, #tpu.memory_space<vmem>>
      %dma_wait3A_924 = tpu.memref_squeeze %dma_wait3A_923 : memref<1x1024xf32, #tpu.memory_space<vmem>> -> memref<1024xf32, #tpu.memory_space<vmem>>
      tpu.wait_dma2 semaphore(%arg10 : memref<!tpu.dma_semaphore, #tpu.memory_space<semaphore_mem>>) src(%dma_wait3A_924 : memref<1024xf32, #tpu.memory_space<vmem>>) dst(%dma_wait3A_921 : memref<1024xf32, #tpu.memory_space<hbm>>)
      %add3A_925 = arith.constant 128 : i32
      %add3A_926 = arith.addi %add3A_925, %add3A : i32
      %dma_wait3A_927 = arith.constant 1 : i32
      %dma_wait3A_928 = arith.constant 4096 : i32
      %dma_wait3A_929 = tpu.memref_slice %arg8[%dma_wait3A_927, %dma_wait3A_928] : memref<2x8192xf32, #tpu.memory_space<vmem>> -> memref<1x1024xf32, #tpu.memory_space<vmem>>
      %dma_wait3A_930 = tpu.memref_squeeze %dma_wait3A_929 : memref<1x1024xf32, #tpu.memory_space<vmem>> -> memref<1024xf32, #tpu.memory_space<vmem>>
      %dma_wait3A_931 = arith.constant 0 : i32
      %dma_wait3A_932 = tpu.memref_slice %arg4[%sub3A_864, %add3A_926, %dma_wait3A_931] : memref<200x256x1024xf32, #tpu.memory_space<hbm>> -> memref<1x1x1024xf32, #tpu.memory_space<hbm>>
      %dma_wait3A_933 = tpu.memref_squeeze %dma_wait3A_932 : memref<1x1x1024xf32, #tpu.memory_space<hbm>> -> memref<1024xf32, #tpu.memory_space<hbm>>
      %dma_wait3A_934 = arith.constant 0 : i32
      %dma_wait3A_935 = tpu.memref_slice %arg4[%sub3A_864, %add3A_926, %dma_wait3A_934] : memref<200x256x1024xf32, #tpu.memory_space<hbm>> -> memref<1x1x1024xf32, #tpu.memory_space<hbm>>
      %dma_wait3A_936 = tpu.memref_squeeze %dma_wait3A_935 : memref<1x1x1024xf32, #tpu.memory_space<hbm>> -> memref<1024xf32, #tpu.memory_space<hbm>>
      %dma_wait3A_937 = arith.constant 4096 : i32
      %dma_wait3A_938 = tpu.memref_slice %arg8[%dma_wait3A_927, %dma_wait3A_937] : memref<2x8192xf32, #tpu.memory_space<vmem>> -> memref<1x1024xf32, #tpu.memory_space<vmem>>
      %dma_wait3A_939 = tpu.memref_squeeze %dma_wait3A_938 : memref<1x1024xf32, #tpu.memory_space<vmem>> -> memref<1024xf32, #tpu.memory_space<vmem>>
      tpu.wait_dma2 semaphore(%arg10 : memref<!tpu.dma_semaphore, #tpu.memory_space<semaphore_mem>>) src(%dma_wait3A_939 : memref<1024xf32, #tpu.memory_space<vmem>>) dst(%dma_wait3A_936 : memref<1024xf32, #tpu.memory_space<hbm>>)
      %add3A_940 = arith.constant 160 : i32
      %add3A_941 = arith.addi %add3A_940, %add3A : i32
      %dma_wait3A_942 = arith.constant 1 : i32
      %dma_wait3A_943 = arith.constant 5120 : i32
      %dma_wait3A_944 = tpu.memref_slice %arg8[%dma_wait3A_942, %dma_wait3A_943] : memref<2x8192xf32, #tpu.memory_space<vmem>> -> memref<1x1024xf32, #tpu.memory_space<vmem>>
      %dma_wait3A_945 = tpu.memref_squeeze %dma_wait3A_944 : memref<1x1024xf32, #tpu.memory_space<vmem>> -> memref<1024xf32, #tpu.memory_space<vmem>>
      %dma_wait3A_946 = arith.constant 0 : i32
      %dma_wait3A_947 = tpu.memref_slice %arg4[%sub3A_864, %add3A_941, %dma_wait3A_946] : memref<200x256x1024xf32, #tpu.memory_space<hbm>> -> memref<1x1x1024xf32, #tpu.memory_space<hbm>>
      %dma_wait3A_948 = tpu.memref_squeeze %dma_wait3A_947 : memref<1x1x1024xf32, #tpu.memory_space<hbm>> -> memref<1024xf32, #tpu.memory_space<hbm>>
      %dma_wait3A_949 = arith.constant 0 : i32
      %dma_wait3A_950 = tpu.memref_slice %arg4[%sub3A_864, %add3A_941, %dma_wait3A_949] : memref<200x256x1024xf32, #tpu.memory_space<hbm>> -> memref<1x1x1024xf32, #tpu.memory_space<hbm>>
      %dma_wait3A_951 = tpu.memref_squeeze %dma_wait3A_950 : memref<1x1x1024xf32, #tpu.memory_space<hbm>> -> memref<1024xf32, #tpu.memory_space<hbm>>
      %dma_wait3A_952 = arith.constant 5120 : i32
      %dma_wait3A_953 = tpu.memref_slice %arg8[%dma_wait3A_942, %dma_wait3A_952] : memref<2x8192xf32, #tpu.memory_space<vmem>> -> memref<1x1024xf32, #tpu.memory_space<vmem>>
      %dma_wait3A_954 = tpu.memref_squeeze %dma_wait3A_953 : memref<1x1024xf32, #tpu.memory_space<vmem>> -> memref<1024xf32, #tpu.memory_space<vmem>>
      tpu.wait_dma2 semaphore(%arg10 : memref<!tpu.dma_semaphore, #tpu.memory_space<semaphore_mem>>) src(%dma_wait3A_954 : memref<1024xf32, #tpu.memory_space<vmem>>) dst(%dma_wait3A_951 : memref<1024xf32, #tpu.memory_space<hbm>>)
      %add3A_955 = arith.constant 192 : i32
      %add3A_956 = arith.addi %add3A_955, %add3A : i32
      %dma_wait3A_957 = arith.constant 1 : i32
      %dma_wait3A_958 = arith.constant 6144 : i32
      %dma_wait3A_959 = tpu.memref_slice %arg8[%dma_wait3A_957, %dma_wait3A_958] : memref<2x8192xf32, #tpu.memory_space<vmem>> -> memref<1x1024xf32, #tpu.memory_space<vmem>>
      %dma_wait3A_960 = tpu.memref_squeeze %dma_wait3A_959 : memref<1x1024xf32, #tpu.memory_space<vmem>> -> memref<1024xf32, #tpu.memory_space<vmem>>
      %dma_wait3A_961 = arith.constant 0 : i32
      %dma_wait3A_962 = tpu.memref_slice %arg4[%sub3A_864, %add3A_956, %dma_wait3A_961] : memref<200x256x1024xf32, #tpu.memory_space<hbm>> -> memref<1x1x1024xf32, #tpu.memory_space<hbm>>
      %dma_wait3A_963 = tpu.memref_squeeze %dma_wait3A_962 : memref<1x1x1024xf32, #tpu.memory_space<hbm>> -> memref<1024xf32, #tpu.memory_space<hbm>>
      %dma_wait3A_964 = arith.constant 0 : i32
      %dma_wait3A_965 = tpu.memref_slice %arg4[%sub3A_864, %add3A_956, %dma_wait3A_964] : memref<200x256x1024xf32, #tpu.memory_space<hbm>> -> memref<1x1x1024xf32, #tpu.memory_space<hbm>>
      %dma_wait3A_966 = tpu.memref_squeeze %dma_wait3A_965 : memref<1x1x1024xf32, #tpu.memory_space<hbm>> -> memref<1024xf32, #tpu.memory_space<hbm>>
      %dma_wait3A_967 = arith.constant 6144 : i32
      %dma_wait3A_968 = tpu.memref_slice %arg8[%dma_wait3A_957, %dma_wait3A_967] : memref<2x8192xf32, #tpu.memory_space<vmem>> -> memref<1x1024xf32, #tpu.memory_space<vmem>>
      %dma_wait3A_969 = tpu.memref_squeeze %dma_wait3A_968 : memref<1x1024xf32, #tpu.memory_space<vmem>> -> memref<1024xf32, #tpu.memory_space<vmem>>
      tpu.wait_dma2 semaphore(%arg10 : memref<!tpu.dma_semaphore, #tpu.memory_space<semaphore_mem>>) src(%dma_wait3A_969 : memref<1024xf32, #tpu.memory_space<vmem>>) dst(%dma_wait3A_966 : memref<1024xf32, #tpu.memory_space<hbm>>)
      %add3A_970 = arith.constant 224 : i32
      %add3A_971 = arith.addi %add3A_970, %add3A : i32
      %dma_wait3A_972 = arith.constant 1 : i32
      %dma_wait3A_973 = arith.constant 7168 : i32
      %dma_wait3A_974 = tpu.memref_slice %arg8[%dma_wait3A_972, %dma_wait3A_973] : memref<2x8192xf32, #tpu.memory_space<vmem>> -> memref<1x1024xf32, #tpu.memory_space<vmem>>
      %dma_wait3A_975 = tpu.memref_squeeze %dma_wait3A_974 : memref<1x1024xf32, #tpu.memory_space<vmem>> -> memref<1024xf32, #tpu.memory_space<vmem>>
      %dma_wait3A_976 = arith.constant 0 : i32
      %dma_wait3A_977 = tpu.memref_slice %arg4[%sub3A_864, %add3A_971, %dma_wait3A_976] : memref<200x256x1024xf32, #tpu.memory_space<hbm>> -> memref<1x1x1024xf32, #tpu.memory_space<hbm>>
      %dma_wait3A_978 = tpu.memref_squeeze %dma_wait3A_977 : memref<1x1x1024xf32, #tpu.memory_space<hbm>> -> memref<1024xf32, #tpu.memory_space<hbm>>
      %dma_wait3A_979 = arith.constant 0 : i32
      %dma_wait3A_980 = tpu.memref_slice %arg4[%sub3A_864, %add3A_971, %dma_wait3A_979] : memref<200x256x1024xf32, #tpu.memory_space<hbm>> -> memref<1x1x1024xf32, #tpu.memory_space<hbm>>
      %dma_wait3A_981 = tpu.memref_squeeze %dma_wait3A_980 : memref<1x1x1024xf32, #tpu.memory_space<hbm>> -> memref<1024xf32, #tpu.memory_space<hbm>>
      %dma_wait3A_982 = arith.constant 7168 : i32
      %dma_wait3A_983 = tpu.memref_slice %arg8[%dma_wait3A_972, %dma_wait3A_982] : memref<2x8192xf32, #tpu.memory_space<vmem>> -> memref<1x1024xf32, #tpu.memory_space<vmem>>
      %dma_wait3A_984 = tpu.memref_squeeze %dma_wait3A_983 : memref<1x1024xf32, #tpu.memory_space<vmem>> -> memref<1024xf32, #tpu.memory_space<vmem>>
      tpu.wait_dma2 semaphore(%arg10 : memref<!tpu.dma_semaphore, #tpu.memory_space<semaphore_mem>>) src(%dma_wait3A_984 : memref<1024xf32, #tpu.memory_space<vmem>>) dst(%dma_wait3A_981 : memref<1024xf32, #tpu.memory_space<hbm>>)
      %add3A_985 = arith.constant 1 : i32
      %add3A_986 = arith.addi %mul3A_594, %add3A_985 : i32
      %get3A_987 = arith.index_cast %add3A_986 : i32 to index
      %get3A_988 = arith.constant 0 : index
      %get3A_989 = tpu.vector_load %arg6[%get3A_987, %get3A_988] {strides = array<i32>} : memref<224x129xi32, #tpu.memory_space<vmem>>, vector<16xi32>,
      %get3A_990 = arith.index_cast %add3A_986 : i32 to index
      %get3A_991 = arith.constant 16 : index
      %get3A_992 = tpu.vector_load %arg6[%get3A_990, %get3A_991] {strides = array<i32>} : memref<224x129xi32, #tpu.memory_space<vmem>>, vector<16xi32>,
      %get3A_993 = arith.index_cast %add3A_986 : i32 to index
      %get3A_994 = arith.constant 32 : index
      %get3A_995 = tpu.vector_load %arg6[%get3A_993, %get3A_994] {strides = array<i32>} : memref<224x129xi32, #tpu.memory_space<vmem>>, vector<16xi32>,
      %get3A_996 = arith.index_cast %add3A_986 : i32 to index
      %get3A_997 = arith.constant 48 : index
      %get3A_998 = tpu.vector_load %arg6[%get3A_996, %get3A_997] {strides = array<i32>} : memref<224x129xi32, #tpu.memory_space<vmem>>, vector<16xi32>,
      %get3A_999 = arith.index_cast %add3A_986 : i32 to index
      %get3A_1000 = arith.constant 64 : index
      %get3A_1001 = tpu.vector_load %arg6[%get3A_999, %get3A_1000] {strides = array<i32>} : memref<224x129xi32, #tpu.memory_space<vmem>>, vector<16xi32>,
      %get3A_1002 = arith.index_cast %add3A_986 : i32 to index
      %get3A_1003 = arith.constant 80 : index
      %get3A_1004 = tpu.vector_load %arg6[%get3A_1002, %get3A_1003] {strides = array<i32>} : memref<224x129xi32, #tpu.memory_space<vmem>>, vector<16xi32>,
      %get3A_1005 = arith.index_cast %add3A_986 : i32 to index
      %get3A_1006 = arith.constant 96 : index
      %get3A_1007 = tpu.vector_load %arg6[%get3A_1005, %get3A_1006] {strides = array<i32>} : memref<224x129xi32, #tpu.memory_space<vmem>>, vector<16xi32>,
      %get3A_1008 = arith.index_cast %add3A_986 : i32 to index
      %get3A_1009 = arith.constant 112 : index
      %get3A_1010 = tpu.vector_load %arg6[%get3A_1008, %get3A_1009] {strides = array<i32>} : memref<224x129xi32, #tpu.memory_space<vmem>>, vector<16xi32>,
      %parallel_loop3A_1011 = arith.constant 0 : i32
      %parallel_loop3A_1012 = arith.constant 64 : i32
      %parallel_loop3A_1013 = arith.constant 1 : i32
      scf.for %parallel_loop3A_1134 = %parallel_loop3A_1011 to %parallel_loop3A_1012 step %parallel_loop3A_1013  : i32 {
        %parallel_loop3A_1135 = vector.broadcast %parallel_loop3A_1134 : i32 to vector<16xi32>
        %parallel_loop3A_1136 = arith.addi %broadcast_in_dim3A_7, %parallel_loop3A_1135 : vector<16xi32>
        %parallel_loop3A_1137 = tpu.vector_load_idx %arg7[%parallel_loop3A_1136, %get3A_989] : memref<64x202xf32, #tpu.memory_space<vmem>>[vector<16xi32>, vector<16xi32>], vector<16xf32>,
        %parallel_loop3A_1138 = arith.constant 128 : i32
        %parallel_loop3A_1139 = arith.muli %parallel_loop3A_1134, %parallel_loop3A_1138 : i32
        %parallel_loop3A_1140 = arith.constant 0 : i32
        %parallel_loop3A_1141 = arith.addi %parallel_loop3A_1139, %parallel_loop3A_1140 : i32
        %parallel_loop3A_1142 = arith.constant 1 : i32
        %parallel_loop3A_1143 = arith.index_cast %parallel_loop3A_1142 : i32 to index
        %parallel_loop3A_1144 = arith.index_cast %parallel_loop3A_1141 : i32 to index
        %parallel_loop3A_1145 = tpu.vector_load %arg8[%parallel_loop3A_1143, %parallel_loop3A_1144] {strides = array<i32>} : memref<2x8192xf32, #tpu.memory_space<vmem>>, vector<16xf32>,
        tpu.vector_store %arg8[%parallel_loop3A_1143, %parallel_loop3A_1144], %parallel_loop3A_1137 {strides = array<i32>} : memref<2x8192xf32, #tpu.memory_space<vmem>>, vector<16xf32>,
        %parallel_loop3A_1146 = tpu.vector_load_idx %arg7[%parallel_loop3A_1136, %get3A_992] : memref<64x202xf32, #tpu.memory_space<vmem>>[vector<16xi32>, vector<16xi32>], vector<16xf32>,
        %parallel_loop3A_1147 = arith.constant 128 : i32
        %parallel_loop3A_1148 = arith.muli %parallel_loop3A_1134, %parallel_loop3A_1147 : i32
        %parallel_loop3A_1149 = arith.constant 16 : i32
        %parallel_loop3A_1150 = arith.addi %parallel_loop3A_1148, %parallel_loop3A_1149 : i32
        %parallel_loop3A_1151 = arith.constant 1 : i32
        %parallel_loop3A_1152 = arith.index_cast %parallel_loop3A_1151 : i32 to index
        %parallel_loop3A_1153 = arith.index_cast %parallel_loop3A_1150 : i32 to index
        %parallel_loop3A_1154 = tpu.vector_load %arg8[%parallel_loop3A_1152, %parallel_loop3A_1153] {strides = array<i32>} : memref<2x8192xf32, #tpu.memory_space<vmem>>, vector<16xf32>,
        tpu.vector_store %arg8[%parallel_loop3A_1152, %parallel_loop3A_1153], %parallel_loop3A_1146 {strides = array<i32>} : memref<2x8192xf32, #tpu.memory_space<vmem>>, vector<16xf32>,
        %parallel_loop3A_1155 = tpu.vector_load_idx %arg7[%parallel_loop3A_1136, %get3A_995] : memref<64x202xf32, #tpu.memory_space<vmem>>[vector<16xi32>, vector<16xi32>], vector<16xf32>,
        %parallel_loop3A_1156 = arith.constant 128 : i32
        %parallel_loop3A_1157 = arith.muli %parallel_loop3A_1134, %parallel_loop3A_1156 : i32
        %parallel_loop3A_1158 = arith.constant 32 : i32
        %parallel_loop3A_1159 = arith.addi %parallel_loop3A_1157, %parallel_loop3A_1158 : i32
        %parallel_loop3A_1160 = arith.constant 1 : i32
        %parallel_loop3A_1161 = arith.index_cast %parallel_loop3A_1160 : i32 to index
        %parallel_loop3A_1162 = arith.index_cast %parallel_loop3A_1159 : i32 to index
        %parallel_loop3A_1163 = tpu.vector_load %arg8[%parallel_loop3A_1161, %parallel_loop3A_1162] {strides = array<i32>} : memref<2x8192xf32, #tpu.memory_space<vmem>>, vector<16xf32>,
        tpu.vector_store %arg8[%parallel_loop3A_1161, %parallel_loop3A_1162], %parallel_loop3A_1155 {strides = array<i32>} : memref<2x8192xf32, #tpu.memory_space<vmem>>, vector<16xf32>,
        %parallel_loop3A_1164 = tpu.vector_load_idx %arg7[%parallel_loop3A_1136, %get3A_998] : memref<64x202xf32, #tpu.memory_space<vmem>>[vector<16xi32>, vector<16xi32>], vector<16xf32>,
        %parallel_loop3A_1165 = arith.constant 128 : i32
        %parallel_loop3A_1166 = arith.muli %parallel_loop3A_1134, %parallel_loop3A_1165 : i32
        %parallel_loop3A_1167 = arith.constant 48 : i32
        %parallel_loop3A_1168 = arith.addi %parallel_loop3A_1166, %parallel_loop3A_1167 : i32
        %parallel_loop3A_1169 = arith.constant 1 : i32
        %parallel_loop3A_1170 = arith.index_cast %parallel_loop3A_1169 : i32 to index
        %parallel_loop3A_1171 = arith.index_cast %parallel_loop3A_1168 : i32 to index
        %parallel_loop3A_1172 = tpu.vector_load %arg8[%parallel_loop3A_1170, %parallel_loop3A_1171] {strides = array<i32>} : memref<2x8192xf32, #tpu.memory_space<vmem>>, vector<16xf32>,
        tpu.vector_store %arg8[%parallel_loop3A_1170, %parallel_loop3A_1171], %parallel_loop3A_1164 {strides = array<i32>} : memref<2x8192xf32, #tpu.memory_space<vmem>>, vector<16xf32>,
        %parallel_loop3A_1173 = tpu.vector_load_idx %arg7[%parallel_loop3A_1136, %get3A_1001] : memref<64x202xf32, #tpu.memory_space<vmem>>[vector<16xi32>, vector<16xi32>], vector<16xf32>,
        %parallel_loop3A_1174 = arith.constant 128 : i32
        %parallel_loop3A_1175 = arith.muli %parallel_loop3A_1134, %parallel_loop3A_1174 : i32
        %parallel_loop3A_1176 = arith.constant 64 : i32
        %parallel_loop3A_1177 = arith.addi %parallel_loop3A_1175, %parallel_loop3A_1176 : i32
        %parallel_loop3A_1178 = arith.constant 1 : i32
        %parallel_loop3A_1179 = arith.index_cast %parallel_loop3A_1178 : i32 to index
        %parallel_loop3A_1180 = arith.index_cast %parallel_loop3A_1177 : i32 to index
        %parallel_loop3A_1181 = tpu.vector_load %arg8[%parallel_loop3A_1179, %parallel_loop3A_1180] {strides = array<i32>} : memref<2x8192xf32, #tpu.memory_space<vmem>>, vector<16xf32>,
        tpu.vector_store %arg8[%parallel_loop3A_1179, %parallel_loop3A_1180], %parallel_loop3A_1173 {strides = array<i32>} : memref<2x8192xf32, #tpu.memory_space<vmem>>, vector<16xf32>,
        %parallel_loop3A_1182 = tpu.vector_load_idx %arg7[%parallel_loop3A_1136, %get3A_1004] : memref<64x202xf32, #tpu.memory_space<vmem>>[vector<16xi32>, vector<16xi32>], vector<16xf32>,
        %parallel_loop3A_1183 = arith.constant 128 : i32
        %parallel_loop3A_1184 = arith.muli %parallel_loop3A_1134, %parallel_loop3A_1183 : i32
        %parallel_loop3A_1185 = arith.constant 80 : i32
        %parallel_loop3A_1186 = arith.addi %parallel_loop3A_1184, %parallel_loop3A_1185 : i32
        %parallel_loop3A_1187 = arith.constant 1 : i32
        %parallel_loop3A_1188 = arith.index_cast %parallel_loop3A_1187 : i32 to index
        %parallel_loop3A_1189 = arith.index_cast %parallel_loop3A_1186 : i32 to index
        %parallel_loop3A_1190 = tpu.vector_load %arg8[%parallel_loop3A_1188, %parallel_loop3A_1189] {strides = array<i32>} : memref<2x8192xf32, #tpu.memory_space<vmem>>, vector<16xf32>,
        tpu.vector_store %arg8[%parallel_loop3A_1188, %parallel_loop3A_1189], %parallel_loop3A_1182 {strides = array<i32>} : memref<2x8192xf32, #tpu.memory_space<vmem>>, vector<16xf32>,
        %parallel_loop3A_1191 = tpu.vector_load_idx %arg7[%parallel_loop3A_1136, %get3A_1007] : memref<64x202xf32, #tpu.memory_space<vmem>>[vector<16xi32>, vector<16xi32>], vector<16xf32>,
        %parallel_loop3A_1192 = arith.constant 128 : i32
        %parallel_loop3A_1193 = arith.muli %parallel_loop3A_1134, %parallel_loop3A_1192 : i32
        %parallel_loop3A_1194 = arith.constant 96 : i32
        %parallel_loop3A_1195 = arith.addi %parallel_loop3A_1193, %parallel_loop3A_1194 : i32
        %parallel_loop3A_1196 = arith.constant 1 : i32
        %parallel_loop3A_1197 = arith.index_cast %parallel_loop3A_1196 : i32 to index
        %parallel_loop3A_1198 = arith.index_cast %parallel_loop3A_1195 : i32 to index
        %parallel_loop3A_1199 = tpu.vector_load %arg8[%parallel_loop3A_1197, %parallel_loop3A_1198] {strides = array<i32>} : memref<2x8192xf32, #tpu.memory_space<vmem>>, vector<16xf32>,
        tpu.vector_store %arg8[%parallel_loop3A_1197, %parallel_loop3A_1198], %parallel_loop3A_1191 {strides = array<i32>} : memref<2x8192xf32, #tpu.memory_space<vmem>>, vector<16xf32>,
        %parallel_loop3A_1200 = tpu.vector_load_idx %arg7[%parallel_loop3A_1136, %get3A_1010] : memref<64x202xf32, #tpu.memory_space<vmem>>[vector<16xi32>, vector<16xi32>], vector<16xf32>,
        %parallel_loop3A_1201 = arith.constant 128 : i32
        %parallel_loop3A_1202 = arith.muli %parallel_loop3A_1134, %parallel_loop3A_1201 : i32
        %parallel_loop3A_1203 = arith.constant 112 : i32
        %parallel_loop3A_1204 = arith.addi %parallel_loop3A_1202, %parallel_loop3A_1203 : i32
        %parallel_loop3A_1205 = arith.constant 1 : i32
        %parallel_loop3A_1206 = arith.index_cast %parallel_loop3A_1205 : i32 to index
        %parallel_loop3A_1207 = arith.index_cast %parallel_loop3A_1204 : i32 to index
        %parallel_loop3A_1208 = tpu.vector_load %arg8[%parallel_loop3A_1206, %parallel_loop3A_1207] {strides = array<i32>} : memref<2x8192xf32, #tpu.memory_space<vmem>>, vector<16xf32>,
        tpu.vector_store %arg8[%parallel_loop3A_1206, %parallel_loop3A_1207], %parallel_loop3A_1200 {strides = array<i32>} : memref<2x8192xf32, #tpu.memory_space<vmem>>, vector<16xf32>,
      } {sc.loop_unroll_factor = 8 : i64, sc.parallel_access}
      %add3A_1014 = arith.constant 0 : i32
      %add3A_1015 = arith.addi %add3A_1014, %add3A : i32
      %dma_start3A_1016 = arith.constant 1 : i32
      %dma_start3A_1017 = arith.constant 0 : i32
      %dma_start3A_1018 = tpu.memref_slice %arg8[%dma_start3A_1016, %dma_start3A_1017] : memref<2x8192xf32, #tpu.memory_space<vmem>> -> memref<1x1024xf32, #tpu.memory_space<vmem>>
      %dma_start3A_1019 = tpu.memref_squeeze %dma_start3A_1018 : memref<1x1024xf32, #tpu.memory_space<vmem>> -> memref<1024xf32, #tpu.memory_space<vmem>>
      %dma_start3A_1020 = arith.constant 0 : i32
      %dma_start3A_1021 = tpu.memref_slice %arg4[%add3A_986, %add3A_1015, %dma_start3A_1020] : memref<200x256x1024xf32, #tpu.memory_space<hbm>> -> memref<1x1x1024xf32, #tpu.memory_space<hbm>>
      %dma_start3A_1022 = tpu.memref_squeeze %dma_start3A_1021 : memref<1x1x1024xf32, #tpu.memory_space<hbm>> -> memref<1024xf32, #tpu.memory_space<hbm>>
      %dma_start3A_1023 = arith.constant 0 : i32
      %dma_start3A_1024 = tpu.memref_slice %arg4[%add3A_986, %add3A_1015, %dma_start3A_1023] : memref<200x256x1024xf32, #tpu.memory_space<hbm>> -> memref<1x1x1024xf32, #tpu.memory_space<hbm>>
      %dma_start3A_1025 = tpu.memref_squeeze %dma_start3A_1024 : memref<1x1x1024xf32, #tpu.memory_space<hbm>> -> memref<1024xf32, #tpu.memory_space<hbm>>
      %dma_start3A_1026 = arith.constant 0 : i32
      %dma_start3A_1027 = tpu.memref_slice %arg8[%dma_start3A_1016, %dma_start3A_1026] : memref<2x8192xf32, #tpu.memory_space<vmem>> -> memref<1x1024xf32, #tpu.memory_space<vmem>>
      %dma_start3A_1028 = tpu.memref_squeeze %dma_start3A_1027 : memref<1x1024xf32, #tpu.memory_space<vmem>> -> memref<1024xf32, #tpu.memory_space<vmem>>
      tpu.enqueue_dma source(%dma_start3A_1028 : memref<1024xf32, #tpu.memory_space<vmem>>) target(%dma_start3A_1025 : memref<1024xf32, #tpu.memory_space<hbm>>) target_semaphore(%arg10 : memref<!tpu.dma_semaphore, #tpu.memory_space<semaphore_mem>>)
      %add3A_1029 = arith.constant 32 : i32
      %add3A_1030 = arith.addi %add3A_1029, %add3A : i32
      %dma_start3A_1031 = arith.constant 1 : i32
      %dma_start3A_1032 = arith.constant 1024 : i32
      %dma_start3A_1033 = tpu.memref_slice %arg8[%dma_start3A_1031, %dma_start3A_1032] : memref<2x8192xf32, #tpu.memory_space<vmem>> -> memref<1x1024xf32, #tpu.memory_space<vmem>>
      %dma_start3A_1034 = tpu.memref_squeeze %dma_start3A_1033 : memref<1x1024xf32, #tpu.memory_space<vmem>> -> memref<1024xf32, #tpu.memory_space<vmem>>
      %dma_start3A_1035 = arith.constant 0 : i32
      %dma_start3A_1036 = tpu.memref_slice %arg4[%add3A_986, %add3A_1030, %dma_start3A_1035] : memref<200x256x1024xf32, #tpu.memory_space<hbm>> -> memref<1x1x1024xf32, #tpu.memory_space<hbm>>
      %dma_start3A_1037 = tpu.memref_squeeze %dma_start3A_1036 : memref<1x1x1024xf32, #tpu.memory_space<hbm>> -> memref<1024xf32, #tpu.memory_space<hbm>>
      %dma_start3A_1038 = arith.constant 0 : i32
      %dma_start3A_1039 = tpu.memref_slice %arg4[%add3A_986, %add3A_1030, %dma_start3A_1038] : memref<200x256x1024xf32, #tpu.memory_space<hbm>> -> memref<1x1x1024xf32, #tpu.memory_space<hbm>>
      %dma_start3A_1040 = tpu.memref_squeeze %dma_start3A_1039 : memref<1x1x1024xf32, #tpu.memory_space<hbm>> -> memref<1024xf32, #tpu.memory_space<hbm>>
      %dma_start3A_1041 = arith.constant 1024 : i32
      %dma_start3A_1042 = tpu.memref_slice %arg8[%dma_start3A_1031, %dma_start3A_1041] : memref<2x8192xf32, #tpu.memory_space<vmem>> -> memref<1x1024xf32, #tpu.memory_space<vmem>>
      %dma_start3A_1043 = tpu.memref_squeeze %dma_start3A_1042 : memref<1x1024xf32, #tpu.memory_space<vmem>> -> memref<1024xf32, #tpu.memory_space<vmem>>
      tpu.enqueue_dma source(%dma_start3A_1043 : memref<1024xf32, #tpu.memory_space<vmem>>) target(%dma_start3A_1040 : memref<1024xf32, #tpu.memory_space<hbm>>) target_semaphore(%arg10 : memref<!tpu.dma_semaphore, #tpu.memory_space<semaphore_mem>>)
      %add3A_1044 = arith.constant 64 : i32
      %add3A_1045 = arith.addi %add3A_1044, %add3A : i32
      %dma_start3A_1046 = arith.constant 1 : i32
      %dma_start3A_1047 = arith.constant 2048 : i32
      %dma_start3A_1048 = tpu.memref_slice %arg8[%dma_start3A_1046, %dma_start3A_1047] : memref<2x8192xf32, #tpu.memory_space<vmem>> -> memref<1x1024xf32, #tpu.memory_space<vmem>>
      %dma_start3A_1049 = tpu.memref_squeeze %dma_start3A_1048 : memref<1x1024xf32, #tpu.memory_space<vmem>> -> memref<1024xf32, #tpu.memory_space<vmem>>
      %dma_start3A_1050 = arith.constant 0 : i32
      %dma_start3A_1051 = tpu.memref_slice %arg4[%add3A_986, %add3A_1045, %dma_start3A_1050] : memref<200x256x1024xf32, #tpu.memory_space<hbm>> -> memref<1x1x1024xf32, #tpu.memory_space<hbm>>
      %dma_start3A_1052 = tpu.memref_squeeze %dma_start3A_1051 : memref<1x1x1024xf32, #tpu.memory_space<hbm>> -> memref<1024xf32, #tpu.memory_space<hbm>>
      %dma_start3A_1053 = arith.constant 0 : i32
      %dma_start3A_1054 = tpu.memref_slice %arg4[%add3A_986, %add3A_1045, %dma_start3A_1053] : memref<200x256x1024xf32, #tpu.memory_space<hbm>> -> memref<1x1x1024xf32, #tpu.memory_space<hbm>>
      %dma_start3A_1055 = tpu.memref_squeeze %dma_start3A_1054 : memref<1x1x1024xf32, #tpu.memory_space<hbm>> -> memref<1024xf32, #tpu.memory_space<hbm>>
      %dma_start3A_1056 = arith.constant 2048 : i32
      %dma_start3A_1057 = tpu.memref_slice %arg8[%dma_start3A_1046, %dma_start3A_1056] : memref<2x8192xf32, #tpu.memory_space<vmem>> -> memref<1x1024xf32, #tpu.memory_space<vmem>>
      %dma_start3A_1058 = tpu.memref_squeeze %dma_start3A_1057 : memref<1x1024xf32, #tpu.memory_space<vmem>> -> memref<1024xf32, #tpu.memory_space<vmem>>
      tpu.enqueue_dma source(%dma_start3A_1058 : memref<1024xf32, #tpu.memory_space<vmem>>) target(%dma_start3A_1055 : memref<1024xf32, #tpu.memory_space<hbm>>) target_semaphore(%arg10 : memref<!tpu.dma_semaphore, #tpu.memory_space<semaphore_mem>>)
      %add3A_1059 = arith.constant 96 : i32
      %add3A_1060 = arith.addi %add3A_1059, %add3A : i32
      %dma_start3A_1061 = arith.constant 1 : i32
      %dma_start3A_1062 = arith.constant 3072 : i32
      %dma_start3A_1063 = tpu.memref_slice %arg8[%dma_start3A_1061, %dma_start3A_1062] : memref<2x8192xf32, #tpu.memory_space<vmem>> -> memref<1x1024xf32, #tpu.memory_space<vmem>>
      %dma_start3A_1064 = tpu.memref_squeeze %dma_start3A_1063 : memref<1x1024xf32, #tpu.memory_space<vmem>> -> memref<1024xf32, #tpu.memory_space<vmem>>
      %dma_start3A_1065 = arith.constant 0 : i32
      %dma_start3A_1066 = tpu.memref_slice %arg4[%add3A_986, %add3A_1060, %dma_start3A_1065] : memref<200x256x1024xf32, #tpu.memory_space<hbm>> -> memref<1x1x1024xf32, #tpu.memory_space<hbm>>
      %dma_start3A_1067 = tpu.memref_squeeze %dma_start3A_1066 : memref<1x1x1024xf32, #tpu.memory_space<hbm>> -> memref<1024xf32, #tpu.memory_space<hbm>>
      %dma_start3A_1068 = arith.constant 0 : i32
      %dma_start3A_1069 = tpu.memref_slice %arg4[%add3A_986, %add3A_1060, %dma_start3A_1068] : memref<200x256x1024xf32, #tpu.memory_space<hbm>> -> memref<1x1x1024xf32, #tpu.memory_space<hbm>>
      %dma_start3A_1070 = tpu.memref_squeeze %dma_start3A_1069 : memref<1x1x1024xf32, #tpu.memory_space<hbm>> -> memref<1024xf32, #tpu.memory_space<hbm>>
      %dma_start3A_1071 = arith.constant 3072 : i32
      %dma_start3A_1072 = tpu.memref_slice %arg8[%dma_start3A_1061, %dma_start3A_1071] : memref<2x8192xf32, #tpu.memory_space<vmem>> -> memref<1x1024xf32, #tpu.memory_space<vmem>>
      %dma_start3A_1073 = tpu.memref_squeeze %dma_start3A_1072 : memref<1x1024xf32, #tpu.memory_space<vmem>> -> memref<1024xf32, #tpu.memory_space<vmem>>
      tpu.enqueue_dma source(%dma_start3A_1073 : memref<1024xf32, #tpu.memory_space<vmem>>) target(%dma_start3A_1070 : memref<1024xf32, #tpu.memory_space<hbm>>) target_semaphore(%arg10 : memref<!tpu.dma_semaphore, #tpu.memory_space<semaphore_mem>>)
      %add3A_1074 = arith.constant 128 : i32
      %add3A_1075 = arith.addi %add3A_1074, %add3A : i32
      %dma_start3A_1076 = arith.constant 1 : i32
      %dma_start3A_1077 = arith.constant 4096 : i32
      %dma_start3A_1078 = tpu.memref_slice %arg8[%dma_start3A_1076, %dma_start3A_1077] : memref<2x8192xf32, #tpu.memory_space<vmem>> -> memref<1x1024xf32, #tpu.memory_space<vmem>>
      %dma_start3A_1079 = tpu.memref_squeeze %dma_start3A_1078 : memref<1x1024xf32, #tpu.memory_space<vmem>> -> memref<1024xf32, #tpu.memory_space<vmem>>
      %dma_start3A_1080 = arith.constant 0 : i32
      %dma_start3A_1081 = tpu.memref_slice %arg4[%add3A_986, %add3A_1075, %dma_start3A_1080] : memref<200x256x1024xf32, #tpu.memory_space<hbm>> -> memref<1x1x1024xf32, #tpu.memory_space<hbm>>
      %dma_start3A_1082 = tpu.memref_squeeze %dma_start3A_1081 : memref<1x1x1024xf32, #tpu.memory_space<hbm>> -> memref<1024xf32, #tpu.memory_space<hbm>>
      %dma_start3A_1083 = arith.constant 0 : i32
      %dma_start3A_1084 = tpu.memref_slice %arg4[%add3A_986, %add3A_1075, %dma_start3A_1083] : memref<200x256x1024xf32, #tpu.memory_space<hbm>> -> memref<1x1x1024xf32, #tpu.memory_space<hbm>>
      %dma_start3A_1085 = tpu.memref_squeeze %dma_start3A_1084 : memref<1x1x1024xf32, #tpu.memory_space<hbm>> -> memref<1024xf32, #tpu.memory_space<hbm>>
      %dma_start3A_1086 = arith.constant 4096 : i32
      %dma_start3A_1087 = tpu.memref_slice %arg8[%dma_start3A_1076, %dma_start3A_1086] : memref<2x8192xf32, #tpu.memory_space<vmem>> -> memref<1x1024xf32, #tpu.memory_space<vmem>>
      %dma_start3A_1088 = tpu.memref_squeeze %dma_start3A_1087 : memref<1x1024xf32, #tpu.memory_space<vmem>> -> memref<1024xf32, #tpu.memory_space<vmem>>
      tpu.enqueue_dma source(%dma_start3A_1088 : memref<1024xf32, #tpu.memory_space<vmem>>) target(%dma_start3A_1085 : memref<1024xf32, #tpu.memory_space<hbm>>) target_semaphore(%arg10 : memref<!tpu.dma_semaphore, #tpu.memory_space<semaphore_mem>>)
      %add3A_1089 = arith.constant 160 : i32
      %add3A_1090 = arith.addi %add3A_1089, %add3A : i32
      %dma_start3A_1091 = arith.constant 1 : i32
      %dma_start3A_1092 = arith.constant 5120 : i32
      %dma_start3A_1093 = tpu.memref_slice %arg8[%dma_start3A_1091, %dma_start3A_1092] : memref<2x8192xf32, #tpu.memory_space<vmem>> -> memref<1x1024xf32, #tpu.memory_space<vmem>>
      %dma_start3A_1094 = tpu.memref_squeeze %dma_start3A_1093 : memref<1x1024xf32, #tpu.memory_space<vmem>> -> memref<1024xf32, #tpu.memory_space<vmem>>
      %dma_start3A_1095 = arith.constant 0 : i32
      %dma_start3A_1096 = tpu.memref_slice %arg4[%add3A_986, %add3A_1090, %dma_start3A_1095] : memref<200x256x1024xf32, #tpu.memory_space<hbm>> -> memref<1x1x1024xf32, #tpu.memory_space<hbm>>
      %dma_start3A_1097 = tpu.memref_squeeze %dma_start3A_1096 : memref<1x1x1024xf32, #tpu.memory_space<hbm>> -> memref<1024xf32, #tpu.memory_space<hbm>>
      %dma_start3A_1098 = arith.constant 0 : i32
      %dma_start3A_1099 = tpu.memref_slice %arg4[%add3A_986, %add3A_1090, %dma_start3A_1098] : memref<200x256x1024xf32, #tpu.memory_space<hbm>> -> memref<1x1x1024xf32, #tpu.memory_space<hbm>>
      %dma_start3A_1100 = tpu.memref_squeeze %dma_start3A_1099 : memref<1x1x1024xf32, #tpu.memory_space<hbm>> -> memref<1024xf32, #tpu.memory_space<hbm>>
      %dma_start3A_1101 = arith.constant 5120 : i32
      %dma_start3A_1102 = tpu.memref_slice %arg8[%dma_start3A_1091, %dma_start3A_1101] : memref<2x8192xf32, #tpu.memory_space<vmem>> -> memref<1x1024xf32, #tpu.memory_space<vmem>>
      %dma_start3A_1103 = tpu.memref_squeeze %dma_start3A_1102 : memref<1x1024xf32, #tpu.memory_space<vmem>> -> memref<1024xf32, #tpu.memory_space<vmem>>
      tpu.enqueue_dma source(%dma_start3A_1103 : memref<1024xf32, #tpu.memory_space<vmem>>) target(%dma_start3A_1100 : memref<1024xf32, #tpu.memory_space<hbm>>) target_semaphore(%arg10 : memref<!tpu.dma_semaphore, #tpu.memory_space<semaphore_mem>>)
      %add3A_1104 = arith.constant 192 : i32
      %add3A_1105 = arith.addi %add3A_1104, %add3A : i32
      %dma_start3A_1106 = arith.constant 1 : i32
      %dma_start3A_1107 = arith.constant 6144 : i32
      %dma_start3A_1108 = tpu.memref_slice %arg8[%dma_start3A_1106, %dma_start3A_1107] : memref<2x8192xf32, #tpu.memory_space<vmem>> -> memref<1x1024xf32, #tpu.memory_space<vmem>>
      %dma_start3A_1109 = tpu.memref_squeeze %dma_start3A_1108 : memref<1x1024xf32, #tpu.memory_space<vmem>> -> memref<1024xf32, #tpu.memory_space<vmem>>
      %dma_start3A_1110 = arith.constant 0 : i32
      %dma_start3A_1111 = tpu.memref_slice %arg4[%add3A_986, %add3A_1105, %dma_start3A_1110] : memref<200x256x1024xf32, #tpu.memory_space<hbm>> -> memref<1x1x1024xf32, #tpu.memory_space<hbm>>
      %dma_start3A_1112 = tpu.memref_squeeze %dma_start3A_1111 : memref<1x1x1024xf32, #tpu.memory_space<hbm>> -> memref<1024xf32, #tpu.memory_space<hbm>>
      %dma_start3A_1113 = arith.constant 0 : i32
      %dma_start3A_1114 = tpu.memref_slice %arg4[%add3A_986, %add3A_1105, %dma_start3A_1113] : memref<200x256x1024xf32, #tpu.memory_space<hbm>> -> memref<1x1x1024xf32, #tpu.memory_space<hbm>>
      %dma_start3A_1115 = tpu.memref_squeeze %dma_start3A_1114 : memref<1x1x1024xf32, #tpu.memory_space<hbm>> -> memref<1024xf32, #tpu.memory_space<hbm>>
      %dma_start3A_1116 = arith.constant 6144 : i32
      %dma_start3A_1117 = tpu.memref_slice %arg8[%dma_start3A_1106, %dma_start3A_1116] : memref<2x8192xf32, #tpu.memory_space<vmem>> -> memref<1x1024xf32, #tpu.memory_space<vmem>>
      %dma_start3A_1118 = tpu.memref_squeeze %dma_start3A_1117 : memref<1x1024xf32, #tpu.memory_space<vmem>> -> memref<1024xf32, #tpu.memory_space<vmem>>
      tpu.enqueue_dma source(%dma_start3A_1118 : memref<1024xf32, #tpu.memory_space<vmem>>) target(%dma_start3A_1115 : memref<1024xf32, #tpu.memory_space<hbm>>) target_semaphore(%arg10 : memref<!tpu.dma_semaphore, #tpu.memory_space<semaphore_mem>>)
      %add3A_1119 = arith.constant 224 : i32
      %add3A_1120 = arith.addi %add3A_1119, %add3A : i32
      %dma_start3A_1121 = arith.constant 1 : i32
      %dma_start3A_1122 = arith.constant 7168 : i32
      %dma_start3A_1123 = tpu.memref_slice %arg8[%dma_start3A_1121, %dma_start3A_1122] : memref<2x8192xf32, #tpu.memory_space<vmem>> -> memref<1x1024xf32, #tpu.memory_space<vmem>>
      %dma_start3A_1124 = tpu.memref_squeeze %dma_start3A_1123 : memref<1x1024xf32, #tpu.memory_space<vmem>> -> memref<1024xf32, #tpu.memory_space<vmem>>
      %dma_start3A_1125 = arith.constant 0 : i32
      %dma_start3A_1126 = tpu.memref_slice %arg4[%add3A_986, %add3A_1120, %dma_start3A_1125] : memref<200x256x1024xf32, #tpu.memory_space<hbm>> -> memref<1x1x1024xf32, #tpu.memory_space<hbm>>
      %dma_start3A_1127 = tpu.memref_squeeze %dma_start3A_1126 : memref<1x1x1024xf32, #tpu.memory_space<hbm>> -> memref<1024xf32, #tpu.memory_space<hbm>>
      %dma_start3A_1128 = arith.constant 0 : i32
      %dma_start3A_1129 = tpu.memref_slice %arg4[%add3A_986, %add3A_1120, %dma_start3A_1128] : memref<200x256x1024xf32, #tpu.memory_space<hbm>> -> memref<1x1x1024xf32, #tpu.memory_space<hbm>>
      %dma_start3A_1130 = tpu.memref_squeeze %dma_start3A_1129 : memref<1x1x1024xf32, #tpu.memory_space<hbm>> -> memref<1024xf32, #tpu.memory_space<hbm>>
      %dma_start3A_1131 = arith.constant 7168 : i32
      %dma_start3A_1132 = tpu.memref_slice %arg8[%dma_start3A_1121, %dma_start3A_1131] : memref<2x8192xf32, #tpu.memory_space<vmem>> -> memref<1x1024xf32, #tpu.memory_space<vmem>>
      %dma_start3A_1133 = tpu.memref_squeeze %dma_start3A_1132 : memref<1x1024xf32, #tpu.memory_space<vmem>> -> memref<1024xf32, #tpu.memory_space<vmem>>
      tpu.enqueue_dma source(%dma_start3A_1133 : memref<1024xf32, #tpu.memory_space<vmem>>) target(%dma_start3A_1130 : memref<1024xf32, #tpu.memory_space<hbm>>) target_semaphore(%arg10 : memref<!tpu.dma_semaphore, #tpu.memory_space<semaphore_mem>>)
    }
    %scan3A_336 = arith.constant 99 : i32
    %add3A_337 = arith.constant 0 : i32
    %add3A_338 = arith.addi %add3A_337, %add3A : i32
    %dma_wait3A = arith.constant 0 : i32
    %dma_wait3A_339 = arith.constant 198 : i32
    %dma_wait3A_340 = arith.constant 0 : i32
    %dma_wait3A_341 = tpu.memref_slice %arg8[%dma_wait3A, %dma_wait3A_340] : memref<2x8192xf32, #tpu.memory_space<vmem>> -> memref<1x1024xf32, #tpu.memory_space<vmem>>
    %dma_wait3A_342 = tpu.memref_squeeze %dma_wait3A_341 : memref<1x1024xf32, #tpu.memory_space<vmem>> -> memref<1024xf32, #tpu.memory_space<vmem>>
    %dma_wait3A_343 = arith.constant 0 : i32
    %dma_wait3A_344 = tpu.memref_slice %arg4[%dma_wait3A_339, %add3A_338, %dma_wait3A_343] : memref<200x256x1024xf32, #tpu.memory_space<hbm>> -> memref<1x1x1024xf32, #tpu.memory_space<hbm>>
    %dma_wait3A_345 = tpu.memref_squeeze %dma_wait3A_344 : memref<1x1x1024xf32, #tpu.memory_space<hbm>> -> memref<1024xf32, #tpu.memory_space<hbm>>
    %dma_wait3A_346 = arith.constant 0 : i32
    %dma_wait3A_347 = tpu.memref_slice %arg4[%dma_wait3A_339, %add3A_338, %dma_wait3A_346] : memref<200x256x1024xf32, #tpu.memory_space<hbm>> -> memref<1x1x1024xf32, #tpu.memory_space<hbm>>
    %dma_wait3A_348 = tpu.memref_squeeze %dma_wait3A_347 : memref<1x1x1024xf32, #tpu.memory_space<hbm>> -> memref<1024xf32, #tpu.memory_space<hbm>>
    %dma_wait3A_349 = arith.constant 0 : i32
    %dma_wait3A_350 = tpu.memref_slice %arg8[%dma_wait3A, %dma_wait3A_349] : memref<2x8192xf32, #tpu.memory_space<vmem>> -> memref<1x1024xf32, #tpu.memory_space<vmem>>
    %dma_wait3A_351 = tpu.memref_squeeze %dma_wait3A_350 : memref<1x1024xf32, #tpu.memory_space<vmem>> -> memref<1024xf32, #tpu.memory_space<vmem>>
    tpu.wait_dma2 semaphore(%arg9 : memref<!tpu.dma_semaphore, #tpu.memory_space<semaphore_mem>>) src(%dma_wait3A_351 : memref<1024xf32, #tpu.memory_space<vmem>>) dst(%dma_wait3A_348 : memref<1024xf32, #tpu.memory_space<hbm>>)
    %add3A_352 = arith.constant 32 : i32
    %add3A_353 = arith.addi %add3A_352, %add3A : i32
    %dma_wait3A_354 = arith.constant 0 : i32
    %dma_wait3A_355 = arith.constant 198 : i32
    %dma_wait3A_356 = arith.constant 1024 : i32
    %dma_wait3A_357 = tpu.memref_slice %arg8[%dma_wait3A_354, %dma_wait3A_356] : memref<2x8192xf32, #tpu.memory_space<vmem>> -> memref<1x1024xf32, #tpu.memory_space<vmem>>
    %dma_wait3A_358 = tpu.memref_squeeze %dma_wait3A_357 : memref<1x1024xf32, #tpu.memory_space<vmem>> -> memref<1024xf32, #tpu.memory_space<vmem>>
    %dma_wait3A_359 = arith.constant 0 : i32
    %dma_wait3A_360 = tpu.memref_slice %arg4[%dma_wait3A_355, %add3A_353, %dma_wait3A_359] : memref<200x256x1024xf32, #tpu.memory_space<hbm>> -> memref<1x1x1024xf32, #tpu.memory_space<hbm>>
    %dma_wait3A_361 = tpu.memref_squeeze %dma_wait3A_360 : memref<1x1x1024xf32, #tpu.memory_space<hbm>> -> memref<1024xf32, #tpu.memory_space<hbm>>
    %dma_wait3A_362 = arith.constant 0 : i32
    %dma_wait3A_363 = tpu.memref_slice %arg4[%dma_wait3A_355, %add3A_353, %dma_wait3A_362] : memref<200x256x1024xf32, #tpu.memory_space<hbm>> -> memref<1x1x1024xf32, #tpu.memory_space<hbm>>
    %dma_wait3A_364 = tpu.memref_squeeze %dma_wait3A_363 : memref<1x1x1024xf32, #tpu.memory_space<hbm>> -> memref<1024xf32, #tpu.memory_space<hbm>>
    %dma_wait3A_365 = arith.constant 1024 : i32
    %dma_wait3A_366 = tpu.memref_slice %arg8[%dma_wait3A_354, %dma_wait3A_365] : memref<2x8192xf32, #tpu.memory_space<vmem>> -> memref<1x1024xf32, #tpu.memory_space<vmem>>
    %dma_wait3A_367 = tpu.memref_squeeze %dma_wait3A_366 : memref<1x1024xf32, #tpu.memory_space<vmem>> -> memref<1024xf32, #tpu.memory_space<vmem>>
    tpu.wait_dma2 semaphore(%arg9 : memref<!tpu.dma_semaphore, #tpu.memory_space<semaphore_mem>>) src(%dma_wait3A_367 : memref<1024xf32, #tpu.memory_space<vmem>>) dst(%dma_wait3A_364 : memref<1024xf32, #tpu.memory_space<hbm>>)
    %add3A_368 = arith.constant 64 : i32
    %add3A_369 = arith.addi %add3A_368, %add3A : i32
    %dma_wait3A_370 = arith.constant 0 : i32
    %dma_wait3A_371 = arith.constant 198 : i32
    %dma_wait3A_372 = arith.constant 2048 : i32
    %dma_wait3A_373 = tpu.memref_slice %arg8[%dma_wait3A_370, %dma_wait3A_372] : memref<2x8192xf32, #tpu.memory_space<vmem>> -> memref<1x1024xf32, #tpu.memory_space<vmem>>
    %dma_wait3A_374 = tpu.memref_squeeze %dma_wait3A_373 : memref<1x1024xf32, #tpu.memory_space<vmem>> -> memref<1024xf32, #tpu.memory_space<vmem>>
    %dma_wait3A_375 = arith.constant 0 : i32
    %dma_wait3A_376 = tpu.memref_slice %arg4[%dma_wait3A_371, %add3A_369, %dma_wait3A_375] : memref<200x256x1024xf32, #tpu.memory_space<hbm>> -> memref<1x1x1024xf32, #tpu.memory_space<hbm>>
    %dma_wait3A_377 = tpu.memref_squeeze %dma_wait3A_376 : memref<1x1x1024xf32, #tpu.memory_space<hbm>> -> memref<1024xf32, #tpu.memory_space<hbm>>
    %dma_wait3A_378 = arith.constant 0 : i32
    %dma_wait3A_379 = tpu.memref_slice %arg4[%dma_wait3A_371, %add3A_369, %dma_wait3A_378] : memref<200x256x1024xf32, #tpu.memory_space<hbm>> -> memref<1x1x1024xf32, #tpu.memory_space<hbm>>
    %dma_wait3A_380 = tpu.memref_squeeze %dma_wait3A_379 : memref<1x1x1024xf32, #tpu.memory_space<hbm>> -> memref<1024xf32, #tpu.memory_space<hbm>>
    %dma_wait3A_381 = arith.constant 2048 : i32
    %dma_wait3A_382 = tpu.memref_slice %arg8[%dma_wait3A_370, %dma_wait3A_381] : memref<2x8192xf32, #tpu.memory_space<vmem>> -> memref<1x1024xf32, #tpu.memory_space<vmem>>
    %dma_wait3A_383 = tpu.memref_squeeze %dma_wait3A_382 : memref<1x1024xf32, #tpu.memory_space<vmem>> -> memref<1024xf32, #tpu.memory_space<vmem>>
    tpu.wait_dma2 semaphore(%arg9 : memref<!tpu.dma_semaphore, #tpu.memory_space<semaphore_mem>>) src(%dma_wait3A_383 : memref<1024xf32, #tpu.memory_space<vmem>>) dst(%dma_wait3A_380 : memref<1024xf32, #tpu.memory_space<hbm>>)
    %add3A_384 = arith.constant 96 : i32
    %add3A_385 = arith.addi %add3A_384, %add3A : i32
    %dma_wait3A_386 = arith.constant 0 : i32
    %dma_wait3A_387 = arith.constant 198 : i32
    %dma_wait3A_388 = arith.constant 3072 : i32
    %dma_wait3A_389 = tpu.memref_slice %arg8[%dma_wait3A_386, %dma_wait3A_388] : memref<2x8192xf32, #tpu.memory_space<vmem>> -> memref<1x1024xf32, #tpu.memory_space<vmem>>
    %dma_wait3A_390 = tpu.memref_squeeze %dma_wait3A_389 : memref<1x1024xf32, #tpu.memory_space<vmem>> -> memref<1024xf32, #tpu.memory_space<vmem>>
    %dma_wait3A_391 = arith.constant 0 : i32
    %dma_wait3A_392 = tpu.memref_slice %arg4[%dma_wait3A_387, %add3A_385, %dma_wait3A_391] : memref<200x256x1024xf32, #tpu.memory_space<hbm>> -> memref<1x1x1024xf32, #tpu.memory_space<hbm>>
    %dma_wait3A_393 = tpu.memref_squeeze %dma_wait3A_392 : memref<1x1x1024xf32, #tpu.memory_space<hbm>> -> memref<1024xf32, #tpu.memory_space<hbm>>
    %dma_wait3A_394 = arith.constant 0 : i32
    %dma_wait3A_395 = tpu.memref_slice %arg4[%dma_wait3A_387, %add3A_385, %dma_wait3A_394] : memref<200x256x1024xf32, #tpu.memory_space<hbm>> -> memref<1x1x1024xf32, #tpu.memory_space<hbm>>
    %dma_wait3A_396 = tpu.memref_squeeze %dma_wait3A_395 : memref<1x1x1024xf32, #tpu.memory_space<hbm>> -> memref<1024xf32, #tpu.memory_space<hbm>>
    %dma_wait3A_397 = arith.constant 3072 : i32
    %dma_wait3A_398 = tpu.memref_slice %arg8[%dma_wait3A_386, %dma_wait3A_397] : memref<2x8192xf32, #tpu.memory_space<vmem>> -> memref<1x1024xf32, #tpu.memory_space<vmem>>
    %dma_wait3A_399 = tpu.memref_squeeze %dma_wait3A_398 : memref<1x1024xf32, #tpu.memory_space<vmem>> -> memref<1024xf32, #tpu.memory_space<vmem>>
    tpu.wait_dma2 semaphore(%arg9 : memref<!tpu.dma_semaphore, #tpu.memory_space<semaphore_mem>>) src(%dma_wait3A_399 : memref<1024xf32, #tpu.memory_space<vmem>>) dst(%dma_wait3A_396 : memref<1024xf32, #tpu.memory_space<hbm>>)
    %add3A_400 = arith.constant 128 : i32
    %add3A_401 = arith.addi %add3A_400, %add3A : i32
    %dma_wait3A_402 = arith.constant 0 : i32
    %dma_wait3A_403 = arith.constant 198 : i32
    %dma_wait3A_404 = arith.constant 4096 : i32
    %dma_wait3A_405 = tpu.memref_slice %arg8[%dma_wait3A_402, %dma_wait3A_404] : memref<2x8192xf32, #tpu.memory_space<vmem>> -> memref<1x1024xf32, #tpu.memory_space<vmem>>
    %dma_wait3A_406 = tpu.memref_squeeze %dma_wait3A_405 : memref<1x1024xf32, #tpu.memory_space<vmem>> -> memref<1024xf32, #tpu.memory_space<vmem>>
    %dma_wait3A_407 = arith.constant 0 : i32
    %dma_wait3A_408 = tpu.memref_slice %arg4[%dma_wait3A_403, %add3A_401, %dma_wait3A_407] : memref<200x256x1024xf32, #tpu.memory_space<hbm>> -> memref<1x1x1024xf32, #tpu.memory_space<hbm>>
    %dma_wait3A_409 = tpu.memref_squeeze %dma_wait3A_408 : memref<1x1x1024xf32, #tpu.memory_space<hbm>> -> memref<1024xf32, #tpu.memory_space<hbm>>
    %dma_wait3A_410 = arith.constant 0 : i32
    %dma_wait3A_411 = tpu.memref_slice %arg4[%dma_wait3A_403, %add3A_401, %dma_wait3A_410] : memref<200x256x1024xf32, #tpu.memory_space<hbm>> -> memref<1x1x1024xf32, #tpu.memory_space<hbm>>
    %dma_wait3A_412 = tpu.memref_squeeze %dma_wait3A_411 : memref<1x1x1024xf32, #tpu.memory_space<hbm>> -> memref<1024xf32, #tpu.memory_space<hbm>>
    %dma_wait3A_413 = arith.constant 4096 : i32
    %dma_wait3A_414 = tpu.memref_slice %arg8[%dma_wait3A_402, %dma_wait3A_413] : memref<2x8192xf32, #tpu.memory_space<vmem>> -> memref<1x1024xf32, #tpu.memory_space<vmem>>
    %dma_wait3A_415 = tpu.memref_squeeze %dma_wait3A_414 : memref<1x1024xf32, #tpu.memory_space<vmem>> -> memref<1024xf32, #tpu.memory_space<vmem>>
    tpu.wait_dma2 semaphore(%arg9 : memref<!tpu.dma_semaphore, #tpu.memory_space<semaphore_mem>>) src(%dma_wait3A_415 : memref<1024xf32, #tpu.memory_space<vmem>>) dst(%dma_wait3A_412 : memref<1024xf32, #tpu.memory_space<hbm>>)
    %add3A_416 = arith.constant 160 : i32
    %add3A_417 = arith.addi %add3A_416, %add3A : i32
    %dma_wait3A_418 = arith.constant 0 : i32
    %dma_wait3A_419 = arith.constant 198 : i32
    %dma_wait3A_420 = arith.constant 5120 : i32
    %dma_wait3A_421 = tpu.memref_slice %arg8[%dma_wait3A_418, %dma_wait3A_420] : memref<2x8192xf32, #tpu.memory_space<vmem>> -> memref<1x1024xf32, #tpu.memory_space<vmem>>
    %dma_wait3A_422 = tpu.memref_squeeze %dma_wait3A_421 : memref<1x1024xf32, #tpu.memory_space<vmem>> -> memref<1024xf32, #tpu.memory_space<vmem>>
    %dma_wait3A_423 = arith.constant 0 : i32
    %dma_wait3A_424 = tpu.memref_slice %arg4[%dma_wait3A_419, %add3A_417, %dma_wait3A_423] : memref<200x256x1024xf32, #tpu.memory_space<hbm>> -> memref<1x1x1024xf32, #tpu.memory_space<hbm>>
    %dma_wait3A_425 = tpu.memref_squeeze %dma_wait3A_424 : memref<1x1x1024xf32, #tpu.memory_space<hbm>> -> memref<1024xf32, #tpu.memory_space<hbm>>
    %dma_wait3A_426 = arith.constant 0 : i32
    %dma_wait3A_427 = tpu.memref_slice %arg4[%dma_wait3A_419, %add3A_417, %dma_wait3A_426] : memref<200x256x1024xf32, #tpu.memory_space<hbm>> -> memref<1x1x1024xf32, #tpu.memory_space<hbm>>
    %dma_wait3A_428 = tpu.memref_squeeze %dma_wait3A_427 : memref<1x1x1024xf32, #tpu.memory_space<hbm>> -> memref<1024xf32, #tpu.memory_space<hbm>>
    %dma_wait3A_429 = arith.constant 5120 : i32
    %dma_wait3A_430 = tpu.memref_slice %arg8[%dma_wait3A_418, %dma_wait3A_429] : memref<2x8192xf32, #tpu.memory_space<vmem>> -> memref<1x1024xf32, #tpu.memory_space<vmem>>
    %dma_wait3A_431 = tpu.memref_squeeze %dma_wait3A_430 : memref<1x1024xf32, #tpu.memory_space<vmem>> -> memref<1024xf32, #tpu.memory_space<vmem>>
    tpu.wait_dma2 semaphore(%arg9 : memref<!tpu.dma_semaphore, #tpu.memory_space<semaphore_mem>>) src(%dma_wait3A_431 : memref<1024xf32, #tpu.memory_space<vmem>>) dst(%dma_wait3A_428 : memref<1024xf32, #tpu.memory_space<hbm>>)
    %add3A_432 = arith.constant 192 : i32
    %add3A_433 = arith.addi %add3A_432, %add3A : i32
    %dma_wait3A_434 = arith.constant 0 : i32
    %dma_wait3A_435 = arith.constant 198 : i32
    %dma_wait3A_436 = arith.constant 6144 : i32
    %dma_wait3A_437 = tpu.memref_slice %arg8[%dma_wait3A_434, %dma_wait3A_436] : memref<2x8192xf32, #tpu.memory_space<vmem>> -> memref<1x1024xf32, #tpu.memory_space<vmem>>
    %dma_wait3A_438 = tpu.memref_squeeze %dma_wait3A_437 : memref<1x1024xf32, #tpu.memory_space<vmem>> -> memref<1024xf32, #tpu.memory_space<vmem>>
    %dma_wait3A_439 = arith.constant 0 : i32
    %dma_wait3A_440 = tpu.memref_slice %arg4[%dma_wait3A_435, %add3A_433, %dma_wait3A_439] : memref<200x256x1024xf32, #tpu.memory_space<hbm>> -> memref<1x1x1024xf32, #tpu.memory_space<hbm>>
    %dma_wait3A_441 = tpu.memref_squeeze %dma_wait3A_440 : memref<1x1x1024xf32, #tpu.memory_space<hbm>> -> memref<1024xf32, #tpu.memory_space<hbm>>
    %dma_wait3A_442 = arith.constant 0 : i32
    %dma_wait3A_443 = tpu.memref_slice %arg4[%dma_wait3A_435, %add3A_433, %dma_wait3A_442] : memref<200x256x1024xf32, #tpu.memory_space<hbm>> -> memref<1x1x1024xf32, #tpu.memory_space<hbm>>
    %dma_wait3A_444 = tpu.memref_squeeze %dma_wait3A_443 : memref<1x1x1024xf32, #tpu.memory_space<hbm>> -> memref<1024xf32, #tpu.memory_space<hbm>>
    %dma_wait3A_445 = arith.constant 6144 : i32
    %dma_wait3A_446 = tpu.memref_slice %arg8[%dma_wait3A_434, %dma_wait3A_445] : memref<2x8192xf32, #tpu.memory_space<vmem>> -> memref<1x1024xf32, #tpu.memory_space<vmem>>
    %dma_wait3A_447 = tpu.memref_squeeze %dma_wait3A_446 : memref<1x1024xf32, #tpu.memory_space<vmem>> -> memref<1024xf32, #tpu.memory_space<vmem>>
    tpu.wait_dma2 semaphore(%arg9 : memref<!tpu.dma_semaphore, #tpu.memory_space<semaphore_mem>>) src(%dma_wait3A_447 : memref<1024xf32, #tpu.memory_space<vmem>>) dst(%dma_wait3A_444 : memref<1024xf32, #tpu.memory_space<hbm>>)
    %add3A_448 = arith.constant 224 : i32
    %add3A_449 = arith.addi %add3A_448, %add3A : i32
    %dma_wait3A_450 = arith.constant 0 : i32
    %dma_wait3A_451 = arith.constant 198 : i32
    %dma_wait3A_452 = arith.constant 7168 : i32
    %dma_wait3A_453 = tpu.memref_slice %arg8[%dma_wait3A_450, %dma_wait3A_452] : memref<2x8192xf32, #tpu.memory_space<vmem>> -> memref<1x1024xf32, #tpu.memory_space<vmem>>
    %dma_wait3A_454 = tpu.memref_squeeze %dma_wait3A_453 : memref<1x1024xf32, #tpu.memory_space<vmem>> -> memref<1024xf32, #tpu.memory_space<vmem>>
    %dma_wait3A_455 = arith.constant 0 : i32
    %dma_wait3A_456 = tpu.memref_slice %arg4[%dma_wait3A_451, %add3A_449, %dma_wait3A_455] : memref<200x256x1024xf32, #tpu.memory_space<hbm>> -> memref<1x1x1024xf32, #tpu.memory_space<hbm>>
    %dma_wait3A_457 = tpu.memref_squeeze %dma_wait3A_456 : memref<1x1x1024xf32, #tpu.memory_space<hbm>> -> memref<1024xf32, #tpu.memory_space<hbm>>
    %dma_wait3A_458 = arith.constant 0 : i32
    %dma_wait3A_459 = tpu.memref_slice %arg4[%dma_wait3A_451, %add3A_449, %dma_wait3A_458] : memref<200x256x1024xf32, #tpu.memory_space<hbm>> -> memref<1x1x1024xf32, #tpu.memory_space<hbm>>
    %dma_wait3A_460 = tpu.memref_squeeze %dma_wait3A_459 : memref<1x1x1024xf32, #tpu.memory_space<hbm>> -> memref<1024xf32, #tpu.memory_space<hbm>>
    %dma_wait3A_461 = arith.constant 7168 : i32
    %dma_wait3A_462 = tpu.memref_slice %arg8[%dma_wait3A_450, %dma_wait3A_461] : memref<2x8192xf32, #tpu.memory_space<vmem>> -> memref<1x1024xf32, #tpu.memory_space<vmem>>
    %dma_wait3A_463 = tpu.memref_squeeze %dma_wait3A_462 : memref<1x1024xf32, #tpu.memory_space<vmem>> -> memref<1024xf32, #tpu.memory_space<vmem>>
    tpu.wait_dma2 semaphore(%arg9 : memref<!tpu.dma_semaphore, #tpu.memory_space<semaphore_mem>>) src(%dma_wait3A_463 : memref<1024xf32, #tpu.memory_space<vmem>>) dst(%dma_wait3A_460 : memref<1024xf32, #tpu.memory_space<hbm>>)
    %add3A_464 = arith.constant 0 : i32
    %add3A_465 = arith.addi %add3A_464, %add3A : i32
    %dma_wait3A_466 = arith.constant 1 : i32
    %dma_wait3A_467 = arith.constant 199 : i32
    %dma_wait3A_468 = arith.constant 0 : i32
    %dma_wait3A_469 = tpu.memref_slice %arg8[%dma_wait3A_466, %dma_wait3A_468] : memref<2x8192xf32, #tpu.memory_space<vmem>> -> memref<1x1024xf32, #tpu.memory_space<vmem>>
    %dma_wait3A_470 = tpu.memref_squeeze %dma_wait3A_469 : memref<1x1024xf32, #tpu.memory_space<vmem>> -> memref<1024xf32, #tpu.memory_space<vmem>>
    %dma_wait3A_471 = arith.constant 0 : i32
    %dma_wait3A_472 = tpu.memref_slice %arg4[%dma_wait3A_467, %add3A_465, %dma_wait3A_471] : memref<200x256x1024xf32, #tpu.memory_space<hbm>> -> memref<1x1x1024xf32, #tpu.memory_space<hbm>>
    %dma_wait3A_473 = tpu.memref_squeeze %dma_wait3A_472 : memref<1x1x1024xf32, #tpu.memory_space<hbm>> -> memref<1024xf32, #tpu.memory_space<hbm>>
    %dma_wait3A_474 = arith.constant 0 : i32
    %dma_wait3A_475 = tpu.memref_slice %arg4[%dma_wait3A_467, %add3A_465, %dma_wait3A_474] : memref<200x256x1024xf32, #tpu.memory_space<hbm>> -> memref<1x1x1024xf32, #tpu.memory_space<hbm>>
    %dma_wait3A_476 = tpu.memref_squeeze %dma_wait3A_475 : memref<1x1x1024xf32, #tpu.memory_space<hbm>> -> memref<1024xf32, #tpu.memory_space<hbm>>
    %dma_wait3A_477 = arith.constant 0 : i32
    %dma_wait3A_478 = tpu.memref_slice %arg8[%dma_wait3A_466, %dma_wait3A_477] : memref<2x8192xf32, #tpu.memory_space<vmem>> -> memref<1x1024xf32, #tpu.memory_space<vmem>>
    %dma_wait3A_479 = tpu.memref_squeeze %dma_wait3A_478 : memref<1x1024xf32, #tpu.memory_space<vmem>> -> memref<1024xf32, #tpu.memory_space<vmem>>
    tpu.wait_dma2 semaphore(%arg10 : memref<!tpu.dma_semaphore, #tpu.memory_space<semaphore_mem>>) src(%dma_wait3A_479 : memref<1024xf32, #tpu.memory_space<vmem>>) dst(%dma_wait3A_476 : memref<1024xf32, #tpu.memory_space<hbm>>)
    %add3A_480 = arith.constant 32 : i32
    %add3A_481 = arith.addi %add3A_480, %add3A : i32
    %dma_wait3A_482 = arith.constant 1 : i32
    %dma_wait3A_483 = arith.constant 199 : i32
    %dma_wait3A_484 = arith.constant 1024 : i32
    %dma_wait3A_485 = tpu.memref_slice %arg8[%dma_wait3A_482, %dma_wait3A_484] : memref<2x8192xf32, #tpu.memory_space<vmem>> -> memref<1x1024xf32, #tpu.memory_space<vmem>>
    %dma_wait3A_486 = tpu.memref_squeeze %dma_wait3A_485 : memref<1x1024xf32, #tpu.memory_space<vmem>> -> memref<1024xf32, #tpu.memory_space<vmem>>
    %dma_wait3A_487 = arith.constant 0 : i32
    %dma_wait3A_488 = tpu.memref_slice %arg4[%dma_wait3A_483, %add3A_481, %dma_wait3A_487] : memref<200x256x1024xf32, #tpu.memory_space<hbm>> -> memref<1x1x1024xf32, #tpu.memory_space<hbm>>
    %dma_wait3A_489 = tpu.memref_squeeze %dma_wait3A_488 : memref<1x1x1024xf32, #tpu.memory_space<hbm>> -> memref<1024xf32, #tpu.memory_space<hbm>>
    %dma_wait3A_490 = arith.constant 0 : i32
    %dma_wait3A_491 = tpu.memref_slice %arg4[%dma_wait3A_483, %add3A_481, %dma_wait3A_490] : memref<200x256x1024xf32, #tpu.memory_space<hbm>> -> memref<1x1x1024xf32, #tpu.memory_space<hbm>>
    %dma_wait3A_492 = tpu.memref_squeeze %dma_wait3A_491 : memref<1x1x1024xf32, #tpu.memory_space<hbm>> -> memref<1024xf32, #tpu.memory_space<hbm>>
    %dma_wait3A_493 = arith.constant 1024 : i32
    %dma_wait3A_494 = tpu.memref_slice %arg8[%dma_wait3A_482, %dma_wait3A_493] : memref<2x8192xf32, #tpu.memory_space<vmem>> -> memref<1x1024xf32, #tpu.memory_space<vmem>>
    %dma_wait3A_495 = tpu.memref_squeeze %dma_wait3A_494 : memref<1x1024xf32, #tpu.memory_space<vmem>> -> memref<1024xf32, #tpu.memory_space<vmem>>
    tpu.wait_dma2 semaphore(%arg10 : memref<!tpu.dma_semaphore, #tpu.memory_space<semaphore_mem>>) src(%dma_wait3A_495 : memref<1024xf32, #tpu.memory_space<vmem>>) dst(%dma_wait3A_492 : memref<1024xf32, #tpu.memory_space<hbm>>)
    %add3A_496 = arith.constant 64 : i32
    %add3A_497 = arith.addi %add3A_496, %add3A : i32
    %dma_wait3A_498 = arith.constant 1 : i32
    %dma_wait3A_499 = arith.constant 199 : i32
    %dma_wait3A_500 = arith.constant 2048 : i32
    %dma_wait3A_501 = tpu.memref_slice %arg8[%dma_wait3A_498, %dma_wait3A_500] : memref<2x8192xf32, #tpu.memory_space<vmem>> -> memref<1x1024xf32, #tpu.memory_space<vmem>>
    %dma_wait3A_502 = tpu.memref_squeeze %dma_wait3A_501 : memref<1x1024xf32, #tpu.memory_space<vmem>> -> memref<1024xf32, #tpu.memory_space<vmem>>
    %dma_wait3A_503 = arith.constant 0 : i32
    %dma_wait3A_504 = tpu.memref_slice %arg4[%dma_wait3A_499, %add3A_497, %dma_wait3A_503] : memref<200x256x1024xf32, #tpu.memory_space<hbm>> -> memref<1x1x1024xf32, #tpu.memory_space<hbm>>
    %dma_wait3A_505 = tpu.memref_squeeze %dma_wait3A_504 : memref<1x1x1024xf32, #tpu.memory_space<hbm>> -> memref<1024xf32, #tpu.memory_space<hbm>>
    %dma_wait3A_506 = arith.constant 0 : i32
    %dma_wait3A_507 = tpu.memref_slice %arg4[%dma_wait3A_499, %add3A_497, %dma_wait3A_506] : memref<200x256x1024xf32, #tpu.memory_space<hbm>> -> memref<1x1x1024xf32, #tpu.memory_space<hbm>>
    %dma_wait3A_508 = tpu.memref_squeeze %dma_wait3A_507 : memref<1x1x1024xf32, #tpu.memory_space<hbm>> -> memref<1024xf32, #tpu.memory_space<hbm>>
    %dma_wait3A_509 = arith.constant 2048 : i32
    %dma_wait3A_510 = tpu.memref_slice %arg8[%dma_wait3A_498, %dma_wait3A_509] : memref<2x8192xf32, #tpu.memory_space<vmem>> -> memref<1x1024xf32, #tpu.memory_space<vmem>>
    %dma_wait3A_511 = tpu.memref_squeeze %dma_wait3A_510 : memref<1x1024xf32, #tpu.memory_space<vmem>> -> memref<1024xf32, #tpu.memory_space<vmem>>
    tpu.wait_dma2 semaphore(%arg10 : memref<!tpu.dma_semaphore, #tpu.memory_space<semaphore_mem>>) src(%dma_wait3A_511 : memref<1024xf32, #tpu.memory_space<vmem>>) dst(%dma_wait3A_508 : memref<1024xf32, #tpu.memory_space<hbm>>)
    %add3A_512 = arith.constant 96 : i32
    %add3A_513 = arith.addi %add3A_512, %add3A : i32
    %dma_wait3A_514 = arith.constant 1 : i32
    %dma_wait3A_515 = arith.constant 199 : i32
    %dma_wait3A_516 = arith.constant 3072 : i32
    %dma_wait3A_517 = tpu.memref_slice %arg8[%dma_wait3A_514, %dma_wait3A_516] : memref<2x8192xf32, #tpu.memory_space<vmem>> -> memref<1x1024xf32, #tpu.memory_space<vmem>>
    %dma_wait3A_518 = tpu.memref_squeeze %dma_wait3A_517 : memref<1x1024xf32, #tpu.memory_space<vmem>> -> memref<1024xf32, #tpu.memory_space<vmem>>
    %dma_wait3A_519 = arith.constant 0 : i32
    %dma_wait3A_520 = tpu.memref_slice %arg4[%dma_wait3A_515, %add3A_513, %dma_wait3A_519] : memref<200x256x1024xf32, #tpu.memory_space<hbm>> -> memref<1x1x1024xf32, #tpu.memory_space<hbm>>
    %dma_wait3A_521 = tpu.memref_squeeze %dma_wait3A_520 : memref<1x1x1024xf32, #tpu.memory_space<hbm>> -> memref<1024xf32, #tpu.memory_space<hbm>>
    %dma_wait3A_522 = arith.constant 0 : i32
    %dma_wait3A_523 = tpu.memref_slice %arg4[%dma_wait3A_515, %add3A_513, %dma_wait3A_522] : memref<200x256x1024xf32, #tpu.memory_space<hbm>> -> memref<1x1x1024xf32, #tpu.memory_space<hbm>>
    %dma_wait3A_524 = tpu.memref_squeeze %dma_wait3A_523 : memref<1x1x1024xf32, #tpu.memory_space<hbm>> -> memref<1024xf32, #tpu.memory_space<hbm>>
    %dma_wait3A_525 = arith.constant 3072 : i32
    %dma_wait3A_526 = tpu.memref_slice %arg8[%dma_wait3A_514, %dma_wait3A_525] : memref<2x8192xf32, #tpu.memory_space<vmem>> -> memref<1x1024xf32, #tpu.memory_space<vmem>>
    %dma_wait3A_527 = tpu.memref_squeeze %dma_wait3A_526 : memref<1x1024xf32, #tpu.memory_space<vmem>> -> memref<1024xf32, #tpu.memory_space<vmem>>
    tpu.wait_dma2 semaphore(%arg10 : memref<!tpu.dma_semaphore, #tpu.memory_space<semaphore_mem>>) src(%dma_wait3A_527 : memref<1024xf32, #tpu.memory_space<vmem>>) dst(%dma_wait3A_524 : memref<1024xf32, #tpu.memory_space<hbm>>)
    %add3A_528 = arith.constant 128 : i32
    %add3A_529 = arith.addi %add3A_528, %add3A : i32
    %dma_wait3A_530 = arith.constant 1 : i32
    %dma_wait3A_531 = arith.constant 199 : i32
    %dma_wait3A_532 = arith.constant 4096 : i32
    %dma_wait3A_533 = tpu.memref_slice %arg8[%dma_wait3A_530, %dma_wait3A_532] : memref<2x8192xf32, #tpu.memory_space<vmem>> -> memref<1x1024xf32, #tpu.memory_space<vmem>>
    %dma_wait3A_534 = tpu.memref_squeeze %dma_wait3A_533 : memref<1x1024xf32, #tpu.memory_space<vmem>> -> memref<1024xf32, #tpu.memory_space<vmem>>
    %dma_wait3A_535 = arith.constant 0 : i32
    %dma_wait3A_536 = tpu.memref_slice %arg4[%dma_wait3A_531, %add3A_529, %dma_wait3A_535] : memref<200x256x1024xf32, #tpu.memory_space<hbm>> -> memref<1x1x1024xf32, #tpu.memory_space<hbm>>
    %dma_wait3A_537 = tpu.memref_squeeze %dma_wait3A_536 : memref<1x1x1024xf32, #tpu.memory_space<hbm>> -> memref<1024xf32, #tpu.memory_space<hbm>>
    %dma_wait3A_538 = arith.constant 0 : i32
    %dma_wait3A_539 = tpu.memref_slice %arg4[%dma_wait3A_531, %add3A_529, %dma_wait3A_538] : memref<200x256x1024xf32, #tpu.memory_space<hbm>> -> memref<1x1x1024xf32, #tpu.memory_space<hbm>>
    %dma_wait3A_540 = tpu.memref_squeeze %dma_wait3A_539 : memref<1x1x1024xf32, #tpu.memory_space<hbm>> -> memref<1024xf32, #tpu.memory_space<hbm>>
    %dma_wait3A_541 = arith.constant 4096 : i32
    %dma_wait3A_542 = tpu.memref_slice %arg8[%dma_wait3A_530, %dma_wait3A_541] : memref<2x8192xf32, #tpu.memory_space<vmem>> -> memref<1x1024xf32, #tpu.memory_space<vmem>>
    %dma_wait3A_543 = tpu.memref_squeeze %dma_wait3A_542 : memref<1x1024xf32, #tpu.memory_space<vmem>> -> memref<1024xf32, #tpu.memory_space<vmem>>
    tpu.wait_dma2 semaphore(%arg10 : memref<!tpu.dma_semaphore, #tpu.memory_space<semaphore_mem>>) src(%dma_wait3A_543 : memref<1024xf32, #tpu.memory_space<vmem>>) dst(%dma_wait3A_540 : memref<1024xf32, #tpu.memory_space<hbm>>)
    %add3A_544 = arith.constant 160 : i32
    %add3A_545 = arith.addi %add3A_544, %add3A : i32
    %dma_wait3A_546 = arith.constant 1 : i32
    %dma_wait3A_547 = arith.constant 199 : i32
    %dma_wait3A_548 = arith.constant 5120 : i32
    %dma_wait3A_549 = tpu.memref_slice %arg8[%dma_wait3A_546, %dma_wait3A_548] : memref<2x8192xf32, #tpu.memory_space<vmem>> -> memref<1x1024xf32, #tpu.memory_space<vmem>>
    %dma_wait3A_550 = tpu.memref_squeeze %dma_wait3A_549 : memref<1x1024xf32, #tpu.memory_space<vmem>> -> memref<1024xf32, #tpu.memory_space<vmem>>
    %dma_wait3A_551 = arith.constant 0 : i32
    %dma_wait3A_552 = tpu.memref_slice %arg4[%dma_wait3A_547, %add3A_545, %dma_wait3A_551] : memref<200x256x1024xf32, #tpu.memory_space<hbm>> -> memref<1x1x1024xf32, #tpu.memory_space<hbm>>
    %dma_wait3A_553 = tpu.memref_squeeze %dma_wait3A_552 : memref<1x1x1024xf32, #tpu.memory_space<hbm>> -> memref<1024xf32, #tpu.memory_space<hbm>>
    %dma_wait3A_554 = arith.constant 0 : i32
    %dma_wait3A_555 = tpu.memref_slice %arg4[%dma_wait3A_547, %add3A_545, %dma_wait3A_554] : memref<200x256x1024xf32, #tpu.memory_space<hbm>> -> memref<1x1x1024xf32, #tpu.memory_space<hbm>>
    %dma_wait3A_556 = tpu.memref_squeeze %dma_wait3A_555 : memref<1x1x1024xf32, #tpu.memory_space<hbm>> -> memref<1024xf32, #tpu.memory_space<hbm>>
    %dma_wait3A_557 = arith.constant 5120 : i32
    %dma_wait3A_558 = tpu.memref_slice %arg8[%dma_wait3A_546, %dma_wait3A_557] : memref<2x8192xf32, #tpu.memory_space<vmem>> -> memref<1x1024xf32, #tpu.memory_space<vmem>>
    %dma_wait3A_559 = tpu.memref_squeeze %dma_wait3A_558 : memref<1x1024xf32, #tpu.memory_space<vmem>> -> memref<1024xf32, #tpu.memory_space<vmem>>
    tpu.wait_dma2 semaphore(%arg10 : memref<!tpu.dma_semaphore, #tpu.memory_space<semaphore_mem>>) src(%dma_wait3A_559 : memref<1024xf32, #tpu.memory_space<vmem>>) dst(%dma_wait3A_556 : memref<1024xf32, #tpu.memory_space<hbm>>)
    %add3A_560 = arith.constant 192 : i32
    %add3A_561 = arith.addi %add3A_560, %add3A : i32
    %dma_wait3A_562 = arith.constant 1 : i32
    %dma_wait3A_563 = arith.constant 199 : i32
    %dma_wait3A_564 = arith.constant 6144 : i32
    %dma_wait3A_565 = tpu.memref_slice %arg8[%dma_wait3A_562, %dma_wait3A_564] : memref<2x8192xf32, #tpu.memory_space<vmem>> -> memref<1x1024xf32, #tpu.memory_space<vmem>>
    %dma_wait3A_566 = tpu.memref_squeeze %dma_wait3A_565 : memref<1x1024xf32, #tpu.memory_space<vmem>> -> memref<1024xf32, #tpu.memory_space<vmem>>
    %dma_wait3A_567 = arith.constant 0 : i32
    %dma_wait3A_568 = tpu.memref_slice %arg4[%dma_wait3A_563, %add3A_561, %dma_wait3A_567] : memref<200x256x1024xf32, #tpu.memory_space<hbm>> -> memref<1x1x1024xf32, #tpu.memory_space<hbm>>
    %dma_wait3A_569 = tpu.memref_squeeze %dma_wait3A_568 : memref<1x1x1024xf32, #tpu.memory_space<hbm>> -> memref<1024xf32, #tpu.memory_space<hbm>>
    %dma_wait3A_570 = arith.constant 0 : i32
    %dma_wait3A_571 = tpu.memref_slice %arg4[%dma_wait3A_563, %add3A_561, %dma_wait3A_570] : memref<200x256x1024xf32, #tpu.memory_space<hbm>> -> memref<1x1x1024xf32, #tpu.memory_space<hbm>>
    %dma_wait3A_572 = tpu.memref_squeeze %dma_wait3A_571 : memref<1x1x1024xf32, #tpu.memory_space<hbm>> -> memref<1024xf32, #tpu.memory_space<hbm>>
    %dma_wait3A_573 = arith.constant 6144 : i32
    %dma_wait3A_574 = tpu.memref_slice %arg8[%dma_wait3A_562, %dma_wait3A_573] : memref<2x8192xf32, #tpu.memory_space<vmem>> -> memref<1x1024xf32, #tpu.memory_space<vmem>>
    %dma_wait3A_575 = tpu.memref_squeeze %dma_wait3A_574 : memref<1x1024xf32, #tpu.memory_space<vmem>> -> memref<1024xf32, #tpu.memory_space<vmem>>
    tpu.wait_dma2 semaphore(%arg10 : memref<!tpu.dma_semaphore, #tpu.memory_space<semaphore_mem>>) src(%dma_wait3A_575 : memref<1024xf32, #tpu.memory_space<vmem>>) dst(%dma_wait3A_572 : memref<1024xf32, #tpu.memory_space<hbm>>)
    %add3A_576 = arith.constant 224 : i32
    %add3A_577 = arith.addi %add3A_576, %add3A : i32
    %dma_wait3A_578 = arith.constant 1 : i32
    %dma_wait3A_579 = arith.constant 199 : i32
    %dma_wait3A_580 = arith.constant 7168 : i32
    %dma_wait3A_581 = tpu.memref_slice %arg8[%dma_wait3A_578, %dma_wait3A_580] : memref<2x8192xf32, #tpu.memory_space<vmem>> -> memref<1x1024xf32, #tpu.memory_space<vmem>>
    %dma_wait3A_582 = tpu.memref_squeeze %dma_wait3A_581 : memref<1x1024xf32, #tpu.memory_space<vmem>> -> memref<1024xf32, #tpu.memory_space<vmem>>
    %dma_wait3A_583 = arith.constant 0 : i32
    %dma_wait3A_584 = tpu.memref_slice %arg4[%dma_wait3A_579, %add3A_577, %dma_wait3A_583] : memref<200x256x1024xf32, #tpu.memory_space<hbm>> -> memref<1x1x1024xf32, #tpu.memory_space<hbm>>
    %dma_wait3A_585 = tpu.memref_squeeze %dma_wait3A_584 : memref<1x1x1024xf32, #tpu.memory_space<hbm>> -> memref<1024xf32, #tpu.memory_space<hbm>>
    %dma_wait3A_586 = arith.constant 0 : i32
    %dma_wait3A_587 = tpu.memref_slice %arg4[%dma_wait3A_579, %add3A_577, %dma_wait3A_586] : memref<200x256x1024xf32, #tpu.memory_space<hbm>> -> memref<1x1x1024xf32, #tpu.memory_space<hbm>>
    %dma_wait3A_588 = tpu.memref_squeeze %dma_wait3A_587 : memref<1x1x1024xf32, #tpu.memory_space<hbm>> -> memref<1024xf32, #tpu.memory_space<hbm>>
    %dma_wait3A_589 = arith.constant 7168 : i32
    %dma_wait3A_590 = tpu.memref_slice %arg8[%dma_wait3A_578, %dma_wait3A_589] : memref<2x8192xf32, #tpu.memory_space<vmem>> -> memref<1x1024xf32, #tpu.memory_space<vmem>>
    %dma_wait3A_591 = tpu.memref_squeeze %dma_wait3A_590 : memref<1x1024xf32, #tpu.memory_space<vmem>> -> memref<1024xf32, #tpu.memory_space<vmem>>
    tpu.wait_dma2 semaphore(%arg10 : memref<!tpu.dma_semaphore, #tpu.memory_space<semaphore_mem>>) src(%dma_wait3A_591 : memref<1024xf32, #tpu.memory_space<vmem>>) dst(%dma_wait3A_588 : memref<1024xf32, #tpu.memory_space<hbm>>)
    return
  }
}

</mosaic_0001>

<sc_bundles>
// kernel: kernel.3.cloned.1.call-start
scs
__scs_entry_jumppad:
0x0: {  	(pc) =	sbr.rel $0x88, $3  }
0x1: {  	(tag) =	ssettag $0x0;
	lr =	simm.s32 $0x1  }
0x2: {  	[smem:$0x3F9F] =	sst lr;
	_ =	strace $0xD0000000  }
0x3: {  	_ = 	snop  }
0x4: {  	_ = 	snop  }
0x5: {  	_ = 	snop  }
0x6: {  	_ = 	snop  }
0x7: {  	_ = 	snop  }
__scs_overlays_trampoline_lowered:
0x8: {  	[smem:$0x3FAE] =	sst s0  }
0x9: {  	[smem:$0x3FAF] =	sst s1  }
0xa: {  	[smem:$0x3FB0] =	sst s2  }
0xb: {  	[smem:$0x3FB1] =	sst s3  }
0xc: {  	[smem:$0x3FB2] =	sst s4  }
0xd: {  	[smem:$0x3FB3] =	sst s5  }
0xe: {  	[smem:$0x3FB4] =	sst s6  }
0xf: {  	[smem:$0x3FB5] =	sst s7  }
0x10: {  	[smem:$0x3FB6] =	sst s8  }
0x11: {  	[smem:$0x3FB7] =	sst s9;
	s0 =	simm.s32 @!p0 $0x0  }
0x12: {  	s1 =	sld [smem:$0x3F9D];
	s0 =	simm.s32 @p0 $0x1  }
0x13: {  	[smem:$0x3FB8] =	sst s0;
	s0 =	simm.s32 @!p1 $0x0  }
0x14: {  	s2 =	sld [smem:$0x3F9C];
	s0 =	simm.s32 @p1 $0x1  }
0x15: {  	[smem:$0x3FB9] =	sst s0;
	s0 =	simm.s32 @!p2 $0x0  }
0x16: {  	s3 =	sld [smem:$0x3FDB];
	s0 =	simm.s32 @p2 $0x1  }
0x17: {  	s4 =	simm.s32 $0x1BF5;
	[smem:$0x3FBB] =	sst s0  }
0x18: {  	s0 =	sld [smem:$0x3F9E];
	_ =	swait.ge [sflag:s4], $0x0  }
0x19: {  	s7 =	sld [smem:$0x3F9F]  }
0x1a: {  	s8 =	sadd.s32 $0xFFFFE003, lr  }
0x1b: {  	s9 =	sadd.s32 $0xFFFFFEF7, lr;
	s5 =	simm.s32 $0xFFFFFFFF;
	p2 =	slt.u32 s8, $0xFFFFF086  }
0x1c: {  	p1 =	slt.u32 s9, $0xF7A;
	s5 =	simm.s32 @!p2 $0x0  }
0x1d: {  	s5 =	simm.s32 @p1 $0x1;
	p0 =	seq.s32 s7, s2  }
0x1e: {  	s7 =	smul.u32 @!p0 $0xF7A, s2;
	p2 =	seq.s32 @!p0 s5, $0x0  }
0x1f: {  	s9 =	smul.u32 $0xF7A, s1;
	s8 =	simm.s32 @!p0 $0x1BF5;
	p2 =	por !p2, p0  }
0x20: {  	[sflag:s8] =	ssyncset.s32 @!p0 $0xFFFFF086;
	s6 =	sadd.s32 @!p0 s3, s7;
	s7 =	simm.s32 @!p0 $0x108  }
0x21: {  	s3 =	sadd.s32 s3, s9;
	s6 =	sadd.s32 @!p0 $0x88, s6;
	s7 =	simm.s32 @p2 $0x1082  }
0x22: {  	[simem:s7], [sflag:s8] =	dma.local @!p0 [hbm:s6], $0xF7A  }
0x23: {  	s9 =	sor.u32 $0xD0000000, s2;
	s6 =	simm.s32 $0x108;
	_ =	swait.ge @!p0 [sflag:s8], $0x0  }
0x24: {  	s3 =	sadd.s32 $0x88, s3;
	s6 =	simm.s32 @!p1 $0x1082;
	[sflag:s4] =	ssyncset.s32 $0xFFFFF086  }
0x25: {  	[simem:s6], [sflag:s4] =	dma.local [hbm:s3], $0xF7A  }
0x26: {  	[smem:$0x3F9F] =	sst s1;
	(tag) =	ssettag s2;
	_ =	strace s9  }
0x27: {  	s1 =	sld [smem:$0x3FAF]  }
0x28: {  	s2 =	sld [smem:$0x3FB0]  }
0x29: {  	s4 =	sld [smem:$0x3FB2]  }
0x2a: {  	p0 =	seq.s32 s5, $0x0;
	s5 =	sld [smem:$0x3FB3]  }
0x2b: {  	s6 =	sld [smem:$0x3FB4]  }
0x2c: {  	s7 =	sld [smem:$0x3FB5]  }
0x2d: {  	s3 =	simm.s32 $0x108;
	s8 =	sld [smem:$0x3FB6]  }
0x2e: {  	s3 =	simm.s32 @!p0 $0x1082;
	s9 =	sld [smem:$0x3FB7]  }
0x2f: {  	lr =	sadd.s32 s0, s3;
	s0 =	sld [smem:$0x3FAE]  }
0x30: {  	s3 =	sld [smem:$0x3FB1]  }
0x31: {  	[smem:$0x3FBA] =	sst s10  }
0x32: {  	s10 =	sld [smem:$0x3FB8];
	_ =	sdelay $0x3  }
0x33: {  	p0 =	seq.s32 s10, $0x1;
	s10 =	sld [smem:$0x3FBA];
	_ =	sdelay $0x3  }
0x34: {  	[smem:$0x3FBA] =	sst s10  }
0x35: {  	s10 =	sld [smem:$0x3FB9];
	_ =	sdelay $0x3  }
0x36: {  	p1 =	seq.s32 s10, $0x1;
	s10 =	sld [smem:$0x3FBA];
	_ =	sdelay $0x3  }
0x37: {  	[smem:$0x3FBA] =	sst s10  }
0x38: {  	s10 =	sld [smem:$0x3FBB]  }
0x39: {  	_ = 	snop;
	(pc) =	sbr.ind lr, $3  }
0x3a: {  	_ = 	snop  }
0x3b: {  	_ = 	snop  }
0x3c: {  	p2 =	seq.s32 s10, $0x1;
	s10 =	sld [smem:$0x3FBA]  }
0x3d: {  	_ =	shalt  }
0x3e: {  	_ =	shalt  }
0x3f: {  	_ =	shalt  }
0x40: {  	_ =	shalt  }
0x41: {  	_ =	shalt  }
0x42: {  	_ =	shalt  }
0x43: {  	_ =	shalt  }
0x44: {  	_ =	shalt  }
0x45: {  	_ =	shalt  }
0x46: {  	_ =	shalt  }
0x47: {  	_ =	shalt  }
0x48: {  	_ =	shalt  }
0x49: {  	_ =	shalt  }
0x4a: {  	_ =	shalt  }
0x4b: {  	_ =	shalt  }
0x4c: {  	_ =	shalt  }
0x4d: {  	_ =	shalt  }
0x4e: {  	_ =	shalt  }
0x4f: {  	_ =	shalt  }
0x50: {  	_ =	shalt  }
0x51: {  	_ =	shalt  }
0x52: {  	_ =	shalt  }
0x53: {  	_ =	shalt  }
0x54: {  	_ =	shalt  }
0x55: {  	_ =	shalt  }
0x56: {  	_ =	shalt  }
0x57: {  	_ =	shalt  }
0x58: {  	_ =	shalt  }
0x59: {  	_ =	shalt  }
0x5a: {  	_ =	shalt  }
0x5b: {  	_ =	shalt  }
0x5c: {  	_ =	shalt  }
0x5d: {  	_ =	shalt  }
0x5e: {  	_ =	shalt  }
0x5f: {  	_ =	shalt  }
0x60: {  	_ =	shalt  }
0x61: {  	_ =	shalt  }
0x62: {  	_ =	shalt  }
0x63: {  	_ =	shalt  }
0x64: {  	_ =	shalt  }
0x65: {  	_ =	shalt  }
0x66: {  	_ =	shalt  }
0x67: {  	_ =	shalt  }
0x68: {  	_ =	shalt  }
0x69: {  	_ =	shalt  }
0x6a: {  	_ =	shalt  }
0x6b: {  	_ =	shalt  }
0x6c: {  	_ =	shalt  }
0x6d: {  	_ =	shalt  }
0x6e: {  	_ =	shalt  }
0x6f: {  	_ =	shalt  }
0x70: {  	_ =	shalt  }
0x71: {  	_ =	shalt  }
0x72: {  	_ =	shalt  }
0x73: {  	_ =	shalt  }
0x74: {  	_ =	shalt  }
0x75: {  	_ =	shalt  }
0x76: {  	_ =	shalt  }
0x77: {  	_ =	shalt  }
0x78: {  	_ =	shalt  }
0x79: {  	_ =	shalt  }
0x7a: {  	_ =	shalt  }
0x7b: {  	_ =	shalt  }
0x7c: {  	_ =	shalt  }
0x7d: {  	_ =	shalt  }
0x7e: {  	_ =	shalt  }
0x7f: {  	_ =	shalt  }
0x80: {  	_ =	shalt  }
0x81: {  	_ =	shalt  }
0x82: {  	_ =	shalt  }
0x83: {  	_ =	shalt  }
0x84: {  	_ =	shalt  }
0x85: {  	_ =	shalt  }
0x86: {  	_ =	shalt  }
0x87: {  	_ =	shalt  }
.Lfunc_end0:
.L_simem_size_0:
called_computation_lowered:
.L_overlay_start_0:
0x88: {  	s2 =	sld [smem:$0x3FD9]  }
0x89: {  	s3 =	sld [smem:$0x3FFE];
	_ =	sdelay $0x1  }
0x8a: {  	s1 =	srdreg.scid  }
0x8b: {  	s0 =	sand.u32 $0x1, s1  }
0x8c: {  	s17 =	sshll.u32 s0, $0xA;
	s2 =	sadd.s32 s3, s2  }
0x8d: {  	s2 =	sadd.s32 s2, s17  }
0x8e: {  	[smem:$0x3FC6] =	sst s2  }
0x8f: {  	_ = 	snop  }
0x90: {  	s2 =	sld [smem:$0x3FD0];
	(tm) =	ssettm $0x1  }
0x91: {  	s18 =	sld [smem:$0x3FFB];
	_ =	sdelay $0x3  }
0x92: {  	_ =	strace s18  }
0x93: {  	s3 =	sld [smem:$0x3FFC];
	_ =	sdelay $0x3  }
0x94: {  	_ =	strace s3  }
0x95: {  	s3 =	sld [smem:$0x3FFD];
	_ =	sdelay $0x3  }
0x96: {  	_ =	strace s3  }
0x97: {  	_ =	strace $0x8FFFFFFF  }
0x98: {  	s19 =	sld [smem:$0x3FDB];
	_ =	sdelay $0x1  }
0x99: {  	s4 =	simm.s32 $_scs_section_size  }
0x9a: {  	s5 =	simm.s32 $_size__tile_overlayer_lowered;
	s6 =	simm.s32 $_tile_overlayer_lowered  }
0x9b: {  	s22 =	simm.s32 $0x1BFF;
	s21 =	sshll.u32 s6, $0x1;
	s3 =	sadd.s32 s4, s19  }
0x9c: {  	s7 =	simm.s32 $0x0;
	s20 =	sshll.u32 s5, $0x1;
	s5 =	sadd.s32 s21, s3  }
0x9d: {  	[timem:s7], [sflag:s22] =	dma.local [hbm:s5], s20  }
0x9e: {  	_ =	swait.ge [sflag:s22], s20  }
0x9f: {  	s4 =	ssub.s32 $0x0, s20;
	[sflag:s22] =	ssyncset.done $0x0  }
0xa0: {  	[sflag:s22] =	ssyncadd.s32 s4;
	_ =	sdelay $0x1  }
0xa1: {  	s23 =	simm.s32 $0x1B8B  }
0xa2: {  	_ =	swait.ge [sflag:s23], $0x1  }
0xa3: {  	[sflag:s23] =	ssyncset.done $0x0  }
0xa4: {  	s25 =	simm.s32 $0x1B8E;
	s24 =	sld [smem:$0x3FFE];
	[sflag:s23] =	ssyncadd.s32 $0xFFFFFFFF  }
0xa5: {  	s26 =	simm.s32 $execute0_lowered;
	[smem:$0x3FD2] =	sst s25  }
0xa6: {  	s5 =	sshll.u32 s26, $0x1;
	_ =	strace $0x80000046;
	[dreg:$0x1] =	wrdreg $0xFFFFFFFF  }
0xa7: {  	s28 =	simm.s32 $_size_execute0_lowered;
	s3 =	sadd.s32 s3, s5;
	[dreg:$0x0] =	wrdreg $0x0  }
0xa8: {  	s5 =	sshll.u32 s28, $0x1;
	[dreg:$0x2] =	wrdreg s3  }
0xa9: {  	[dreg:$0x3] =	wrdreg s5  }
0xaa: {  	[dreg:$0x4] =	wrdreg $0xC0  }
0xab: {  	_ =	task [dreg:s7], $0x5FFFF  }
0xac: {  	[dreg:$0x1] =	wrdreg $0xFFFFFFFF  }
0xad: {  	[dreg:$0x0] =	wrdreg $0x60  }
0xae: {  	[dreg:$0x2] =	wrdreg s24  }
0xaf: {  	[dreg:$0x3] =	wrdreg s2  }
0xb0: {  	[dreg:$0x4] =	wrdreg $0x9  }
0xb1: {  	_ =	task.clear_ibuf [dreg:s7], $0x5FFFF;
	_ =	strace $0x90000046  }
0xb2: {  	s29 =	simm.s32 $0x9;
	_ =	strace $0x80000048  }
0xb3: {  	_ =	swait.ge [sflag:s29], $0x1  }
0xb4: {  	[sflag:s29] =	ssyncadd.s32 $0xFFFFFFFF  }
0xb5: {  	_ =	strace $0x90000048  }
0xb6: {  	_ =	sfence  }
0xb7: {  	s30 =	sld [smem:$0x0];
	_ =	sdelay $0x2  }
0xb8: {  	s31 =	sshll.u32 s1, $0xD;
	s1 =	sshrl.u32 s1, $0x2  }
0xb9: {  	s3 =	sand.u32 $0x4000, s31;
	s1 =	sadd.s32 s1, s30  }
0xba: {  	s0 =	sor.u32 s3, s0;
	s1 =	sshll.u32 s1, $0x11  }
0xbb: {  	s0 =	sor.u32 s1, s0  }
0xbc: {  	s0 =	sadd.s32 $0x8F2B, s0  }
0xbd: {  	[sflag:s0] =	ssyncadd.remote.s32 $0x1  }
0xbe: {  	_ =	sfence.sel $0xFFFF  }
0xbf: {  	[dreg:$0x0] =	wrdreg $0xFFFFFFFF;
	(pc) =	sbr.abs _section_cstart, $3  }
0xc0: {  	[dreg:$0x1] =	wrdreg $0xFFFFFFFF  }
0xc1: {  	_ =	task.clear_ibuf [dreg:s7], $0x2FFFF;
	_ =	strace $0x9FFFFFFF  }
0xc2: {  	(tm) =	ssettm $0x7FFFFFFF  }
0xc3: {  	_ =	shalt  }
tec
execute0_lowered:
.L_overlay_start_1:
0x0: {  	(tag) =	ssettag $0x1  }
0x1: {  	s0 =	rddreg [dreg:$0x0]  }
0x2: {  	s1 =	srdreg.scid;
	s3 =	stileid.u32  }
0x3: {  	s2 =	rddreg [dreg:$0x1];
	s1 =	sand.u32 $0x1, s1;
	s4 =	sshll.u32 s3, $0x1  }
0x4: {  	s30 =	simm.s32 $0x14B08;
	s3 =	simm.s32 $0x0;
	s5 =	sor.u32 s1, s4  }
0x5: {  	[smem:$0x7FF] =	sst s3;
	s1 =	ssub.s32 $0x2, s1;
	s4 =	smul.u32 $0xC80, s5  }
0x6: {  	s31 =	simm.s32 $0x1;
	_ =	strace $0x80000047;
	s6 =	sshrl.u32 s1, $0x1  }
0x7: {  	s26 =	sshll.u32 s5, $0x7;
	s7 =	sadd.s32 s4, s0;
	s0 =	sadd.s32 $0x400, s0  }
0x8: {  	s24 =	ssub.s32 s1, s6;
	[dreg:$0x3] =	wrdreg s0;
	s25 =	sadd.s32 $0xC00, s7  }
0x9: {  	s4 =	sshll.u32 s5, $0xA;
	s0 =	smax.u32 s24, $0x1;
	[dreg:$0x4] =	wrdreg s25  }
0xa: {  	s6 =	sor.u32 $0x8000, s4;
	s7 =	sadd.s32 s2, s26;
	[dreg:$0x10] =	wrdreg s0  }
0xb: {  	s10 =	sor.u32 $0x10000, s4;
	s21 =	sadd.s32 $0x8000, s7;
	[dreg:$0x5] =	wrdreg s7  }
0xc: {  	s11 =	sor.u32 $0x18000, s4;
	s22 =	sadd.s32 $0x9000, s7;
	[dreg:$0xd] =	wrdreg s21  }
0xd: {  	s12 =	sor.u32 $0x20000, s4;
	s23 =	sadd.s32 $0xA000, s7;
	[dreg:$0xe] =	wrdreg s22  }
0xe: {  	s16 =	sor.u32 $0x28000, s4;
	s24 =	sadd.s32 $0xB000, s7;
	[dreg:$0xf] =	wrdreg s23  }
0xf: {  	s18 =	sor.u32 $0x38000, s4;
	s25 =	sadd.s32 $0xC000, s7;
	[dreg:$0x11] =	wrdreg s24  }
0x10: {  	s28 =	sshrl.u32 s6, $0x3;
	s26 =	sadd.s32 $0xD000, s7;
	[dreg:$0x12] =	wrdreg s25  }
0x11: {  	s5 =	sshrl.u32 s10, $0x3;
	s29 =	sadd.s32 s2, s28;
	[dreg:$0x13] =	wrdreg s26  }
0x12: {  	s9 =	sshrl.u32 s12, $0x3;
	s1 =	sadd.s32 s2, s5;
	[dreg:$0x6] =	wrdreg s29  }
0x13: {  	s19 =	sshrl.u32 s18, $0x3;
	s13 =	sadd.s32 s2, s9;
	[dreg:$0x7] =	wrdreg s1  }
0x14: {  	v0 =	vlaneseq.u32;
	s17 =	sor.u32 $0x30000, s4;
	s20 =	sadd.s32 s2, s19;
	[dreg:$0x9] =	wrdreg s13  }
0x15: {  	v0 =	vmul.u32 $0x88, v0;
	s8 =	sshrl.u32 s11, $0x3;
	s28 =	sadd.s32 $0xE000, s7;
	[dreg:$0xc] =	wrdreg s20  }
0x16: {  	v1 =	vimm.s32 $0x0;
	vm0 =	vmmov $0xff;
	s14 =	sshrl.u32 s16, $0x3;
	s1 =	sadd.s32 s2, s8;
	[dreg:$0x14] =	wrdreg s28  }
0x17: {  	v2 =	vadd.s32 $0x880, v0;
	v3 =	vadd.s32 $0x1100, v0;
	v4 =	vadd.s32 $0x1980, v0;
	s15 =	sshrl.u32 s17, $0x3;
	s29 =	sadd.s32 $0xF000, s7;
	[dreg:$0x8] =	wrdreg s1  }
0x18: {  	v5 =	vadd.s32 $0x2200, v0;
	v6 =	vadd.s32 $0x2A80, v0;
	v7 =	vadd.s32 $0x3300, v0;
	s5 =	simm.s32 $0x6408;
	s1 =	sadd.s32 s2, s14;
	[dreg:$0x15] =	wrdreg s29  }
0x19: {  	v8 =	vadd.s32 $0x3B80, v0;
	v9 =	vadd.s32 $0x4400, v0;
	v10 =	vadd.s32 $0x4C80, v0;
	s8 =	simm.s32 $0x2;
	[dreg:$0xa] =	wrdreg s1;
	s1 =	sadd.s32 s2, s15  }
0x1a: {  	v11 =	vadd.s32 $0x5500, v0;
	v12 =	vadd.s32 $0x5D80, v0;
	v13 =	vadd.s32 $0x6600, v0;
	s7 =	simm.s32 $0x0;
	[dreg:$0xb] =	wrdreg s1;
	s1 =	simm.s32 $0xDB08  }
.LBB2_1:
0x1b: {  	[dreg:$0x16] =	wrdreg s7  }
0x1c: {  	s0 =	rddreg [dreg:$0x3];
	s9 =	simm.s32 $0x3  }
0x1d: {  	[tilespmem:s1], [sflag:$0x3] =	stream.linear.gather [hbm4b:s0+s3], $0x3400, $0x38;
	[tilespmem:$0x14F08] =	vst v63  }
0x1e: {  	_ =	swait.ge [sflag:s9], $0x3400  }
0x1f: {  	[sflag:s9] =	ssyncset.done $0x0  }
0x20: {  	s13 =	rddreg [dreg:$0x4];
	[sflag:s9] =	ssyncadd.s32 $0xFFFFCC00  }
0x21: {  	[tilespmem:s3], [sflag:$0x3] =	stream.linear.gather [hbm4b:s13+s3], $0x6400, $0x38;
	[tilespmem:$0x14F08] =	vst v63  }
0x22: {  	_ =	swait.ge [sflag:s9], $0x6400  }
0x23: {  	[sflag:s9] =	ssyncset.done $0x0  }
0x24: {  	s13 =	simm.s32 $0xC8;
	[sflag:s9] =	ssyncadd.s32 $0xFFFF9C00  }
0x25: {  	v14 =	vld [tilespmem:s13+$0x0];
	_ =	sdelay $0x4  }
0x26: {  	vm1 =	vne.s32 v14, $0x1  }
0x27: {  	v14 =	vsel vm1, $0x1, v1  }
0x28: {  	(xrf0) =	vadd.scan.msk.s32 $0xffff, v14  }
0x29: {  	s14 =	simm.s32 $0x1  }
0x2a: {  	v14 =	vmov s14  }
0x2b: {  	v21 =	vand.u32 $0x7F, v14  }
0x2c: {  	v14 =	vadd.s32 v0, v21;
	_ =	sdelay $0x1  }
0x2d: {  	v15, _, _ =	vpop (xrf0)  }
0x2e: {  	v17 =	vld [tilespmem:s13+$0xFFFFFF38];
	v16 =	vadd.s32 $0x1, v15  }
0x2f: {  	v18 =	vnsel vm1, $0x1, v16  }
0x30: {  	[tilespmem:v14+s5+$0x0] =	vst.idx.msk $0xffff, v18  }
0x31: {  	v14 =	vld [tilespmem:s13+$0x10];
	_ =	sdelay $0x1  }
0x32: {  	vm1 =	vne.s32 v17, $0x1  }
0x33: {  	v17 =	vsel vm1, $0x1, v1  }
0x34: {  	(xrf0) =	vadd.scan.msk.s32 $0xffff, v17  }
0x35: {  	vm2 =	vne.s32 v14, $0x1  }
0x36: {  	v17 =	vmov s3;
	v14 =	vsel vm2, $0x1, v1  }
0x37: {  	v20 =	vand.u32 $0x7E, v17;
	(xrf0) =	vadd.scan.msk.s32 $0xffff, v14  }
0x38: {  	v14 =	vadd.s32 v0, v20;
	_ =	sdelay $0x1  }
0x39: {  	v17, _, _ =	vpop (xrf0)  }
0x3a: {  	v18 =	vadd.s32 $0x1, v17  }
0x3b: {  	(v2sf) =	vpush v17, $0xF;
	v17 =	vnsel vm1, $0x1, v18  }
0x3c: {  	(v2sf) =	vpush v15, $0xF;
	[tilespmem:v14+s5+$0x0] =	vst.idx.msk $0xffff, v17;
	v19, _, _ =	vpop (xrf0)  }
0x3d: {  	v14 =	vld [tilespmem:s13+$0xFFFFFF48];
	(v2sf) =	vpush v19, $0xF  }
0x3e: {  	v15 =	vadd.s32 v2, v21  }
0x3f: {  	v16 =	vbroadcast v16, $0xF;
	_ =	sdelay $0x1  }
0x40: {  	v16 =	vadd.s32 v19, v16  }
0x41: {  	v16 =	vnsel vm2, $0x1, v16;
	vm1 =	vne.s32 v14, $0x1  }
0x42: {  	[tilespmem:v15+s5+$0x0] =	vst.idx.msk $0xffff, v16;
	v14 =	vsel vm1, $0x1, v1  }
0x43: {  	v15 =	vld [tilespmem:s13+$0x20];
	(xrf0) =	vadd.scan.msk.s32 $0xffff, v14;
	_ =	sdelay $0x4  }
0x44: {  	vm2 =	vne.s32 v15, $0x1  }
0x45: {  	s15 =	spop (v2sf);
	v14 =	vsel vm2, $0x1, v1;
	v15, _, _ =	vpop (xrf0)  }
0x46: {  	s19 =	spop (v2sf);
	(xrf0) =	vadd.scan.msk.s32 $0xffff, v14;
	(v2sf) =	vpush v15, $0xF  }
0x47: {  	v14 =	vadd.s32 v2, v20;
	s9 =	spop (v2sf)  }
0x48: {  	v16 =	vbroadcast v18, $0xF;
	s7 =	sadd.s32 s19, s9  }
0x49: {  	v17 =	vmov s7  }
0x4a: {  	v15 =	vadd.s32 v15, v16;
	v16 =	vadd.s32 v3, v21;
	v17 =	vadd.s32 $0x1, v17  }
0x4b: {  	v15 =	vnsel vm1, $0x1, v15;
	v17 =	vbroadcast v17, $0x0  }
0x4c: {  	[tilespmem:v14+s5+$0x0] =	vst.idx.msk $0xffff, v15;
	v14, _, _ =	vpop (xrf0)  }
0x4d: {  	v15 =	vld [tilespmem:s13+$0xFFFFFF58];
	(v2sf) =	vpush v14, $0xF;
	v14 =	vadd.s32 v14, v17  }
0x4e: {  	v14 =	vnsel vm2, $0x1, v14  }
0x4f: {  	[tilespmem:v16+s5+$0x0] =	vst.idx.msk $0xffff, v14  }
0x50: {  	v14 =	vld [tilespmem:s13+$0x30];
	_ =	sdelay $0x1  }
0x51: {  	vm1 =	vne.s32 v15, $0x1  }
0x52: {  	v15 =	vsel vm1, $0x1, v1  }
0x53: {  	(xrf0) =	vadd.scan.msk.s32 $0xffff, v15  }
0x54: {  	s20 =	spop (v2sf);
	vm2 =	vne.s32 v14, $0x1  }
0x55: {  	s0 =	sadd.s32 s15, s20;
	v14 =	vsel vm2, $0x1, v1  }
0x56: {  	(xrf0) =	vadd.scan.msk.s32 $0xffff, v14;
	v14 =	vmov s0  }
0x57: {  	v15 =	vadd.s32 v3, v20;
	v14 =	vadd.s32 $0x1, v14  }
0x58: {  	v14 =	vbroadcast v14, $0x0  }
0x59: {  	v16, _, _ =	vpop (xrf0)  }
0x5a: {  	(v2sf) =	vpush v16, $0xF;
	v14 =	vadd.s32 v16, v14  }
0x5b: {  	s21 =	spop (v2sf);
	v14 =	vnsel vm1, $0x1, v14  }
0x5c: {  	s9 =	sadd.s32 s7, s21;
	v16, _, _ =	vpop (xrf0);
	[tilespmem:v15+s5+$0x0] =	vst.idx.msk $0xffff, v14  }
0x5d: {  	v14 =	vmov s9;
	(v2sf) =	vpush v16, $0xF;
	v15 =	vld [tilespmem:s13+$0xFFFFFF68]  }
0x5e: {  	v17 =	vadd.s32 v4, v21;
	v14 =	vadd.s32 $0x1, v14  }
0x5f: {  	v14 =	vbroadcast v14, $0x0;
	_ =	sdelay $0x1  }
0x60: {  	v14 =	vadd.s32 v16, v14  }
0x61: {  	s7 =	simm.s32 $0x258;
	v14 =	vnsel vm2, $0x1, v14;
	vm2 =	vne.s32 v15, $0x1  }
0x62: {  	v15 =	vld [tilespmem:s7+$0x0];
	[tilespmem:v17+s5+$0x0] =	vst.idx.msk $0xffff, v14;
	v14 =	vsel vm2, $0x1, v1  }
0x63: {  	v16 =	vld [tilespmem:s13+$0x40];
	(xrf0) =	vadd.scan.msk.s32 $0xffff, v14;
	_ =	sdelay $0x3  }
0x64: {  	vm3 =	vne.s32 v15, $0x1  }
0x65: {  	s14 =	spop (v2sf);
	v14 =	vsel vm3, $0x1, v1;
	vm1 =	vne.s32 v16, $0x1  }
0x66: {  	s0 =	sadd.s32 s0, s14;
	(xrf0) =	vadd.scan.msk.s32 $0xffff, v14;
	v14 =	vsel vm1, $0x1, v1;
	v17, _, _ =	vpop (xrf0)  }
0x67: {  	s22 =	simm.s32 $0x3;
	v16 =	vmov s0;
	(xrf0) =	vadd.scan.msk.s32 $0xffff, v14;
	(v2sf) =	vpush v17, $0xF  }
0x68: {  	v15 =	vadd.s32 v4, v20;
	v14 =	vadd.s32 $0x1, v16;
	v16 =	vmov s22;
	s23 =	spop (v2sf)  }
0x69: {  	v18 =	vbroadcast v14, $0x0;
	v14 =	vand.u32 $0x7F, v16;
	s9 =	sadd.s32 s9, s23  }
0x6a: {  	v16 =	vld [tilespmem:s7+$0xFFFFFF38];
	v19 =	vadd.s32 v0, v14;
	v22 =	vmov s9  }
0x6b: {  	v17 =	vadd.s32 v17, v18;
	v18 =	vadd.s32 v5, v21;
	v22 =	vadd.s32 $0x1, v22  }
0x6c: {  	v17 =	vnsel vm2, $0x1, v17;
	v23, _, _ =	vpop (xrf0);
	v22 =	vbroadcast v22, $0x0  }
0x6d: {  	[tilespmem:v15+s5+$0x0] =	vst.idx.msk $0xffff, v17;
	v17 =	vadd.s32 $0x1, v23;
	v15, _, _ =	vpop (xrf0)  }
0x6e: {  	v24 =	vld [tilespmem:s13+$0xFFFFFF78];
	v25 =	vnsel vm3, $0x1, v17;
	(v2sf) =	vpush v15, $0xF;
	v15 =	vadd.s32 v15, v22  }
0x6f: {  	vm3 =	vne.s32 v16, $0x1;
	[tilespmem:v19+s5+$0x0] =	vst.idx.msk $0xffff, v25;
	v15 =	vnsel vm1, $0x1, v15  }
0x70: {  	v16 =	vsel vm3, $0x1, v1;
	v19 =	vld [tilespmem:s7+$0x10];
	[tilespmem:v18+s5+$0x0] =	vst.idx.msk $0xffff, v15  }
0x71: {  	(xrf0) =	vadd.scan.msk.s32 $0xffff, v16;
	v16 =	vld [tilespmem:s13+$0x50]  }
0x72: {  	s24 =	simm.s32 $0x2  }
0x73: {  	v15 =	vmov s24;
	vm4 =	vne.s32 v24, $0x1  }
0x74: {  	v15 =	vand.u32 $0x7E, v15;
	v18 =	vsel vm4, $0x1, v1  }
0x75: {  	v22 =	vadd.s32 v0, v15;
	(xrf0) =	vadd.scan.msk.s32 $0xffff, v18;
	vm2 =	vne.s32 v19, $0x1  }
0x76: {  	v18 =	vsel vm2, $0x1, v1;
	vm1 =	vne.s32 v16, $0x1;
	s25 =	spop (v2sf)  }
0x77: {  	v16, _, _ =	vpop (xrf0);
	(xrf0) =	vadd.scan.msk.s32 $0xffff, v18;
	v18 =	vsel vm1, $0x1, v1;
	s0 =	sadd.s32 s0, s25  }
0x78: {  	v19 =	vadd.s32 $0x1, v16;
	(xrf0) =	vadd.scan.msk.s32 $0xffff, v18;
	v24 =	vmov s0  }
0x79: {  	v18 =	vnsel vm3, $0x1, v19  }
0x7a: {  	[tilespmem:v22+s5+$0x0] =	vst.idx.msk $0xffff, v18;
	v18 =	vadd.s32 $0x1, v24  }
0x7b: {  	(v2sf) =	vpush v16, $0xF;
	v22 =	vadd.s32 v5, v20;
	v16 =	vld [tilespmem:s7+$0xFFFFFF48];
	v18 =	vbroadcast v18, $0x0;
	v24, _, _ =	vpop (xrf0)  }
0x7c: {  	(v2sf) =	vpush v24, $0xF  }
0x7d: {  	v18 =	vadd.s32 v24, v18;
	s26 =	spop (v2sf);
	v24, _, _ =	vpop (xrf0);
	(v2sf) =	vpush v23, $0xF  }
0x7e: {  	v17 =	vbroadcast v17, $0xF;
	v23 =	vadd.s32 v2, v14;
	s9 =	sadd.s32 s9, s26;
	(v2sf) =	vpush v24, $0xF;
	v25, _, _ =	vpop (xrf0)  }
0x7f: {  	v18 =	vnsel vm4, $0x1, v18;
	v26 =	vmov s9;
	(v2sf) =	vpush v25, $0xF  }
0x80: {  	[tilespmem:v22+s5+$0x0] =	vst.idx.msk $0xffff, v18;
	vm3 =	vne.s32 v16, $0x1;
	v16 =	vadd.s32 v6, v21;
	v18 =	vadd.s32 $0x1, v26  }
0x81: {  	v17 =	vadd.s32 v24, v17;
	v22 =	vsel vm3, $0x1, v1;
	v18 =	vbroadcast v18, $0x0  }
0x82: {  	v17 =	vnsel vm2, $0x1, v17;
	v26 =	vld [tilespmem:s13+$0xFFFFFF88];
	(xrf0) =	vadd.scan.msk.s32 $0xffff, v22  }
0x83: {  	[tilespmem:v23+s5+$0x0] =	vst.idx.msk $0xffff, v17;
	v17 =	vadd.s32 v25, v18  }
0x84: {  	v17 =	vnsel vm1, $0x1, v17  }
0x85: {  	v18 =	vld [tilespmem:s7+$0x20];
	[tilespmem:v16+s5+$0x0] =	vst.idx.msk $0xffff, v17  }
0x86: {  	v16 =	vld [tilespmem:s13+$0x60]  }
0x87: {  	vm1 =	vne.s32 v26, $0x1  }
0x88: {  	v22 =	vadd.s32 v2, v15;
	v17 =	vsel vm1, $0x1, v1;
	v23, _, _ =	vpop (xrf0)  }
0x89: {  	(xrf0) =	vadd.scan.msk.s32 $0xffff, v17;
	v17 =	vbroadcast v19, $0xF;
	(v2sf) =	vpush v23, $0xF  }
0x8a: {  	vm2 =	vne.s32 v18, $0x1  }
0x8b: {  	s15 =	spop (v2sf);
	v17 =	vadd.s32 v23, v17;
	v18 =	vsel vm2, $0x1, v1;
	vm4 =	vne.s32 v16, $0x1  }
0x8c: {  	(xrf0) =	vadd.scan.msk.s32 $0xffff, v18;
	v16 =	vnsel vm3, $0x1, v17;
	s28 =	spop (v2sf);
	v17 =	vsel vm4, $0x1, v1  }
0x8d: {  	[tilespmem:v22+s5+$0x0] =	vst.idx.msk $0xffff, v16;
	s19 =	spop (v2sf);
	(xrf0) =	vadd.scan.msk.s32 $0xffff, v17  }
0x8e: {  	v16 =	vld [tilespmem:s7+$0xFFFFFF58];
	s20 =	spop (v2sf)  }
0x8f: {  	s19 =	sadd.s32 s19, s20;
	s29 =	spop (v2sf)  }
0x90: {  	v24 =	vadd.s32 v7, v21;
	v18 =	vmov s19;
	s9 =	sadd.s32 s9, s29  }
0x91: {  	v19 =	vadd.s32 v3, v14;
	v17, _, _ =	vpop (xrf0);
	v18 =	vadd.s32 $0x1, v18;
	v22 =	vmov s9  }
0x92: {  	(v2sf) =	vpush v17, $0xF;
	v23, _, _ =	vpop (xrf0);
	v18 =	vbroadcast v18, $0x0;
	v22 =	vadd.s32 $0x1, v22  }
0x93: {  	(v2sf) =	vpush v23, $0xF;
	vm3 =	vne.s32 v16, $0x1;
	v22 =	vbroadcast v22, $0x0;
	v16, _, _ =	vpop (xrf0)  }
0x94: {  	v18 =	vadd.s32 v23, v18;
	(v2sf) =	vpush v16, $0xF  }
0x95: {  	v18 =	vnsel vm2, $0x1, v18;
	v16 =	vadd.s32 v16, v22  }
0x96: {  	s14 =	sadd.s32 s0, s28;
	v22 =	vsel vm3, $0x1, v1;
	[tilespmem:v19+s5+$0x0] =	vst.idx.msk $0xffff, v18;
	v16 =	vnsel vm4, $0x1, v16  }
0x97: {  	(xrf0) =	vadd.scan.msk.s32 $0xffff, v22;
	v18 =	vld [tilespmem:s7+$0x30];
	[tilespmem:v24+s5+$0x0] =	vst.idx.msk $0xffff, v16;
	v16 =	vmov s14  }
0x98: {  	v19 =	vld [tilespmem:s13+$0x70];
	v16 =	vadd.s32 $0x1, v16;
	s20 =	spop (v2sf)  }
0x99: {  	v22 =	vadd.s32 v6, v20;
	v16 =	vbroadcast v16, $0x0;
	s21 =	sadd.s32 s15, s20  }
0x9a: {  	v24 =	vmov s21  }
0x9b: {  	v16 =	vadd.s32 v17, v16;
	v17 =	vadd.s32 $0x1, v24  }
0x9c: {  	v23 =	vadd.s32 v3, v15;
	vm4 =	vne.s32 v18, $0x1;
	v17 =	vbroadcast v17, $0x0  }
0x9d: {  	v18, _, _ =	vpop (xrf0);
	v16 =	vnsel vm1, $0x1, v16;
	v24 =	vsel vm4, $0x1, v1;
	vm2 =	vne.s32 v19, $0x1  }
0x9e: {  	(v2sf) =	vpush v18, $0xF;
	[tilespmem:v22+s5+$0x0] =	vst.idx.msk $0xffff, v16;
	(xrf0) =	vadd.scan.msk.s32 $0xffff, v24;
	v19 =	vsel vm2, $0x1, v1  }
0x9f: {  	v16 =	vadd.s32 v18, v17;
	v17 =	vld [tilespmem:s13+$0xFFFFFF98];
	(xrf0) =	vadd.scan.msk.s32 $0xffff, v19  }
0xa0: {  	v16 =	vnsel vm3, $0x1, v16  }
0xa1: {  	s22 =	spop (v2sf);
	[tilespmem:v23+s5+$0x0] =	vst.idx.msk $0xffff, v16  }
0xa2: {  	s23 =	spop (v2sf);
	v16 =	vld [tilespmem:s7+$0xFFFFFF68]  }
0xa3: {  	v23 =	vadd.s32 v4, v14;
	s19 =	sadd.s32 s19, s23;
	s24 =	spop (v2sf)  }
0xa4: {  	v18 =	vmov s19;
	vm1 =	vne.s32 v17, $0x1;
	v17 =	vadd.s32 v8, v21;
	v19, _, _ =	vpop (xrf0);
	s9 =	sadd.s32 s9, s24  }
0xa5: {  	v18 =	vadd.s32 $0x1, v18;
	v25 =	vsel vm1, $0x1, v1;
	v22, _, _ =	vpop (xrf0);
	v24 =	vmov s9  }
0xa6: {  	v18 =	vbroadcast v18, $0x0;
	(v2sf) =	vpush v22, $0xF;
	v24 =	vadd.s32 $0x1, v24  }
0xa7: {  	vm3 =	vne.s32 v16, $0x1;
	(v2sf) =	vpush v19, $0xF;
	v16 =	vbroadcast v24, $0x0  }
0xa8: {  	s0 =	simm.s32 $0x3E8;
	(xrf0) =	vadd.scan.msk.s32 $0xffff, v25;
	v24 =	vsel vm3, $0x1, v1;
	v18 =	vadd.s32 v19, v18  }
0xa9: {  	v19 =	vld [tilespmem:s0+$0x0];
	(xrf0) =	vadd.scan.msk.s32 $0xffff, v24;
	v18 =	vnsel vm4, $0x1, v18;
	v16 =	vadd.s32 v22, v16  }
0xaa: {  	[tilespmem:v23+s5+$0x0] =	vst.idx.msk $0xffff, v18;
	v16 =	vnsel vm2, $0x1, v16  }
0xab: {  	v18 =	vld [tilespmem:s7+$0x40];
	[tilespmem:v17+s5+$0x0] =	vst.idx.msk $0xffff, v16  }
0xac: {  	s15 =	sadd.s32 s14, s22;
	v16 =	vld [tilespmem:s13+$0x80]  }
0xad: {  	v17 =	vmov s15;
	s25 =	spop (v2sf)  }
0xae: {  	v22 =	vadd.s32 v7, v20;
	v23, _, _ =	vpop (xrf0);
	v17 =	vadd.s32 $0x1, v17;
	vm4 =	vne.s32 v19, $0x1;
	v19 =	vld [tilespmem:s0+$0xFFFFFF38];
	s14 =	sadd.s32 s21, s25  }
0xaf: {  	v17 =	vbroadcast v17, $0x0;
	v26 =	vsel vm4, $0x1, v1;
	v24 =	vmov s14;
	v25, _, _ =	vpop (xrf0)  }
0xb0: {  	(xrf0) =	vadd.scan.msk.s32 $0xffff, v26;
	v26 =	vadd.s32 v4, v15;
	(v2sf) =	vpush v25, $0xF;
	vm2 =	vne.s32 v18, $0x1  }
0xb1: {  	(v2sf) =	vpush v23, $0xF;
	v18 =	vsel vm2, $0x1, v1;
	vm5 =	vne.s32 v16, $0x1  }
0xb2: {  	v24 =	vadd.s32 $0x1, v24;
	v17 =	vadd.s32 v23, v17;
	(xrf0) =	vadd.scan.msk.s32 $0xffff, v18;
	v18 =	vsel vm5, $0x1, v1  }
0xb3: {  	v24 =	vbroadcast v24, $0x0;
	(xrf0) =	vadd.scan.msk.s32 $0xffff, v18;
	v18 =	vnsel vm1, $0x1, v17;
	vm1 =	vne.s32 v19, $0x1  }
0xb4: {  	s28 =	simm.s32 $0x5;
	[tilespmem:v22+s5+$0x0] =	vst.idx.msk $0xffff, v18;
	v18 =	vsel vm1, $0x1, v1  }
0xb5: {  	s26 =	simm.s32 $0x4;
	v23 =	vmov s28;
	v17 =	vadd.s32 v25, v24;
	s29 =	spop (v2sf)  }
0xb6: {  	v16 =	vmov s26;
	v24 =	vnsel vm3, $0x1, v17;
	v17 =	vand.u32 $0x7F, v23;
	s21 =	spop (v2sf);
	s9 =	sadd.s32 s9, s29  }
0xb7: {  	v25 =	vadd.s32 v9, v21;
	v19 =	vadd.s32 v0, v17;
	(xrf0) =	vadd.scan.msk.s32 $0xffff, v18;
	s19 =	sadd.s32 s19, s21;
	v22 =	vmov s9;
	v18, _, _ =	vpop (xrf0)  }
0xb8: {  	v23 =	vld [tilespmem:s13+$0xFFFFFFA8];
	[tilespmem:v26+s5+$0x0] =	vst.idx.msk $0xffff, v24;
	v24 =	vadd.s32 v5, v14;
	v27 =	vmov s19;
	v22 =	vadd.s32 $0x1, v22;
	v26, _, _ =	vpop (xrf0)  }
0xb9: {  	v28 =	vld [tilespmem:s7+$0xFFFFFF78];
	v27 =	vadd.s32 $0x1, v27;
	v22 =	vbroadcast v22, $0x0;
	(v2sf) =	vpush v26, $0xF  }
0xba: {  	v16 =	vand.u32 $0x7E, v16;
	v29 =	vadd.s32 $0x1, v18;
	v30, _, _ =	vpop (xrf0);
	v27 =	vbroadcast v27, $0x0  }
0xbb: {  	v31 =	vnsel vm4, $0x1, v29;
	(v2sf) =	vpush v30, $0xF;
	v22 =	vadd.s32 v30, v22  }
0xbc: {  	[tilespmem:v19+s5+$0x0] =	vst.idx.msk $0xffff, v31;
	v30 =	vadd.s32 v0, v16;
	v19 =	vadd.s32 v26, v27;
	v22 =	vnsel vm5, $0x1, v22  }
0xbd: {  	vm5 =	vne.s32 v23, $0x1;
	v23 =	vld [tilespmem:s0+$0x10];
	v19 =	vnsel vm2, $0x1, v19;
	[tilespmem:v25+s5+$0x0] =	vst.idx.msk $0xffff, v22  }
0xbe: {  	vm6 =	vne.s32 v28, $0x1;
	v22 =	vsel vm5, $0x1, v1;
	v25, _, _ =	vpop (xrf0);
	[tilespmem:v24+s5+$0x0] =	vst.idx.msk $0xffff, v19;
	v19 =	vld [tilespmem:s13+$0x90]  }
0xbf: {  	v27 =	vsel vm6, $0x1, v1;
	(xrf0) =	vadd.scan.msk.s32 $0xffff, v22;
	v22 =	vadd.s32 $0x1, v25;
	s21 =	spop (v2sf);
	v24 =	vld [tilespmem:s7+$0x50]  }
0xc0: {  	v26 =	vnsel vm1, $0x1, v22;
	s14 =	sadd.s32 s14, s21;
	s22 =	spop (v2sf);
	(xrf0) =	vadd.scan.msk.s32 $0xffff, v27  }
0xc1: {  	(v2sf) =	vpush v25, $0xF;
	[tilespmem:v30+s5+$0x0] =	vst.idx.msk $0xffff, v26;
	s15 =	sadd.s32 s15, s22;
	v25 =	vmov s14  }
0xc2: {  	v26 =	vld [tilespmem:s0+$0xFFFFFF48];
	vm1 =	vne.s32 v23, $0x1;
	v23 =	vmov s15;
	v25 =	vadd.s32 $0x1, v25  }
0xc3: {  	v27 =	vsel vm1, $0x1, v1;
	vm2 =	vne.s32 v19, $0x1;
	v19 =	vadd.s32 $0x1, v23  }
0xc4: {  	(xrf0) =	vadd.scan.msk.s32 $0xffff, v27;
	vm3 =	vne.s32 v24, $0x1;
	v23 =	vsel vm2, $0x1, v1;
	v19 =	vbroadcast v19, $0x0  }
0xc5: {  	v25 =	vbroadcast v25, $0x0;
	v24, _, _ =	vpop (xrf0);
	v27 =	vsel vm3, $0x1, v1;
	(xrf0) =	vadd.scan.msk.s32 $0xffff, v23;
	v23 =	vadd.s32 v5, v15  }
0xc6: {  	(v2sf) =	vpush v24, $0xF;
	(xrf0) =	vadd.scan.msk.s32 $0xffff, v27;
	v27 =	vadd.s32 v8, v20;
	v19 =	vadd.s32 v24, v19;
	v24, _, _ =	vpop (xrf0)  }
0xc7: {  	vm4 =	vne.s32 v26, $0x1;
	v19 =	vnsel vm5, $0x1, v19;
	v25 =	vadd.s32 v24, v25  }
0xc8: {  	v26 =	vsel vm4, $0x1, v1;
	(v2sf) =	vpush v24, $0xF;
	v24 =	vnsel vm6, $0x1, v25;
	s23 =	spop (v2sf)  }
0xc9: {  	v25 =	vbroadcast v29, $0xF;
	(xrf0) =	vadd.scan.msk.s32 $0xffff, v26;
	v26 =	vadd.s32 v2, v17;
	v29 =	vadd.s32 v6, v14;
	s20 =	sadd.s32 s19, s23  }
0xca: {  	(v2sf) =	vpush v18, $0xF;
	v18 =	vadd.s32 v10, v21;
	v28, _, _ =	vpop (xrf0);
	s24 =	spop (v2sf);
	[tilespmem:v23+s5+$0x0] =	vst.idx.msk $0xffff, v24;
	v23 =	vmov s20  }
0xcb: {  	s21 =	sadd.s32 s9, s24;
	(v2sf) =	vpush v28, $0xF;
	v25 =	vadd.s32 v28, v25;
	v24, _, _ =	vpop (xrf0);
	v23 =	vadd.s32 $0x1, v23  }
0xcc: {  	[tilespmem:v27+s5+$0x0] =	vst.idx.msk $0xffff, v19;
	v19 =	vld [tilespmem:s7+$0xFFFFFF88];
	v27 =	vmov s21;
	v25 =	vnsel vm1, $0x1, v25;
	v30, _, _ =	vpop (xrf0);
	(v2sf) =	vpush v24, $0xF  }
0xcd: {  	v31 =	vld [tilespmem:s13+$0xFFFFFFB8];
	v23 =	vbroadcast v23, $0x0;
	v27 =	vadd.s32 $0x1, v27;
	(v2sf) =	vpush v30, $0xF  }
0xce: {  	v27 =	vbroadcast v27, $0x0;
	[tilespmem:v26+s5+$0x0] =	vst.idx.msk $0xffff, v25  }
0xcf: {  	v22 =	vbroadcast v22, $0xF;
	v28 =	vadd.s32 v2, v16;
	v23 =	vadd.s32 v30, v23;
	v26 =	vld [tilespmem:s0+$0x20]  }
0xd0: {  	v25, _, _ =	vpop (xrf0);
	v23 =	vnsel vm3, $0x1, v23;
	v24 =	vadd.s32 v24, v27  }
0xd1: {  	v22 =	vadd.s32 v25, v22;
	vm1 =	vne.s32 v19, $0x1;
	[tilespmem:v29+s5+$0x0] =	vst.idx.msk $0xffff, v23;
	v19 =	vnsel vm2, $0x1, v24  }
0xd2: {  	(v2sf) =	vpush v25, $0xF;
	vm6 =	vne.s32 v31, $0x1;
	v23 =	vsel vm1, $0x1, v1;
	v24 =	vld [tilespmem:s7+$0x60];
	[tilespmem:v18+s5+$0x0] =	vst.idx.msk $0xffff, v19  }
0xd3: {  	v18 =	vnsel vm4, $0x1, v22;
	v19 =	vsel vm6, $0x1, v1;
	(xrf0) =	vadd.scan.msk.s32 $0xffff, v23;
	v22 =	vld [tilespmem:s13+$0xA0]  }
0xd4: {  	s23 =	spop (v2sf);
	[tilespmem:v28+s5+$0x0] =	vst.idx.msk $0xffff, v18;
	(xrf0) =	vadd.scan.msk.s32 $0xffff, v19;
	vm4 =	vne.s32 v26, $0x1  }
0xd5: {  	v18 =	vld [tilespmem:s0+$0xFFFFFF58];
	s25 =	spop (v2sf);
	v23 =	vsel vm4, $0x1, v1  }
0xd6: {  	s9 =	sadd.s32 s15, s25;
	(xrf0) =	vadd.scan.msk.s32 $0xffff, v23  }
0xd7: {  	v19 =	vmov s9;
	vm3 =	vne.s32 v24, $0x1  }
0xd8: {  	s24 =	spop (v2sf);
	v19 =	vadd.s32 $0x1, v19;
	v23 =	vsel vm3, $0x1, v1;
	vm5 =	vne.s32 v22, $0x1  }
0xd9: {  	v25 =	vadd.s32 v9, v20;
	s26 =	spop (v2sf);
	v19 =	vbroadcast v19, $0x0;
	v24, _, _ =	vpop (xrf0);
	(xrf0) =	vadd.scan.msk.s32 $0xffff, v23;
	v23 =	vsel vm5, $0x1, v1  }
0xda: {  	v27 =	vadd.s32 v3, v17;
	vm2 =	vne.s32 v18, $0x1;
	(v2sf) =	vpush v24, $0xF;
	v18, _, _ =	vpop (xrf0);
	(xrf0) =	vadd.scan.msk.s32 $0xffff, v23;
	s28 =	spop (v2sf)  }
0xdb: {  	v23 =	vsel vm2, $0x1, v1;
	v19 =	vadd.s32 v18, v19;
	(v2sf) =	vpush v18, $0xF;
	s19 =	sadd.s32 s26, s28;
	s29 =	spop (v2sf)  }
0xdc: {  	v18 =	vnsel vm6, $0x1, v19;
	v19 =	vadd.s32 v11, v21;
	v26 =	vmov s19;
	v29, _, _ =	vpop (xrf0);
	s22 =	spop (v2sf);
	s15 =	sadd.s32 s21, s29  }
0xdd: {  	v26 =	vadd.s32 $0x1, v26;
	(v2sf) =	vpush v29, $0xF;
	s22 =	sadd.s32 s20, s22;
	v28 =	vmov s15  }
0xde: {  	v26 =	vbroadcast v26, $0x0;
	v30 =	vmov s22;
	v28 =	vadd.s32 $0x1, v28  }
0xdf: {  	v31 =	vadd.s32 v7, v14;
	v32, _, _ =	vpop (xrf0);
	v30 =	vadd.s32 $0x1, v30;
	v28 =	vbroadcast v28, $0x0  }
0xe0: {  	(xrf0) =	vadd.scan.msk.s32 $0xffff, v23;
	v23, _, _ =	vpop (xrf0);
	v26 =	vadd.s32 v29, v26;
	(v2sf) =	vpush v32, $0xF;
	v29 =	vbroadcast v30, $0x0  }
0xe1: {  	s14 =	sadd.s32 s14, s24;
	[tilespmem:v25+s5+$0x0] =	vst.idx.msk $0xffff, v18;
	s24 =	spop (v2sf);
	v18 =	vnsel vm4, $0x1, v26;
	(v2sf) =	vpush v23, $0xF;
	v25 =	vadd.s32 v23, v28  }
0xe2: {  	v30 =	vmov s14;
	v26 =	vld [tilespmem:s13+$0xFFFFFFC8];
	[tilespmem:v27+s5+$0x0] =	vst.idx.msk $0xffff, v18;
	v18 =	vadd.s32 v32, v29;
	v25 =	vnsel vm5, $0x1, v25  }
0xe3: {  	v22 =	vadd.s32 v6, v15;
	s21 =	sadd.s32 s23, s24;
	v27 =	vadd.s32 $0x1, v30;
	v23 =	vld [tilespmem:s0+$0x30];
	v18 =	vnsel vm3, $0x1, v18;
	[tilespmem:v19+s5+$0x0] =	vst.idx.msk $0xffff, v25  }
0xe4: {  	v19 =	vbroadcast v27, $0x0;
	v25 =	vmov s21;
	[tilespmem:v31+s5+$0x0] =	vst.idx.msk $0xffff, v18;
	v18 =	vld [tilespmem:s13+$0xB0]  }
0xe5: {  	v27 =	vadd.s32 v3, v16;
	v25 =	vadd.s32 $0x1, v25;
	v28 =	vld [tilespmem:s7+$0x70]  }
0xe6: {  	v19 =	vadd.s32 v24, v19;
	v24, _, _ =	vpop (xrf0);
	v25 =	vbroadcast v25, $0x0  }
0xe7: {  	(v2sf) =	vpush v24, $0xF;
	v19 =	vnsel vm1, $0x1, v19;
	vm1 =	vne.s32 v26, $0x1  }
0xe8: {  	v24 =	vadd.s32 v24, v25;
	[tilespmem:v22+s5+$0x0] =	vst.idx.msk $0xffff, v19;
	v19 =	vsel vm1, $0x1, v1;
	vm5 =	vne.s32 v23, $0x1  }
0xe9: {  	v22 =	vnsel vm2, $0x1, v24;
	(xrf0) =	vadd.scan.msk.s32 $0xffff, v19;
	v19 =	vsel vm5, $0x1, v1;
	vm3 =	vne.s32 v18, $0x1  }
0xea: {  	v23 =	vld [tilespmem:s7+$0xFFFFFF98];
	[tilespmem:v27+s5+$0x0] =	vst.idx.msk $0xffff, v22;
	(xrf0) =	vadd.scan.msk.s32 $0xffff, v19;
	vm6 =	vne.s32 v28, $0x1;
	v18 =	vsel vm3, $0x1, v1  }
0xeb: {  	s25 =	simm.s32 $0x6;
	s26 =	spop (v2sf);
	v19 =	vld [tilespmem:s0+$0xFFFFFF68];
	v22 =	vsel vm6, $0x1, v1;
	(xrf0) =	vadd.scan.msk.s32 $0xffff, v18  }
0xec: {  	v33 =	vadd.s32 v12, v21;
	v40 =	vadd.s32 v9, v14;
	v18 =	vmov s25;
	s25 =	spop (v2sf);
	(xrf0) =	vadd.scan.msk.s32 $0xffff, v22  }
0xed: {  	v54 =	vadd.s32 v6, v17;
	v29 =	vadd.s32 v8, v14;
	v31 =	vadd.s32 v4, v17;
	s28 =	spop (v2sf)  }
0xee: {  	v25 =	vadd.s32 v7, v15;
	v24 =	vadd.s32 v10, v20;
	v18 =	vand.u32 $0x7E, v18;
	s20 =	sadd.s32 s19, s28  }
0xef: {  	v22 =	vadd.s32 v11, v20;
	vm4 =	vne.s32 v23, $0x1;
	v26, _, _ =	vpop (xrf0);
	s29 =	spop (v2sf);
	v28 =	vmov s20  }
0xf0: {  	v23 =	vsel vm4, $0x1, v1;
	vm2 =	vne.s32 v19, $0x1;
	v19, _, _ =	vpop (xrf0);
	s23 =	sadd.s32 s22, s29;
	s22 =	spop (v2sf);
	v28 =	vadd.s32 $0x1, v28  }
0xf1: {  	(v2sf) =	vpush v26, $0xF;
	v27 =	vsel vm2, $0x1, v1;
	s19 =	sadd.s32 s15, s22;
	v28 =	vbroadcast v28, $0x0;
	s15 =	sadd.s32 s14, s26;
	v30, _, _ =	vpop (xrf0)  }
0xf2: {  	(xrf0) =	vadd.scan.msk.s32 $0xffff, v23;
	v23 =	vmov s23;
	v34 =	vmov s15;
	v59, _, _ =	vpop (xrf0);
	(v2sf) =	vpush v30, $0xF  }
0xf3: {  	(xrf0) =	vadd.scan.msk.s32 $0xffff, v27;
	v23 =	vadd.s32 $0x1, v23;
	v27 =	vmov s19;
	(v2sf) =	vpush v59, $0xF  }
0xf4: {  	s14 =	sadd.s32 s9, s25;
	v23 =	vbroadcast v23, $0x0;
	v27 =	vadd.s32 $0x1, v27;
	(v2sf) =	vpush v19, $0xF  }
0xf5: {  	s9 =	simm.s32 $0x578;
	v60 =	vmov s14;
	v19 =	vadd.s32 v19, v28;
	v27 =	vbroadcast v27, $0x0  }
0xf6: {  	v61 =	vld [tilespmem:s9+$0x0];
	v28 =	vadd.s32 $0x1, v34;
	v19 =	vnsel vm5, $0x1, v19;
	v23 =	vadd.s32 v59, v23;
	s25 =	spop (v2sf)  }
0xf7: {  	[tilespmem:v31+s5+$0x0] =	vst.idx.msk $0xffff, v19;
	v19 =	vnsel vm6, $0x1, v23;
	v23 =	vadd.s32 v30, v27;
	v27 =	vbroadcast v28, $0x0;
	s22 =	sadd.s32 s21, s25  }
0xf8: {  	v28 =	vadd.s32 $0x1, v60;
	v30, _, _ =	vpop (xrf0);
	v31 =	vld [tilespmem:s0+$0x40];
	[tilespmem:v29+s5+$0x0] =	vst.idx.msk $0xffff, v19;
	v19 =	vnsel vm3, $0x1, v23;
	v29 =	vmov s22  }
0xf9: {  	v59 =	vadd.s32 v2, v18;
	v28 =	vbroadcast v28, $0x0;
	v62, _, _ =	vpop (xrf0);
	v35 =	vld [tilespmem:s7+$0x80];
	[tilespmem:v33+s5+$0x0] =	vst.idx.msk $0xffff, v19;
	v19 =	vadd.s32 $0x1, v29  }
0xfa: {  	v27 =	vadd.s32 v30, v27;
	(v2sf) =	vpush v62, $0xF;
	v29 =	vld [tilespmem:s13+$0xC0];
	v19 =	vbroadcast v19, $0x0  }
0xfb: {  	v27 =	vnsel vm4, $0x1, v27;
	vm4 =	vne.s32 v61, $0x1;
	(v2sf) =	vpush v30, $0xF  }
0xfc: {  	v26 =	vadd.s32 v26, v28;
	v28 =	vld [tilespmem:s9+$0xFFFFFF38];
	v30 =	vadd.s32 v4, v16;
	[tilespmem:v25+s5+$0x0] =	vst.idx.msk $0xffff, v27;
	v27 =	vsel vm4, $0x1, v1  }
0xfd: {  	v23 =	vadd.s32 v8, v15;
	v26 =	vnsel vm1, $0x1, v26;
	v25 =	vld [tilespmem:s7+$0xFFFFFFA8];
	(xrf0) =	vadd.scan.msk.s32 $0xffff, v27;
	vm3 =	vne.s32 v31, $0x1  }
0xfe: {  	v19 =	vadd.s32 v62, v19;
	[tilespmem:v24+s5+$0x0] =	vst.idx.msk $0xffff, v26;
	v27 =	vsel vm3, $0x1, v1;
	vm6 =	vne.s32 v35, $0x1  }
0xff: {  	s26 =	simm.s32 $0x7;
	v31 =	vnsel vm2, $0x1, v19;
	vm1 =	vne.s32 v29, $0x1;
	(xrf0) =	vadd.scan.msk.s32 $0xffff, v27;
	v19 =	vsel vm6, $0x1, v1  }
0x100: {  	v24 =	vmov s26;
	s24 =	spop (v2sf);
	v27 =	vadd.s32 v5, v16;
	vm1 =	vmand vm1, vm0;
	(xrf0) =	vadd.scan.msk.s32 $0xffff, v19  }
0x101: {  	v29 =	vadd.s32 v0, v18;
	vm5 =	vne.s32 v28, $0x1;
	[tilespmem:v30+s5+$0x0] =	vst.idx.msk $0xffff, v31;
	v19 =	vsel vm1, $0x1, v1;
	s28 =	spop (v2sf)  }
0x102: {  	v26 =	vsel vm5, $0x1, v1;
	vm2 =	vne.s32 v25, $0x1;
	v42 =	vld [tilespmem:s0+$0xFFFFFF78];
	(xrf0) =	vadd.scan.msk.s32 $0xffff, v19;
	v19 =	vand.u32 $0x7F, v24;
	s29 =	spop (v2sf)  }
0x103: {  	v30 =	vadd.s32 v5, v17;
	v24 =	vld [tilespmem:s13+$0xFFFFFFD8];
	v25 =	vsel vm2, $0x1, v1;
	v63, _, _ =	vpop (xrf0);
	(xrf0) =	vadd.scan.msk.s32 $0xffff, v26;
	v26 =	vadd.s32 v0, v19;
	s26 =	spop (v2sf);
	s21 =	sadd.s32 s23, s29  }
0x104: {  	v36 =	vadd.s32 $0x1, v63;
	v62 =	vadd.s32 v3, v19;
	s23 =	sadd.s32 s20, s26;
	v28 =	vmov s21  }
0x105: {  	v31, _, _ =	vpop (xrf0);
	(xrf0) =	vadd.scan.msk.s32 $0xffff, v25;
	v25 =	vnsel vm4, $0x1, v36;
	v41 =	vmov s23;
	v28 =	vadd.s32 $0x1, v28  }
0x106: {  	s29 =	sadd.s32 s14, s24;
	v37, _, _ =	vpop (xrf0);
	(v2sf) =	vpush v31, $0xF;
	v34 =	vadd.s32 $0x1, v41;
	v28 =	vbroadcast v28, $0x0  }
0x107: {  	v50 =	vmov s29;
	(v2sf) =	vpush v37, $0xF;
	v34 =	vbroadcast v34, $0x0  }
0x108: {  	vm8 =	vne.s32 v42, $0x1;
	vm4 =	vne.s32 v24, $0x1;
	[tilespmem:v26+s5+$0x0] =	vst.idx.msk $0xffff, v25;
	v28 =	vadd.s32 v37, v28  }
0x109: {  	v24, _, _ =	vpop (xrf0);
	s26 =	spop (v2sf);
	v44 =	vld [tilespmem:s9+$0x10];
	v25 =	vadd.s32 v31, v34;
	v26 =	vnsel vm6, $0x1, v28;
	v28 =	vsel vm4, $0x1, v1  }
0x10a: {  	s19 =	sadd.s32 s19, s28;
	v45 =	vsel vm8, $0x1, v1;
	v43, _, _ =	vpop (xrf0);
	s28 =	spop (v2sf);
	v25 =	vnsel vm3, $0x1, v25;
	[tilespmem:v40+s5+$0x0] =	vst.idx.msk $0xffff, v26;
	(xrf0) =	vadd.scan.msk.s32 $0xffff, v28  }
0x10b: {  	v31 =	vmov s19;
	v28 =	vadd.s32 $0x1, v43;
	s15 =	sadd.s32 s15, s28;
	[tilespmem:v30+s5+$0x0] =	vst.idx.msk $0xffff, v25;
	v25 =	vld [tilespmem:s7+$0x90];
	(xrf0) =	vadd.scan.msk.s32 $0xffff, v45  }
0x10c: {  	s20 =	sadd.s32 s22, s26;
	v26 =	vadd.s32 $0x1, v31;
	v30 =	vnsel vm5, $0x1, v28;
	v38 =	vmov s15;
	v31 =	vld [tilespmem:s0+$0x50]  }
0x10d: {  	(v2sf) =	vpush v43, $0xF;
	v46 =	vmov s20;
	[tilespmem:v29+s5+$0x0] =	vst.idx.msk $0xffff, v30;
	v29, _, _ =	vpop (xrf0);
	v47 =	vadd.s32 $0x1, v38  }
0x10e: {  	(v2sf) =	vpush v29, $0xF;
	vm6 =	vne.s32 v44, $0x1;
	v33 =	vbroadcast v47, $0x0  }
0x10f: {  	v51 =	vadd.s32 $0x1, v50;
	v30 =	vadd.s32 $0x1, v46;
	v48 =	vld [tilespmem:s9+$0xFFFFFF48];
	v49 =	vsel vm6, $0x1, v1  }
0x110: {  	v30 =	vbroadcast v30, $0x0;
	(xrf0) =	vadd.scan.msk.s32 $0xffff, v49;
	v29 =	vadd.s32 v29, v33;
	vm3 =	vne.s32 v25, $0x1;
	v25, _, _ =	vpop (xrf0)  }
0x111: {  	v29 =	vnsel vm2, $0x1, v29;
	vm7 =	vne.s32 v31, $0x1;
	v31 =	vsel vm3, $0x1, v1;
	v53, _, _ =	vpop (xrf0)  }
0x112: {  	(v2sf) =	vpush v25, $0xF;
	v52 =	vsel vm7, $0x1, v1;
	(xrf0) =	vadd.scan.msk.s32 $0xffff, v31;
	v30 =	vadd.s32 v53, v30  }
0x113: {  	v31 =	vbroadcast v51, $0x0;
	(v2sf) =	vpush v53, $0xF;
	(xrf0) =	vadd.scan.msk.s32 $0xffff, v52;
	v30 =	vnsel vm8, $0x1, v30  }
0x114: {  	v26 =	vbroadcast v26, $0x0;
	[tilespmem:v23+s5+$0x0] =	vst.idx.msk $0xffff, v29;
	v29 =	vadd.s32 v10, v14;
	vm5 =	vne.s32 v48, $0x1  }
0x115: {  	v34 =	vsel vm5, $0x1, v1;
	(v2sf) =	vpush v63, $0xF;
	v25 =	vadd.s32 v25, v31;
	s24 =	spop (v2sf)  }
0x116: {  	(xrf0) =	vadd.scan.msk.s32 $0xffff, v34;
	v31 =	vbroadcast v36, $0xF;
	[tilespmem:v27+s5+$0x0] =	vst.idx.msk $0xffff, v30;
	v27 =	vadd.s32 v2, v19;
	s22 =	sadd.s32 s23, s24;
	s25 =	spop (v2sf);
	v30, _, _ =	vpop (xrf0)  }
0x117: {  	v57 =	vld [tilespmem:s7+$0xFFFFFFB8];
	v25 =	vnsel vm4, $0x1, v25;
	v55 =	vmov s22;
	s23 =	sadd.s32 s21, s25;
	(v2sf) =	vpush v30, $0xF  }
0x118: {  	v23 =	vld [tilespmem:s0+$0xFFFFFF88];
	v32 =	vadd.s32 $0x1, v55;
	v58 =	vmov s23;
	v30 =	vadd.s32 v30, v31;
	v56, _, _ =	vpop (xrf0)  }
0x119: {  	[tilespmem:v22+s5+$0x0] =	vst.idx.msk $0xffff, v25;
	v32 =	vbroadcast v32, $0x0;
	v36 =	vadd.s32 $0x1, v58;
	v37, _, _ =	vpop (xrf0);
	(v2sf) =	vpush v56, $0xF  }
0x11a: {  	v31 =	vld [tilespmem:s13+$0xFFFFFFE8];
	v30 =	vnsel vm6, $0x1, v30;
	v25 =	vbroadcast v36, $0x0;
	(v2sf) =	vpush v37, $0xF  }
0x11b: {  	v28 =	vbroadcast v28, $0xF;
	v24 =	vadd.s32 v24, v26;
	[tilespmem:v27+s5+$0x0] =	vst.idx.msk $0xffff, v30;
	v32 =	vadd.s32 v37, v32  }
0x11c: {  	s21 =	spop (v2sf);
	vm6 =	vne.s32 v57, $0x1;
	v22, _, _ =	vpop (xrf0);
	v30 =	vld [tilespmem:s9+$0x20];
	v27 =	vnsel vm7, $0x1, v32;
	v25 =	vadd.s32 v56, v25  }
0x11d: {  	vm2 =	vne.s32 v23, $0x1;
	s26 =	spop (v2sf);
	[tilespmem:v54+s5+$0x0] =	vst.idx.msk $0xffff, v27;
	v23 =	vnsel vm3, $0x1, v25;
	(v2sf) =	vpush v22, $0xF  }
0x11e: {  	v60 =	vsel vm6, $0x1, v1;
	v28 =	vadd.s32 v22, v28;
	v25 =	vsel vm2, $0x1, v1;
	v27 =	vld [tilespmem:s0+$0x60];
	[tilespmem:v29+s5+$0x0] =	vst.idx.msk $0xffff, v23  }
0x11f: {  	v22 =	vadd.s32 v13, v21;
	v21 =	vnsel vm5, $0x1, v28;
	vm3 =	vne.s32 v31, $0x1;
	s14 =	sadd.s32 s15, s26;
	(xrf0) =	vadd.scan.msk.s32 $0xffff, v25;
	v25 =	vld [tilespmem:s7+$0xA0]  }
0x120: {  	[tilespmem:v59+s5+$0x0] =	vst.idx.msk $0xffff, v21;
	v26 =	vsel vm3, $0x1, v1;
	v23 =	vmov s14;
	(xrf0) =	vadd.scan.msk.s32 $0xffff, v60  }
0x121: {  	v21 =	vadd.s32 $0x1, v23;
	v23 =	vnsel vm1, $0x1, v24;
	v24 =	vld [tilespmem:s9+$0xFFFFFF58];
	vm5 =	vne.s32 v30, $0x1;
	s28 =	spop (v2sf)  }
0x122: {  	v40 =	vadd.s32 v7, v17;
	(xrf0) =	vadd.scan.msk.s32 $0xffff, v26;
	v30 =	vadd.s32 v9, v15;
	v26 =	vsel vm5, $0x1, v1;
	s19 =	sadd.s32 s29, s28;
	s29 =	spop (v2sf)  }
0x123: {  	v21 =	vbroadcast v21, $0x0;
	(xrf0) =	vadd.scan.msk.s32 $0xffff, v26;
	v26 =	vadd.s32 v6, v16;
	vm4 =	vne.s32 v27, $0x1;
	s20 =	sadd.s32 s20, s29  }
0x124: {  	v27 =	vsel vm4, $0x1, v1;
	vm7 =	vne.s32 v25, $0x1;
	v31 =	vmov s20  }
0x125: {  	v28 =	vmov s19;
	v25, _, _ =	vpop (xrf0);
	(xrf0) =	vadd.scan.msk.s32 $0xffff, v27;
	v27 =	vsel vm7, $0x1, v1;
	v31 =	vadd.s32 $0x1, v31  }
0x126: {  	s25 =	spop (v2sf);
	v28 =	vadd.s32 $0x1, v28;
	v32, _, _ =	vpop (xrf0);
	vm1 =	vne.s32 v24, $0x1;
	(xrf0) =	vadd.scan.msk.s32 $0xffff, v27;
	v31 =	vbroadcast v31, $0x0  }
0x127: {  	(v2sf) =	vpush v25, $0xF;
	v21 =	vadd.s32 v32, v21;
	v24 =	vsel vm1, $0x1, v1;
	s26 =	spop (v2sf)  }
0x128: {  	v27 =	vadd.s32 v11, v14;
	v63, _, _ =	vpop (xrf0);
	(v2sf) =	vpush v32, $0xF;
	s24 =	sadd.s32 s25, s26;
	v25 =	vadd.s32 v25, v31;
	s28 =	spop (v2sf)  }
0x129: {  	v21 =	vnsel vm6, $0x1, v21;
	v42, _, _ =	vpop (xrf0);
	v61 =	vmov s24;
	v25 =	vnsel vm2, $0x1, v25;
	s29 =	spop (v2sf);
	s23 =	sadd.s32 s23, s28  }
0x12a: {  	v32 =	vadd.s32 $0x1, v61;
	(v2sf) =	vpush v42, $0xF;
	s26 =	sadd.s32 s22, s29;
	v41 =	vmov s23  }
0x12b: {  	(xrf0) =	vadd.scan.msk.s32 $0xffff, v24;
	v32 =	vbroadcast v32, $0x0;
	v24, _, _ =	vpop (xrf0);
	v43 =	vmov s26;
	v36 =	vadd.s32 $0x1, v41  }
0x12c: {  	[tilespmem:v30+s5+$0x0] =	vst.idx.msk $0xffff, v21;
	v21, _, _ =	vpop (xrf0);
	s28 =	spop (v2sf);
	(v2sf) =	vpush v24, $0xF;
	v38 =	vadd.s32 $0x1, v43;
	v36 =	vbroadcast v36, $0x0  }
0x12d: {  	v45 =	vld [tilespmem:s7+$0xFFFFFFC8];
	v30 =	vadd.s32 v42, v32;
	s25 =	sadd.s32 s21, s28;
	(v2sf) =	vpush v21, $0xF;
	v44 =	vbroadcast v38, $0x0  }
0x12e: {  	[tilespmem:v26+s5+$0x0] =	vst.idx.msk $0xffff, v25;
	v30 =	vnsel vm5, $0x1, v30;
	v36 =	vadd.s32 v21, v36;
	v21 =	vmov s25  }
0x12f: {  	v48 =	vld [tilespmem:s0+$0xFFFFFF98];
	[tilespmem:v62+s5+$0x0] =	vst.idx.msk $0xffff, v30;
	v24 =	vadd.s32 v24, v44;
	v30 =	vnsel vm7, $0x1, v36;
	v21 =	vadd.s32 $0x1, v21  }
0x130: {  	v46 =	vld [tilespmem:s9+$0x30];
	v24 =	vnsel vm4, $0x1, v24;
	[tilespmem:v27+s5+$0x0] =	vst.idx.msk $0xffff, v30;
	v27 =	vbroadcast v28, $0x0;
	v28 =	vadd.s32 v3, v18  }
0x131: {  	v57 =	vadd.s32 v12, v14;
	v56 =	vadd.s32 v4, v19;
	s15 =	simm.s32 $0x8;
	v31, _, _ =	vpop (xrf0);
	v21 =	vbroadcast v21, $0x0;
	[tilespmem:v40+s5+$0x0] =	vst.idx.msk $0xffff, v24;
	v24 =	vld [tilespmem:s7+$0xB0]  }
0x132: {  	v29 =	vmov s15;
	vm2 =	vne.s32 v45, $0x1;
	(v2sf) =	vpush v31, $0xF  }
0x133: {  	v30 =	vadd.s32 v12, v20;
	v47 =	vld [tilespmem:s0+$0x70];
	v21 =	vadd.s32 v31, v21;
	v31 =	vsel vm2, $0x1, v1  }
0x134: {  	(v2sf) =	vpush v63, $0xF;
	vm6 =	vne.s32 v48, $0x1;
	v21 =	vnsel vm1, $0x1, v21;
	(xrf0) =	vadd.scan.msk.s32 $0xffff, v31  }
0x135: {  	v32 =	vsel vm6, $0x1, v1;
	v25 =	vadd.s32 v63, v27;
	vm4 =	vne.s32 v46, $0x1;
	[tilespmem:v28+s5+$0x0] =	vst.idx.msk $0xffff, v21  }
0x136: {  	s29 =	spop (v2sf);
	v21 =	vsel vm4, $0x1, v1;
	vm1 =	vne.s32 v24, $0x1;
	v24 =	vnsel vm3, $0x1, v25;
	v25 =	vld [tilespmem:s9+$0xFFFFFF68]  }
0x137: {  	v27 =	vadd.s32 v8, v16;
	v31 =	vadd.s32 v4, v18;
	v28 =	vadd.s32 v10, v15;
	s21 =	spop (v2sf);
	(xrf0) =	vadd.scan.msk.s32 $0xffff, v21  }
0x138: {  	v21 =	vadd.s32 v13, v20;
	s21 =	sadd.s32 s14, s21;
	vm3 =	vne.s32 v47, $0x1;
	v26 =	vsel vm1, $0x1, v1;
	[tilespmem:v30+s5+$0x0] =	vst.idx.msk $0xffff, v24  }
0x139: {  	v20 =	vand.u32 $0x7E, v29;
	v49 =	vmov s21;
	v24 =	vsel vm3, $0x1, v1;
	(xrf0) =	vadd.scan.msk.s32 $0xffff, v26;
	v29 =	vld [tilespmem:s13+$0xFFFFFFF8]  }
0x13a: {  	s20 =	sadd.s32 s20, s29;
	v30 =	vadd.s32 v7, v16;
	v26 =	vadd.s32 v11, v15;
	s22 =	spop (v2sf);
	v33 =	vadd.s32 $0x1, v49;
	(xrf0) =	vadd.scan.msk.s32 $0xffff, v24;
	v50, _, _ =	vpop (xrf0)  }
0x13b: {  	v24 =	vmov s20;
	s22 =	sadd.s32 s24, s22;
	(v2sf) =	vpush v50, $0xF;
	vm5 =	vne.s32 v25, $0x1  }
0x13c: {  	v24 =	vadd.s32 $0x1, v24;
	s24 =	spop (v2sf);
	v51 =	vmov s22;
	(xrf0) =	vadd.scan.msk.s32 $0xffff, v32;
	v25 =	vsel vm5, $0x1, v1  }
0x13d: {  	v33 =	vbroadcast v33, $0x0;
	s24 =	sadd.s32 s26, s24;
	v53 =	vadd.s32 $0x1, v51;
	s26 =	spop (v2sf);
	v24 =	vbroadcast v24, $0x0;
	v52, _, _ =	vpop (xrf0);
	(xrf0) =	vadd.scan.msk.s32 $0xffff, v25  }
0x13e: {  	v32 =	vbroadcast v53, $0x0;
	s14 =	sadd.s32 s23, s26;
	vm7 =	vne.s32 v29, $0x1;
	v25 =	vmov s24  }
0x13f: {  	v29 =	vadd.s32 v8, v17;
	v39 =	vmov s14;
	v54, _, _ =	vpop (xrf0);
	v25 =	vadd.s32 $0x1, v25  }
0x140: {  	v39 =	vadd.s32 $0x1, v39;
	v55, _, _ =	vpop (xrf0);
	(v2sf) =	vpush v54, $0xF;
	v25 =	vbroadcast v25, $0x0  }
0x141: {  	s28 =	spop (v2sf);
	v32 =	vadd.s32 v52, v32;
	v39 =	vbroadcast v39, $0x0;
	(v2sf) =	vpush v55, $0xF  }
0x142: {  	s13 =	simm.s32 $0x708;
	s23 =	sadd.s32 s25, s28;
	v32 =	vnsel vm4, $0x1, v32;
	v58, _, _ =	vpop (xrf0);
	(v2sf) =	vpush v52, $0xF;
	v25 =	vadd.s32 v55, v25  }
0x143: {  	v59 =	vld [tilespmem:s13+$0x0];
	v60 =	vmov s23;
	[tilespmem:v56+s5+$0x0] =	vst.idx.msk $0xffff, v32;
	v35 =	vadd.s32 v54, v39;
	v25 =	vnsel vm3, $0x1, v25;
	v61, _, _ =	vpop (xrf0)  }
0x144: {  	v32 =	vadd.s32 $0x1, v60;
	v40 =	vld [tilespmem:s9+$0x40];
	[tilespmem:v29+s5+$0x0] =	vst.idx.msk $0xffff, v25;
	v25 =	vnsel vm1, $0x1, v35;
	(v2sf) =	vpush v61, $0xF  }
0x145: {  	v62 =	vadd.s32 v58, v24;
	v29 =	vbroadcast v32, $0x0;
	v24 =	vld [tilespmem:s0+$0x80];
	[tilespmem:v57+s5+$0x0] =	vst.idx.msk $0xffff, v25;
	(v2sf) =	vpush v58, $0xF  }
0x146: {  	[tilespmem:v22+s5+$0x0] =	vst.idx.msk $0xffff, v23;
	v22 =	vnsel vm6, $0x1, v62;
	vm1 =	vmand vm7, vm0;
	v25 =	vadd.s32 v50, v33;
	v32 =	vld [tilespmem:s7+$0xC0]  }
0x147: {  	v23 =	vld [tilespmem:s13+$0xFFFFFF38];
	s29 =	spop (v2sf);
	[tilespmem:v30+s5+$0x0] =	vst.idx.msk $0xffff, v22;
	v30 =	vsel vm1, $0x1, v1;
	v29 =	vadd.s32 v61, v29;
	v22 =	vnsel vm2, $0x1, v25  }
0x148: {  	s19 =	sadd.s32 s19, s29;
	vm4 =	vne.s32 v59, $0x1;
	v25 =	vld [tilespmem:s0+$0xFFFFFFA8];
	(xrf0) =	vadd.scan.msk.s32 $0xffff, v30;
	v29 =	vnsel vm5, $0x1, v29;
	[tilespmem:v28+s5+$0x0] =	vst.idx.msk $0xffff, v22  }
0x149: {  	v63 =	vmov s19;
	v22 =	vsel vm4, $0x1, v1;
	v28 =	vadd.s32 v5, v18;
	[tilespmem:v31+s5+$0x0] =	vst.idx.msk $0xffff, v29;
	v30 =	vld [tilespmem:s7+$0xFFFFFFD8]  }
0x14a: {  	s19 =	simm.s32 $0xA;
	vm3 =	vne.s32 v40, $0x1;
	v29 =	vadd.s32 v0, v20;
	(xrf0) =	vadd.scan.msk.s32 $0xffff, v22;
	v22 =	vadd.s32 $0x1, v63;
	v31 =	vld [tilespmem:s9+$0xFFFFFF78];
	s25 =	spop (v2sf)  }
.LBB2_2:
0x14b: {  	p0 =	slt.u32 s19, $0x7E;
	v33 =	vsel vm3, $0x1, v1;
	vm7 =	vne.s32 v24, $0x1;
	s21 =	sadd.s32 s21, s25;
	vm2 =	vne.s32 v32, $0x1  }
0x14c: {  	vm8 =	vne.s32 v23, $0x1;
	(xrf0) =	vadd.scan.msk.s32 $0xffff, v33;
	v34 =	vsel vm7, $0x1, v1;
	vm9 =	vmand vm2, vm0  }
0x14d: {  	s25 =	sadd.s32 $0x1, s15;
	s15 =	smov.u32 s19;
	v24 =	vsel vm8, $0x1, v1;
	vm6 =	vne.s32 v25, $0x1;
	(xrf0) =	vadd.scan.msk.s32 $0xffff, v34;
	v33 =	vsel vm9, $0x1, v1  }
0x14e: {  	v25 =	vmov s25;
	v32 =	vsel vm6, $0x1, v1;
	vm2 =	vne.s32 v30, $0x1;
	(xrf0) =	vadd.scan.msk.s32 $0xffff, v33;
	v23, _, _ =	vpop (xrf0)  }
0x14f: {  	v25 =	vand.u32 $0x7F, v25;
	(xrf0) =	vadd.scan.msk.s32 $0xffff, v24;
	vm5 =	vne.s32 v31, $0x1;
	v24 =	vsel vm2, $0x1, v1;
	s25 =	spop (v2sf)  }
0x150: {  	v33 =	vadd.s32 v9, v17;
	v31 =	vadd.s32 v5, v19;
	v30, _, _ =	vpop (xrf0);
	(xrf0) =	vadd.scan.msk.s32 $0xffff, v32;
	s26 =	spop (v2sf);
	s14 =	sadd.s32 s14, s25;
	v32 =	vadd.s32 v13, v14  }
0x151: {  	v35 =	vadd.s32 v0, v25;
	v14 =	vmovc v17;
	v34 =	vadd.s32 $0x1, v30;
	s25 =	spop (v2sf);
	s24 =	sadd.s32 s24, s26;
	v36 =	vmov s14;
	(xrf0) =	vadd.scan.msk.s32 $0xffff, v24  }
0x152: {  	v17 =	vnsel vm4, $0x1, v34;
	s22 =	sadd.s32 s22, s25;
	v24, _, _ =	vpop (xrf0);
	v37 =	vmov s24;
	v36 =	vadd.s32 $0x1, v36  }
0x153: {  	v38 =	vmov s22;
	s14 =	spop (v2sf);
	v37 =	vadd.s32 $0x1, v37;
	v39, _, _ =	vpop (xrf0);
	v36 =	vbroadcast v36, $0x0  }
0x154: {  	s14 =	sadd.s32 s23, s14;
	v38 =	vadd.s32 $0x1, v38;
	(v2sf) =	vpush v24, $0xF;
	v37 =	vbroadcast v37, $0x0;
	s23 =	spop (v2sf);
	v40, _, _ =	vpop (xrf0)  }
0x155: {  	v41, _, _ =	vpop (xrf0);
	v38 =	vbroadcast v38, $0x0;
	s20 =	sadd.s32 s20, s23;
	(v2sf) =	vpush v39, $0xF;
	v36 =	vadd.s32 v40, v36  }
0x156: {  	v40 =	vadd.s32 $0x1, v41;
	[tilespmem:v35+s5+$0x0] =	vst.idx.msk $0xffff, v17;
	v42 =	vadd.s32 v39, v37;
	v35, _, _ =	vpop (xrf0);
	v36 =	vnsel vm9, $0x1, v36  }
0x157: {  	v37 =	vnsel vm8, $0x1, v40;
	v39 =	vld [tilespmem:s13+$0x10];
	v24 =	vadd.s32 v24, v38;
	v38 =	vnsel vm7, $0x1, v42;
	[tilespmem:v32+s5+$0x0] =	vst.idx.msk $0xffff, v36;
	v32, _, _ =	vpop (xrf0)  }
0x158: {  	v17 =	vmovc v19;
	v19 =	vmovc v25;
	v36 =	vbroadcast v40, $0xF;
	(v2sf) =	vpush v41, $0xF;
	v24 =	vnsel vm3, $0x1, v24;
	[tilespmem:v33+s5+$0x0] =	vst.idx.msk $0xffff, v38  }
0x159: {  	v25 =	vsel vm5, $0x1, v1;
	v33 =	vmov s14;
	[tilespmem:v31+s5+$0x0] =	vst.idx.msk $0xffff, v24;
	v24 =	vmov s20;
	v31 =	vld [tilespmem:s0+$0x90]  }
0x15a: {  	[tilespmem:v29+s5+$0x0] =	vst.idx.msk $0xffff, v37;
	v29 =	vadd.s32 $0x1, v33;
	v33 =	vld [tilespmem:s9+$0x50];
	(xrf0) =	vadd.scan.msk.s32 $0xffff, v25;
	v24 =	vadd.s32 $0x1, v24  }
0x15b: {  	v25 =	vld [tilespmem:s13+$0xFFFFFF48];
	v29 =	vbroadcast v29, $0x0;
	v24 =	vbroadcast v24, $0x0;
	(v2sf) =	vpush v35, $0xF  }
0x15c: {  	v37 =	vmov s21;
	vm4 =	vne.s32 v39, $0x1;
	(v2sf) =	vpush v32, $0xF  }
0x15d: {  	v38 =	vsel vm4, $0x1, v1;
	v24 =	vadd.s32 v35, v24;
	v35 =	vadd.s32 $0x1, v37  }
0x15e: {  	(xrf0) =	vadd.scan.msk.s32 $0xffff, v38;
	v24 =	vnsel vm6, $0x1, v24;
	vm3 =	vne.s32 v31, $0x1;
	v31 =	vbroadcast v35, $0x0  }
0x15f: {  	v22 =	vbroadcast v22, $0x0;
	vm6 =	vne.s32 v33, $0x1;
	[tilespmem:v27+s5+$0x0] =	vst.idx.msk $0xffff, v24;
	v24 =	vsel vm3, $0x1, v1  }
0x160: {  	vm7 =	vne.s32 v25, $0x1;
	v25 =	vsel vm6, $0x1, v1;
	v27, _, _ =	vpop (xrf0);
	v33 =	vld [tilespmem:s0+$0xFFFFFFB8];
	(xrf0) =	vadd.scan.msk.s32 $0xffff, v24;
	v24 =	vadd.s32 v32, v31  }
0x161: {  	v31 =	vsel vm7, $0x1, v1;
	v29 =	vadd.s32 v27, v29;
	(v2sf) =	vpush v27, $0xF;
	(xrf0) =	vadd.scan.msk.s32 $0xffff, v25  }
0x162: {  	v22 =	vadd.s32 v23, v22;
	v24 =	vnsel vm2, $0x1, v24;
	(xrf0) =	vadd.scan.msk.s32 $0xffff, v31;
	v25 =	vnsel vm5, $0x1, v29  }
0x163: {  	v23 =	vadd.s32 v2, v20;
	v22 =	vnsel vm1, $0x1, v22;
	v27 =	vbroadcast v34, $0xF;
	[tilespmem:v28+s5+$0x0] =	vst.idx.msk $0xffff, v25;
	s23 =	spop (v2sf)  }
0x164: {  	v32 =	vadd.s32 v10, v14;
	v31 =	vadd.s32 v6, v17;
	v25 =	vadd.s32 v2, v19;
	v28, _, _ =	vpop (xrf0);
	v29 =	vld [tilespmem:s9+$0xFFFFFF88];
	s23 =	sadd.s32 s22, s23;
	s22 =	spop (v2sf)  }
0x165: {  	v27 =	vadd.s32 v28, v27;
	(v2sf) =	vpush v30, $0xF;
	v30 =	vmov s23;
	s26 =	sadd.s32 s24, s22;
	[tilespmem:v26+s5+$0x0] =	vst.idx.msk $0xffff, v24  }
0x166: {  	(v2sf) =	vpush v28, $0xF;
	v24 =	vadd.s32 $0x1, v30;
	v26 =	vmov s26;
	v28, _, _ =	vpop (xrf0);
	v30 =	vld [tilespmem:s7+$0xFFFFFFE8];
	[tilespmem:v21+s5+$0x0] =	vst.idx.msk $0xffff, v22  }
0x167: {  	s28 =	spop (v2sf);
	v21 =	vbroadcast v24, $0x0;
	v22, _, _ =	vpop (xrf0);
	v24 =	vadd.s32 $0x1, v26;
	(v2sf) =	vpush v28, $0xF  }
0x168: {  	v26 =	vnsel vm4, $0x1, v27;
	v27, _, _ =	vpop (xrf0);
	(v2sf) =	vpush v22, $0xF;
	v24 =	vbroadcast v24, $0x0  }
0x169: {  	v34 =	vadd.s32 v27, v36;
	[tilespmem:v25+s5+$0x0] =	vst.idx.msk $0xffff, v26;
	(v2sf) =	vpush v27, $0xF;
	v21 =	vadd.s32 v22, v21  }
0x16a: {  	v22 =	vnsel vm7, $0x1, v34;
	v25 =	vld [tilespmem:s13+$0x20];
	v21 =	vnsel vm6, $0x1, v21;
	v24 =	vadd.s32 v28, v24;
	s22 =	spop (v2sf)  }
0x16b: {  	vm1 =	vne.s32 v29, $0x1;
	vm7 =	vne.s32 v33, $0x1;
	[tilespmem:v31+s5+$0x0] =	vst.idx.msk $0xffff, v21;
	s22 =	sadd.s32 s20, s22;
	v21 =	vnsel vm3, $0x1, v24;
	s20 =	spop (v2sf)  }
0x16c: {  	v24 =	vsel vm1, $0x1, v1;
	v27 =	vsel vm7, $0x1, v1;
	v26 =	vld [tilespmem:s9+$0x60];
	v28 =	vmov s22;
	[tilespmem:v32+s5+$0x0] =	vst.idx.msk $0xffff, v21;
	s25 =	sadd.s32 s21, s20  }
0x16d: {  	vm3 =	vne.s32 v30, $0x1;
	[tilespmem:v23+s5+$0x0] =	vst.idx.msk $0xffff, v22;
	(xrf0) =	vadd.scan.msk.s32 $0xffff, v24;
	v21 =	vadd.s32 $0x1, v28;
	v22 =	vld [tilespmem:s0+$0xA0]  }
0x16e: {  	v24 =	vsel vm3, $0x1, v1;
	v23 =	vld [tilespmem:s13+$0xFFFFFF58];
	v21 =	vbroadcast v21, $0x0;
	(xrf0) =	vadd.scan.msk.s32 $0xffff, v27;
	v27 =	vmov s25  }
0x16f: {  	v28 =	vmov s19;
	vm2 =	vne.s32 v25, $0x1;
	v25 =	vadd.s32 $0x1, v27;
	(xrf0) =	vadd.scan.msk.s32 $0xffff, v24  }
0x170: {  	v29 =	vadd.s32 v12, v15;
	v24 =	vsel vm2, $0x1, v1;
	s20 =	spop (v2sf);
	v25 =	vbroadcast v25, $0x0  }
0x171: {  	(xrf0) =	vadd.scan.msk.s32 $0xffff, v24;
	s20 =	sadd.s32 s14, s20;
	v24 =	vadd.s32 v6, v18;
	vm5 =	vne.s32 v26, $0x1;
	v26 =	vadd.s32 v9, v16  }
0x172: {  	v27 =	vmov s20;
	v30 =	vsel vm5, $0x1, v1;
	vm6 =	vne.s32 v22, $0x1  }
0x173: {  	vm4 =	vne.s32 v23, $0x1;
	v22 =	vadd.s32 $0x1, v27;
	v23, _, _ =	vpop (xrf0);
	(xrf0) =	vadd.scan.msk.s32 $0xffff, v30;
	v27 =	vsel vm6, $0x1, v1  }
0x174: {  	v32 =	vsel vm4, $0x1, v1;
	s14 =	spop (v2sf);
	v22 =	vbroadcast v22, $0x0;
	(v2sf) =	vpush v23, $0xF;
	v31, _, _ =	vpop (xrf0);
	(xrf0) =	vadd.scan.msk.s32 $0xffff, v27  }
0x175: {  	v27 =	vadd.s32 v3, v20;
	(xrf0) =	vadd.scan.msk.s32 $0xffff, v32;
	s21 =	spop (v2sf);
	v21 =	vadd.s32 v31, v21;
	(v2sf) =	vpush v31, $0xF;
	v30, _, _ =	vpop (xrf0)  }
0x176: {  	s24 =	sadd.s32 s14, s21;
	v22 =	vadd.s32 v23, v22;
	v21 =	vnsel vm7, $0x1, v21;
	v23 =	vadd.s32 v11, v14;
	s14 =	spop (v2sf)  }
0x177: {  	v34 =	vadd.s32 v7, v17;
	v32 =	vadd.s32 v3, v19;
	v31 =	vmov s24;
	v33, _, _ =	vpop (xrf0);
	s21 =	spop (v2sf);
	[tilespmem:v26+s5+$0x0] =	vst.idx.msk $0xffff, v21;
	s14 =	sadd.s32 s26, s14  }
0x178: {  	v21 =	vadd.s32 $0x1, v31;
	s29 =	spop (v2sf);
	(v2sf) =	vpush v33, $0xF;
	s26 =	sadd.s32 s23, s21;
	v26 =	vld [tilespmem:s0+$0xFFFFFFC8];
	v31 =	vmov s14  }
0x179: {  	s23 =	sadd.s32 s28, s29;
	v21 =	vbroadcast v21, $0x0;
	v35 =	vmov s26;
	v36, _, _ =	vpop (xrf0);
	v31 =	vadd.s32 $0x1, v31  }
0x17a: {  	v35 =	vadd.s32 $0x1, v35;
	(v2sf) =	vpush v36, $0xF;
	v31 =	vbroadcast v31, $0x0;
	v37, _, _ =	vpop (xrf0)  }
0x17b: {  	v21 =	vadd.s32 v33, v21;
	v33, _, _ =	vpop (xrf0);
	v35 =	vbroadcast v35, $0x0;
	(v2sf) =	vpush v37, $0xF  }
0x17c: {  	v38 =	vmov s23;
	v21 =	vnsel vm2, $0x1, v21;
	v31 =	vadd.s32 v37, v31  }
0x17d: {  	v37 =	vadd.s32 $0x1, v38;
	[tilespmem:v32+s5+$0x0] =	vst.idx.msk $0xffff, v21;
	v21 =	vadd.s32 v36, v35;
	v31 =	vnsel vm6, $0x1, v31  }
0x17e: {  	v32 =	vbroadcast v37, $0x0;
	v35 =	vld [tilespmem:s13+$0x30];
	(v2sf) =	vpush v33, $0xF;
	v21 =	vnsel vm5, $0x1, v21;
	[tilespmem:v23+s5+$0x0] =	vst.idx.msk $0xffff, v31  }
0x17f: {  	v22 =	vnsel vm1, $0x1, v22;
	vm2 =	vne.s32 v26, $0x1;
	[tilespmem:v34+s5+$0x0] =	vst.idx.msk $0xffff, v21;
	v23 =	vld [tilespmem:s0+$0xB0];
	(v2sf) =	vpush v30, $0xF  }
0x180: {  	v25 =	vadd.s32 v30, v25;
	v21 =	vadd.s32 v33, v32;
	[tilespmem:v24+s5+$0x0] =	vst.idx.msk $0xffff, v22;
	v22 =	vld [tilespmem:s9+$0x70];
	v24 =	vsel vm2, $0x1, v1  }
0x181: {  	v26 =	vnsel vm4, $0x1, v21;
	v21 =	vadd.s32 v13, v15;
	v15 =	vmovc v16;
	v30 =	vld [tilespmem:s9+$0xFFFFFF98];
	(xrf0) =	vadd.scan.msk.s32 $0xffff, v24;
	v24 =	vnsel vm3, $0x1, v25  }
0x182: {  	v25 =	vand.u32 $0x7E, v28;
	v28 =	vadd.s32 v10, v15;
	[tilespmem:v27+s5+$0x0] =	vst.idx.msk $0xffff, v26;
	v26 =	vadd.s32 v11, v15  }
0x183: {  	v33 =	vadd.s32 v7, v18;
	v27 =	vadd.s32 v8, v18;
	v31 =	vld [tilespmem:s13+$0xFFFFFF68];
	vm5 =	vne.s32 v35, $0x1;
	s21 =	spop (v2sf);
	[tilespmem:v29+s5+$0x0] =	vst.idx.msk $0xffff, v24  }
0x184: {  	v16 =	vmovc v18;
	v18 =	vmovc v20;
	v29 =	vadd.s32 v4, v20;
	v24 =	vsel vm5, $0x1, v1;
	s20 =	sadd.s32 s20, s21;
	vm1 =	vne.s32 v23, $0x1;
	s21 =	spop (v2sf);
	v23 =	vld [tilespmem:s7+$0xFFFFFFF8];
	s7 =	smov.u32 s0  }
0x185: {  	v20 =	vmovc v25;
	s0 =	smov.u32 s9;
	s9 =	smov.u32 s13;
	(xrf0) =	vadd.scan.msk.s32 $0xffff, v24;
	v24 =	vmov s20;
	vm6 =	vne.s32 v22, $0x1;
	s21 =	sadd.s32 s22, s21;
	v22 =	vsel vm1, $0x1, v1  }
0x186: {  	vm4 =	vne.s32 v30, $0x1;
	v24 =	vadd.s32 $0x1, v24;
	v25 =	vsel vm6, $0x1, v1;
	(xrf0) =	vadd.scan.msk.s32 $0xffff, v22  }
0x187: {  	s22 =	spop (v2sf);
	v22 =	vsel vm4, $0x1, v1;
	v24 =	vbroadcast v24, $0x0;
	(xrf0) =	vadd.scan.msk.s32 $0xffff, v25;
	v25 =	vmov s21;
	v30, _, _ =	vpop (xrf0)  }
0x188: {  	vm3 =	vne.s32 v31, $0x1;
	(xrf0) =	vadd.scan.msk.s32 $0xffff, v22;
	v22 =	vadd.s32 $0x1, v25;
	(v2sf) =	vpush v30, $0xF  }
0x189: {  	s22 =	sadd.s32 s24, s22;
	v25 =	vsel vm3, $0x1, v1;
	s24 =	spop (v2sf);
	v22 =	vbroadcast v22, $0x0;
	vm7 =	vne.s32 v23, $0x1  }
0x18a: {  	v31 =	vadd.s32 v12, v14;
	v23 =	vmov s22;
	(xrf0) =	vadd.scan.msk.s32 $0xffff, v25;
	s24 =	sadd.s32 s26, s24;
	v25 =	vadd.s32 v8, v17;
	s26 =	spop (v2sf)  }
0x18b: {  	v32 =	vadd.s32 v4, v19;
	v23 =	vadd.s32 $0x1, v23;
	v34, _, _ =	vpop (xrf0);
	v35 =	vmov s24;
	s14 =	sadd.s32 s14, s26  }
0x18c: {  	v23 =	vbroadcast v23, $0x0;
	v35 =	vadd.s32 $0x1, v35;
	v36 =	vmov s14;
	v37, _, _ =	vpop (xrf0)  }
0x18d: {  	s26 =	spop (v2sf);
	v35 =	vbroadcast v35, $0x0;
	v38, _, _ =	vpop (xrf0);
	v36 =	vadd.s32 $0x1, v36;
	(v2sf) =	vpush v37, $0xF  }
0x18e: {  	v23 =	vadd.s32 v34, v23;
	s23 =	sadd.s32 s23, s26;
	v39, _, _ =	vpop (xrf0);
	(v2sf) =	vpush v38, $0xF;
	v36 =	vbroadcast v36, $0x0;
	s26 =	spop (v2sf)  }
0x18f: {  	s13 =	sadd.s32 $0x190, s13;
	v23 =	vnsel vm5, $0x1, v23;
	(v2sf) =	vpush v34, $0xF;
	v34 =	vadd.s32 v38, v35;
	s25 =	sadd.s32 s25, s26  }
0x190: {  	v38 =	vmov s23;
	v35 =	vld [tilespmem:s13+$0x0];
	[tilespmem:v32+s5+$0x0] =	vst.idx.msk $0xffff, v23;
	v40, _, _ =	vpop (xrf0);
	v23 =	vnsel vm6, $0x1, v34;
	v32 =	vadd.s32 v37, v36  }
0x191: {  	v34 =	vadd.s32 $0x1, v38;
	v36 =	vld [tilespmem:s9+$0x40];
	(v2sf) =	vpush v40, $0xF;
	[tilespmem:v25+s5+$0x0] =	vst.idx.msk $0xffff, v23;
	v23 =	vnsel vm1, $0x1, v32  }
0x192: {  	v25 =	vbroadcast v34, $0x0;
	v32 =	vadd.s32 v39, v24;
	v24 =	vld [tilespmem:s0+$0x80];
	(v2sf) =	vpush v39, $0xF;
	[tilespmem:v31+s5+$0x0] =	vst.idx.msk $0xffff, v23  }
.Ltmp0:
0x193: {  	v22 =	vadd.s32 v30, v22;
	vm1 =	vmand vm7, vm0;
	v31 =	vnsel vm4, $0x1, v32;
	v32 =	vld [tilespmem:s7+$0xC0];
	(pc) =	sbr.rel @p0 .LBB2_2-.Ltmp0, $4  }
0x194: {  	v22 =	vnsel vm2, $0x1, v22;
	v30 =	vsel vm1, $0x1, v1;
	v25 =	vadd.s32 v40, v25;
	v23 =	vld [tilespmem:s13+$0xFFFFFF38];
	[tilespmem:v33+s5+$0x0] =	vst.idx.msk $0xffff, v31  }
0x195: {  	v31 =	vnsel vm3, $0x1, v25;
	vm4 =	vne.s32 v35, $0x1;
	v25 =	vld [tilespmem:s0+$0xFFFFFFA8];
	[tilespmem:v28+s5+$0x0] =	vst.idx.msk $0xffff, v22;
	(xrf0) =	vadd.scan.msk.s32 $0xffff, v30  }
0x196: {  	v33 =	vmov s25;
	v28 =	vadd.s32 v5, v18;
	v22 =	vsel vm4, $0x1, v1;
	[tilespmem:v29+s5+$0x0] =	vst.idx.msk $0xffff, v31;
	v30 =	vld [tilespmem:s7+$0xFFFFFFD8]  }
0x197: {  	s19 =	sadd.s32 $0x2, s19;
	v29 =	vadd.s32 v0, v20;
	vm3 =	vne.s32 v36, $0x1;
	(xrf0) =	vadd.scan.msk.s32 $0xffff, v22;
	v31 =	vld [tilespmem:s9+$0xFFFFFF78];
	s25 =	spop (v2sf);
	v22 =	vadd.s32 $0x1, v33  }
0x198: {  	v33 =	vsel vm3, $0x1, v1;
	vm6 =	vne.s32 v24, $0x1  }
0x199: {  	s15 =	sadd.s32 $0x1, s15;
	(xrf0) =	vadd.scan.msk.s32 $0xffff, v33;
	v24 =	vsel vm6, $0x1, v1  }
0x19a: {  	(xrf0) =	vadd.scan.msk.s32 $0xffff, v24;
	v24 =	vmov s15  }
0x19b: {  	vm2 =	vne.s32 v32, $0x1  }
0x19c: {  	vm2 =	vmand vm2, vm0;
	vm5 =	vne.s32 v23, $0x1;
	v23 =	vand.u32 $0x7F, v24;
	s19 =	spop (v2sf)  }
0x19d: {  	v42 =	vsel vm2, $0x1, v1;
	v44 =	vadd.s32 v0, v23;
	[dreg:$0x17] =	wrdreg s19;
	s19 =	spop (v2sf);
	v24, _, _ =	vpop (xrf0)  }
0x19e: {  	v35 =	vadd.s32 v9, v17;
	v43 =	vsel vm5, $0x1, v1;
	(xrf0) =	vadd.scan.msk.s32 $0xffff, v42;
	s26 =	spop (v2sf);
	s19 =	sadd.s32 s24, s19;
	v45, _, _ =	vpop (xrf0)  }
0x19f: {  	v37 =	vadd.s32 v5, v19;
	(xrf0) =	vadd.scan.msk.s32 $0xffff, v43;
	s24 =	sadd.s32 s22, s26;
	v34 =	vmov s19;
	v38, _, _ =	vpop (xrf0);
	v39 =	vadd.s32 $0x1, v45  }
0x1a0: {  	v36 =	vmov s24;
	v34 =	vadd.s32 $0x1, v34;
	(v2sf) =	vpush v38, $0xF  }
0x1a1: {  	v40, _, _ =	vpop (xrf0);
	v41 =	vnsel vm4, $0x1, v39;
	v36 =	vadd.s32 $0x1, v36;
	v34 =	vbroadcast v34, $0x0  }
0x1a2: {  	(v2sf) =	vpush v40, $0xF;
	[tilespmem:v44+s5+$0x0] =	vst.idx.msk $0xffff, v41;
	v36 =	vbroadcast v36, $0x0  }
0x1a3: {  	vm15 =	vne.s32 v25, $0x1;
	v47 =	vld [tilespmem:s13+$0x10];
	v34 =	vadd.s32 v40, v34  }
0x1a4: {  	v48 =	vsel vm15, $0x1, v1;
	v25, _, _ =	vpop (xrf0);
	v46 =	vadd.s32 v38, v36;
	v34 =	vnsel vm6, $0x1, v34  }
0x1a5: {  	v32 =	vnsel vm3, $0x1, v46;
	[tilespmem:v35+s5+$0x0] =	vst.idx.msk $0xffff, v34;
	vm3 =	vne.s32 v30, $0x1;
	v30, _, _ =	vpop (xrf0);
	(xrf0) =	vadd.scan.msk.s32 $0xffff, v48  }
0x1a6: {  	vm8 =	vne.s32 v31, $0x1;
	s28 =	spop (v2sf);
	[tilespmem:v37+s5+$0x0] =	vst.idx.msk $0xffff, v32;
	v49 =	vld [tilespmem:s0+$0x90];
	v31 =	vsel vm3, $0x1, v1;
	v50 =	vadd.s32 $0x1, v30  }
0x1a7: {  	s29 =	spop (v2sf);
	(v2sf) =	vpush v30, $0xF;
	v30 =	vsel vm8, $0x1, v1;
	v51 =	vld [tilespmem:s9+$0x50];
	(xrf0) =	vadd.scan.msk.s32 $0xffff, v31;
	v31 =	vnsel vm5, $0x1, v50  }
0x1a8: {  	v62 =	vadd.s32 v6, v19;
	s15 =	sadd.s32 s21, s25;
	s20 =	sadd.s32 s20, s29;
	vm11 =	vne.s32 v47, $0x1;
	[tilespmem:v29+s5+$0x0] =	vst.idx.msk $0xffff, v31;
	(xrf0) =	vadd.scan.msk.s32 $0xffff, v30  }
0x1a9: {  	v54 =	vmov s15;
	s22 =	sadd.s32 s23, s28;
	v53 =	vmov s20;
	v36 =	vsel vm11, $0x1, v1;
	v31 =	vld [tilespmem:s13+$0xFFFFFF48]  }
0x1aa: {  	v52 =	vmov s22;
	v32 =	vadd.s32 $0x1, v54;
	v30 =	vadd.s32 $0x1, v53;
	(xrf0) =	vadd.scan.msk.s32 $0xffff, v36  }
0x1ab: {  	v29 =	vadd.s32 $0x1, v52;
	v30 =	vbroadcast v30, $0x0;
	vm12 =	vne.s32 v49, $0x1;
	v56, _, _ =	vpop (xrf0)  }
0x1ac: {  	vm7 =	vne.s32 v51, $0x1;
	v55 =	vsel vm12, $0x1, v1;
	(v2sf) =	vpush v56, $0xF  }
0x1ad: {  	v32 =	vbroadcast v32, $0x0;
	v29 =	vbroadcast v29, $0x0;
	v57 =	vsel vm7, $0x1, v1;
	(xrf0) =	vadd.scan.msk.s32 $0xffff, v55;
	v58, _, _ =	vpop (xrf0)  }
0x1ae: {  	v30 =	vadd.s32 v56, v30;
	(xrf0) =	vadd.scan.msk.s32 $0xffff, v57;
	(v2sf) =	vpush v58, $0xF;
	vm13 =	vne.s32 v31, $0x1;
	v31, _, _ =	vpop (xrf0)  }
0x1af: {  	v60 =	vadd.s32 v2, v23;
	v30 =	vnsel vm15, $0x1, v30;
	(v2sf) =	vpush v31, $0xF  }
0x1b0: {  	v32 =	vadd.s32 v58, v32;
	v29 =	vadd.s32 v31, v29;
	s26 =	spop (v2sf);
	v61, _, _ =	vpop (xrf0);
	(v2sf) =	vpush v45, $0xF  }
0x1b1: {  	v31 =	vbroadcast v39, $0xF;
	v29 =	vnsel vm8, $0x1, v29;
	s21 =	sadd.s32 s24, s26;
	s28 =	spop (v2sf);
	(v2sf) =	vpush v61, $0xF  }
0x1b2: {  	v32 =	vnsel vm3, $0x1, v32;
	[tilespmem:v28+s5+$0x0] =	vst.idx.msk $0xffff, v29;
	v28 =	vadd.s32 v10, v17;
	v29 =	vmov s21;
	s23 =	sadd.s32 s19, s28  }
0x1b3: {  	[tilespmem:v27+s5+$0x0] =	vst.idx.msk $0xffff, v30;
	v31 =	vadd.s32 v61, v31;
	v29 =	vadd.s32 $0x1, v29;
	v30 =	vmov s23;
	v63, _, _ =	vpop (xrf0)  }
0x1b4: {  	v27 =	vld [tilespmem:s9+$0xFFFFFF88];
	v29 =	vbroadcast v29, $0x0;
	v30 =	vadd.s32 $0x1, v30;
	v44, _, _ =	vpop (xrf0);
	(v2sf) =	vpush v63, $0xF  }
0x1b5: {  	v45 =	vld [tilespmem:s0+$0xFFFFFFB8];
	[tilespmem:v26+s5+$0x0] =	vst.idx.msk $0xffff, v32;
	v26 =	vnsel vm11, $0x1, v31;
	v30 =	vbroadcast v30, $0x0;
	(v2sf) =	vpush v44, $0xF  }
0x1b6: {  	v59 =	vsel vm13, $0x1, v1;
	v31 =	vld [tilespmem:s7+$0xFFFFFFE8];
	[tilespmem:v60+s5+$0x0] =	vst.idx.msk $0xffff, v26;
	v29 =	vadd.s32 v44, v29  }
0x1b7: {  	(xrf0) =	vadd.scan.msk.s32 $0xffff, v59;
	v26 =	vnsel vm7, $0x1, v29;
	v29 =	vadd.s32 v63, v30;
	v30 =	vld [tilespmem:s13+$0x20]  }
0x1b8: {  	[tilespmem:v62+s5+$0x0] =	vst.idx.msk $0xffff, v26  }
0x1b9: {  	vm5 =	vne.s32 v27, $0x1;
	v26 =	vnsel vm12, $0x1, v29;
	v29 =	vld [tilespmem:s9+$0x60]  }
0x1ba: {  	vm14 =	vne.s32 v45, $0x1;
	s24 =	spop (v2sf);
	v27 =	vsel vm5, $0x1, v1;
	[tilespmem:v28+s5+$0x0] =	vst.idx.msk $0xffff, v26  }
0x1bb: {  	vm3 =	vne.s32 v31, $0x1;
	v26 =	vsel vm14, $0x1, v1;
	(xrf0) =	vadd.scan.msk.s32 $0xffff, v27;
	v27 =	vld [tilespmem:s0+$0xA0];
	s29 =	spop (v2sf)  }
0x1bc: {  	v28 =	vadd.s32 v2, v20;
	v31 =	vsel vm3, $0x1, v1;
	(xrf0) =	vadd.scan.msk.s32 $0xffff, v26;
	vm15 =	vne.s32 v30, $0x1;
	s19 =	sadd.s32 s20, s29  }
0x1bd: {  	v46, _, _ =	vpop (xrf0);
	v26 =	vbroadcast v50, $0xF;
	(xrf0) =	vadd.scan.msk.s32 $0xffff, v31;
	v31 =	vsel vm15, $0x1, v1;
	s26 =	spop (v2sf);
	v30 =	vmov s19  }
0x1be: {  	(v2sf) =	vpush v46, $0xF;
	vm12 =	vne.s32 v29, $0x1;
	(xrf0) =	vadd.scan.msk.s32 $0xffff, v31;
	v29 =	vadd.s32 $0x1, v30;
	s28 =	spop (v2sf)  }
0x1bf: {  	v48 =	vadd.s32 v3, v23;
	s25 =	spop (v2sf)  }
0x1c0: {  	v26 =	vadd.s32 v46, v26;
	v30 =	vsel vm12, $0x1, v1;
	vm9 =	vne.s32 v27, $0x1;
	s29 =	spop (v2sf)  }
0x1c1: {  	v26 =	vnsel vm13, $0x1, v26;
	v27 =	vbroadcast v29, $0x0;
	v29, _, _ =	vpop (xrf0);
	(xrf0) =	vadd.scan.msk.s32 $0xffff, v30;
	v30 =	vsel vm9, $0x1, v1;
	s25 =	sadd.s32 s25, s29  }
0x1c2: {  	v50 =	vadd.s32 v7, v19;
	v31, _, _ =	vpop (xrf0);
	(xrf0) =	vadd.scan.msk.s32 $0xffff, v30;
	v30 =	vadd.s32 v9, v16;
	v47 =	vmov s25  }
0x1c3: {  	[tilespmem:v28+s5+$0x0] =	vst.idx.msk $0xffff, v26;
	(v2sf) =	vpush v29, $0xF;
	v27 =	vadd.s32 v31, v27;
	s20 =	spop (v2sf);
	v49, _, _ =	vpop (xrf0);
	v32 =	vadd.s32 $0x1, v47  }
0x1c4: {  	v53 =	vld [tilespmem:s13+$0xFFFFFF58];
	(v2sf) =	vpush v31, $0xF;
	v31 =	vadd.s32 v11, v17;
	s29 =	spop (v2sf);
	s20 =	sadd.s32 s23, s20;
	v26, _, _ =	vpop (xrf0);
	v28 =	vbroadcast v32, $0x0  }
0x1c5: {  	v27 =	vnsel vm14, $0x1, v27;
	s23 =	sadd.s32 s21, s29;
	v51 =	vmov s20;
	(v2sf) =	vpush v26, $0xF  }
0x1c6: {  	v52 =	vmov s23;
	v36 =	vadd.s32 $0x1, v51;
	v26 =	vadd.s32 v26, v28  }
0x1c7: {  	v54, _, _ =	vpop (xrf0);
	v32 =	vadd.s32 $0x1, v52;
	v36 =	vbroadcast v36, $0x0;
	[tilespmem:v30+s5+$0x0] =	vst.idx.msk $0xffff, v27;
	v26 =	vnsel vm15, $0x1, v26  }
0x1c8: {  	v55, _, _ =	vpop (xrf0);
	v28 =	vbroadcast v32, $0x0;
	v30 =	vld [tilespmem:s0+$0xFFFFFFC8];
	[tilespmem:v48+s5+$0x0] =	vst.idx.msk $0xffff, v26  }
0x1c9: {  	vm13 =	vne.s32 v53, $0x1;
	v27 =	vadd.s32 v55, v36;
	v56 =	vld [tilespmem:s13+$0x30]  }
0x1ca: {  	s22 =	sadd.s32 s22, s28;
	(v2sf) =	vpush v54, $0xF;
	v26 =	vadd.s32 v54, v28;
	v27 =	vnsel vm9, $0x1, v27  }
0x1cb: {  	v28 =	vmov s22;
	v26 =	vnsel vm12, $0x1, v26;
	[tilespmem:v31+s5+$0x0] =	vst.idx.msk $0xffff, v27;
	v31 =	vsel vm13, $0x1, v1  }
0x1cc: {  	v27 =	vadd.s32 $0x1, v28;
	v28 =	vadd.s32 v6, v18;
	[tilespmem:v50+s5+$0x0] =	vst.idx.msk $0xffff, v26;
	v26 =	vld [tilespmem:s0+$0xB0];
	(xrf0) =	vadd.scan.msk.s32 $0xffff, v31  }
0x1cd: {  	s28 =	spop (v2sf);
	v27 =	vbroadcast v27, $0x0;
	v57 =	vld [tilespmem:s9+$0x70];
	vm4 =	vne.s32 v30, $0x1  }
0x1ce: {  	s21 =	sadd.s32 s24, s28;
	v30 =	vsel vm4, $0x1, v1;
	vm14 =	vne.s32 v56, $0x1  }
0x1cf: {  	v27 =	vadd.s32 v29, v27;
	v29 =	vmov s21;
	(xrf0) =	vadd.scan.msk.s32 $0xffff, v30;
	v30 =	vsel vm14, $0x1, v1  }
0x1d0: {  	v29 =	vadd.s32 $0x1, v29;
	v27 =	vnsel vm5, $0x1, v27  }
0x1d1: {  	(v2sf) =	vpush v55, $0xF;
	[tilespmem:v28+s5+$0x0] =	vst.idx.msk $0xffff, v27;
	v27 =	vbroadcast v29, $0x0;
	vm5 =	vne.s32 v26, $0x1  }
0x1d2: {  	v59 =	vadd.s32 v3, v20;
	(xrf0) =	vadd.scan.msk.s32 $0xffff, v30;
	vm15 =	vne.s32 v57, $0x1;
	v26 =	vsel vm5, $0x1, v1;
	v30, _, _ =	vpop (xrf0)  }
0x1d3: {  	v28 =	vld [tilespmem:s9+$0xFFFFFF98];
	v29 =	vsel vm15, $0x1, v1;
	(xrf0) =	vadd.scan.msk.s32 $0xffff, v26;
	v27 =	vadd.s32 v30, v27  }
0x1d4: {  	s15 =	sadd.s32 s15, s26;
	s26 =	spop (v2sf);
	(xrf0) =	vadd.scan.msk.s32 $0xffff, v29;
	v27 =	vnsel vm13, $0x1, v27  }
0x1d5: {  	v58 =	vmov s15;
	s28 =	spop (v2sf)  }
0x1d6: {  	v40 =	vadd.s32 v8, v19;
	v26 =	vadd.s32 $0x1, v58;
	s29 =	spop (v2sf)  }
0x1d7: {  	(v2sf) =	vpush v30, $0xF;
	v26 =	vbroadcast v26, $0x0;
	v29 =	vadd.s32 v12, v15;
	[tilespmem:v59+s5+$0x0] =	vst.idx.msk $0xffff, v27;
	s24 =	sadd.s32 s25, s29;
	v27, _, _ =	vpop (xrf0)  }
0x1d8: {  	(v2sf) =	vpush v49, $0xF;
	vm12 =	vne.s32 v28, $0x1;
	v28 =	vmov s24;
	v31, _, _ =	vpop (xrf0)  }
0x1d9: {  	v60 =	vadd.s32 v4, v23;
	v30 =	vld [tilespmem:s13+$0xFFFFFF68];
	s29 =	spop (v2sf);
	v28 =	vadd.s32 $0x1, v28;
	(v2sf) =	vpush v27, $0xF;
	v61, _, _ =	vpop (xrf0)  }
0x1da: {  	v26 =	vadd.s32 v49, v26;
	s25 =	sadd.s32 s23, s29;
	v28 =	vbroadcast v28, $0x0;
	v63, _, _ =	vpop (xrf0);
	(v2sf) =	vpush v61, $0xF  }
0x1db: {  	v26 =	vnsel vm3, $0x1, v26;
	v41 =	vmov s25;
	(v2sf) =	vpush v63, $0xF  }
0x1dc: {  	[tilespmem:v29+s5+$0x0] =	vst.idx.msk $0xffff, v26;
	v26 =	vadd.s32 $0x1, v41;
	v28 =	vadd.s32 v31, v28;
	(v2sf) =	vpush v31, $0xF  }
0x1dd: {  	v29 =	vld [tilespmem:s7+$0xFFFFFFF8];
	v26 =	vbroadcast v26, $0x0;
	v28 =	vnsel vm14, $0x1, v28  }
0x1de: {  	v62 =	vsel vm12, $0x1, v1;
	vm13 =	vne.s32 v30, $0x1;
	[tilespmem:v60+s5+$0x0] =	vst.idx.msk $0xffff, v28  }
0x1df: {  	(xrf0) =	vadd.scan.msk.s32 $0xffff, v62;
	v30 =	vsel vm13, $0x1, v1;
	v26 =	vadd.s32 v63, v26;
	v28 =	vld [tilespmem:s13+$0x40]  }
0x1e0: {  	s22 =	sadd.s32 s22, s26;
	s26 =	spop (v2sf);
	(xrf0) =	vadd.scan.msk.s32 $0xffff, v30;
	v26 =	vnsel vm15, $0x1, v26  }
0x1e1: {  	v42 =	vadd.s32 v7, v18;
	v48 =	vadd.s32 v12, v17;
	s7 =	sadd.s32 s20, s26;
	[tilespmem:v40+s5+$0x0] =	vst.idx.msk $0xffff, v26  }
0x1e2: {  	s23 =	sadd.s32 s19, s28;
	v43 =	vmov s7;
	v31 =	vmov s22;
	vm3 =	vne.s32 v29, $0x1;
	v29 =	vld [tilespmem:s9+$0x80]  }
0x1e3: {  	v26 =	vadd.s32 $0x1, v31;
	v31 =	vmov s23;
	vm3 =	vmand vm3, vm0  }
0x1e4: {  	v26 =	vbroadcast v26, $0x0;
	v45 =	vsel vm3, $0x1, v1;
	vm14 =	vne.s32 v28, $0x1  }
0x1e5: {  	v44, _, _ =	vpop (xrf0);
	v28 =	vadd.s32 $0x1, v31;
	v31 =	vadd.s32 $0x1, v43;
	(xrf0) =	vadd.scan.msk.s32 $0xffff, v45;
	v47 =	vsel vm14, $0x1, v1  }
0x1e6: {  	v30 =	vadd.s32 v10, v16;
	s28 =	spop (v2sf);
	v26 =	vadd.s32 v44, v26;
	v46, _, _ =	vpop (xrf0);
	v31 =	vbroadcast v31, $0x0;
	(xrf0) =	vadd.scan.msk.s32 $0xffff, v47  }
0x1e7: {  	s21 =	sadd.s32 s21, s28;
	s19 =	spop (v2sf);
	v28 =	vbroadcast v28, $0x0;
	(v2sf) =	vpush v46, $0xF;
	vm15 =	vne.s32 v29, $0x1  }
0x1e8: {  	v49 =	vmov s21;
	(v2sf) =	vpush v44, $0xF;
	v50 =	vsel vm15, $0x1, v1;
	s28 =	spop (v2sf)  }
0x1e9: {  	v51 =	vadd.s32 v4, v20;
	v29 =	vadd.s32 $0x1, v49;
	v31 =	vadd.s32 v61, v31;
	(xrf0) =	vadd.scan.msk.s32 $0xffff, v50;
	s20 =	spop (v2sf)  }
0x1ea: {  	v27 =	vadd.s32 v27, v28;
	v29 =	vbroadcast v29, $0x0;
	v31 =	vnsel vm5, $0x1, v31;
	s26 =	spop (v2sf)  }
0x1eb: {  	v52 =	vadd.s32 v9, v19;
	v28 =	vnsel vm12, $0x1, v26;
	v27 =	vnsel vm4, $0x1, v27;
	[tilespmem:v48+s5+$0x0] =	vst.idx.msk $0xffff, v31;
	v26, _, _ =	vpop (xrf0);
	s29 =	spop (v2sf);
	s25 =	sadd.s32 s25, s26  }
0x1ec: {  	[tilespmem:v30+s5+$0x0] =	vst.idx.msk $0xffff, v27;
	v27 =	vadd.s32 v5, v23;
	v29 =	vadd.s32 v46, v29;
	v31 =	vld [tilespmem:s0+$0xC0];
	v53, _, _ =	vpop (xrf0);
	s26 =	sadd.s32 s24, s29;
	v54 =	vmov s25  }
0x1ed: {  	[tilespmem:v42+s5+$0x0] =	vst.idx.msk $0xffff, v28;
	(v2sf) =	vpush v53, $0xF;
	v28 =	vmov s26;
	v55 =	vadd.s32 $0x1, v54  }
0x1ee: {  	v56 =	vld [tilespmem:s9+$0xFFFFFFA8];
	v29 =	vnsel vm13, $0x1, v29;
	v28 =	vadd.s32 $0x1, v28;
	v30 =	vbroadcast v55, $0x0  }
0x1ef: {  	[tilespmem:v51+s5+$0x0] =	vst.idx.msk $0xffff, v29;
	v29 =	vld [tilespmem:s0+$0xFFFFFFD8];
	v57, _, _ =	vpop (xrf0);
	v28 =	vbroadcast v28, $0x0  }
0x1f0: {  	(v2sf) =	vpush v57, $0xF;
	v30 =	vadd.s32 v57, v30  }
0x1f1: {  	v58 =	vld [tilespmem:s13+$0xFFFFFF78];
	vm12 =	vne.s32 v31, $0x1;
	v28 =	vadd.s32 v53, v28;
	v30 =	vnsel vm15, $0x1, v30  }
0x1f2: {  	vm4 =	vmand vm12, vm0;
	v28 =	vnsel vm14, $0x1, v28;
	[tilespmem:v52+s5+$0x0] =	vst.idx.msk $0xffff, v30  }
0x1f3: {  	vm13 =	vne.s32 v56, $0x1;
	v30 =	vsel vm4, $0x1, v1;
	[tilespmem:v27+s5+$0x0] =	vst.idx.msk $0xffff, v28;
	v27 =	vld [tilespmem:s9+$0x90]  }
0x1f4: {  	vm14 =	vne.s32 v29, $0x1;
	v28 =	vsel vm13, $0x1, v1;
	(xrf0) =	vadd.scan.msk.s32 $0xffff, v30;
	v29 =	vld [tilespmem:s13+$0x50]  }
0x1f5: {  	v30 =	vsel vm14, $0x1, v1;
	(xrf0) =	vadd.scan.msk.s32 $0xffff, v28  }
0x1f6: {  	vm15 =	vne.s32 v58, $0x1;
	s29 =	spop (v2sf);
	(xrf0) =	vadd.scan.msk.s32 $0xffff, v30  }
0x1f7: {  	v63 =	vadd.s32 v8, v18;
	v40 =	vadd.s32 v6, v23;
	s21 =	sadd.s32 s21, s29;
	s29 =	spop (v2sf);
	v28 =	vsel vm15, $0x1, v1  }
0x1f8: {  	v30 =	vadd.s32 v11, v16;
	s24 =	sadd.s32 s22, s29;
	v31 =	vmov s21;
	(xrf0) =	vadd.scan.msk.s32 $0xffff, v28;
	vm11 =	vne.s32 v27, $0x1  }
0x1f9: {  	s22 =	sadd.s32 s23, s28;
	v28 =	vmov s24;
	vm12 =	vne.s32 v29, $0x1;
	v29 =	vsel vm11, $0x1, v1  }
0x1fa: {  	v59 =	vmov s22;
	v28 =	vadd.s32 $0x1, v28;
	v27, _, _ =	vpop (xrf0);
	v60 =	vsel vm12, $0x1, v1;
	(xrf0) =	vadd.scan.msk.s32 $0xffff, v29  }
0x1fb: {  	v31 =	vadd.s32 $0x1, v31;
	v32 =	vadd.s32 $0x1, v59;
	v28 =	vbroadcast v28, $0x0;
	v61, _, _ =	vpop (xrf0);
	(xrf0) =	vadd.scan.msk.s32 $0xffff, v60  }
0x1fc: {  	v32 =	vbroadcast v32, $0x0;
	v29 =	vadd.s32 v5, v20;
	s29 =	spop (v2sf);
	v62, _, _ =	vpop (xrf0);
	(v2sf) =	vpush v61, $0xF  }
0x1fd: {  	v31 =	vbroadcast v31, $0x0;
	v28 =	vadd.s32 v61, v28;
	s26 =	sadd.s32 s26, s29;
	(v2sf) =	vpush v62, $0xF  }
0x1fe: {  	v28 =	vnsel vm13, $0x1, v28;
	v38, _, _ =	vpop (xrf0);
	v32 =	vadd.s32 v62, v32;
	v39 =	vmov s26  }
0x1ff: {  	v31 =	vadd.s32 v38, v31;
	(v2sf) =	vpush v38, $0xF;
	s28 =	spop (v2sf);
	v33 =	vadd.s32 $0x1, v39  }
0x200: {  	v32 =	vnsel vm14, $0x1, v32;
	v31 =	vnsel vm15, $0x1, v31;
	s25 =	sadd.s32 s25, s28;
	v33 =	vbroadcast v33, $0x0;
	v41, _, _ =	vpop (xrf0)  }
0x201: {  	[tilespmem:v29+s5+$0x0] =	vst.idx.msk $0xffff, v31;
	v29 =	vadd.s32 v10, v19;
	v31 =	vmov s25;
	v42, _, _ =	vpop (xrf0);
	(v2sf) =	vpush v41, $0xF  }
0x202: {  	[tilespmem:v63+s5+$0x0] =	vst.idx.msk $0xffff, v28;
	v28 =	vld [tilespmem:s13+$0xFFFFFF88];
	v31 =	vadd.s32 $0x1, v31;
	(v2sf) =	vpush v42, $0xF;
	v33 =	vadd.s32 v42, v33  }
0x203: {  	v34 =	vld [tilespmem:s9+$0xFFFFFFB8];
	[tilespmem:v30+s5+$0x0] =	vst.idx.msk $0xffff, v32;
	v30 =	vbroadcast v31, $0x0;
	v31 =	vnsel vm12, $0x1, v33  }
0x204: {  	v32 =	vld [tilespmem:s0+$0xFFFFFFE8];
	[tilespmem:v40+s5+$0x0] =	vst.idx.msk $0xffff, v31  }
0x205: {  	v30 =	vadd.s32 v41, v30;
	v31 =	vld [tilespmem:s13+$0x60]  }
0x206: {  	v30 =	vnsel vm11, $0x1, v30  }
0x207: {  	vm7 =	vne.s32 v28, $0x1;
	[tilespmem:v29+s5+$0x0] =	vst.idx.msk $0xffff, v30  }
0x208: {  	vm13 =	vne.s32 v34, $0x1;
	v28 =	vsel vm7, $0x1, v1;
	v29 =	vld [tilespmem:s9+$0xA0]  }
0x209: {  	vm5 =	vne.s32 v32, $0x1;
	v30 =	vsel vm13, $0x1, v1;
	(xrf0) =	vadd.scan.msk.s32 $0xffff, v28  }
0x20a: {  	v28 =	vsel vm5, $0x1, v1;
	(xrf0) =	vadd.scan.msk.s32 $0xffff, v30;
	vm14 =	vne.s32 v31, $0x1  }
0x20b: {  	(xrf0) =	vadd.scan.msk.s32 $0xffff, v28;
	s29 =	spop (v2sf);
	v28 =	vsel vm14, $0x1, v1  }
0x20c: {  	s23 =	sadd.s32 s24, s29;
	(xrf0) =	vadd.scan.msk.s32 $0xffff, v28  }
0x20d: {  	vm15 =	vne.s32 v29, $0x1;
	v29 =	vmov s23  }
0x20e: {  	s28 =	spop (v2sf);
	v28 =	vsel vm15, $0x1, v1  }
0x20f: {  	s29 =	spop (v2sf);
	v30, _, _ =	vpop (xrf0);
	(xrf0) =	vadd.scan.msk.s32 $0xffff, v28  }
0x210: {  	v28 =	vadd.s32 $0x1, v29;
	v29, _, _ =	vpop (xrf0);
	s24 =	spop (v2sf)  }
0x211: {  	v44 =	vadd.s32 v11, v19;
	v31 =	vadd.s32 v9, v18;
	(v2sf) =	vpush v30, $0xF;
	v43, _, _ =	vpop (xrf0);
	s24 =	sadd.s32 s25, s24;
	s25 =	spop (v2sf)  }
0x212: {  	v28 =	vbroadcast v28, $0x0;
	(v2sf) =	vpush v29, $0xF;
	s25 =	sadd.s32 s26, s25;
	v45 =	vmov s24;
	v46, _, _ =	vpop (xrf0)  }
0x213: {  	v47 =	vmov s25;
	v34 =	vadd.s32 $0x1, v45;
	(v2sf) =	vpush v46, $0xF  }
0x214: {  	v48 =	vadd.s32 v7, v23;
	v36 =	vadd.s32 $0x1, v47;
	v34 =	vbroadcast v34, $0x0  }
0x215: {  	v28 =	vadd.s32 v29, v28;
	v29, _, _ =	vpop (xrf0);
	v36 =	vbroadcast v36, $0x0  }
0x216: {  	v28 =	vnsel vm13, $0x1, v28;
	v34 =	vadd.s32 v29, v34  }
0x217: {  	[tilespmem:v31+s5+$0x0] =	vst.idx.msk $0xffff, v28;
	v28 =	vadd.s32 v46, v36;
	v31 =	vnsel vm15, $0x1, v34  }
0x218: {  	v49 =	vld [tilespmem:s9+$0xFFFFFFC8];
	v28 =	vnsel vm14, $0x1, v28;
	[tilespmem:v44+s5+$0x0] =	vst.idx.msk $0xffff, v31  }
0x219: {  	[tilespmem:v48+s5+$0x0] =	vst.idx.msk $0xffff, v28;
	v28 =	vld [tilespmem:s9+$0xB0]  }
0x21a: {  	v31 =	vld [tilespmem:s13+$0x70];
	_ =	sdelay $0x2  }
0x21b: {  	vm6 =	vne.s32 v49, $0x1  }
0x21c: {  	v50 =	vsel vm6, $0x1, v1;
	vm12 =	vne.s32 v28, $0x1  }
0x21d: {  	s26 =	sadd.s32 s21, s29;
	s21 =	sadd.s32 s22, s28;
	(xrf0) =	vadd.scan.msk.s32 $0xffff, v50;
	vm13 =	vne.s32 v31, $0x1;
	v31 =	vsel vm12, $0x1, v1  }
0x21e: {  	s22 =	spop (v2sf);
	v51 =	vsel vm13, $0x1, v1;
	(xrf0) =	vadd.scan.msk.s32 $0xffff, v31;
	v31 =	vmov s21  }
0x21f: {  	v52 =	vadd.s32 v6, v20;
	v28 =	vmov s26;
	s28 =	spop (v2sf);
	(xrf0) =	vadd.scan.msk.s32 $0xffff, v51;
	v31 =	vadd.s32 $0x1, v31  }
0x220: {  	(v2sf) =	vpush v29, $0xF;
	v28 =	vadd.s32 $0x1, v28;
	s29 =	spop (v2sf);
	v31 =	vbroadcast v31, $0x0  }
0x221: {  	v53 =	vadd.s32 v12, v16;
	v28 =	vbroadcast v28, $0x0;
	s25 =	sadd.s32 s25, s29  }
0x222: {  	v54 =	vadd.s32 v8, v23;
	v29 =	vmov s25;
	v31 =	vadd.s32 v43, v31  }
0x223: {  	(v2sf) =	vpush v43, $0xF;
	v28 =	vadd.s32 v30, v28;
	v30, _, _ =	vpop (xrf0);
	v29 =	vadd.s32 $0x1, v29  }
0x224: {  	v28 =	vnsel vm7, $0x1, v28;
	(v2sf) =	vpush v30, $0xF;
	v55, _, _ =	vpop (xrf0);
	v29 =	vbroadcast v29, $0x0  }
0x225: {  	[tilespmem:v52+s5+$0x0] =	vst.idx.msk $0xffff, v28;
	v28 =	vnsel vm5, $0x1, v31;
	v31, _, _ =	vpop (xrf0);
	(v2sf) =	vpush v55, $0xF  }
0x226: {  	v33 =	vld [tilespmem:s13+$0xFFFFFF98];
	[tilespmem:v53+s5+$0x0] =	vst.idx.msk $0xffff, v28;
	(v2sf) =	vpush v31, $0xF;
	v28 =	vadd.s32 v31, v29  }
0x227: {  	v29 =	vld [tilespmem:s0+$0xFFFFFFF8];
	v28 =	vnsel vm13, $0x1, v28  }
0x228: {  	[tilespmem:v54+s5+$0x0] =	vst.idx.msk $0xffff, v28  }
0x229: {  	v28 =	vld [tilespmem:s13+$0x80];
	_ =	sdelay $0x1  }
0x22a: {  	vm14 =	vne.s32 v33, $0x1  }
0x22b: {  	vm15 =	vne.s32 v29, $0x1;
	v29 =	vsel vm14, $0x1, v1  }
0x22c: {  	vm5 =	vmand vm15, vm0;
	(xrf0) =	vadd.scan.msk.s32 $0xffff, v29  }
0x22d: {  	v29 =	vsel vm5, $0x1, v1;
	vm10 =	vne.s32 v28, $0x1  }
0x22e: {  	s26 =	sadd.s32 s26, s22;
	s22 =	spop (v2sf);
	(xrf0) =	vadd.scan.msk.s32 $0xffff, v29;
	v28 =	vsel vm10, $0x1, v1  }
0x22f: {  	s22 =	sadd.s32 s24, s22;
	(xrf0) =	vadd.scan.msk.s32 $0xffff, v28;
	v28 =	vmov s26  }
0x230: {  	v31 =	vadd.s32 $0x1, v28;
	v28 =	vmov s22  }
0x231: {  	s0 =	spop (v2sf);
	v28 =	vadd.s32 $0x1, v28  }
0x232: {  	s24 =	sadd.s32 s23, s28;
	s28 =	spop (v2sf);
	v58, _, _ =	vpop (xrf0)  }
0x233: {  	v57 =	vadd.s32 v12, v19;
	v60 =	vadd.s32 v7, v20;
	(v2sf) =	vpush v58, $0xF;
	s23 =	spop (v2sf)  }
0x234: {  	v63 =	vadd.s32 v9, v23;
	v56 =	vmov s24;
	v59 =	vbroadcast v28, $0x0;
	v28, _, _ =	vpop (xrf0);
	s29 =	spop (v2sf)  }
0x235: {  	v33 =	vadd.s32 $0x1, v56;
	v29 =	vadd.s32 v10, v18;
	v31 =	vbroadcast v31, $0x0;
	s25 =	sadd.s32 s25, s29;
	v61, _, _ =	vpop (xrf0)  }
0x236: {  	v32 =	vadd.s32 v55, v59;
	v62 =	vmov s25;
	(v2sf) =	vpush v61, $0xF  }
0x237: {  	v33 =	vbroadcast v33, $0x0;
	v32 =	vnsel vm12, $0x1, v32;
	v36 =	vadd.s32 $0x1, v62  }
0x238: {  	v31 =	vadd.s32 v58, v31;
	[tilespmem:v57+s5+$0x0] =	vst.idx.msk $0xffff, v32;
	v40 =	vbroadcast v36, $0x0  }
0x239: {  	v30 =	vadd.s32 v30, v33;
	v31 =	vnsel vm14, $0x1, v31;
	v41 =	vld [tilespmem:s9+$0xC0]  }
0x23a: {  	v30 =	vnsel vm6, $0x1, v30;
	[tilespmem:v60+s5+$0x0] =	vst.idx.msk $0xffff, v31;
	v31 =	vadd.s32 v61, v40  }
0x23b: {  	[tilespmem:v29+s5+$0x0] =	vst.idx.msk $0xffff, v30;
	v42 =	vld [tilespmem:s13+$0xFFFFFFA8];
	v29 =	vnsel vm10, $0x1, v31  }
0x23c: {  	v30 =	vld [tilespmem:s9+$0xFFFFFFD8];
	[tilespmem:v63+s5+$0x0] =	vst.idx.msk $0xffff, v29  }
0x23d: {  	v29 =	vld [tilespmem:s13+$0x90]  }
0x23e: {  	vm11 =	vne.s32 v41, $0x1  }
0x23f: {  	vm6 =	vmand vm11, vm0  }
0x240: {  	vm12 =	vne.s32 v42, $0x1;
	v31 =	vsel vm6, $0x1, v1  }
0x241: {  	vm13 =	vne.s32 v30, $0x1;
	v32 =	vsel vm12, $0x1, v1;
	(xrf0) =	vadd.scan.msk.s32 $0xffff, v31  }
0x242: {  	v30 =	vsel vm13, $0x1, v1;
	(xrf0) =	vadd.scan.msk.s32 $0xffff, v32;
	s29 =	spop (v2sf);
	vm14 =	vne.s32 v29, $0x1  }
0x243: {  	(xrf0) =	vadd.scan.msk.s32 $0xffff, v30;
	s26 =	sadd.s32 s26, s29;
	v29 =	vsel vm14, $0x1, v1  }
0x244: {  	s24 =	sadd.s32 s24, s28;
	(xrf0) =	vadd.scan.msk.s32 $0xffff, v29;
	v29 =	vmov s26  }
0x245: {  	v44 =	vmov s24;
	s29 =	spop (v2sf)  }
0x246: {  	v33 =	vadd.s32 $0x1, v44;
	v31 =	vadd.s32 v8, v20;
	v43 =	vadd.s32 $0x1, v29;
	s25 =	sadd.s32 s25, s29  }
0x247: {  	v30 =	vadd.s32 v11, v18;
	v32 =	vbroadcast v43, $0x0;
	v29, _, _ =	vpop (xrf0);
	v45 =	vmov s25  }
0x248: {  	v47 =	vadd.s32 v10, v23;
	v33 =	vbroadcast v33, $0x0;
	v46, _, _ =	vpop (xrf0);
	v34 =	vadd.s32 $0x1, v45  }
0x249: {  	v48, _, _ =	vpop (xrf0);
	(v2sf) =	vpush v46, $0xF;
	v32 =	vadd.s32 v46, v32;
	v34 =	vbroadcast v34, $0x0  }
0x24a: {  	(v2sf) =	vpush v48, $0xF;
	v32 =	vnsel vm12, $0x1, v32;
	v33 =	vadd.s32 v48, v33;
	v49, _, _ =	vpop (xrf0)  }
0x24b: {  	[tilespmem:v31+s5+$0x0] =	vst.idx.msk $0xffff, v32;
	v31 =	vnsel vm13, $0x1, v33;
	(v2sf) =	vpush v49, $0xF;
	v50 =	vadd.s32 v49, v34  }
0x24c: {  	v51 =	vld [tilespmem:s13+$0xFFFFFFB8];
	[tilespmem:v30+s5+$0x0] =	vst.idx.msk $0xffff, v31;
	v30 =	vnsel vm14, $0x1, v50  }
0x24d: {  	v31 =	vld [tilespmem:s9+$0xFFFFFFE8];
	[tilespmem:v47+s5+$0x0] =	vst.idx.msk $0xffff, v30  }
0x24e: {  	v30 =	vld [tilespmem:s13+$0xA0];
	_ =	sdelay $0x2  }
0x24f: {  	vm15 =	vne.s32 v51, $0x1  }
0x250: {  	v52 =	vsel vm15, $0x1, v1;
	vm12 =	vne.s32 v31, $0x1  }
0x251: {  	(xrf0) =	vadd.scan.msk.s32 $0xffff, v52;
	v31 =	vsel vm12, $0x1, v1;
	vm13 =	vne.s32 v30, $0x1  }
0x252: {  	(xrf0) =	vadd.scan.msk.s32 $0xffff, v31;
	v30 =	vsel vm13, $0x1, v1  }
0x253: {  	(xrf0) =	vadd.scan.msk.s32 $0xffff, v30;
	_ =	sdelay $0x2  }
0x254: {  	s29 =	spop (v2sf)  }
0x255: {  	s28 =	spop (v2sf);
	v30, _, _ =	vpop (xrf0)  }
0x256: {  	s26 =	sadd.s32 s26, s29;
	v53, _, _ =	vpop (xrf0);
	s29 =	spop (v2sf)  }
0x257: {  	v55 =	vadd.s32 v9, v20;
	v31 =	vmov s26;
	(v2sf) =	vpush v30, $0xF;
	s25 =	sadd.s32 s25, s29;
	v54, _, _ =	vpop (xrf0)  }
0x258: {  	v31 =	vadd.s32 $0x1, v31;
	v56 =	vmov s25;
	(v2sf) =	vpush v54, $0xF  }
0x259: {  	v57 =	vadd.s32 v11, v23;
	v31 =	vbroadcast v31, $0x0;
	v35 =	vadd.s32 $0x1, v56  }
0x25a: {  	v35 =	vbroadcast v35, $0x0  }
0x25b: {  	v30 =	vadd.s32 v30, v31  }
0x25c: {  	v30 =	vnsel vm15, $0x1, v30;
	v31 =	vadd.s32 v54, v35  }
0x25d: {  	[tilespmem:v55+s5+$0x0] =	vst.idx.msk $0xffff, v30;
	v30 =	vnsel vm13, $0x1, v31  }
0x25e: {  	v31 =	vld [tilespmem:s13+$0xFFFFFFC8];
	[tilespmem:v57+s5+$0x0] =	vst.idx.msk $0xffff, v30  }
0x25f: {  	v30 =	vld [tilespmem:s13+$0xB0];
	_ =	sdelay $0x3  }
0x260: {  	vm14 =	vne.s32 v31, $0x1  }
0x261: {  	v31 =	vsel vm14, $0x1, v1;
	vm15 =	vne.s32 v30, $0x1  }
0x262: {  	(xrf0) =	vadd.scan.msk.s32 $0xffff, v31;
	v30 =	vsel vm15, $0x1, v1  }
0x263: {  	s24 =	sadd.s32 s24, s28;
	s28 =	spop (v2sf);
	(xrf0) =	vadd.scan.msk.s32 $0xffff, v30  }
0x264: {  	s29 =	spop (v2sf)  }
0x265: {  	v59 =	vadd.s32 v12, v23;
	v30 =	vmov s24;
	s25 =	sadd.s32 s25, s29  }
0x266: {  	v31 =	vadd.s32 v12, v18;
	v30 =	vadd.s32 $0x1, v30;
	v58 =	vmov s25  }
0x267: {  	v62 =	vadd.s32 v10, v20;
	s26 =	sadd.s32 s26, s28;
	v30 =	vbroadcast v30, $0x0;
	v33 =	vadd.s32 $0x1, v58  }
0x268: {  	(v2sf) =	vpush v53, $0xF;
	v60 =	vmov s26;
	v61, _, _ =	vpop (xrf0);
	v33 =	vbroadcast v33, $0x0  }
0x269: {  	v32 =	vadd.s32 $0x1, v60;
	v30 =	vadd.s32 v53, v30;
	(v2sf) =	vpush v61, $0xF;
	v63, _, _ =	vpop (xrf0)  }
0x26a: {  	v32 =	vbroadcast v32, $0x0;
	v30 =	vnsel vm12, $0x1, v30;
	v33 =	vadd.s32 v63, v33  }
0x26b: {  	[tilespmem:v31+s5+$0x0] =	vst.idx.msk $0xffff, v30;
	v30 =	vnsel vm15, $0x1, v33  }
0x26c: {  	v31 =	vld [tilespmem:s9+$0xFFFFFFF8];
	[tilespmem:v59+s5+$0x0] =	vst.idx.msk $0xffff, v30;
	v30 =	vadd.s32 v61, v32  }
0x26d: {  	v38 =	vld [tilespmem:s13+$0xC0];
	v30 =	vnsel vm14, $0x1, v30  }
0x26e: {  	[tilespmem:v62+s5+$0x0] =	vst.idx.msk $0xffff, v30  }
0x26f: {  	v30 =	vld [tilespmem:s13+$0xFFFFFFD8];
	_ =	sdelay $0x1  }
0x270: {  	vm12 =	vne.s32 v31, $0x1  }
0x271: {  	vm7 =	vmand vm12, vm0;
	vm13 =	vne.s32 v38, $0x1  }
0x272: {  	v31 =	vsel vm7, $0x1, v1;
	vm8 =	vmand vm13, vm0  }
0x273: {  	(xrf0) =	vadd.scan.msk.s32 $0xffff, v31;
	v31 =	vsel vm8, $0x1, v1;
	vm14 =	vne.s32 v30, $0x1  }
0x274: {  	(xrf0) =	vadd.scan.msk.s32 $0xffff, v31;
	v30 =	vsel vm14, $0x1, v1  }
0x275: {  	(xrf0) =	vadd.scan.msk.s32 $0xffff, v30  }
0x276: {  	s9 =	spop (v2sf)  }
0x277: {  	s29 =	spop (v2sf)  }
0x278: {  	s26 =	sadd.s32 s26, s29  }
0x279: {  	v30, _, _ =	vpop (xrf0);
	v31 =	vmov s26  }
0x27a: {  	v39 =	vadd.s32 v11, v20;
	v31 =	vadd.s32 $0x1, v31;
	v40, _, _ =	vpop (xrf0)  }
0x27b: {  	(v2sf) =	vpush v63, $0xF;
	v31 =	vbroadcast v31, $0x0;
	v41, _, _ =	vpop (xrf0)  }
0x27c: {  	(v2sf) =	vpush v41, $0xF  }
0x27d: {  	v31 =	vadd.s32 v41, v31  }
0x27e: {  	v31 =	vnsel vm14, $0x1, v31  }
0x27f: {  	[tilespmem:v39+s5+$0x0] =	vst.idx.msk $0xffff, v31  }
0x280: {  	v31 =	vld [tilespmem:s13+$0xFFFFFFE8];
	_ =	sdelay $0x4  }
0x281: {  	vm15 =	vne.s32 v31, $0x1  }
0x282: {  	v31 =	vsel vm15, $0x1, v1  }
0x283: {  	(xrf0) =	vadd.scan.msk.s32 $0xffff, v31;
	_ =	sdelay $0x2  }
0x284: {  	s28 =	spop (v2sf)  }
0x285: {  	s29 =	spop (v2sf)  }
0x286: {  	s26 =	sadd.s32 s26, s29  }
0x287: {  	v42, _, _ =	vpop (xrf0);
	v31 =	vmov s26  }
0x288: {  	v43 =	vadd.s32 v12, v20;
	(v2sf) =	vpush v42, $0xF;
	v31 =	vadd.s32 $0x1, v31  }
0x289: {  	v22 =	vbroadcast v22, $0x0;
	v31 =	vbroadcast v31, $0x0;
	_ =	sdelay $0x1  }
0x28a: {  	v14 =	vadd.s32 v13, v14;
	v22 =	vadd.s32 v24, v22;
	v31 =	vadd.s32 v42, v31  }
0x28b: {  	v22 =	vnsel vm1, $0x1, v22;
	v17 =	vadd.s32 v13, v17;
	s7 =	sadd.s32 s7, s20;
	s29 =	rddreg [dreg:$0x17];
	v31 =	vnsel vm15, $0x1, v31  }
0x28c: {  	v15 =	vadd.s32 v13, v15;
	s20 =	sadd.s32 s15, s19;
	v16 =	vadd.s32 v13, v16;
	v45 =	vmov s7;
	s14 =	sadd.s32 s14, s29;
	[tilespmem:v43+s5+$0x0] =	vst.idx.msk $0xffff, v31  }
0x28d: {  	v32 =	vadd.s32 $0x1, v45;
	v44 =	vmov s14;
	v31 =	vmov s20;
	v34 =	vld [tilespmem:s13+$0xFFFFFFF8]  }
0x28e: {  	v35 =	vadd.s32 $0x1, v44;
	v24 =	vadd.s32 $0x1, v31;
	v31 =	vbroadcast v32, $0x0  }
0x28f: {  	v19 =	vadd.s32 v13, v19;
	s29 =	sadd.s32 s22, s23;
	v35 =	vbroadcast v35, $0x0;
	v24 =	vbroadcast v24, $0x0  }
0x290: {  	v18 =	vadd.s32 v13, v18;
	v27 =	vadd.s32 v27, v31;
	v31 =	vmov s29  }
0x291: {  	s0 =	sadd.s32 s21, s0;
	v25 =	vadd.s32 v25, v35;
	v24 =	vadd.s32 v26, v24;
	v26 =	vadd.s32 $0x1, v31  }
0x292: {  	v31 =	vmov s0;
	v26 =	vbroadcast v26, $0x0;
	vm1 =	vne.s32 v34, $0x1  }
0x293: {  	v25 =	vnsel vm2, $0x1, v25;
	v31 =	vadd.s32 $0x1, v31;
	vm1 =	vmand vm1, vm0  }
0x294: {  	s7 =	sadd.s32 s25, s28;
	[tilespmem:v21+s5+$0x0] =	vst.idx.msk $0xffff, v22;
	v26 =	vadd.s32 v29, v26;
	v29 =	vbroadcast v31, $0x0;
	v31 =	vsel vm1, $0x1, v1  }
0x295: {  	v22 =	vadd.s32 v13, v23;
	[tilespmem:v14+s5+$0x0] =	vst.idx.msk $0xffff, v25;
	s13 =	sadd.s32 s24, s9;
	v25 =	vmov s7;
	(xrf0) =	vadd.scan.msk.s32 $0xffff, v31  }
0x296: {  	v21 =	vmov s13;
	v23 =	vadd.s32 $0x1, v25;
	v27 =	vnsel vm4, $0x1, v27;
	s14 =	spop (v2sf)  }
0x297: {  	v24 =	vnsel vm3, $0x1, v24;
	[tilespmem:v17+s5+$0x0] =	vst.idx.msk $0xffff, v27;
	v17 =	vadd.s32 $0x1, v21;
	v21 =	vbroadcast v23, $0x0;
	s0 =	sadd.s32 s26, s14  }
0x298: {  	[tilespmem:v15+s5+$0x0] =	vst.idx.msk $0xffff, v24;
	v15 =	vbroadcast v17, $0x0;
	v17 =	vadd.s32 v13, v20;
	v23 =	vmov s0  }
0x299: {  	v26 =	vnsel vm6, $0x1, v26;
	v14 =	vadd.s32 v28, v29;
	v20 =	vadd.s32 $0x1, v23  }
0x29a: {  	[tilespmem:v19+s5+$0x0] =	vst.idx.msk $0xffff, v26;
	v19 =	vadd.s32 v40, v21;
	v14 =	vnsel vm5, $0x1, v14;
	v20 =	vbroadcast v20, $0x0  }
0x29b: {  	v15 =	vadd.s32 v30, v15;
	[tilespmem:v16+s5+$0x0] =	vst.idx.msk $0xffff, v14;
	v14 =	vnsel vm8, $0x1, v19;
	v16, _, _ =	vpop (xrf0)  }
0x29c: {  	[tilespmem:v22+s5+$0x0] =	vst.idx.msk $0xffff, v14;
	v14 =	vnsel vm7, $0x1, v15;
	v15 =	vadd.s32 v16, v20  }
0x29d: {  	[tilespmem:v18+s5+$0x0] =	vst.idx.msk $0xffff, v14;
	v14 =	vnsel vm1, $0x1, v15  }
0x29e: {  	s20 =	simm.s32 $0x1;
	[tilespmem:v17+s5+$0x0] =	vst.idx.msk $0xffff, v14  }
0x29f: {  	s15 =	simm.s32 $0x0;
	s21 =	simm.s32 $0x2;
	v15 =	vmov s20;
	v21 =	vld [tilespmem:$0x6408]  }
0x2a0: {  	s22 =	simm.s32 $0x3;
	v16 =	vmov s21;
	v14 =	vmov s15;
	v15 =	vmul.u32 $0xD0, v15  }
0x2a1: {  	s23 =	simm.s32 $0x4;
	v16 =	vmul.u32 $0xD0, v16;
	v17 =	vmov s22;
	v14 =	vmul.u32 $0xD0, v14  }
0x2a2: {  	s19 =	simm.s32 $0x7;
	v24 =	vmov s23;
	v20 =	vld [tilespmem:$0x6418];
	v29 =	vbroadcast v15, $0x0;
	v15 =	vmul.u32 $0xD0, v17  }
0x2a3: {  	v19 =	vld [tilespmem:$0x6428];
	v28 =	vbroadcast v16, $0x0;
	v22 =	vbroadcast v14, $0x0;
	v14 =	vmov s19  }
0x2a4: {  	s24 =	simm.s32 $0x5;
	v18 =	vld [tilespmem:$0x6438];
	v14 =	vmul.u32 $0xD0, v14;
	v26 =	vbroadcast v15, $0x0;
	v31 =	vadd.s32 v21, v29  }
0x2a5: {  	v25 =	vmov s24;
	v24 =	vmul.u32 $0xD0, v24;
	v16 =	vld [tilespmem:$0x6458];
	v47 =	vadd.s32 v21, v28  }
0x2a6: {  	s25 =	simm.s32 $0x6;
	v46 =	vmul.u32 $0xD0, v25;
	v17 =	vld [tilespmem:$0x6448];
	v27 =	vbroadcast v14, $0x0;
	v49 =	vadd.s32 v21, v26  }
0x2a7: {  	v25 =	vbroadcast v24, $0x0;
	v15 =	vld [tilespmem:$0x6468];
	v23 =	vadd.s32 v21, v22;
	v14 =	vmov s25  }
0x2a8: {  	v24 =	vbroadcast v46, $0x0;
	v48 =	vmul.u32 $0xD0, v14;
	v14 =	vld [tilespmem:$0x6478];
	v30 =	vadd.s32 v21, v27  }
0x2a9: {  	v51 =	vadd.s32 v21, v25;
	v31 =	vld.idx.msk [tilespmem:v31+s1+$0x0], $0xffff  }
0x2aa: {  	v52 =	vadd.s32 v21, v24;
	v33 =	vld.idx.msk [tilespmem:v47+s1+$0x0], $0xffff  }
0x2ab: {  	v55 =	vadd.s32 v20, v29;
	v35 =	vld.idx.msk [tilespmem:v49+s1+$0x0], $0xffff  }
0x2ac: {  	v56 =	vadd.s32 v20, v28;
	v50 =	vld.idx.msk [tilespmem:v23+s1+$0x0], $0xffff  }
0x2ad: {  	s0 =	simm.s32 $0x11108;
	v57 =	vadd.s32 v20, v26;
	v30 =	vld.idx.msk [tilespmem:v30+s1+$0x0], $0xffff  }
0x2ae: {  	v62 =	vadd.s32 v20, v22;
	v23 =	vbroadcast v48, $0x0;
	v36 =	vld.idx.msk [tilespmem:v51+s1+$0x0], $0xffff;
	[tilespmem:s0+$0xFFFFFE80] =	vst v31  }
0x2af: {  	v54 =	vadd.s32 v20, v27;
	v34 =	vld.idx.msk [tilespmem:v52+s1+$0x0], $0xffff;
	[tilespmem:s0+$0xFFFFFF00] =	vst v33  }
0x2b0: {  	v53 =	vadd.s32 v21, v23;
	[tilespmem:s0+$0xFFFFFF80] =	vst v35;
	v58 =	vld.idx.msk [tilespmem:v55+s1+$0x0], $0xffff  }
0x2b1: {  	v42 =	vadd.s32 v20, v25;
	[tilespmem:s0+$0xFFFFFE00] =	vst v50;
	v60 =	vld.idx.msk [tilespmem:v56+s1+$0x0], $0xffff  }
0x2b2: {  	v41 =	vld.idx.msk [tilespmem:v57+s1+$0x0], $0xffff;
	[tilespmem:s0+$0x180] =	vst v30;
	v30 =	vadd.s32 v20, v24  }
0x2b3: {  	v63 =	vadd.s32 v19, v29;
	[tilespmem:s0+$0x0] =	vst v36;
	v48 =	vld.idx.msk [tilespmem:v62+s1+$0x0], $0xffff  }
0x2b4: {  	v45 =	vadd.s32 v19, v28;
	[tilespmem:s0+$0x80] =	vst v34;
	v31 =	vld.idx.msk [tilespmem:v54+s1+$0x0], $0xffff  }
0x2b5: {  	v46 =	vadd.s32 v19, v26;
	v37 =	vld.idx.msk [tilespmem:v53+s1+$0x0], $0xffff;
	[tilespmem:s0+$0xFFFFFE90] =	vst v58  }
0x2b6: {  	v52 =	vadd.s32 v19, v22;
	v42 =	vld.idx.msk [tilespmem:v42+s1+$0x0], $0xffff;
	[tilespmem:s0+$0xFFFFFF10] =	vst v60  }
0x2b7: {  	v59 =	vadd.s32 v20, v23;
	[tilespmem:s0+$0xFFFFFF90] =	vst v41;
	v30 =	vld.idx.msk [tilespmem:v30+s1+$0x0], $0xffff  }
0x2b8: {  	v61 =	vadd.s32 v19, v27;
	[tilespmem:s0+$0xFFFFFE10] =	vst v48;
	v36 =	vld.idx.msk [tilespmem:v63+s1+$0x0], $0xffff  }
0x2b9: {  	v34 =	vld.idx.msk [tilespmem:v45+s1+$0x0], $0xffff;
	[tilespmem:s0+$0x190] =	vst v31;
	v31 =	vadd.s32 v19, v25  }
0x2ba: {  	v49 =	vadd.s32 v19, v24;
	[tilespmem:s0+$0x100] =	vst v37;
	v37 =	vld.idx.msk [tilespmem:v46+s1+$0x0], $0xffff  }
0x2bb: {  	v53 =	vadd.s32 v18, v29;
	v58 =	vld.idx.msk [tilespmem:v52+s1+$0x0], $0xffff  }
0x2bc: {  	v54 =	vadd.s32 v18, v26;
	[tilespmem:s0+$0x10] =	vst v42;
	v33 =	vld.idx.msk [tilespmem:v59+s1+$0x0], $0xffff  }
0x2bd: {  	v63 =	vadd.s32 v18, v22;
	v47 =	vld.idx.msk [tilespmem:v61+s1+$0x0], $0xffff;
	[tilespmem:s0+$0x90] =	vst v30  }
0x2be: {  	v50 =	vadd.s32 v18, v27;
	[tilespmem:s0+$0xFFFFFEA0] =	vst v36;
	v31 =	vld.idx.msk [tilespmem:v31+s1+$0x0], $0xffff  }
0x2bf: {  	v51 =	vadd.s32 v19, v23;
	[tilespmem:s0+$0xFFFFFF20] =	vst v34;
	v38 =	vld.idx.msk [tilespmem:v49+s1+$0x0], $0xffff  }
0x2c0: {  	v30 =	vadd.s32 v18, v28;
	[tilespmem:s0+$0xFFFFFFA0] =	vst v37;
	v60 =	vld.idx.msk [tilespmem:v53+s1+$0x0], $0xffff  }
0x2c1: {  	v56 =	vadd.s32 v18, v25;
	[tilespmem:s0+$0xFFFFFE20] =	vst v58;
	v32 =	vld.idx.msk [tilespmem:v54+s1+$0x0], $0xffff  }
0x2c2: {  	v61 =	vadd.s32 v18, v24;
	v40 =	vld.idx.msk [tilespmem:v63+s1+$0x0], $0xffff;
	[tilespmem:s0+$0x1A0] =	vst v47  }
0x2c3: {  	v46 =	vadd.s32 v17, v26;
	[tilespmem:s0+$0x110] =	vst v33;
	v55 =	vld.idx.msk [tilespmem:v50+s1+$0x0], $0xffff  }
0x2c4: {  	v59 =	vadd.s32 v17, v27;
	v57 =	vld.idx.msk [tilespmem:v51+s1+$0x0], $0xffff;
	[tilespmem:s0+$0x20] =	vst v31  }
0x2c5: {  	v62 =	vadd.s32 v18, v23;
	v30 =	vld.idx.msk [tilespmem:v30+s1+$0x0], $0xffff;
	[tilespmem:s0+$0xA0] =	vst v38  }
0x2c6: {  	v50 =	vadd.s32 v17, v22;
	[tilespmem:s0+$0xFFFFFEB0] =	vst v60;
	v35 =	vld.idx.msk [tilespmem:v56+s1+$0x0], $0xffff  }
0x2c7: {  	v31 =	vadd.s32 v17, v29;
	[tilespmem:s0+$0xFFFFFFB0] =	vst v32;
	v34 =	vld.idx.msk [tilespmem:v61+s1+$0x0], $0xffff  }
0x2c8: {  	v45 =	vadd.s32 v17, v28;
	v38 =	vld.idx.msk [tilespmem:v46+s1+$0x0], $0xffff;
	[tilespmem:s0+$0x1B0] =	vst v55  }
0x2c9: {  	v48 =	vadd.s32 v17, v25;
	[tilespmem:s0+$0x120] =	vst v57;
	v36 =	vld.idx.msk [tilespmem:v59+s1+$0x0], $0xffff  }
0x2ca: {  	v47 =	vadd.s32 v16, v27;
	[tilespmem:s0+$0xFFFFFE30] =	vst v40;
	v37 =	vld.idx.msk [tilespmem:v62+s1+$0x0], $0xffff  }
0x2cb: {  	v55 =	vadd.s32 v16, v26;
	v40 =	vld.idx.msk [tilespmem:v50+s1+$0x0], $0xffff;
	[tilespmem:s0+$0xFFFFFF30] =	vst v30  }
0x2cc: {  	v49 =	vadd.s32 v17, v23;
	v31 =	vld.idx.msk [tilespmem:v31+s1+$0x0], $0xffff;
	[tilespmem:s0+$0x30] =	vst v35  }
0x2cd: {  	v59 =	vadd.s32 v16, v22;
	v33 =	vld.idx.msk [tilespmem:v45+s1+$0x0], $0xffff;
	[tilespmem:s0+$0xB0] =	vst v34  }
0x2ce: {  	v30 =	vadd.s32 v17, v24;
	v41 =	vld.idx.msk [tilespmem:v48+s1+$0x0], $0xffff;
	[tilespmem:s0+$0x1C0] =	vst v36  }
0x2cf: {  	v51 =	vadd.s32 v16, v29;
	[tilespmem:s0+$0xFFFFFFC0] =	vst v38;
	v52 =	vld.idx.msk [tilespmem:v47+s1+$0x0], $0xffff  }
0x2d0: {  	v54 =	vadd.s32 v15, v27;
	[tilespmem:s0+$0x130] =	vst v37;
	v43 =	vld.idx.msk [tilespmem:v55+s1+$0x0], $0xffff  }
0x2d1: {  	v53 =	vadd.s32 v16, v28;
	[tilespmem:s0+$0xFFFFFE40] =	vst v40;
	v32 =	vld.idx.msk [tilespmem:v49+s1+$0x0], $0xffff  }
0x2d2: {  	v61 =	vadd.s32 v15, v26;
	v36 =	vld.idx.msk [tilespmem:v59+s1+$0x0], $0xffff;
	[tilespmem:s0+$0xFFFFFEC0] =	vst v31  }
0x2d3: {  	v30 =	vld.idx.msk [tilespmem:v30+s1+$0x0], $0xffff;
	v31 =	vadd.s32 v16, v25;
	[tilespmem:s0+$0xFFFFFF40] =	vst v33  }
0x2d4: {  	v57 =	vadd.s32 v16, v24;
	v56 =	vld.idx.msk [tilespmem:v51+s1+$0x0], $0xffff;
	[tilespmem:s0+$0x1D0] =	vst v52  }
0x2d5: {  	v58 =	vadd.s32 v16, v23;
	[tilespmem:s0+$0x40] =	vst v41;
	v34 =	vld.idx.msk [tilespmem:v54+s1+$0x0], $0xffff  }
0x2d6: {  	v27 =	vadd.s32 v14, v27;
	v39 =	vld.idx.msk [tilespmem:v53+s1+$0x0], $0xffff;
	[tilespmem:s0+$0xFFFFFFD0] =	vst v43  }
0x2d7: {  	s7 =	simm.s32 $0x8;
	v60 =	vadd.s32 v15, v29;
	[tilespmem:s0+$0x140] =	vst v32;
	v32 =	vld.idx.msk [tilespmem:v61+s1+$0x0], $0xffff  }
0x2d8: {  	[tilespmem:s0+$0xC0] =	vst v30;
	v30 =	vadd.s32 v15, v28;
	v44 =	vld.idx.msk [tilespmem:v31+s1+$0x0], $0xffff;
	v31 =	vmov s7  }
0x2d9: {  	v62 =	vadd.s32 v15, v25;
	v45 =	vld.idx.msk [tilespmem:v57+s1+$0x0], $0xffff;
	v63 =	vmul.u32 $0xD0, v31  }
0x2da: {  	v47 =	vadd.s32 v15, v24;
	v46 =	vld.idx.msk [tilespmem:v58+s1+$0x0], $0xffff;
	[tilespmem:s0+$0x1E0] =	vst v34  }
0x2db: {  	v41 =	vadd.s32 v15, v23;
	[tilespmem:s0+$0xFFFFFED0] =	vst v56;
	v37 =	vld.idx.msk [tilespmem:v27+s1+$0x0], $0xffff;
	v27 =	vbroadcast v63, $0x0  }
0x2dc: {  	v38 =	vadd.s32 v15, v22;
	[tilespmem:s0+$0xFFFFFF50] =	vst v39;
	v31 =	vld.idx.msk [tilespmem:v60+s1+$0x0], $0xffff  }
0x2dd: {  	s26 =	simm.s32 $0x9;
	v33 =	vld.idx.msk [tilespmem:v30+s1+$0x0], $0xffff;
	[tilespmem:s0+$0x50] =	vst v44;
	v30 =	vadd.s32 v21, v27  }
0x2de: {  	s28 =	simm.s32 $0xA;
	s29 =	simm.s32 $0xB;
	v42 =	vmov s26;
	v39 =	vadd.s32 v14, v29;
	[tilespmem:s0+$0xD0] =	vst v45;
	v34 =	vld.idx.msk [tilespmem:v62+s1+$0x0], $0xffff  }
0x2df: {  	s9 =	simm.s32 $0x10;
	s13 =	simm.s32 $0xF;
	s14 =	simm.s32 $0xC;
	v40 =	vmov s29;
	v28 =	vadd.s32 v14, v28;
	v29 =	vmov s28;
	[tilespmem:s0+$0x150] =	vst v46;
	v35 =	vld.idx.msk [tilespmem:v47+s1+$0x0], $0xffff  }
.LBB2_4:
0x2e0: {  	p0 =	slt.u32 s9, $0x38;
	v43 =	vmov s14;
	s14 =	sadd.s32 $0x5, s7;
	v44 =	vmov s13;
	[tilespmem:s0+$0xFFFFFE50] =	vst v36;
	v26 =	vadd.s32 v14, v26;
	v36 =	vld.idx.msk [tilespmem:v41+s1+$0x0], $0xffff  }
0x2e1: {  	s13 =	sadd.s32 $0x6, s7;
	v25 =	vadd.s32 v14, v25;
	s7 =	smov.u32 s9;
	v41 =	vmov s14;
	v44 =	vmul.u32 $0xD0, v44;
	v38 =	vld.idx.msk [tilespmem:v38+s1+$0x0], $0xffff;
	[tilespmem:s0+$0x1F0] =	vst v37  }
0x2e2: {  	v42 =	vmul.u32 $0xD0, v42;
	v24 =	vadd.s32 v14, v24;
	v45 =	vmov s13;
	v37 =	vld.idx.msk [tilespmem:v30+s1+$0x0], $0xffff;
	[tilespmem:s0+$0xFFFFFEE0] =	vst v31  }
0x2e3: {  	v23 =	vadd.s32 v14, v23;
	v31 =	vmul.u32 $0xD0, v29;
	v30 =	vbroadcast v44, $0x0;
	v39 =	vld.idx.msk [tilespmem:v39+s1+$0x0], $0xffff;
	[tilespmem:s0+$0xFFFFFF60] =	vst v33  }
0x2e4: {  	v29 =	vbroadcast v42, $0x0;
	v33 =	vmul.u32 $0xD0, v40;
	v40 =	vadd.s32 v14, v22;
	v22 =	vmovc v27;
	v42 =	vld.idx.msk [tilespmem:v28+s1+$0x0], $0xffff;
	[tilespmem:s0+$0xFFFFFFE0] =	vst v32  }
0x2e5: {  	v27 =	vmul.u32 $0xD0, v43;
	v28 =	vbroadcast v31, $0x0;
	v31 =	vadd.s32 v21, v30;
	v32 =	vld.idx.msk [tilespmem:v26+s1+$0x0], $0xffff;
	[tilespmem:s0+$0x60] =	vst v34  }
0x2e6: {  	v34 =	vadd.s32 v21, v29;
	v26 =	vbroadcast v33, $0x0;
	v33 =	vmul.u32 $0xD0, v41;
	v41 =	vld.idx.msk [tilespmem:v25+s1+$0x0], $0xffff;
	[tilespmem:s0+$0xE0] =	vst v35  }
0x2e7: {  	v35 =	vadd.s32 v21, v28;
	v25 =	vbroadcast v27, $0x0;
	v27 =	vmul.u32 $0xD0, v45;
	v43 =	vld.idx.msk [tilespmem:v24+s1+$0x0], $0xffff;
	[tilespmem:s0+$0x160] =	vst v36  }
0x2e8: {  	v36 =	vadd.s32 v21, v26;
	v24 =	vbroadcast v33, $0x0;
	[tilespmem:s0+$0xFFFFFE60] =	vst v38;
	v33 =	vld.idx.msk [tilespmem:v23+s1+$0x0], $0xffff  }
0x2e9: {  	v38 =	vadd.s32 v21, v25;
	v23 =	vbroadcast v27, $0x0;
	v27 =	vld.idx.msk [tilespmem:v40+s1+$0x0], $0xffff;
	[tilespmem:s0+$0xFFFFFEF0] =	vst v39  }
0x2ea: {  	v39 =	vadd.s32 v21, v24;
	v31 =	vld.idx.msk [tilespmem:v31+s1+$0x0], $0xffff;
	[tilespmem:s0+$0xFFFFFF70] =	vst v42  }
0x2eb: {  	v40 =	vadd.s32 v21, v23;
	v34 =	vld.idx.msk [tilespmem:v34+s1+$0x0], $0xffff;
	[tilespmem:s0+$0xFFFFFFF0] =	vst v32  }
0x2ec: {  	v32 =	vld.idx.msk [tilespmem:v35+s1+$0x0], $0xffff;
	v35 =	vadd.s32 v20, v30;
	[tilespmem:s0+$0x70] =	vst v41  }
0x2ed: {  	v41 =	vadd.s32 v20, v29;
	v36 =	vld.idx.msk [tilespmem:v36+s1+$0x0], $0xffff;
	[tilespmem:s0+$0xF0] =	vst v43  }
0x2ee: {  	v42 =	vadd.s32 v20, v28;
	v38 =	vld.idx.msk [tilespmem:v38+s1+$0x0], $0xffff;
	[tilespmem:s0+$0x170] =	vst v33  }
0x2ef: {  	v33 =	vadd.s32 v20, v26;
	v39 =	vld.idx.msk [tilespmem:v39+s1+$0x0], $0xffff;
	[tilespmem:s0+$0xFFFFFE70] =	vst v27;
	s0 =	sadd.s32 $0x400, s0  }
0x2f0: {  	v27 =	vadd.s32 v20, v25;
	v40 =	vld.idx.msk [tilespmem:v40+s1+$0x0], $0xffff;
	[tilespmem:s0+$0x180] =	vst v31  }
0x2f1: {  	v31 =	vadd.s32 v20, v24;
	[tilespmem:s0+$0xFFFFFE80] =	vst v34;
	v34 =	vld.idx.msk [tilespmem:v35+s1+$0x0], $0xffff  }
0x2f2: {  	v35 =	vld.idx.msk [tilespmem:v41+s1+$0x0], $0xffff;
	[tilespmem:s0+$0xFFFFFF00] =	vst v32;
	v32 =	vadd.s32 v20, v23  }
0x2f3: {  	v41 =	vld.idx.msk [tilespmem:v42+s1+$0x0], $0xffff;
	[tilespmem:s0+$0xFFFFFF80] =	vst v36;
	v36 =	vadd.s32 v19, v30  }
0x2f4: {  	v42 =	vadd.s32 v20, v22;
	v33 =	vld.idx.msk [tilespmem:v33+s1+$0x0], $0xffff;
	[tilespmem:s0+$0x0] =	vst v38  }
0x2f5: {  	v38 =	vadd.s32 v19, v29;
	v27 =	vld.idx.msk [tilespmem:v27+s1+$0x0], $0xffff;
	[tilespmem:s0+$0x80] =	vst v39  }
0x2f6: {  	v39 =	vadd.s32 v19, v28;
	v31 =	vld.idx.msk [tilespmem:v31+s1+$0x0], $0xffff;
	[tilespmem:s0+$0x100] =	vst v40  }
0x2f7: {  	v40 =	vadd.s32 v19, v26;
	v32 =	vld.idx.msk [tilespmem:v32+s1+$0x0], $0xffff;
	[tilespmem:s0+$0x190] =	vst v34  }
0x2f8: {  	v34 =	vadd.s32 v19, v25;
	[tilespmem:s0+$0xFFFFFE00] =	vst v37;
	v36 =	vld.idx.msk [tilespmem:v36+s1+$0x0], $0xffff  }
0x2f9: {  	v37 =	vld.idx.msk [tilespmem:v42+s1+$0x0], $0xffff;
	[tilespmem:s0+$0xFFFFFE90] =	vst v35;
	v35 =	vadd.s32 v19, v24  }
0x2fa: {  	v38 =	vld.idx.msk [tilespmem:v38+s1+$0x0], $0xffff;
	[tilespmem:s0+$0xFFFFFF10] =	vst v41;
	v41 =	vadd.s32 v18, v30  }
0x2fb: {  	v39 =	vld.idx.msk [tilespmem:v39+s1+$0x0], $0xffff;
	[tilespmem:s0+$0xFFFFFF90] =	vst v33;
	v33 =	vadd.s32 v19, v23  }
0x2fc: {  	v42 =	vadd.s32 v19, v22;
	v40 =	vld.idx.msk [tilespmem:v40+s1+$0x0], $0xffff;
	[tilespmem:s0+$0x10] =	vst v27  }
0x2fd: {  	v27 =	vadd.s32 v18, v29;
	v34 =	vld.idx.msk [tilespmem:v34+s1+$0x0], $0xffff;
	[tilespmem:s0+$0x90] =	vst v31  }
0x2fe: {  	v31 =	vadd.s32 v18, v28;
	v35 =	vld.idx.msk [tilespmem:v35+s1+$0x0], $0xffff;
	[tilespmem:s0+$0x1A0] =	vst v36  }
0x2ff: {  	v36 =	vadd.s32 v18, v26;
	[tilespmem:s0+$0x110] =	vst v32;
	v32 =	vld.idx.msk [tilespmem:v41+s1+$0x0], $0xffff  }
0x300: {  	[tilespmem:s0+$0xFFFFFE10] =	vst v37;
	v37 =	vadd.s32 v18, v25;
	v33 =	vld.idx.msk [tilespmem:v33+s1+$0x0], $0xffff  }
0x301: {  	v41 =	vld.idx.msk [tilespmem:v42+s1+$0x0], $0xffff;
	[tilespmem:s0+$0xFFFFFEA0] =	vst v38;
	v38 =	vadd.s32 v17, v30  }
0x302: {  	v27 =	vld.idx.msk [tilespmem:v27+s1+$0x0], $0xffff;
	[tilespmem:s0+$0xFFFFFF20] =	vst v39;
	v39 =	vadd.s32 v18, v24  }
0x303: {  	v31 =	vld.idx.msk [tilespmem:v31+s1+$0x0], $0xffff;
	[tilespmem:s0+$0xFFFFFFA0] =	vst v40;
	v40 =	vadd.s32 v18, v23  }
0x304: {  	v42 =	vadd.s32 v18, v22;
	v36 =	vld.idx.msk [tilespmem:v36+s1+$0x0], $0xffff;
	[tilespmem:s0+$0x20] =	vst v34  }
0x305: {  	v34 =	vadd.s32 v17, v29;
	v37 =	vld.idx.msk [tilespmem:v37+s1+$0x0], $0xffff;
	[tilespmem:s0+$0x1B0] =	vst v32  }
0x306: {  	v32 =	vadd.s32 v17, v28;
	[tilespmem:s0+$0xA0] =	vst v35;
	v35 =	vld.idx.msk [tilespmem:v38+s1+$0x0], $0xffff  }
0x307: {  	v38 =	vadd.s32 v17, v26;
	v39 =	vld.idx.msk [tilespmem:v39+s1+$0x0], $0xffff;
	[tilespmem:s0+$0x120] =	vst v33  }
0x308: {  	[tilespmem:s0+$0xFFFFFE20] =	vst v41;
	v33 =	vld.idx.msk [tilespmem:v40+s1+$0x0], $0xffff;
	v40 =	vadd.s32 v16, v30  }
0x309: {  	v41 =	vld.idx.msk [tilespmem:v42+s1+$0x0], $0xffff;
	[tilespmem:s0+$0xFFFFFEB0] =	vst v27;
	v27 =	vadd.s32 v17, v25  }
0x30a: {  	v34 =	vld.idx.msk [tilespmem:v34+s1+$0x0], $0xffff;
	[tilespmem:s0+$0xFFFFFF30] =	vst v31;
	v31 =	vadd.s32 v17, v24  }
0x30b: {  	v32 =	vld.idx.msk [tilespmem:v32+s1+$0x0], $0xffff;
	[tilespmem:s0+$0xFFFFFFB0] =	vst v36;
	v36 =	vadd.s32 v17, v23  }
0x30c: {  	v42 =	vadd.s32 v17, v22;
	v38 =	vld.idx.msk [tilespmem:v38+s1+$0x0], $0xffff;
	[tilespmem:s0+$0x1C0] =	vst v35  }
0x30d: {  	v35 =	vadd.s32 v16, v29;
	[tilespmem:s0+$0x30] =	vst v37;
	v37 =	vld.idx.msk [tilespmem:v40+s1+$0x0], $0xffff  }
0x30e: {  	v40 =	vadd.s32 v16, v28;
	v27 =	vld.idx.msk [tilespmem:v27+s1+$0x0], $0xffff;
	[tilespmem:s0+$0xB0] =	vst v39  }
0x30f: {  	v31 =	vld.idx.msk [tilespmem:v31+s1+$0x0], $0xffff;
	[tilespmem:s0+$0x130] =	vst v33;
	v33 =	vadd.s32 v15, v30  }
0x310: {  	v39 =	vadd.s32 v16, v26;
	[tilespmem:s0+$0xFFFFFE30] =	vst v41;
	v36 =	vld.idx.msk [tilespmem:v36+s1+$0x0], $0xffff  }
0x311: {  	v41 =	vld.idx.msk [tilespmem:v42+s1+$0x0], $0xffff;
	[tilespmem:s0+$0xFFFFFEC0] =	vst v34;
	v34 =	vadd.s32 v16, v25  }
0x312: {  	v35 =	vld.idx.msk [tilespmem:v35+s1+$0x0], $0xffff;
	[tilespmem:s0+$0xFFFFFF40] =	vst v32;
	v32 =	vadd.s32 v16, v24  }
0x313: {  	v42 =	vadd.s32 v16, v23;
	v40 =	vld.idx.msk [tilespmem:v40+s1+$0x0], $0xffff;
	[tilespmem:s0+$0x1D0] =	vst v37  }
0x314: {  	v37 =	vadd.s32 v16, v22;
	[tilespmem:s0+$0xFFFFFFC0] =	vst v38;
	v33 =	vld.idx.msk [tilespmem:v33+s1+$0x0], $0xffff  }
0x315: {  	v38 =	vadd.s32 v15, v29;
	v39 =	vld.idx.msk [tilespmem:v39+s1+$0x0], $0xffff;
	[tilespmem:s0+$0x40] =	vst v27  }
0x316: {  	v30 =	vadd.s32 v14, v30;
	v34 =	vld.idx.msk [tilespmem:v34+s1+$0x0], $0xffff;
	[tilespmem:s0+$0xC0] =	vst v31  }
0x317: {  	v43 =	vadd.s32 v15, v28;
	v44 =	vld.idx.msk [tilespmem:v32+s1+$0x0], $0xffff;
	[tilespmem:s0+$0x140] =	vst v36  }
0x318: {  	v27 =	vmov s9;
	v32 =	vadd.s32 v15, v26;
	[tilespmem:s0+$0xFFFFFE40] =	vst v41;
	v45 =	vld.idx.msk [tilespmem:v42+s1+$0x0], $0xffff  }
0x319: {  	v27 =	vmul.u32 $0xD0, v27;
	v36 =	vld.idx.msk [tilespmem:v37+s1+$0x0], $0xffff;
	[tilespmem:s0+$0xFFFFFED0] =	vst v35;
	v35 =	vadd.s32 v15, v25  }
0x31a: {  	v46 =	vadd.s32 v15, v24;
	v31 =	vld.idx.msk [tilespmem:v38+s1+$0x0], $0xffff;
	[tilespmem:s0+$0x1E0] =	vst v33  }
.Ltmp1:
0x31b: {  	v27 =	vbroadcast v27, $0x0;
	v41 =	vadd.s32 v15, v23;
	[tilespmem:s0+$0xFFFFFF50] =	vst v40;
	v37 =	vld.idx.msk [tilespmem:v30+s1+$0x0], $0xffff;
	(pc) =	sbr.rel @p0 .LBB2_4-.Ltmp1, $4  }
0x31c: {  	v38 =	vadd.s32 v15, v22;
	v33 =	vld.idx.msk [tilespmem:v43+s1+$0x0], $0xffff;
	[tilespmem:s0+$0xFFFFFFD0] =	vst v39  }
0x31d: {  	s13 =	sadd.s32 $0x1, s9;
	v30 =	vadd.s32 v21, v27;
	v32 =	vld.idx.msk [tilespmem:v32+s1+$0x0], $0xffff;
	[tilespmem:s0+$0x50] =	vst v34  }
0x31e: {  	s14 =	sadd.s32 $0x3, s9;
	v42 =	vmov s13;
	s13 =	sadd.s32 $0x2, s9;
	v39 =	vadd.s32 v14, v29;
	v34 =	vld.idx.msk [tilespmem:v35+s1+$0x0], $0xffff;
	[tilespmem:s0+$0xD0] =	vst v44  }
0x31f: {  	v28 =	vadd.s32 v14, v28;
	s9 =	sadd.s32 $0x8, s9;
	v40 =	vmov s14;
	s14 =	sadd.s32 $0x4, s7;
	v29 =	vmov s13;
	s13 =	sadd.s32 $0x7, s7;
	v35 =	vld.idx.msk [tilespmem:v46+s1+$0x0], $0xffff;
	[tilespmem:s0+$0x150] =	vst v45  }
0x320: {  	_ =	sdelay $0x2  }
0x321: {  	[tilespmem:s0+$0xFFFFFE50] =	vst v36;
	v59 =	vmov s14;
	v43 =	vmov s13  }
0x322: {  	v26 =	vadd.s32 v14, v26;
	[tilespmem:s0+$0x1F0] =	vst v37;
	v60 =	vld.idx.msk [tilespmem:v41+s1+$0x0], $0xffff;
	v25 =	vadd.s32 v14, v25;
	v62 =	vmul.u32 $0xD0, v42  }
0x323: {  	s9 =	sadd.s32 $0x5, s7;
	[tilespmem:s0+$0xFFFFFEE0] =	vst v31;
	v44 =	vadd.s32 v14, v24;
	v24 =	vmul.u32 $0xD0, v29;
	v48 =	vadd.s32 v14, v23;
	v30 =	vld.idx.msk [tilespmem:v30+s1+$0x0], $0xffff  }
0x324: {  	v49 =	vmul.u32 $0xD0, v40;
	v50 =	vadd.s32 v14, v22;
	v61 =	vmov s9;
	v31 =	vld.idx.msk [tilespmem:v38+s1+$0x0], $0xffff;
	[tilespmem:s0+$0xFFFFFF60] =	vst v33  }
0x325: {  	s22 =	sadd.s32 $0x6, s7;
	v43 =	vmul.u32 $0xD0, v43;
	v47 =	vld.idx.msk [tilespmem:v39+s1+$0x0], $0xffff;
	[tilespmem:s0+$0xFFFFFFE0] =	vst v32;
	v23 =	vbroadcast v62, $0x0;
	v22 =	vbroadcast v24, $0x0  }
0x326: {  	v63 =	vmov s22;
	v51 =	vld.idx.msk [tilespmem:v28+s1+$0x0], $0xffff;
	v28 =	vmul.u32 $0xD0, v59;
	v24 =	vbroadcast v49, $0x0;
	[tilespmem:s0+$0x60] =	vst v34  }
0x327: {  	v29 =	vbroadcast v43, $0x0;
	[tilespmem:s0+$0xE0] =	vst v35;
	v54 =	vadd.s32 v21, v23;
	v56 =	vadd.s32 v21, v22;
	v53 =	vld.idx.msk [tilespmem:v26+s1+$0x0], $0xffff  }
0x328: {  	s23 =	sadd.s32 $0x400, s0;
	v62 =	vadd.s32 v20, v23;
	v43 =	vadd.s32 v20, v24;
	v26 =	vmul.u32 $0xD0, v61;
	v55 =	vld.idx.msk [tilespmem:v25+s1+$0x0], $0xffff;
	[tilespmem:s0+$0x160] =	vst v60  }
0x329: {  	v52 =	vadd.s32 v21, v29;
	v25 =	vbroadcast v28, $0x0;
	v28 =	vmul.u32 $0xD0, v63;
	v57 =	vld.idx.msk [tilespmem:v44+s1+$0x0], $0xffff;
	[tilespmem:s23+$0xFFFFFE00] =	vst v30  }
0x32a: {  	v61 =	vadd.s32 v20, v29;
	[tilespmem:s0+$0xFFFFFE60] =	vst v31;
	v31 =	vadd.s32 v21, v24;
	v39 =	vld.idx.msk [tilespmem:v48+s1+$0x0], $0xffff;
	v26 =	vbroadcast v26, $0x0  }
0x32b: {  	v63 =	vadd.s32 v20, v22;
	[tilespmem:s0+$0xFFFFFEF0] =	vst v47;
	v58 =	vadd.s32 v21, v25;
	v28 =	vbroadcast v28, $0x0;
	v38 =	vld.idx.msk [tilespmem:v50+s1+$0x0], $0xffff  }
0x32c: {  	[tilespmem:s0+$0xFFFFFF70] =	vst v51;
	v44 =	vadd.s32 v20, v25;
	v59 =	vadd.s32 v21, v26;
	v35 =	vld.idx.msk [tilespmem:v54+s1+$0x0], $0xffff  }
0x32d: {  	v21 =	vadd.s32 v21, v28;
	v60 =	vld.idx.msk [tilespmem:v56+s1+$0x0], $0xffff;
	v45 =	vadd.s32 v20, v26;
	[tilespmem:s0+$0xFFFFFFF0] =	vst v53  }
0x32e: {  	v47 =	vadd.s32 v20, v28;
	v20 =	vadd.s32 v20, v27;
	v34 =	vld.idx.msk [tilespmem:v52+s1+$0x0], $0xffff;
	[tilespmem:s0+$0x70] =	vst v55  }
0x32f: {  	[tilespmem:s0+$0xF0] =	vst v57;
	v31 =	vld.idx.msk [tilespmem:v31+s1+$0x0], $0xffff  }
0x330: {  	v33 =	vld.idx.msk [tilespmem:v58+s1+$0x0], $0xffff;
	[tilespmem:s0+$0xFFFFFE70] =	vst v38  }
0x331: {  	v42 =	vld.idx.msk [tilespmem:v59+s1+$0x0], $0xffff;
	[tilespmem:s23+$0xFFFFFE80] =	vst v35  }
0x332: {  	v21 =	vld.idx.msk [tilespmem:v21+s1+$0x0], $0xffff;
	[tilespmem:s23+$0xFFFFFF00] =	vst v60  }
0x333: {  	v20 =	vld.idx.msk [tilespmem:v20+s1+$0x0], $0xffff;
	[tilespmem:s23+$0x180] =	vst v34  }
0x334: {  	v38 =	vld.idx.msk [tilespmem:v63+s1+$0x0], $0xffff;
	[tilespmem:s23+$0xFFFFFF80] =	vst v31  }
0x335: {  	v31 =	vld.idx.msk [tilespmem:v62+s1+$0x0], $0xffff;
	[tilespmem:s23+$0x0] =	vst v33  }
0x336: {  	v48 =	vadd.s32 v19, v22;
	v36 =	vld.idx.msk [tilespmem:v61+s1+$0x0], $0xffff;
	[tilespmem:s23+$0x80] =	vst v42  }
0x337: {  	v46 =	vadd.s32 v19, v29;
	v34 =	vld.idx.msk [tilespmem:v43+s1+$0x0], $0xffff;
	[tilespmem:s23+$0x100] =	vst v21  }
0x338: {  	v30 =	vadd.s32 v19, v24;
	v35 =	vld.idx.msk [tilespmem:v44+s1+$0x0], $0xffff;
	[tilespmem:s23+$0xFFFFFE10] =	vst v20  }
0x339: {  	v21 =	vadd.s32 v19, v23;
	v32 =	vld.idx.msk [tilespmem:v45+s1+$0x0], $0xffff;
	[tilespmem:s23+$0xFFFFFF10] =	vst v38  }
0x33a: {  	v49 =	vadd.s32 v19, v25;
	v51 =	vadd.s32 v19, v26;
	[tilespmem:s23+$0xFFFFFE90] =	vst v31;
	v31 =	vld.idx.msk [tilespmem:v47+s1+$0x0], $0xffff  }
0x33b: {  	v53 =	vadd.s32 v19, v28;
	v19 =	vadd.s32 v19, v27;
	[tilespmem:s23+$0x190] =	vst v36;
	v52 =	vld.idx.msk [tilespmem:v48+s1+$0x0], $0xffff  }
0x33c: {  	v37 =	vld.idx.msk [tilespmem:v46+s1+$0x0], $0xffff;
	[tilespmem:s23+$0xFFFFFF90] =	vst v34  }
0x33d: {  	v50 =	vadd.s32 v18, v29;
	[tilespmem:s23+$0x10] =	vst v35;
	v30 =	vld.idx.msk [tilespmem:v30+s1+$0x0], $0xffff  }
0x33e: {  	v21 =	vld.idx.msk [tilespmem:v21+s1+$0x0], $0xffff;
	[tilespmem:s23+$0x90] =	vst v32  }
0x33f: {  	v55 =	vadd.s32 v18, v24;
	v33 =	vld.idx.msk [tilespmem:v49+s1+$0x0], $0xffff;
	[tilespmem:s23+$0x110] =	vst v31  }
0x340: {  	v54 =	vadd.s32 v18, v23;
	v57 =	vadd.s32 v18, v25;
	v19 =	vld.idx.msk [tilespmem:v19+s1+$0x0], $0xffff;
	[tilespmem:s23+$0xFFFFFF20] =	vst v52  }
0x341: {  	v58 =	vadd.s32 v18, v26;
	v31 =	vadd.s32 v18, v22;
	v20 =	vld.idx.msk [tilespmem:v51+s1+$0x0], $0xffff;
	[tilespmem:s23+$0x1A0] =	vst v37  }
0x342: {  	v59 =	vadd.s32 v18, v28;
	v18 =	vadd.s32 v18, v27;
	v37 =	vld.idx.msk [tilespmem:v50+s1+$0x0], $0xffff;
	[tilespmem:s23+$0xFFFFFFA0] =	vst v30  }
0x343: {  	[tilespmem:s23+$0xFFFFFEA0] =	vst v21;
	v21 =	vld.idx.msk [tilespmem:v53+s1+$0x0], $0xffff  }
0x344: {  	v56 =	vadd.s32 v17, v29;
	[tilespmem:s23+$0x20] =	vst v33;
	v34 =	vld.idx.msk [tilespmem:v55+s1+$0x0], $0xffff  }
0x345: {  	[tilespmem:s23+$0xFFFFFE20] =	vst v19;
	v30 =	vld.idx.msk [tilespmem:v54+s1+$0x0], $0xffff  }
0x346: {  	v31 =	vld.idx.msk [tilespmem:v31+s1+$0x0], $0xffff;
	[tilespmem:s23+$0xA0] =	vst v20  }
0x347: {  	v20 =	vadd.s32 v17, v23;
	v18 =	vld.idx.msk [tilespmem:v18+s1+$0x0], $0xffff;
	[tilespmem:s23+$0x1B0] =	vst v37  }
0x348: {  	v60 =	vadd.s32 v17, v22;
	v19 =	vld.idx.msk [tilespmem:v58+s1+$0x0], $0xffff;
	[tilespmem:s23+$0x120] =	vst v21  }
0x349: {  	v62 =	vadd.s32 v17, v26;
	v36 =	vld.idx.msk [tilespmem:v56+s1+$0x0], $0xffff;
	[tilespmem:s23+$0xFFFFFFB0] =	vst v34  }
0x34a: {  	v61 =	vadd.s32 v16, v29;
	v21 =	vld.idx.msk [tilespmem:v57+s1+$0x0], $0xffff;
	[tilespmem:s23+$0xFFFFFEB0] =	vst v30  }
0x34b: {  	v30 =	vadd.s32 v17, v24;
	v33 =	vld.idx.msk [tilespmem:v59+s1+$0x0], $0xffff;
	[tilespmem:s23+$0xFFFFFF30] =	vst v31  }
0x34c: {  	v31 =	vadd.s32 v17, v25;
	v20 =	vld.idx.msk [tilespmem:v20+s1+$0x0], $0xffff;
	[tilespmem:s23+$0xFFFFFE30] =	vst v18  }
0x34d: {  	v63 =	vadd.s32 v17, v28;
	v35 =	vld.idx.msk [tilespmem:v60+s1+$0x0], $0xffff;
	[tilespmem:s23+$0xB0] =	vst v19  }
0x34e: {  	v17 =	vadd.s32 v17, v27;
	v40 =	vld.idx.msk [tilespmem:v62+s1+$0x0], $0xffff;
	[tilespmem:s23+$0x1C0] =	vst v36  }
0x34f: {  	v18 =	vadd.s32 v16, v22;
	[tilespmem:s23+$0x30] =	vst v21;
	v21 =	vld.idx.msk [tilespmem:v61+s1+$0x0], $0xffff  }
0x350: {  	[tilespmem:s0+$0x170] =	vst v39;
	v19 =	vld.idx.msk [tilespmem:v30+s1+$0x0], $0xffff;
	v30 =	vadd.s32 v16, v23  }
0x351: {  	[tilespmem:s23+$0x130] =	vst v33;
	v31 =	vld.idx.msk [tilespmem:v31+s1+$0x0], $0xffff  }
0x352: {  	v39 =	vadd.s32 v15, v29;
	[tilespmem:s23+$0xFFFFFEC0] =	vst v20;
	v41 =	vld.idx.msk [tilespmem:v63+s1+$0x0], $0xffff  }
0x353: {  	v20 =	vadd.s32 v16, v24;
	v17 =	vld.idx.msk [tilespmem:v17+s1+$0x0], $0xffff;
	[tilespmem:s23+$0xFFFFFF40] =	vst v35  }
0x354: {  	v42 =	vadd.s32 v16, v25;
	v18 =	vld.idx.msk [tilespmem:v18+s1+$0x0], $0xffff;
	[tilespmem:s23+$0xC0] =	vst v40  }
0x355: {  	[tilespmem:s23+$0x1D0] =	vst v21;
	v21 =	vld.idx.msk [tilespmem:v30+s1+$0x0], $0xffff;
	v30 =	vadd.s32 v16, v26  }
0x356: {  	[tilespmem:s23+$0xFFFFFFC0] =	vst v19;
	v19 =	vadd.s32 v16, v28  }
0x357: {  	v16 =	vadd.s32 v16, v27;
	v32 =	vld.idx.msk [tilespmem:v39+s1+$0x0], $0xffff;
	[tilespmem:s23+$0x40] =	vst v31  }
0x358: {  	v20 =	vld.idx.msk [tilespmem:v20+s1+$0x0], $0xffff;
	[tilespmem:s23+$0x140] =	vst v41;
	v31 =	vadd.s32 v15, v23  }
0x359: {  	[tilespmem:s23+$0xFFFFFE40] =	vst v17;
	v17 =	vadd.s32 v15, v22;
	v43 =	vld.idx.msk [tilespmem:v42+s1+$0x0], $0xffff  }
0x35a: {  	v29 =	vadd.s32 v14, v29;
	[tilespmem:s23+$0xFFFFFF50] =	vst v18;
	v30 =	vld.idx.msk [tilespmem:v30+s1+$0x0], $0xffff  }
0x35b: {  	[tilespmem:s23+$0xFFFFFED0] =	vst v21;
	v21 =	vadd.s32 v15, v24;
	v19 =	vld.idx.msk [tilespmem:v19+s1+$0x0], $0xffff  }
0x35c: {  	v44 =	vadd.s32 v15, v25;
	v16 =	vld.idx.msk [tilespmem:v16+s1+$0x0], $0xffff;
	[tilespmem:s23+$0x1E0] =	vst v32  }
0x35d: {  	v18 =	vadd.s32 v15, v26;
	[tilespmem:s23+$0xFFFFFFD0] =	vst v20;
	v20 =	vld.idx.msk [tilespmem:v31+s1+$0x0], $0xffff  }
0x35e: {  	v31 =	vadd.s32 v15, v28;
	v17 =	vld.idx.msk [tilespmem:v17+s1+$0x0], $0xffff;
	[tilespmem:s23+$0x50] =	vst v43  }
0x35f: {  	v15 =	vadd.s32 v15, v27;
	v29 =	vld.idx.msk [tilespmem:v29+s1+$0x0], $0xffff;
	[tilespmem:s23+$0xD0] =	vst v30  }
0x360: {  	v23 =	vadd.s32 v14, v23;
	v21 =	vld.idx.msk [tilespmem:v21+s1+$0x0], $0xffff;
	[tilespmem:s23+$0x150] =	vst v19  }
0x361: {  	v22 =	vadd.s32 v14, v22;
	v19 =	vld.idx.msk [tilespmem:v44+s1+$0x0], $0xffff;
	[tilespmem:s23+$0xFFFFFE50] =	vst v16  }
0x362: {  	v16 =	vld.idx.msk [tilespmem:v18+s1+$0x0], $0xffff;
	v18 =	vadd.s32 v14, v24;
	[tilespmem:s23+$0xFFFFFEE0] =	vst v20  }
0x363: {  	v25 =	vadd.s32 v14, v25;
	v24 =	vld.idx.msk [tilespmem:v31+s1+$0x0], $0xffff;
	[tilespmem:s23+$0xFFFFFF60] =	vst v17  }
0x364: {  	v15 =	vld.idx.msk [tilespmem:v15+s1+$0x0], $0xffff;
	v20 =	vadd.s32 v14, v26;
	[tilespmem:s23+$0x1F0] =	vst v29  }
0x365: {  	v17 =	vld.idx.msk [tilespmem:v23+s1+$0x0], $0xffff;
	v23 =	vadd.s32 v14, v28;
	[tilespmem:s23+$0xFFFFFFE0] =	vst v21  }
0x366: {  	v14 =	vadd.s32 v14, v27;
	v21 =	vld.idx.msk [tilespmem:v22+s1+$0x0], $0xffff;
	[tilespmem:s23+$0x60] =	vst v19  }
0x367: {  	v18 =	vld.idx.msk [tilespmem:v18+s1+$0x0], $0xffff;
	[tilespmem:s23+$0xE0] =	vst v16  }
0x368: {  	v16 =	vld.idx.msk [tilespmem:v25+s1+$0x0], $0xffff;
	[tilespmem:s23+$0x160] =	vst v24  }
0x369: {  	[tilespmem:s23+$0xFFFFFE60] =	vst v15;
	v19 =	vld.idx.msk [tilespmem:v20+s1+$0x0], $0xffff  }
0x36a: {  	v15 =	vld.idx.msk [tilespmem:v23+s1+$0x0], $0xffff;
	[tilespmem:s23+$0xFFFFFEF0] =	vst v17  }
0x36b: {  	v14 =	vld.idx.msk [tilespmem:v14+s1+$0x0], $0xffff;
	[tilespmem:s23+$0xFFFFFF70] =	vst v21  }
0x36c: {  	[tilespmem:s23+$0xFFFFFFF0] =	vst v18  }
0x36d: {  	[tilespmem:s23+$0x70] =	vst v16  }
0x36e: {  	[tilespmem:s23+$0xF0] =	vst v19  }
0x36f: {  	[tilespmem:s23+$0x170] =	vst v15  }
0x370: {  	[tilespmem:s23+$0xFFFFFE70] =	vst v14  }
0x371: {  	s20 =	simm.s32 $0x10F08;
	s0 =	simm.s32 $0x0;
	s24 =	rddreg [dreg:$0x5]  }
0x372: {  	[hbm4b:s24+s0] =	stream.linear.scatter [tilespmem:s20], [sflag:$0x1], $0x400, $0x38;
	[tilespmem:$0x14F08] =	vst v63  }
0x373: {  	s21 =	simm.s32 $0x11308;
	s25 =	rddreg [dreg:$0x6]  }
0x374: {  	[hbm4b:s25+s0] =	stream.linear.scatter [tilespmem:s21], [sflag:$0x1], $0x400, $0x38;
	[tilespmem:$0x14F08] =	vst v63  }
0x375: {  	s22 =	simm.s32 $0x11708;
	s26 =	rddreg [dreg:$0x7]  }
0x376: {  	[hbm4b:s26+s0] =	stream.linear.scatter [tilespmem:s22], [sflag:$0x1], $0x400, $0x38;
	[tilespmem:$0x14F08] =	vst v63  }
0x377: {  	s23 =	simm.s32 $0x11B08;
	s9 =	rddreg [dreg:$0x8]  }
0x378: {  	[hbm4b:s9+s0] =	stream.linear.scatter [tilespmem:s23], [sflag:$0x1], $0x400, $0x38;
	[tilespmem:$0x14F08] =	vst v63  }
0x379: {  	s13 =	rddreg [dreg:$0x9];
	s24 =	simm.s32 $0x11F08  }
0x37a: {  	[hbm4b:s13+s0] =	stream.linear.scatter [tilespmem:s24], [sflag:$0x1], $0x400, $0x38;
	[tilespmem:$0x14F08] =	vst v63  }
0x37b: {  	s14 =	rddreg [dreg:$0xa];
	s25 =	simm.s32 $0x12308  }
0x37c: {  	[hbm4b:s14+s0] =	stream.linear.scatter [tilespmem:s25], [sflag:$0x1], $0x400, $0x38;
	[tilespmem:$0x14F08] =	vst v63  }
0x37d: {  	s15 =	rddreg [dreg:$0xb];
	s26 =	simm.s32 $0x12708  }
0x37e: {  	v14 =	vmov s0;
	[hbm4b:s15+s0] =	stream.linear.scatter [tilespmem:s26], [sflag:$0x1], $0x400, $0x38;
	[tilespmem:$0x14F08] =	vst v63  }
0x37f: {  	s28 =	simm.s32 $0x12B08;
	s19 =	rddreg [dreg:$0xc];
	v14 =	vmul.u32 $0xD0, v14;
	s9 =	simm.s32 $0x7  }
0x380: {  	[hbm4b:s19+s0] =	stream.linear.scatter [tilespmem:s28], [sflag:$0x1], $0x400, $0x38;
	[tilespmem:$0x14F08] =	vst v63  }
0x381: {  	v22 =	vbroadcast v14, $0x0;
	v14 =	vmov s9;
	s13 =	simm.s32 $0x1;
	v21 =	vld [tilespmem:$0x6490]  }
0x382: {  	s9 =	simm.s32 $0x5;
	v14 =	vmul.u32 $0xD0, v14;
	v15 =	vmov s13  }
0x383: {  	v25 =	vmov s9;
	s14 =	simm.s32 $0x2;
	v15 =	vmul.u32 $0xD0, v15  }
0x384: {  	v45 =	vmul.u32 $0xD0, v25;
	v27 =	vbroadcast v14, $0x0;
	v16 =	vmov s14;
	s15 =	simm.s32 $0x3;
	v20 =	vld [tilespmem:$0x64A0]  }
0x385: {  	v16 =	vmul.u32 $0xD0, v16;
	v29 =	vbroadcast v15, $0x0;
	v17 =	vmov s15;
	s19 =	simm.s32 $0x4;
	v19 =	vld [tilespmem:$0x64B0]  }
0x386: {  	v15 =	vmul.u32 $0xD0, v17;
	v24 =	vmov s19;
	v18 =	vld [tilespmem:$0x64C0];
	v23 =	vadd.s32 v21, v22  }
0x387: {  	s13 =	simm.s32 $0x6;
	v28 =	vbroadcast v16, $0x0;
	v17 =	vld [tilespmem:$0x64D0];
	v24 =	vmul.u32 $0xD0, v24;
	v30 =	vadd.s32 v21, v27  }
0x388: {  	v14 =	vmov s13;
	v16 =	vld [tilespmem:$0x64E0];
	v26 =	vbroadcast v15, $0x0;
	v31 =	vadd.s32 v21, v29  }
0x389: {  	v47 =	vmul.u32 $0xD0, v14;
	v14 =	vld [tilespmem:$0x6500];
	v25 =	vbroadcast v24, $0x0;
	v46 =	vadd.s32 v21, v28  }
0x38a: {  	v15 =	vld [tilespmem:$0x64F0];
	v24 =	vbroadcast v45, $0x0;
	v48 =	vadd.s32 v21, v26  }
0x38b: {  	v50 =	vadd.s32 v21, v25;
	v49 =	vld.idx.msk [tilespmem:v23+s1+$0x0], $0xffff  }
0x38c: {  	v51 =	vadd.s32 v21, v24;
	v30 =	vld.idx.msk [tilespmem:v30+s1+$0x0], $0xffff  }
0x38d: {  	v53 =	vadd.s32 v20, v27;
	v31 =	vld.idx.msk [tilespmem:v31+s1+$0x0], $0xffff  }
0x38e: {  	v54 =	vadd.s32 v20, v29;
	v33 =	vld.idx.msk [tilespmem:v46+s1+$0x0], $0xffff  }
0x38f: {  	v55 =	vadd.s32 v20, v28;
	v35 =	vld.idx.msk [tilespmem:v48+s1+$0x0], $0xffff  }
0x390: {  	s0 =	simm.s32 $0x132F8;
	v56 =	vadd.s32 v20, v26;
	v36 =	vld.idx.msk [tilespmem:v50+s1+$0x0], $0xffff  }
0x391: {  	v57 =	vadd.s32 v20, v25;
	v23 =	vbroadcast v47, $0x0;
	v34 =	vld.idx.msk [tilespmem:v51+s1+$0x0], $0xffff;
	[tilespmem:s0+$0xFFFFFF90] =	vst v30  }
0x392: {  	v62 =	vadd.s32 v20, v22;
	[tilespmem:s0+$0xFFFFFC90] =	vst v31;
	v31 =	vld.idx.msk [tilespmem:v53+s1+$0x0], $0xffff  }
0x393: {  	v52 =	vadd.s32 v21, v23;
	[tilespmem:s0+$0xFFFFFD10] =	vst v33;
	v58 =	vld.idx.msk [tilespmem:v54+s1+$0x0], $0xffff  }
0x394: {  	v30 =	vadd.s32 v20, v24;
	[tilespmem:s0+$0xFFFFFD90] =	vst v35;
	v60 =	vld.idx.msk [tilespmem:v55+s1+$0x0], $0xffff  }
0x395: {  	v61 =	vadd.s32 v19, v27;
	[tilespmem:s0+$0xFFFFFE10] =	vst v36;
	v41 =	vld.idx.msk [tilespmem:v56+s1+$0x0], $0xffff  }
0x396: {  	v63 =	vadd.s32 v19, v29;
	[tilespmem:s0+$0xFFFFFC10] =	vst v49;
	v42 =	vld.idx.msk [tilespmem:v57+s1+$0x0], $0xffff  }
0x397: {  	v43 =	vadd.s32 v19, v28;
	[tilespmem:s0+$0xFFFFFE90] =	vst v34;
	v46 =	vld.idx.msk [tilespmem:v62+s1+$0x0], $0xffff  }
0x398: {  	v44 =	vadd.s32 v19, v26;
	v37 =	vld.idx.msk [tilespmem:v52+s1+$0x0], $0xffff;
	[tilespmem:s0+$0xFFFFFFA0] =	vst v31  }
0x399: {  	v50 =	vadd.s32 v19, v22;
	v30 =	vld.idx.msk [tilespmem:v30+s1+$0x0], $0xffff;
	[tilespmem:s0+$0xFFFFFCA0] =	vst v58  }
0x39a: {  	v59 =	vadd.s32 v20, v23;
	[tilespmem:s0+$0xFFFFFD20] =	vst v60;
	v45 =	vld.idx.msk [tilespmem:v61+s1+$0x0], $0xffff  }
0x39b: {  	v31 =	vadd.s32 v19, v25;
	[tilespmem:s0+$0xFFFFFDA0] =	vst v41;
	v36 =	vld.idx.msk [tilespmem:v63+s1+$0x0], $0xffff  }
0x39c: {  	v47 =	vadd.s32 v19, v24;
	[tilespmem:s0+$0xFFFFFC20] =	vst v46;
	v34 =	vld.idx.msk [tilespmem:v43+s1+$0x0], $0xffff  }
0x39d: {  	v48 =	vadd.s32 v18, v27;
	[tilespmem:s0+$0xFFFFFF10] =	vst v37;
	v37 =	vld.idx.msk [tilespmem:v44+s1+$0x0], $0xffff  }
0x39e: {  	v51 =	vadd.s32 v18, v29;
	[tilespmem:s0+$0xFFFFFE20] =	vst v42;
	v56 =	vld.idx.msk [tilespmem:v50+s1+$0x0], $0xffff  }
0x39f: {  	v52 =	vadd.s32 v18, v26;
	v33 =	vld.idx.msk [tilespmem:v59+s1+$0x0], $0xffff;
	[tilespmem:s0+$0xFFFFFEA0] =	vst v30  }
0x3a0: {  	v61 =	vadd.s32 v18, v22;
	v31 =	vld.idx.msk [tilespmem:v31+s1+$0x0], $0xffff;
	[tilespmem:s0+$0xFFFFFFB0] =	vst v45  }
0x3a1: {  	v49 =	vadd.s32 v19, v23;
	v38 =	vld.idx.msk [tilespmem:v47+s1+$0x0], $0xffff;
	[tilespmem:s0+$0xFFFFFCB0] =	vst v36  }
0x3a2: {  	v30 =	vadd.s32 v18, v28;
	[tilespmem:s0+$0xFFFFFD30] =	vst v34;
	v53 =	vld.idx.msk [tilespmem:v48+s1+$0x0], $0xffff  }
0x3a3: {  	v54 =	vadd.s32 v18, v25;
	[tilespmem:s0+$0xFFFFFDB0] =	vst v37;
	v58 =	vld.idx.msk [tilespmem:v51+s1+$0x0], $0xffff  }
0x3a4: {  	v59 =	vadd.s32 v18, v24;
	[tilespmem:s0+$0xFFFFFC30] =	vst v56;
	v32 =	vld.idx.msk [tilespmem:v52+s1+$0x0], $0xffff  }
0x3a5: {  	v57 =	vadd.s32 v17, v27;
	[tilespmem:s0+$0xFFFFFF20] =	vst v33;
	v40 =	vld.idx.msk [tilespmem:v61+s1+$0x0], $0xffff  }
0x3a6: {  	v63 =	vadd.s32 v17, v26;
	v55 =	vld.idx.msk [tilespmem:v49+s1+$0x0], $0xffff;
	[tilespmem:s0+$0xFFFFFE30] =	vst v31  }
0x3a7: {  	v48 =	vadd.s32 v17, v22;
	v30 =	vld.idx.msk [tilespmem:v30+s1+$0x0], $0xffff;
	[tilespmem:s0+$0xFFFFFEB0] =	vst v38  }
0x3a8: {  	v60 =	vadd.s32 v18, v23;
	v35 =	vld.idx.msk [tilespmem:v54+s1+$0x0], $0xffff;
	[tilespmem:s0+$0xFFFFFFC0] =	vst v53  }
0x3a9: {  	v31 =	vadd.s32 v17, v29;
	v34 =	vld.idx.msk [tilespmem:v59+s1+$0x0], $0xffff;
	[tilespmem:s0+$0xFFFFFCC0] =	vst v58  }
0x3aa: {  	v62 =	vadd.s32 v17, v28;
	[tilespmem:s0+$0xFFFFFDC0] =	vst v32;
	v36 =	vld.idx.msk [tilespmem:v57+s1+$0x0], $0xffff  }
0x3ab: {  	v46 =	vadd.s32 v17, v25;
	[tilespmem:s0+$0xFFFFFC40] =	vst v40;
	v38 =	vld.idx.msk [tilespmem:v63+s1+$0x0], $0xffff  }
0x3ac: {  	v45 =	vadd.s32 v16, v27;
	[tilespmem:s0+$0xFFFFFF30] =	vst v55;
	v40 =	vld.idx.msk [tilespmem:v48+s1+$0x0], $0xffff  }
0x3ad: {  	v37 =	vld.idx.msk [tilespmem:v60+s1+$0x0], $0xffff;
	[tilespmem:s0+$0xFFFFFD40] =	vst v30;
	v30 =	vadd.s32 v17, v24  }
0x3ae: {  	v53 =	vadd.s32 v16, v26;
	v31 =	vld.idx.msk [tilespmem:v31+s1+$0x0], $0xffff;
	[tilespmem:s0+$0xFFFFFE40] =	vst v35  }
0x3af: {  	v57 =	vadd.s32 v16, v22;
	v33 =	vld.idx.msk [tilespmem:v62+s1+$0x0], $0xffff;
	[tilespmem:s0+$0xFFFFFEC0] =	vst v34  }
0x3b0: {  	v47 =	vadd.s32 v17, v23;
	v41 =	vld.idx.msk [tilespmem:v46+s1+$0x0], $0xffff;
	[tilespmem:s0+$0xFFFFFFD0] =	vst v36  }
0x3b1: {  	v49 =	vadd.s32 v16, v29;
	[tilespmem:s0+$0xFFFFFDD0] =	vst v38;
	v50 =	vld.idx.msk [tilespmem:v45+s1+$0x0], $0xffff  }
0x3b2: {  	v52 =	vadd.s32 v15, v27;
	[tilespmem:s0+$0xFFFFFC50] =	vst v40;
	v30 =	vld.idx.msk [tilespmem:v30+s1+$0x0], $0xffff  }
0x3b3: {  	v51 =	vadd.s32 v16, v28;
	[tilespmem:s0+$0xFFFFFF40] =	vst v37;
	v59 =	vld.idx.msk [tilespmem:v53+s1+$0x0], $0xffff  }
0x3b4: {  	v36 =	vld.idx.msk [tilespmem:v57+s1+$0x0], $0xffff;
	[tilespmem:s0+$0xFFFFFCD0] =	vst v31;
	v31 =	vadd.s32 v16, v25  }
0x3b5: {  	v55 =	vadd.s32 v16, v24;
	v32 =	vld.idx.msk [tilespmem:v47+s1+$0x0], $0xffff  }
0x3b6: {  	v61 =	vadd.s32 v15, v26;
	v54 =	vld.idx.msk [tilespmem:v49+s1+$0x0], $0xffff;
	[tilespmem:s0+$0xFFFFFFE0] =	vst v50  }
0x3b7: {  	v56 =	vadd.s32 v16, v23;
	[tilespmem:s0+$0xFFFFFD50] =	vst v33;
	v34 =	vld.idx.msk [tilespmem:v52+s1+$0x0], $0xffff  }
0x3b8: {  	v27 =	vadd.s32 v14, v27;
	v39 =	vld.idx.msk [tilespmem:v51+s1+$0x0], $0xffff;
	[tilespmem:s0+$0xFFFFFE50] =	vst v41  }
0x3b9: {  	s7 =	simm.s32 $0x8;
	v58 =	vadd.s32 v15, v29;
	[tilespmem:s0+$0xFFFFFED0] =	vst v30;
	v60 =	vld.idx.msk [tilespmem:v31+s1+$0x0], $0xffff  }
0x3ba: {  	v30 =	vadd.s32 v15, v28;
	[tilespmem:s0+$0xFFFFFDE0] =	vst v59;
	v45 =	vld.idx.msk [tilespmem:v55+s1+$0x0], $0xffff;
	v31 =	vmov s7  }
0x3bb: {  	v62 =	vadd.s32 v15, v25;
	[tilespmem:s0+$0xFFFFFF50] =	vst v32;
	v32 =	vld.idx.msk [tilespmem:v61+s1+$0x0], $0xffff;
	v63 =	vmul.u32 $0xD0, v31  }
0x3bc: {  	v47 =	vadd.s32 v15, v24;
	v46 =	vld.idx.msk [tilespmem:v56+s1+$0x0], $0xffff;
	[tilespmem:s0+$0xFFFFFFF0] =	vst v34  }
0x3bd: {  	v41 =	vadd.s32 v15, v23;
	[tilespmem:s0+$0xFFFFFCE0] =	vst v54;
	v37 =	vld.idx.msk [tilespmem:v27+s1+$0x0], $0xffff;
	v27 =	vbroadcast v63, $0x0  }
0x3be: {  	v38 =	vadd.s32 v15, v22;
	[tilespmem:s0+$0xFFFFFD60] =	vst v39;
	v31 =	vld.idx.msk [tilespmem:v58+s1+$0x0], $0xffff  }
0x3bf: {  	s14 =	simm.s32 $0x9;
	v33 =	vld.idx.msk [tilespmem:v30+s1+$0x0], $0xffff;
	[tilespmem:s0+$0xFFFFFE60] =	vst v60;
	v30 =	vadd.s32 v21, v27  }
0x3c0: {  	s29 =	simm.s32 $0x12F08;
	s15 =	simm.s32 $0xA;
	s19 =	simm.s32 $0xB;
	v42 =	vmov s14;
	v39 =	vadd.s32 v14, v29;
	[tilespmem:s0+$0xFFFFFEE0] =	vst v45;
	v34 =	vld.idx.msk [tilespmem:v62+s1+$0x0], $0xffff  }
0x3c1: {  	s9 =	simm.s32 $0x10;
	s13 =	simm.s32 $0xF;
	s14 =	simm.s32 $0xC;
	v40 =	vmov s19;
	v28 =	vadd.s32 v14, v28;
	v29 =	vmov s15;
	v35 =	vld.idx.msk [tilespmem:v47+s1+$0x0], $0xffff;
	[tilespmem:s0+$0xFFFFFF60] =	vst v46  }
.LBB2_6:
0x3c2: {  	p0 =	slt.u32 s9, $0x38;
	v43 =	vmov s14;
	s14 =	sadd.s32 $0x5, s7;
	v44 =	vmov s13;
	[tilespmem:s0+$0xFFFFFC60] =	vst v36;
	v26 =	vadd.s32 v14, v26;
	v36 =	vld.idx.msk [tilespmem:v41+s1+$0x0], $0xffff  }
0x3c3: {  	s13 =	sadd.s32 $0x6, s7;
	v25 =	vadd.s32 v14, v25;
	s7 =	smov.u32 s9;
	v41 =	vmov s14;
	v44 =	vmul.u32 $0xD0, v44;
	v38 =	vld.idx.msk [tilespmem:v38+s1+$0x0], $0xffff;
	[tilespmem:s0+$0x0] =	vst v37  }
0x3c4: {  	v42 =	vmul.u32 $0xD0, v42;
	v24 =	vadd.s32 v14, v24;
	v45 =	vmov s13;
	v37 =	vld.idx.msk [tilespmem:v30+s1+$0x0], $0xffff;
	[tilespmem:s0+$0xFFFFFCF0] =	vst v31  }
0x3c5: {  	v23 =	vadd.s32 v14, v23;
	v31 =	vmul.u32 $0xD0, v29;
	v30 =	vbroadcast v44, $0x0;
	v39 =	vld.idx.msk [tilespmem:v39+s1+$0x0], $0xffff;
	[tilespmem:s0+$0xFFFFFD70] =	vst v33  }
0x3c6: {  	v29 =	vbroadcast v42, $0x0;
	v33 =	vmul.u32 $0xD0, v40;
	v40 =	vadd.s32 v14, v22;
	v22 =	vmovc v27;
	v42 =	vld.idx.msk [tilespmem:v28+s1+$0x0], $0xffff;
	[tilespmem:s0+$0xFFFFFDF0] =	vst v32  }
0x3c7: {  	v27 =	vmul.u32 $0xD0, v43;
	v28 =	vbroadcast v31, $0x0;
	v31 =	vadd.s32 v21, v30;
	v32 =	vld.idx.msk [tilespmem:v26+s1+$0x0], $0xffff;
	[tilespmem:s0+$0xFFFFFE70] =	vst v34  }
0x3c8: {  	v34 =	vadd.s32 v21, v29;
	v26 =	vbroadcast v33, $0x0;
	v33 =	vmul.u32 $0xD0, v41;
	v41 =	vld.idx.msk [tilespmem:v25+s1+$0x0], $0xffff;
	[tilespmem:s0+$0xFFFFFEF0] =	vst v35  }
0x3c9: {  	v35 =	vadd.s32 v21, v28;
	v25 =	vbroadcast v27, $0x0;
	v27 =	vmul.u32 $0xD0, v45;
	v43 =	vld.idx.msk [tilespmem:v24+s1+$0x0], $0xffff;
	[tilespmem:s0+$0xFFFFFF70] =	vst v36  }
0x3ca: {  	v36 =	vadd.s32 v21, v26;
	v24 =	vbroadcast v33, $0x0;
	[tilespmem:s0+$0xFFFFFC70] =	vst v38;
	v33 =	vld.idx.msk [tilespmem:v23+s1+$0x0], $0xffff  }
0x3cb: {  	v38 =	vadd.s32 v21, v25;
	v23 =	vbroadcast v27, $0x0;
	v27 =	vld.idx.msk [tilespmem:v40+s1+$0x0], $0xffff;
	[tilespmem:s0+$0xFFFFFD00] =	vst v39  }
0x3cc: {  	v39 =	vadd.s32 v21, v24;
	v31 =	vld.idx.msk [tilespmem:v31+s1+$0x0], $0xffff;
	[tilespmem:s0+$0xFFFFFD80] =	vst v42  }
0x3cd: {  	v40 =	vadd.s32 v21, v23;
	v34 =	vld.idx.msk [tilespmem:v34+s1+$0x0], $0xffff;
	[tilespmem:s0+$0xFFFFFE00] =	vst v32  }
0x3ce: {  	v32 =	vld.idx.msk [tilespmem:v35+s1+$0x0], $0xffff;
	v35 =	vadd.s32 v20, v30;
	[tilespmem:s0+$0xFFFFFE80] =	vst v41  }
0x3cf: {  	v41 =	vadd.s32 v20, v29;
	v36 =	vld.idx.msk [tilespmem:v36+s1+$0x0], $0xffff;
	[tilespmem:s0+$0xFFFFFF00] =	vst v43  }
0x3d0: {  	v42 =	vadd.s32 v20, v28;
	v38 =	vld.idx.msk [tilespmem:v38+s1+$0x0], $0xffff;
	[tilespmem:s0+$0xFFFFFF80] =	vst v33  }
0x3d1: {  	v33 =	vadd.s32 v20, v26;
	v39 =	vld.idx.msk [tilespmem:v39+s1+$0x0], $0xffff;
	[tilespmem:s0+$0xFFFFFC80] =	vst v27;
	s0 =	sadd.s32 $0x400, s0  }
0x3d2: {  	v27 =	vadd.s32 v20, v25;
	v40 =	vld.idx.msk [tilespmem:v40+s1+$0x0], $0xffff;
	[tilespmem:s0+$0xFFFFFF90] =	vst v31  }
0x3d3: {  	v31 =	vadd.s32 v20, v24;
	[tilespmem:s0+$0xFFFFFC90] =	vst v34;
	v34 =	vld.idx.msk [tilespmem:v35+s1+$0x0], $0xffff  }
0x3d4: {  	v35 =	vld.idx.msk [tilespmem:v41+s1+$0x0], $0xffff;
	[tilespmem:s0+$0xFFFFFD10] =	vst v32;
	v32 =	vadd.s32 v20, v23  }
0x3d5: {  	v41 =	vld.idx.msk [tilespmem:v42+s1+$0x0], $0xffff;
	[tilespmem:s0+$0xFFFFFD90] =	vst v36;
	v36 =	vadd.s32 v19, v30  }
0x3d6: {  	v42 =	vadd.s32 v20, v22;
	v33 =	vld.idx.msk [tilespmem:v33+s1+$0x0], $0xffff;
	[tilespmem:s0+$0xFFFFFE10] =	vst v38  }
0x3d7: {  	v38 =	vadd.s32 v19, v29;
	v27 =	vld.idx.msk [tilespmem:v27+s1+$0x0], $0xffff;
	[tilespmem:s0+$0xFFFFFE90] =	vst v39  }
0x3d8: {  	v39 =	vadd.s32 v19, v28;
	v31 =	vld.idx.msk [tilespmem:v31+s1+$0x0], $0xffff;
	[tilespmem:s0+$0xFFFFFF10] =	vst v40  }
0x3d9: {  	v40 =	vadd.s32 v19, v26;
	v32 =	vld.idx.msk [tilespmem:v32+s1+$0x0], $0xffff;
	[tilespmem:s0+$0xFFFFFFA0] =	vst v34  }
0x3da: {  	v34 =	vadd.s32 v19, v25;
	[tilespmem:s0+$0xFFFFFC10] =	vst v37;
	v36 =	vld.idx.msk [tilespmem:v36+s1+$0x0], $0xffff  }
0x3db: {  	v37 =	vld.idx.msk [tilespmem:v42+s1+$0x0], $0xffff;
	[tilespmem:s0+$0xFFFFFCA0] =	vst v35;
	v35 =	vadd.s32 v19, v24  }
0x3dc: {  	v38 =	vld.idx.msk [tilespmem:v38+s1+$0x0], $0xffff;
	[tilespmem:s0+$0xFFFFFD20] =	vst v41;
	v41 =	vadd.s32 v18, v30  }
0x3dd: {  	v39 =	vld.idx.msk [tilespmem:v39+s1+$0x0], $0xffff;
	[tilespmem:s0+$0xFFFFFDA0] =	vst v33;
	v33 =	vadd.s32 v19, v23  }
0x3de: {  	v42 =	vadd.s32 v19, v22;
	v40 =	vld.idx.msk [tilespmem:v40+s1+$0x0], $0xffff;
	[tilespmem:s0+$0xFFFFFE20] =	vst v27  }
0x3df: {  	v27 =	vadd.s32 v18, v29;
	v34 =	vld.idx.msk [tilespmem:v34+s1+$0x0], $0xffff;
	[tilespmem:s0+$0xFFFFFEA0] =	vst v31  }
0x3e0: {  	v31 =	vadd.s32 v18, v28;
	v35 =	vld.idx.msk [tilespmem:v35+s1+$0x0], $0xffff;
	[tilespmem:s0+$0xFFFFFFB0] =	vst v36  }
0x3e1: {  	v36 =	vadd.s32 v18, v26;
	[tilespmem:s0+$0xFFFFFF20] =	vst v32;
	v32 =	vld.idx.msk [tilespmem:v41+s1+$0x0], $0xffff  }
0x3e2: {  	[tilespmem:s0+$0xFFFFFC20] =	vst v37;
	v37 =	vadd.s32 v18, v25;
	v33 =	vld.idx.msk [tilespmem:v33+s1+$0x0], $0xffff  }
0x3e3: {  	v41 =	vld.idx.msk [tilespmem:v42+s1+$0x0], $0xffff;
	[tilespmem:s0+$0xFFFFFCB0] =	vst v38;
	v38 =	vadd.s32 v17, v30  }
0x3e4: {  	v27 =	vld.idx.msk [tilespmem:v27+s1+$0x0], $0xffff;
	[tilespmem:s0+$0xFFFFFD30] =	vst v39;
	v39 =	vadd.s32 v18, v24  }
0x3e5: {  	v31 =	vld.idx.msk [tilespmem:v31+s1+$0x0], $0xffff;
	[tilespmem:s0+$0xFFFFFDB0] =	vst v40;
	v40 =	vadd.s32 v18, v23  }
0x3e6: {  	v42 =	vadd.s32 v18, v22;
	v36 =	vld.idx.msk [tilespmem:v36+s1+$0x0], $0xffff;
	[tilespmem:s0+$0xFFFFFE30] =	vst v34  }
0x3e7: {  	v34 =	vadd.s32 v17, v29;
	v37 =	vld.idx.msk [tilespmem:v37+s1+$0x0], $0xffff;
	[tilespmem:s0+$0xFFFFFFC0] =	vst v32  }
0x3e8: {  	v32 =	vadd.s32 v17, v28;
	[tilespmem:s0+$0xFFFFFEB0] =	vst v35;
	v35 =	vld.idx.msk [tilespmem:v38+s1+$0x0], $0xffff  }
0x3e9: {  	v38 =	vadd.s32 v17, v26;
	v39 =	vld.idx.msk [tilespmem:v39+s1+$0x0], $0xffff;
	[tilespmem:s0+$0xFFFFFF30] =	vst v33  }
0x3ea: {  	[tilespmem:s0+$0xFFFFFC30] =	vst v41;
	v33 =	vld.idx.msk [tilespmem:v40+s1+$0x0], $0xffff;
	v40 =	vadd.s32 v16, v30  }
0x3eb: {  	v41 =	vld.idx.msk [tilespmem:v42+s1+$0x0], $0xffff;
	[tilespmem:s0+$0xFFFFFCC0] =	vst v27;
	v27 =	vadd.s32 v17, v25  }
0x3ec: {  	v34 =	vld.idx.msk [tilespmem:v34+s1+$0x0], $0xffff;
	[tilespmem:s0+$0xFFFFFD40] =	vst v31;
	v31 =	vadd.s32 v17, v24  }
0x3ed: {  	v32 =	vld.idx.msk [tilespmem:v32+s1+$0x0], $0xffff;
	[tilespmem:s0+$0xFFFFFDC0] =	vst v36;
	v36 =	vadd.s32 v17, v23  }
0x3ee: {  	v42 =	vadd.s32 v17, v22;
	v38 =	vld.idx.msk [tilespmem:v38+s1+$0x0], $0xffff;
	[tilespmem:s0+$0xFFFFFFD0] =	vst v35  }
0x3ef: {  	v35 =	vadd.s32 v16, v29;
	[tilespmem:s0+$0xFFFFFE40] =	vst v37;
	v37 =	vld.idx.msk [tilespmem:v40+s1+$0x0], $0xffff  }
0x3f0: {  	v40 =	vadd.s32 v16, v28;
	v27 =	vld.idx.msk [tilespmem:v27+s1+$0x0], $0xffff;
	[tilespmem:s0+$0xFFFFFEC0] =	vst v39  }
0x3f1: {  	v31 =	vld.idx.msk [tilespmem:v31+s1+$0x0], $0xffff;
	[tilespmem:s0+$0xFFFFFF40] =	vst v33;
	v33 =	vadd.s32 v15, v30  }
0x3f2: {  	v39 =	vadd.s32 v16, v26;
	[tilespmem:s0+$0xFFFFFC40] =	vst v41;
	v36 =	vld.idx.msk [tilespmem:v36+s1+$0x0], $0xffff  }
0x3f3: {  	v41 =	vld.idx.msk [tilespmem:v42+s1+$0x0], $0xffff;
	[tilespmem:s0+$0xFFFFFCD0] =	vst v34;
	v34 =	vadd.s32 v16, v25  }
0x3f4: {  	v35 =	vld.idx.msk [tilespmem:v35+s1+$0x0], $0xffff;
	[tilespmem:s0+$0xFFFFFD50] =	vst v32;
	v32 =	vadd.s32 v16, v24  }
0x3f5: {  	v42 =	vadd.s32 v16, v23;
	v40 =	vld.idx.msk [tilespmem:v40+s1+$0x0], $0xffff;
	[tilespmem:s0+$0xFFFFFFE0] =	vst v37  }
0x3f6: {  	v37 =	vadd.s32 v16, v22;
	[tilespmem:s0+$0xFFFFFDD0] =	vst v38;
	v33 =	vld.idx.msk [tilespmem:v33+s1+$0x0], $0xffff  }
0x3f7: {  	v38 =	vadd.s32 v15, v29;
	v39 =	vld.idx.msk [tilespmem:v39+s1+$0x0], $0xffff;
	[tilespmem:s0+$0xFFFFFE50] =	vst v27  }
0x3f8: {  	v30 =	vadd.s32 v14, v30;
	v34 =	vld.idx.msk [tilespmem:v34+s1+$0x0], $0xffff;
	[tilespmem:s0+$0xFFFFFED0] =	vst v31  }
0x3f9: {  	v43 =	vadd.s32 v15, v28;
	v44 =	vld.idx.msk [tilespmem:v32+s1+$0x0], $0xffff;
	[tilespmem:s0+$0xFFFFFF50] =	vst v36  }
0x3fa: {  	v27 =	vmov s9;
	v32 =	vadd.s32 v15, v26;
	[tilespmem:s0+$0xFFFFFC50] =	vst v41;
	v45 =	vld.idx.msk [tilespmem:v42+s1+$0x0], $0xffff  }
0x3fb: {  	v27 =	vmul.u32 $0xD0, v27;
	v36 =	vld.idx.msk [tilespmem:v37+s1+$0x0], $0xffff;
	[tilespmem:s0+$0xFFFFFCE0] =	vst v35;
	v35 =	vadd.s32 v15, v25  }
0x3fc: {  	v46 =	vadd.s32 v15, v24;
	v31 =	vld.idx.msk [tilespmem:v38+s1+$0x0], $0xffff;
	[tilespmem:s0+$0xFFFFFFF0] =	vst v33  }
.Ltmp2:
0x3fd: {  	v27 =	vbroadcast v27, $0x0;
	v41 =	vadd.s32 v15, v23;
	[tilespmem:s0+$0xFFFFFD60] =	vst v40;
	v37 =	vld.idx.msk [tilespmem:v30+s1+$0x0], $0xffff;
	(pc) =	sbr.rel @p0 .LBB2_6-.Ltmp2, $4  }
0x3fe: {  	v38 =	vadd.s32 v15, v22;
	v33 =	vld.idx.msk [tilespmem:v43+s1+$0x0], $0xffff;
	[tilespmem:s0+$0xFFFFFDE0] =	vst v39  }
0x3ff: {  	s13 =	sadd.s32 $0x1, s9;
	v30 =	vadd.s32 v21, v27;
	v32 =	vld.idx.msk [tilespmem:v32+s1+$0x0], $0xffff;
	[tilespmem:s0+$0xFFFFFE60] =	vst v34  }
0x400: {  	s14 =	sadd.s32 $0x3, s9;
	v42 =	vmov s13;
	s13 =	sadd.s32 $0x2, s9;
	v39 =	vadd.s32 v14, v29;
	v34 =	vld.idx.msk [tilespmem:v35+s1+$0x0], $0xffff;
	[tilespmem:s0+$0xFFFFFEE0] =	vst v44  }
0x401: {  	v28 =	vadd.s32 v14, v28;
	s9 =	sadd.s32 $0x8, s9;
	v40 =	vmov s14;
	s14 =	sadd.s32 $0x4, s7;
	v29 =	vmov s13;
	s13 =	sadd.s32 $0x7, s7;
	v35 =	vld.idx.msk [tilespmem:v46+s1+$0x0], $0xffff;
	[tilespmem:s0+$0xFFFFFF60] =	vst v45  }
0x402: {  	_ =	sdelay $0x1  }
0x403: {  	[tilespmem:s0+$0xFFFFFC60] =	vst v36  }
0x404: {  	[tilespmem:s0+$0x0] =	vst v37  }
0x405: {  	v57 =	vmov s14;
	v43 =	vmov s13;
	v26 =	vadd.s32 v14, v26;
	v58 =	vld.idx.msk [tilespmem:v41+s1+$0x0], $0xffff;
	[tilespmem:s0+$0xFFFFFCF0] =	vst v31  }
0x406: {  	v25 =	vadd.s32 v14, v25;
	v61 =	vmul.u32 $0xD0, v42;
	v44 =	vadd.s32 v14, v24;
	v30 =	vld.idx.msk [tilespmem:v30+s1+$0x0], $0xffff;
	[tilespmem:s0+$0xFFFFFD70] =	vst v33  }
0x407: {  	v63 =	vmul.u32 $0xD0, v29;
	v46 =	vadd.s32 v14, v23;
	v47 =	vmul.u32 $0xD0, v40;
	v60 =	vld.idx.msk [tilespmem:v38+s1+$0x0], $0xffff;
	[tilespmem:s0+$0xFFFFFDF0] =	vst v32  }
0x408: {  	s13 =	sadd.s32 $0x6, s7;
	v48 =	vadd.s32 v14, v22;
	v43 =	vmul.u32 $0xD0, v43;
	v45 =	vld.idx.msk [tilespmem:v39+s1+$0x0], $0xffff;
	v23 =	vbroadcast v61, $0x0;
	[tilespmem:s0+$0xFFFFFE70] =	vst v34  }
0x409: {  	v62 =	vmov s13;
	v50 =	vmul.u32 $0xD0, v57;
	v49 =	vld.idx.msk [tilespmem:v28+s1+$0x0], $0xffff;
	v22 =	vbroadcast v63, $0x0;
	[tilespmem:s0+$0xFFFFFEF0] =	vst v35  }
0x40a: {  	s9 =	sadd.s32 $0x5, s7;
	s14 =	sadd.s32 $0x400, s0;
	v24 =	vbroadcast v47, $0x0;
	v57 =	vmul.u32 $0xD0, v62;
	v53 =	vadd.s32 v21, v23;
	v52 =	vld.idx.msk [tilespmem:v26+s1+$0x0], $0xffff;
	[tilespmem:s0+$0xFFFFFF70] =	vst v58  }
0x40b: {  	v59 =	vmov s9;
	v29 =	vbroadcast v43, $0x0;
	v56 =	vadd.s32 v21, v22;
	v55 =	vld.idx.msk [tilespmem:v25+s1+$0x0], $0xffff;
	[tilespmem:s14+$0xFFFFFC10] =	vst v30  }
0x40c: {  	v54 =	vmul.u32 $0xD0, v59;
	v59 =	vadd.s32 v21, v24;
	v28 =	vbroadcast v57, $0x0;
	v58 =	vld.idx.msk [tilespmem:v44+s1+$0x0], $0xffff;
	[tilespmem:s0+$0xFFFFFC70] =	vst v60  }
0x40d: {  	v51 =	vadd.s32 v21, v29;
	v25 =	vbroadcast v50, $0x0;
	v39 =	vld.idx.msk [tilespmem:v46+s1+$0x0], $0xffff;
	[tilespmem:s0+$0xFFFFFD00] =	vst v45  }
0x40e: {  	v26 =	vbroadcast v54, $0x0;
	v62 =	vadd.s32 v21, v28;
	v38 =	vld.idx.msk [tilespmem:v48+s1+$0x0], $0xffff;
	[tilespmem:s0+$0xFFFFFD80] =	vst v49  }
0x40f: {  	v60 =	vadd.s32 v21, v25;
	v35 =	vld.idx.msk [tilespmem:v53+s1+$0x0], $0xffff;
	[tilespmem:s0+$0xFFFFFE00] =	vst v52  }
0x410: {  	v61 =	vadd.s32 v21, v26;
	v63 =	vld.idx.msk [tilespmem:v56+s1+$0x0], $0xffff;
	[tilespmem:s0+$0xFFFFFE80] =	vst v55  }
0x411: {  	v43 =	vadd.s32 v20, v23;
	v31 =	vld.idx.msk [tilespmem:v59+s1+$0x0], $0xffff;
	[tilespmem:s0+$0xFFFFFF00] =	vst v58  }
0x412: {  	v44 =	vadd.s32 v20, v22;
	v34 =	vld.idx.msk [tilespmem:v51+s1+$0x0], $0xffff;
	[tilespmem:s0+$0xFFFFFF80] =	vst v39  }
0x413: {  	v46 =	vadd.s32 v20, v24;
	v21 =	vld.idx.msk [tilespmem:v62+s1+$0x0], $0xffff;
	[tilespmem:s0+$0xFFFFFC80] =	vst v38  }
0x414: {  	v52 =	vadd.s32 v20, v27;
	v33 =	vld.idx.msk [tilespmem:v60+s1+$0x0], $0xffff;
	[tilespmem:s14+$0xFFFFFC90] =	vst v35  }
0x415: {  	v42 =	vadd.s32 v20, v29;
	v45 =	vld.idx.msk [tilespmem:v61+s1+$0x0], $0xffff;
	[tilespmem:s14+$0xFFFFFD10] =	vst v63  }
0x416: {  	v51 =	vadd.s32 v20, v28;
	[tilespmem:s14+$0xFFFFFD90] =	vst v31;
	v49 =	vld.idx.msk [tilespmem:v43+s1+$0x0], $0xffff  }
0x417: {  	v47 =	vadd.s32 v20, v25;
	[tilespmem:s14+$0xFFFFFF90] =	vst v34;
	v38 =	vld.idx.msk [tilespmem:v44+s1+$0x0], $0xffff  }
0x418: {  	v48 =	vadd.s32 v20, v26;
	v34 =	vld.idx.msk [tilespmem:v46+s1+$0x0], $0xffff;
	[tilespmem:s14+$0xFFFFFF10] =	vst v21  }
0x419: {  	v53 =	vadd.s32 v19, v23;
	v20 =	vld.idx.msk [tilespmem:v52+s1+$0x0], $0xffff;
	[tilespmem:s14+$0xFFFFFE10] =	vst v33  }
0x41a: {  	v54 =	vadd.s32 v19, v22;
	v36 =	vld.idx.msk [tilespmem:v42+s1+$0x0], $0xffff;
	[tilespmem:s14+$0xFFFFFE90] =	vst v45  }
0x41b: {  	v55 =	vadd.s32 v19, v24;
	v56 =	vld.idx.msk [tilespmem:v51+s1+$0x0], $0xffff;
	[tilespmem:s14+$0xFFFFFCA0] =	vst v49  }
0x41c: {  	v62 =	vadd.s32 v19, v27;
	v35 =	vld.idx.msk [tilespmem:v47+s1+$0x0], $0xffff;
	[tilespmem:s14+$0xFFFFFD20] =	vst v38  }
0x41d: {  	v50 =	vadd.s32 v19, v29;
	v32 =	vld.idx.msk [tilespmem:v48+s1+$0x0], $0xffff;
	[tilespmem:s14+$0xFFFFFDA0] =	vst v34  }
0x41e: {  	v61 =	vadd.s32 v19, v28;
	[tilespmem:s14+$0xFFFFFC20] =	vst v20;
	v21 =	vld.idx.msk [tilespmem:v53+s1+$0x0], $0xffff  }
0x41f: {  	v57 =	vadd.s32 v19, v25;
	[tilespmem:s14+$0xFFFFFFA0] =	vst v36;
	v60 =	vld.idx.msk [tilespmem:v54+s1+$0x0], $0xffff  }
0x420: {  	v59 =	vadd.s32 v19, v26;
	v30 =	vld.idx.msk [tilespmem:v55+s1+$0x0], $0xffff;
	[tilespmem:s14+$0xFFFFFF20] =	vst v56  }
0x421: {  	v63 =	vadd.s32 v18, v23;
	v19 =	vld.idx.msk [tilespmem:v62+s1+$0x0], $0xffff;
	[tilespmem:s14+$0xFFFFFE20] =	vst v35  }
0x422: {  	v40 =	vadd.s32 v18, v22;
	v37 =	vld.idx.msk [tilespmem:v50+s1+$0x0], $0xffff;
	[tilespmem:s14+$0xFFFFFEA0] =	vst v32  }
0x423: {  	v42 =	vadd.s32 v18, v24;
	v43 =	vld.idx.msk [tilespmem:v61+s1+$0x0], $0xffff;
	[tilespmem:s14+$0xFFFFFCB0] =	vst v21  }
0x424: {  	v49 =	vadd.s32 v18, v27;
	v33 =	vld.idx.msk [tilespmem:v57+s1+$0x0], $0xffff;
	[tilespmem:s14+$0xFFFFFD30] =	vst v60  }
0x425: {  	v58 =	vadd.s32 v18, v29;
	v41 =	vld.idx.msk [tilespmem:v59+s1+$0x0], $0xffff;
	[tilespmem:s14+$0xFFFFFDB0] =	vst v30  }
0x426: {  	v48 =	vadd.s32 v18, v28;
	[tilespmem:s14+$0xFFFFFC30] =	vst v19;
	v46 =	vld.idx.msk [tilespmem:v63+s1+$0x0], $0xffff  }
0x427: {  	v45 =	vadd.s32 v18, v25;
	[tilespmem:s14+$0xFFFFFFB0] =	vst v37;
	v31 =	vld.idx.msk [tilespmem:v40+s1+$0x0], $0xffff  }
0x428: {  	v47 =	vadd.s32 v18, v26;
	v34 =	vld.idx.msk [tilespmem:v42+s1+$0x0], $0xffff;
	[tilespmem:s14+$0xFFFFFF30] =	vst v43  }
0x429: {  	v50 =	vadd.s32 v17, v23;
	v18 =	vld.idx.msk [tilespmem:v49+s1+$0x0], $0xffff;
	[tilespmem:s14+$0xFFFFFE30] =	vst v33  }
0x42a: {  	v52 =	vadd.s32 v17, v22;
	v37 =	vld.idx.msk [tilespmem:v58+s1+$0x0], $0xffff;
	[tilespmem:s14+$0xFFFFFEB0] =	vst v41  }
0x42b: {  	v55 =	vadd.s32 v17, v24;
	v33 =	vld.idx.msk [tilespmem:v48+s1+$0x0], $0xffff;
	[tilespmem:s14+$0xFFFFFCC0] =	vst v46  }
0x42c: {  	v59 =	vadd.s32 v17, v27;
	v51 =	vld.idx.msk [tilespmem:v45+s1+$0x0], $0xffff;
	[tilespmem:s14+$0xFFFFFD40] =	vst v31  }
0x42d: {  	v44 =	vadd.s32 v17, v29;
	v53 =	vld.idx.msk [tilespmem:v47+s1+$0x0], $0xffff;
	[tilespmem:s14+$0xFFFFFDC0] =	vst v34  }
0x42e: {  	v58 =	vadd.s32 v17, v28;
	[tilespmem:s14+$0xFFFFFC40] =	vst v18;
	v20 =	vld.idx.msk [tilespmem:v50+s1+$0x0], $0xffff  }
0x42f: {  	v56 =	vadd.s32 v17, v25;
	[tilespmem:s14+$0xFFFFFFC0] =	vst v37;
	v35 =	vld.idx.msk [tilespmem:v52+s1+$0x0], $0xffff  }
0x430: {  	v57 =	vadd.s32 v17, v26;
	v61 =	vld.idx.msk [tilespmem:v55+s1+$0x0], $0xffff;
	[tilespmem:s14+$0xFFFFFF40] =	vst v33  }
0x431: {  	v62 =	vadd.s32 v16, v23;
	v17 =	vld.idx.msk [tilespmem:v59+s1+$0x0], $0xffff;
	[tilespmem:s14+$0xFFFFFE40] =	vst v51  }
0x432: {  	v37 =	vadd.s32 v16, v22;
	v36 =	vld.idx.msk [tilespmem:v44+s1+$0x0], $0xffff;
	[tilespmem:s14+$0xFFFFFEC0] =	vst v53  }
0x433: {  	v39 =	vadd.s32 v16, v24;
	v40 =	vld.idx.msk [tilespmem:v58+s1+$0x0], $0xffff;
	[tilespmem:s14+$0xFFFFFCD0] =	vst v20  }
0x434: {  	v45 =	vadd.s32 v16, v27;
	v31 =	vld.idx.msk [tilespmem:v56+s1+$0x0], $0xffff;
	[tilespmem:s14+$0xFFFFFD50] =	vst v35  }
0x435: {  	v54 =	vadd.s32 v16, v29;
	v38 =	vld.idx.msk [tilespmem:v57+s1+$0x0], $0xffff;
	[tilespmem:s14+$0xFFFFFDD0] =	vst v61  }
0x436: {  	v44 =	vadd.s32 v16, v28;
	[tilespmem:s14+$0xFFFFFC50] =	vst v17;
	v42 =	vld.idx.msk [tilespmem:v62+s1+$0x0], $0xffff  }
0x437: {  	v41 =	vadd.s32 v16, v25;
	[tilespmem:s14+$0xFFFFFFD0] =	vst v36;
	v18 =	vld.idx.msk [tilespmem:v37+s1+$0x0], $0xffff  }
0x438: {  	v43 =	vadd.s32 v16, v26;
	v20 =	vld.idx.msk [tilespmem:v39+s1+$0x0], $0xffff;
	[tilespmem:s14+$0xFFFFFF50] =	vst v40  }
0x439: {  	v63 =	vadd.s32 v15, v29;
	v46 =	vadd.s32 v15, v23;
	v16 =	vld.idx.msk [tilespmem:v45+s1+$0x0], $0xffff;
	[tilespmem:s14+$0xFFFFFE50] =	vst v31  }
0x43a: {  	v49 =	vadd.s32 v15, v24;
	v48 =	vadd.s32 v15, v22;
	v60 =	vld.idx.msk [tilespmem:v54+s1+$0x0], $0xffff;
	[tilespmem:s14+$0xFFFFFED0] =	vst v38  }
0x43b: {  	v50 =	vadd.s32 v15, v25;
	v51 =	vadd.s32 v15, v26;
	v19 =	vld.idx.msk [tilespmem:v44+s1+$0x0], $0xffff;
	[tilespmem:s14+$0xFFFFFCE0] =	vst v42  }
0x43c: {  	v53 =	vadd.s32 v15, v28;
	v15 =	vadd.s32 v15, v27;
	v47 =	vld.idx.msk [tilespmem:v41+s1+$0x0], $0xffff;
	[tilespmem:s14+$0xFFFFFD60] =	vst v18  }
0x43d: {  	v30 =	vld.idx.msk [tilespmem:v43+s1+$0x0], $0xffff;
	[tilespmem:s14+$0xFFFFFDE0] =	vst v20  }
0x43e: {  	[tilespmem:s14+$0xFFFFFC60] =	vst v16;
	v52 =	vld.idx.msk [tilespmem:v46+s1+$0x0], $0xffff  }
0x43f: {  	[tilespmem:s14+$0xFFFFFFE0] =	vst v60;
	v17 =	vld.idx.msk [tilespmem:v48+s1+$0x0], $0xffff  }
0x440: {  	v21 =	vld.idx.msk [tilespmem:v49+s1+$0x0], $0xffff;
	[tilespmem:s14+$0xFFFFFF60] =	vst v19  }
0x441: {  	v29 =	vadd.s32 v14, v29;
	v23 =	vadd.s32 v14, v23;
	v15 =	vld.idx.msk [tilespmem:v15+s1+$0x0], $0xffff;
	[tilespmem:s14+$0xFFFFFE60] =	vst v47  }
0x442: {  	v22 =	vadd.s32 v14, v22;
	v25 =	vadd.s32 v14, v25;
	v32 =	vld.idx.msk [tilespmem:v63+s1+$0x0], $0xffff;
	[tilespmem:s14+$0xFFFFFEE0] =	vst v30  }
0x443: {  	v58 =	vadd.s32 v14, v26;
	v56 =	vadd.s32 v14, v24;
	v57 =	vld.idx.msk [tilespmem:v53+s1+$0x0], $0xffff;
	[tilespmem:s14+$0xFFFFFCF0] =	vst v52  }
0x444: {  	v60 =	vadd.s32 v14, v28;
	v14 =	vadd.s32 v14, v27;
	v54 =	vld.idx.msk [tilespmem:v50+s1+$0x0], $0xffff;
	[tilespmem:s14+$0xFFFFFD70] =	vst v17  }
0x445: {  	v55 =	vld.idx.msk [tilespmem:v51+s1+$0x0], $0xffff;
	[tilespmem:s14+$0xFFFFFDF0] =	vst v21  }
0x446: {  	[tilespmem:s14+$0xFFFFFC70] =	vst v15;
	v59 =	vld.idx.msk [tilespmem:v23+s1+$0x0], $0xffff  }
0x447: {  	[tilespmem:s14+$0xFFFFFFF0] =	vst v32;
	v61 =	vld.idx.msk [tilespmem:v22+s1+$0x0], $0xffff  }
0x448: {  	v18 =	vld.idx.msk [tilespmem:v56+s1+$0x0], $0xffff;
	[tilespmem:s14+$0xFFFFFF70] =	vst v57  }
0x449: {  	v14 =	vld.idx.msk [tilespmem:v14+s1+$0x0], $0xffff;
	[tilespmem:s14+$0xFFFFFE70] =	vst v54  }
0x44a: {  	v29 =	vld.idx.msk [tilespmem:v29+s1+$0x0], $0xffff;
	[tilespmem:s14+$0xFFFFFEF0] =	vst v55  }
0x44b: {  	v15 =	vld.idx.msk [tilespmem:v60+s1+$0x0], $0xffff;
	[tilespmem:s14+$0xFFFFFD00] =	vst v59  }
0x44c: {  	v62 =	vld.idx.msk [tilespmem:v25+s1+$0x0], $0xffff;
	[tilespmem:s14+$0xFFFFFD80] =	vst v61  }
0x44d: {  	v63 =	vld.idx.msk [tilespmem:v58+s1+$0x0], $0xffff;
	[tilespmem:s14+$0xFFFFFE00] =	vst v18  }
0x44e: {  	[tilespmem:s14+$0xFFFFFC80] =	vst v14  }
0x44f: {  	[tilespmem:s14+$0x0] =	vst v29  }
0x450: {  	[tilespmem:s14+$0xFFFFFF80] =	vst v15  }
0x451: {  	[tilespmem:s14+$0xFFFFFE80] =	vst v62  }
0x452: {  	[tilespmem:s14+$0xFFFFFF00] =	vst v63  }
0x453: {  	s0 =	rddreg [dreg:$0xd]  }
0x454: {  	[hbm4b:s0+s3] =	stream.linear.scatter [tilespmem:s29], [sflag:$0x2], $0x400, $0x38;
	[tilespmem:$0x14F08] =	vst v63  }
0x455: {  	s19 =	simm.s32 $0x13308;
	s15 =	rddreg [dreg:$0xe]  }
0x456: {  	[hbm4b:s15+s3] =	stream.linear.scatter [tilespmem:s19], [sflag:$0x2], $0x400, $0x38;
	[tilespmem:$0x14F08] =	vst v63  }
0x457: {  	s9 =	simm.s32 $0x13708;
	s7 =	rddreg [dreg:$0xf]  }
0x458: {  	[hbm4b:s7+s3] =	stream.linear.scatter [tilespmem:s9], [sflag:$0x2], $0x400, $0x38;
	[tilespmem:$0x14F08] =	vst v63  }
0x459: {  	s14 =	simm.s32 $0x13B08;
	s13 =	rddreg [dreg:$0x11]  }
0x45a: {  	[hbm4b:s13+s3] =	stream.linear.scatter [tilespmem:s14], [sflag:$0x2], $0x400, $0x38;
	[tilespmem:$0x14F08] =	vst v63  }
0x45b: {  	s15 =	rddreg [dreg:$0x12];
	s19 =	simm.s32 $0x13F08  }
0x45c: {  	[hbm4b:s15+s3] =	stream.linear.scatter [tilespmem:s19], [sflag:$0x2], $0x400, $0x38;
	[tilespmem:$0x14F08] =	vst v63  }
0x45d: {  	s9 =	rddreg [dreg:$0x13];
	s13 =	simm.s32 $0x14308  }
0x45e: {  	[hbm4b:s9+s3] =	stream.linear.scatter [tilespmem:s13], [sflag:$0x2], $0x400, $0x38;
	[tilespmem:$0x14F08] =	vst v63  }
0x45f: {  	s14 =	rddreg [dreg:$0x14];
	s15 =	simm.s32 $0x14708  }
0x460: {  	[hbm4b:s14+s3] =	stream.linear.scatter [tilespmem:s15], [sflag:$0x2], $0x400, $0x38;
	[tilespmem:$0x14F08] =	vst v63  }
0x461: {  	s0 =	simm.s32 $0x1;
	s19 =	rddreg [dreg:$0x15]  }
0x462: {  	[hbm4b:s19+s3] =	stream.linear.scatter [tilespmem:s30], [sflag:$0x2], $0x400, $0x38;
	[tilespmem:$0x14F08] =	vst v63  }
.LBB2_8:
0x463: {  	_ =	swait.ge [sflag:s31], $0x400  }
0x464: {  	[sflag:s31] =	ssyncset.done $0x0  }
0x465: {  	[sflag:s31] =	ssyncadd.s32 $0xFFFFFC00  }
0x466: {  	_ =	swait.ge [sflag:s31], $0x400  }
0x467: {  	[sflag:s31] =	ssyncset.done $0x0  }
0x468: {  	[sflag:s31] =	ssyncadd.s32 $0xFFFFFC00  }
0x469: {  	_ =	swait.ge [sflag:s31], $0x400  }
0x46a: {  	[sflag:s31] =	ssyncset.done $0x0  }
0x46b: {  	[sflag:s31] =	ssyncadd.s32 $0xFFFFFC00  }
0x46c: {  	_ =	swait.ge [sflag:s31], $0x400  }
0x46d: {  	[sflag:s31] =	ssyncset.done $0x0  }
0x46e: {  	[sflag:s31] =	ssyncadd.s32 $0xFFFFFC00  }
0x46f: {  	_ =	swait.ge [sflag:s31], $0x400  }
0x470: {  	[sflag:s31] =	ssyncset.done $0x0  }
0x471: {  	[sflag:s31] =	ssyncadd.s32 $0xFFFFFC00  }
0x472: {  	_ =	swait.ge [sflag:s31], $0x400  }
0x473: {  	[sflag:s31] =	ssyncset.done $0x0  }
0x474: {  	[sflag:s31] =	ssyncadd.s32 $0xFFFFFC00  }
0x475: {  	_ =	swait.ge [sflag:s31], $0x400  }
0x476: {  	[sflag:s31] =	ssyncset.done $0x0  }
0x477: {  	[sflag:s31] =	ssyncadd.s32 $0xFFFFFC00  }
0x478: {  	s7 =	smul.u32 $0x440, s0;
	s9 =	simm.s32 $0x0;
	_ =	swait.ge [sflag:s31], $0x400  }
0x479: {  	v14 =	vmov s9;
	[sflag:s31] =	ssyncset.done $0x0  }
0x47a: {  	s7 =	sshra.s32 s7, $0x2;
	v14 =	vmul.u32 $0xD0, v14;
	[sflag:s31] =	ssyncadd.s32 $0xFFFFFC00  }
0x47b: {  	s19 =	simm.s32 $0x7;
	v21 =	vld [tilespmem:s7+$0x6408]  }
0x47c: {  	s13 =	simm.s32 $0x1;
	s14 =	simm.s32 $0x2;
	v22 =	vbroadcast v14, $0x0;
	v14 =	vmov s19  }
0x47d: {  	s15 =	simm.s32 $0x4;
	v15 =	vmov s13;
	s13 =	simm.s32 $0x3;
	v16 =	vmov s14;
	v14 =	vmul.u32 $0xD0, v14  }
0x47e: {  	v24 =	vmov s15;
	v17 =	vmov s13;
	v15 =	vmul.u32 $0xD0, v15;
	v20 =	vld [tilespmem:s7+$0x6418]  }
0x47f: {  	v16 =	vmul.u32 $0xD0, v16;
	v24 =	vmul.u32 $0xD0, v24;
	v27 =	vbroadcast v14, $0x0;
	v19 =	vld [tilespmem:s7+$0x6428]  }
0x480: {  	s19 =	simm.s32 $0x5;
	v29 =	vbroadcast v15, $0x0;
	v15 =	vmul.u32 $0xD0, v17;
	v18 =	vld [tilespmem:s7+$0x6438];
	v23 =	vadd.s32 v21, v22  }
0x481: {  	v28 =	vbroadcast v16, $0x0;
	v25 =	vmov s19;
	v17 =	vld [tilespmem:s7+$0x6448];
	v30 =	vadd.s32 v21, v27  }
0x482: {  	s13 =	simm.s32 $0x6;
	v26 =	vbroadcast v15, $0x0;
	v32 =	vmul.u32 $0xD0, v25;
	v16 =	vld [tilespmem:s7+$0x6458];
	v31 =	vadd.s32 v21, v29  }
0x483: {  	v25 =	vbroadcast v24, $0x0;
	v14 =	vmov s13;
	v15 =	vld [tilespmem:s7+$0x6468];
	v33 =	vadd.s32 v21, v28  }
0x484: {  	v34 =	vmul.u32 $0xD0, v14;
	v24 =	vbroadcast v32, $0x0;
	v14 =	vld [tilespmem:s7+$0x6478];
	v35 =	vadd.s32 v21, v26  }
0x485: {  	v36 =	vadd.s32 v21, v25;
	v56 =	vld.idx.msk [tilespmem:v23+s1+$0x0], $0xffff  }
0x486: {  	v57 =	vadd.s32 v21, v24;
	v30 =	vld.idx.msk [tilespmem:v30+s1+$0x0], $0xffff  }
0x487: {  	v38 =	vadd.s32 v20, v27;
	v31 =	vld.idx.msk [tilespmem:v31+s1+$0x0], $0xffff  }
0x488: {  	v39 =	vadd.s32 v20, v29;
	v33 =	vld.idx.msk [tilespmem:v33+s1+$0x0], $0xffff  }
0x489: {  	v40 =	vadd.s32 v20, v28;
	v35 =	vld.idx.msk [tilespmem:v35+s1+$0x0], $0xffff  }
0x48a: {  	s7 =	simm.s32 $0x11108;
	v41 =	vadd.s32 v20, v26;
	v36 =	vld.idx.msk [tilespmem:v36+s1+$0x0], $0xffff  }
0x48b: {  	v42 =	vadd.s32 v20, v25;
	v23 =	vbroadcast v34, $0x0;
	v34 =	vld.idx.msk [tilespmem:v57+s1+$0x0], $0xffff;
	[tilespmem:s7+$0x180] =	vst v30  }
0x48c: {  	v62 =	vadd.s32 v20, v22;
	[tilespmem:s7+$0xFFFFFE80] =	vst v31;
	v31 =	vld.idx.msk [tilespmem:v38+s1+$0x0], $0xffff  }
0x48d: {  	v37 =	vadd.s32 v21, v23;
	[tilespmem:s7+$0xFFFFFF00] =	vst v33;
	v58 =	vld.idx.msk [tilespmem:v39+s1+$0x0], $0xffff  }
0x48e: {  	v30 =	vadd.s32 v20, v24;
	[tilespmem:s7+$0xFFFFFF80] =	vst v35;
	v60 =	vld.idx.msk [tilespmem:v40+s1+$0x0], $0xffff  }
0x48f: {  	v61 =	vadd.s32 v19, v27;
	[tilespmem:s7+$0x0] =	vst v36;
	v41 =	vld.idx.msk [tilespmem:v41+s1+$0x0], $0xffff  }
0x490: {  	v63 =	vadd.s32 v19, v29;
	[tilespmem:s7+$0xFFFFFE00] =	vst v56;
	v42 =	vld.idx.msk [tilespmem:v42+s1+$0x0], $0xffff  }
0x491: {  	v45 =	vadd.s32 v19, v28;
	[tilespmem:s7+$0x80] =	vst v34;
	v48 =	vld.idx.msk [tilespmem:v62+s1+$0x0], $0xffff  }
0x492: {  	v46 =	vadd.s32 v19, v26;
	v37 =	vld.idx.msk [tilespmem:v37+s1+$0x0], $0xffff;
	[tilespmem:s7+$0x190] =	vst v31  }
0x493: {  	v52 =	vadd.s32 v19, v22;
	v30 =	vld.idx.msk [tilespmem:v30+s1+$0x0], $0xffff;
	[tilespmem:s7+$0xFFFFFE90] =	vst v58  }
0x494: {  	v59 =	vadd.s32 v20, v23;
	[tilespmem:s7+$0xFFFFFF10] =	vst v60;
	v47 =	vld.idx.msk [tilespmem:v61+s1+$0x0], $0xffff  }
0x495: {  	v31 =	vadd.s32 v19, v25;
	[tilespmem:s7+$0xFFFFFF90] =	vst v41;
	v36 =	vld.idx.msk [tilespmem:v63+s1+$0x0], $0xffff  }
0x496: {  	v49 =	vadd.s32 v19, v24;
	[tilespmem:s7+$0xFFFFFE10] =	vst v48;
	v34 =	vld.idx.msk [tilespmem:v45+s1+$0x0], $0xffff  }
0x497: {  	v50 =	vadd.s32 v18, v27;
	[tilespmem:s7+$0x100] =	vst v37;
	v37 =	vld.idx.msk [tilespmem:v46+s1+$0x0], $0xffff  }
0x498: {  	v53 =	vadd.s32 v18, v29;
	[tilespmem:s7+$0x10] =	vst v42;
	v58 =	vld.idx.msk [tilespmem:v52+s1+$0x0], $0xffff  }
0x499: {  	v54 =	vadd.s32 v18, v26;
	v33 =	vld.idx.msk [tilespmem:v59+s1+$0x0], $0xffff;
	[tilespmem:s7+$0x90] =	vst v30  }
0x49a: {  	v63 =	vadd.s32 v18, v22;
	v31 =	vld.idx.msk [tilespmem:v31+s1+$0x0], $0xffff;
	[tilespmem:s7+$0x1A0] =	vst v47  }
0x49b: {  	v51 =	vadd.s32 v19, v23;
	v38 =	vld.idx.msk [tilespmem:v49+s1+$0x0], $0xffff;
	[tilespmem:s7+$0xFFFFFEA0] =	vst v36  }
0x49c: {  	v30 =	vadd.s32 v18, v28;
	[tilespmem:s7+$0xFFFFFF20] =	vst v34;
	v55 =	vld.idx.msk [tilespmem:v50+s1+$0x0], $0xffff  }
0x49d: {  	v56 =	vadd.s32 v18, v25;
	[tilespmem:s7+$0xFFFFFFA0] =	vst v37;
	v60 =	vld.idx.msk [tilespmem:v53+s1+$0x0], $0xffff  }
0x49e: {  	v61 =	vadd.s32 v18, v24;
	[tilespmem:s7+$0xFFFFFE20] =	vst v58;
	v32 =	vld.idx.msk [tilespmem:v54+s1+$0x0], $0xffff  }
0x49f: {  	v59 =	vadd.s32 v17, v27;
	[tilespmem:s7+$0x110] =	vst v33;
	v40 =	vld.idx.msk [tilespmem:v63+s1+$0x0], $0xffff  }
0x4a0: {  	v46 =	vadd.s32 v17, v26;
	v57 =	vld.idx.msk [tilespmem:v51+s1+$0x0], $0xffff;
	[tilespmem:s7+$0x20] =	vst v31  }
0x4a1: {  	v50 =	vadd.s32 v17, v22;
	v30 =	vld.idx.msk [tilespmem:v30+s1+$0x0], $0xffff;
	[tilespmem:s7+$0xA0] =	vst v38  }
0x4a2: {  	v62 =	vadd.s32 v18, v23;
	v35 =	vld.idx.msk [tilespmem:v56+s1+$0x0], $0xffff;
	[tilespmem:s7+$0x1B0] =	vst v55  }
0x4a3: {  	v31 =	vadd.s32 v17, v29;
	v34 =	vld.idx.msk [tilespmem:v61+s1+$0x0], $0xffff;
	[tilespmem:s7+$0xFFFFFEB0] =	vst v60  }
0x4a4: {  	v45 =	vadd.s32 v17, v28;
	[tilespmem:s7+$0xFFFFFFB0] =	vst v32;
	v36 =	vld.idx.msk [tilespmem:v59+s1+$0x0], $0xffff  }
0x4a5: {  	v48 =	vadd.s32 v17, v25;
	[tilespmem:s7+$0xFFFFFE30] =	vst v40;
	v38 =	vld.idx.msk [tilespmem:v46+s1+$0x0], $0xffff  }
0x4a6: {  	v47 =	vadd.s32 v16, v27;
	[tilespmem:s7+$0x120] =	vst v57;
	v40 =	vld.idx.msk [tilespmem:v50+s1+$0x0], $0xffff  }
0x4a7: {  	v37 =	vld.idx.msk [tilespmem:v62+s1+$0x0], $0xffff;
	[tilespmem:s7+$0xFFFFFF30] =	vst v30;
	v30 =	vadd.s32 v17, v24  }
0x4a8: {  	v55 =	vadd.s32 v16, v26;
	v31 =	vld.idx.msk [tilespmem:v31+s1+$0x0], $0xffff;
	[tilespmem:s7+$0x30] =	vst v35  }
0x4a9: {  	v59 =	vadd.s32 v16, v22;
	v33 =	vld.idx.msk [tilespmem:v45+s1+$0x0], $0xffff;
	[tilespmem:s7+$0xB0] =	vst v34  }
0x4aa: {  	v49 =	vadd.s32 v17, v23;
	v41 =	vld.idx.msk [tilespmem:v48+s1+$0x0], $0xffff;
	[tilespmem:s7+$0x1C0] =	vst v36  }
0x4ab: {  	v51 =	vadd.s32 v16, v29;
	[tilespmem:s7+$0xFFFFFFC0] =	vst v38;
	v52 =	vld.idx.msk [tilespmem:v47+s1+$0x0], $0xffff  }
0x4ac: {  	v54 =	vadd.s32 v15, v27;
	[tilespmem:s7+$0xFFFFFE40] =	vst v40;
	v30 =	vld.idx.msk [tilespmem:v30+s1+$0x0], $0xffff  }
0x4ad: {  	v53 =	vadd.s32 v16, v28;
	[tilespmem:s7+$0x130] =	vst v37;
	v43 =	vld.idx.msk [tilespmem:v55+s1+$0x0], $0xffff  }
0x4ae: {  	v36 =	vld.idx.msk [tilespmem:v59+s1+$0x0], $0xffff;
	[tilespmem:s7+$0xFFFFFEC0] =	vst v31;
	v31 =	vadd.s32 v16, v25  }
0x4af: {  	v57 =	vadd.s32 v16, v24;
	v32 =	vld.idx.msk [tilespmem:v49+s1+$0x0], $0xffff  }
0x4b0: {  	v61 =	vadd.s32 v15, v26;
	v56 =	vld.idx.msk [tilespmem:v51+s1+$0x0], $0xffff;
	[tilespmem:s7+$0x1D0] =	vst v52  }
0x4b1: {  	v58 =	vadd.s32 v16, v23;
	[tilespmem:s7+$0xFFFFFF40] =	vst v33;
	v34 =	vld.idx.msk [tilespmem:v54+s1+$0x0], $0xffff  }
0x4b2: {  	v27 =	vadd.s32 v14, v27;
	v39 =	vld.idx.msk [tilespmem:v53+s1+$0x0], $0xffff;
	[tilespmem:s7+$0x40] =	vst v41  }
0x4b3: {  	s9 =	simm.s32 $0x8;
	v60 =	vadd.s32 v15, v29;
	[tilespmem:s7+$0xC0] =	vst v30;
	v44 =	vld.idx.msk [tilespmem:v31+s1+$0x0], $0xffff  }
0x4b4: {  	v30 =	vadd.s32 v15, v28;
	[tilespmem:s7+$0xFFFFFFD0] =	vst v43;
	v45 =	vld.idx.msk [tilespmem:v57+s1+$0x0], $0xffff;
	v31 =	vmov s9  }
0x4b5: {  	v62 =	vadd.s32 v15, v25;
	[tilespmem:s7+$0x140] =	vst v32;
	v32 =	vld.idx.msk [tilespmem:v61+s1+$0x0], $0xffff;
	v63 =	vmul.u32 $0xD0, v31  }
0x4b6: {  	v47 =	vadd.s32 v15, v24;
	v46 =	vld.idx.msk [tilespmem:v58+s1+$0x0], $0xffff;
	[tilespmem:s7+$0x1E0] =	vst v34  }
0x4b7: {  	v41 =	vadd.s32 v15, v23;
	[tilespmem:s7+$0xFFFFFED0] =	vst v56;
	v37 =	vld.idx.msk [tilespmem:v27+s1+$0x0], $0xffff;
	v27 =	vbroadcast v63, $0x0  }
0x4b8: {  	v38 =	vadd.s32 v15, v22;
	[tilespmem:s7+$0xFFFFFF50] =	vst v39;
	v31 =	vld.idx.msk [tilespmem:v60+s1+$0x0], $0xffff  }
0x4b9: {  	s14 =	simm.s32 $0x9;
	v33 =	vld.idx.msk [tilespmem:v30+s1+$0x0], $0xffff;
	[tilespmem:s7+$0x50] =	vst v44;
	v30 =	vadd.s32 v21, v27  }
0x4ba: {  	s15 =	simm.s32 $0xA;
	s19 =	simm.s32 $0xB;
	v42 =	vmov s14;
	v39 =	vadd.s32 v14, v29;
	[tilespmem:s7+$0xD0] =	vst v45;
	v34 =	vld.idx.msk [tilespmem:v62+s1+$0x0], $0xffff  }
0x4bb: {  	s13 =	simm.s32 $0x10;
	s14 =	simm.s32 $0xF;
	v40 =	vmov s19;
	v28 =	vadd.s32 v14, v28;
	v29 =	vmov s15;
	s15 =	simm.s32 $0xC;
	v35 =	vld.idx.msk [tilespmem:v47+s1+$0x0], $0xffff;
	[tilespmem:s7+$0x150] =	vst v46  }
.LBB2_9:
0x4bc: {  	p0 =	slt.u32 s13, $0x38;
	v43 =	vmov s15;
	s15 =	sadd.s32 $0x5, s9;
	v44 =	vmov s14;
	[tilespmem:s7+$0xFFFFFE50] =	vst v36;
	v26 =	vadd.s32 v14, v26;
	v36 =	vld.idx.msk [tilespmem:v41+s1+$0x0], $0xffff  }
0x4bd: {  	s14 =	sadd.s32 $0x6, s9;
	v25 =	vadd.s32 v14, v25;
	s9 =	smov.u32 s13;
	v41 =	vmov s15;
	v44 =	vmul.u32 $0xD0, v44;
	v38 =	vld.idx.msk [tilespmem:v38+s1+$0x0], $0xffff;
	[tilespmem:s7+$0x1F0] =	vst v37  }
0x4be: {  	v42 =	vmul.u32 $0xD0, v42;
	v24 =	vadd.s32 v14, v24;
	v45 =	vmov s14;
	v37 =	vld.idx.msk [tilespmem:v30+s1+$0x0], $0xffff;
	[tilespmem:s7+$0xFFFFFEE0] =	vst v31  }
0x4bf: {  	v23 =	vadd.s32 v14, v23;
	v31 =	vmul.u32 $0xD0, v29;
	v30 =	vbroadcast v44, $0x0;
	v39 =	vld.idx.msk [tilespmem:v39+s1+$0x0], $0xffff;
	[tilespmem:s7+$0xFFFFFF60] =	vst v33  }
0x4c0: {  	v29 =	vbroadcast v42, $0x0;
	v33 =	vmul.u32 $0xD0, v40;
	v40 =	vadd.s32 v14, v22;
	v22 =	vmovc v27;
	v42 =	vld.idx.msk [tilespmem:v28+s1+$0x0], $0xffff;
	[tilespmem:s7+$0xFFFFFFE0] =	vst v32  }
0x4c1: {  	v27 =	vmul.u32 $0xD0, v43;
	v28 =	vbroadcast v31, $0x0;
	v31 =	vadd.s32 v21, v30;
	v32 =	vld.idx.msk [tilespmem:v26+s1+$0x0], $0xffff;
	[tilespmem:s7+$0x60] =	vst v34  }
0x4c2: {  	v34 =	vadd.s32 v21, v29;
	v26 =	vbroadcast v33, $0x0;
	v33 =	vmul.u32 $0xD0, v41;
	v41 =	vld.idx.msk [tilespmem:v25+s1+$0x0], $0xffff;
	[tilespmem:s7+$0xE0] =	vst v35  }
0x4c3: {  	v35 =	vadd.s32 v21, v28;
	v25 =	vbroadcast v27, $0x0;
	v27 =	vmul.u32 $0xD0, v45;
	v43 =	vld.idx.msk [tilespmem:v24+s1+$0x0], $0xffff;
	[tilespmem:s7+$0x160] =	vst v36  }
0x4c4: {  	v36 =	vadd.s32 v21, v26;
	v24 =	vbroadcast v33, $0x0;
	[tilespmem:s7+$0xFFFFFE60] =	vst v38;
	v33 =	vld.idx.msk [tilespmem:v23+s1+$0x0], $0xffff  }
0x4c5: {  	v38 =	vadd.s32 v21, v25;
	v23 =	vbroadcast v27, $0x0;
	v27 =	vld.idx.msk [tilespmem:v40+s1+$0x0], $0xffff;
	[tilespmem:s7+$0xFFFFFEF0] =	vst v39  }
0x4c6: {  	v39 =	vadd.s32 v21, v24;
	v31 =	vld.idx.msk [tilespmem:v31+s1+$0x0], $0xffff;
	[tilespmem:s7+$0xFFFFFF70] =	vst v42  }
0x4c7: {  	v40 =	vadd.s32 v21, v23;
	v34 =	vld.idx.msk [tilespmem:v34+s1+$0x0], $0xffff;
	[tilespmem:s7+$0xFFFFFFF0] =	vst v32  }
0x4c8: {  	v32 =	vld.idx.msk [tilespmem:v35+s1+$0x0], $0xffff;
	v35 =	vadd.s32 v20, v30;
	[tilespmem:s7+$0x70] =	vst v41  }
0x4c9: {  	v41 =	vadd.s32 v20, v29;
	v36 =	vld.idx.msk [tilespmem:v36+s1+$0x0], $0xffff;
	[tilespmem:s7+$0xF0] =	vst v43  }
0x4ca: {  	v42 =	vadd.s32 v20, v28;
	v38 =	vld.idx.msk [tilespmem:v38+s1+$0x0], $0xffff;
	[tilespmem:s7+$0x170] =	vst v33  }
0x4cb: {  	v33 =	vadd.s32 v20, v26;
	v39 =	vld.idx.msk [tilespmem:v39+s1+$0x0], $0xffff;
	[tilespmem:s7+$0xFFFFFE70] =	vst v27;
	s7 =	sadd.s32 $0x400, s7  }
0x4cc: {  	v27 =	vadd.s32 v20, v25;
	v40 =	vld.idx.msk [tilespmem:v40+s1+$0x0], $0xffff;
	[tilespmem:s7+$0x180] =	vst v31  }
0x4cd: {  	v31 =	vadd.s32 v20, v24;
	[tilespmem:s7+$0xFFFFFE80] =	vst v34;
	v34 =	vld.idx.msk [tilespmem:v35+s1+$0x0], $0xffff  }
0x4ce: {  	v35 =	vld.idx.msk [tilespmem:v41+s1+$0x0], $0xffff;
	[tilespmem:s7+$0xFFFFFF00] =	vst v32;
	v32 =	vadd.s32 v20, v23  }
0x4cf: {  	v41 =	vld.idx.msk [tilespmem:v42+s1+$0x0], $0xffff;
	[tilespmem:s7+$0xFFFFFF80] =	vst v36;
	v36 =	vadd.s32 v19, v30  }
0x4d0: {  	v42 =	vadd.s32 v20, v22;
	v33 =	vld.idx.msk [tilespmem:v33+s1+$0x0], $0xffff;
	[tilespmem:s7+$0x0] =	vst v38  }
0x4d1: {  	v38 =	vadd.s32 v19, v29;
	v27 =	vld.idx.msk [tilespmem:v27+s1+$0x0], $0xffff;
	[tilespmem:s7+$0x80] =	vst v39  }
0x4d2: {  	v39 =	vadd.s32 v19, v28;
	v31 =	vld.idx.msk [tilespmem:v31+s1+$0x0], $0xffff;
	[tilespmem:s7+$0x100] =	vst v40  }
0x4d3: {  	v40 =	vadd.s32 v19, v26;
	v32 =	vld.idx.msk [tilespmem:v32+s1+$0x0], $0xffff;
	[tilespmem:s7+$0x190] =	vst v34  }
0x4d4: {  	v34 =	vadd.s32 v19, v25;
	[tilespmem:s7+$0xFFFFFE00] =	vst v37;
	v36 =	vld.idx.msk [tilespmem:v36+s1+$0x0], $0xffff  }
0x4d5: {  	v37 =	vld.idx.msk [tilespmem:v42+s1+$0x0], $0xffff;
	[tilespmem:s7+$0xFFFFFE90] =	vst v35;
	v35 =	vadd.s32 v19, v24  }
0x4d6: {  	v38 =	vld.idx.msk [tilespmem:v38+s1+$0x0], $0xffff;
	[tilespmem:s7+$0xFFFFFF10] =	vst v41;
	v41 =	vadd.s32 v18, v30  }
0x4d7: {  	v39 =	vld.idx.msk [tilespmem:v39+s1+$0x0], $0xffff;
	[tilespmem:s7+$0xFFFFFF90] =	vst v33;
	v33 =	vadd.s32 v19, v23  }
0x4d8: {  	v42 =	vadd.s32 v19, v22;
	v40 =	vld.idx.msk [tilespmem:v40+s1+$0x0], $0xffff;
	[tilespmem:s7+$0x10] =	vst v27  }
0x4d9: {  	v27 =	vadd.s32 v18, v29;
	v34 =	vld.idx.msk [tilespmem:v34+s1+$0x0], $0xffff;
	[tilespmem:s7+$0x90] =	vst v31  }
0x4da: {  	v31 =	vadd.s32 v18, v28;
	v35 =	vld.idx.msk [tilespmem:v35+s1+$0x0], $0xffff;
	[tilespmem:s7+$0x1A0] =	vst v36  }
0x4db: {  	v36 =	vadd.s32 v18, v26;
	[tilespmem:s7+$0x110] =	vst v32;
	v32 =	vld.idx.msk [tilespmem:v41+s1+$0x0], $0xffff  }
0x4dc: {  	[tilespmem:s7+$0xFFFFFE10] =	vst v37;
	v37 =	vadd.s32 v18, v25;
	v33 =	vld.idx.msk [tilespmem:v33+s1+$0x0], $0xffff  }
0x4dd: {  	v41 =	vld.idx.msk [tilespmem:v42+s1+$0x0], $0xffff;
	[tilespmem:s7+$0xFFFFFEA0] =	vst v38;
	v38 =	vadd.s32 v17, v30  }
0x4de: {  	v27 =	vld.idx.msk [tilespmem:v27+s1+$0x0], $0xffff;
	[tilespmem:s7+$0xFFFFFF20] =	vst v39;
	v39 =	vadd.s32 v18, v24  }
0x4df: {  	v31 =	vld.idx.msk [tilespmem:v31+s1+$0x0], $0xffff;
	[tilespmem:s7+$0xFFFFFFA0] =	vst v40;
	v40 =	vadd.s32 v18, v23  }
0x4e0: {  	v42 =	vadd.s32 v18, v22;
	v36 =	vld.idx.msk [tilespmem:v36+s1+$0x0], $0xffff;
	[tilespmem:s7+$0x20] =	vst v34  }
0x4e1: {  	v34 =	vadd.s32 v17, v29;
	v37 =	vld.idx.msk [tilespmem:v37+s1+$0x0], $0xffff;
	[tilespmem:s7+$0x1B0] =	vst v32  }
0x4e2: {  	v32 =	vadd.s32 v17, v28;
	[tilespmem:s7+$0xA0] =	vst v35;
	v35 =	vld.idx.msk [tilespmem:v38+s1+$0x0], $0xffff  }
0x4e3: {  	v38 =	vadd.s32 v17, v26;
	v39 =	vld.idx.msk [tilespmem:v39+s1+$0x0], $0xffff;
	[tilespmem:s7+$0x120] =	vst v33  }
0x4e4: {  	[tilespmem:s7+$0xFFFFFE20] =	vst v41;
	v33 =	vld.idx.msk [tilespmem:v40+s1+$0x0], $0xffff;
	v40 =	vadd.s32 v16, v30  }
0x4e5: {  	v41 =	vld.idx.msk [tilespmem:v42+s1+$0x0], $0xffff;
	[tilespmem:s7+$0xFFFFFEB0] =	vst v27;
	v27 =	vadd.s32 v17, v25  }
0x4e6: {  	v34 =	vld.idx.msk [tilespmem:v34+s1+$0x0], $0xffff;
	[tilespmem:s7+$0xFFFFFF30] =	vst v31;
	v31 =	vadd.s32 v17, v24  }
0x4e7: {  	v32 =	vld.idx.msk [tilespmem:v32+s1+$0x0], $0xffff;
	[tilespmem:s7+$0xFFFFFFB0] =	vst v36;
	v36 =	vadd.s32 v17, v23  }
0x4e8: {  	v42 =	vadd.s32 v17, v22;
	v38 =	vld.idx.msk [tilespmem:v38+s1+$0x0], $0xffff;
	[tilespmem:s7+$0x1C0] =	vst v35  }
0x4e9: {  	v35 =	vadd.s32 v16, v29;
	[tilespmem:s7+$0x30] =	vst v37;
	v37 =	vld.idx.msk [tilespmem:v40+s1+$0x0], $0xffff  }
0x4ea: {  	v40 =	vadd.s32 v16, v28;
	v27 =	vld.idx.msk [tilespmem:v27+s1+$0x0], $0xffff;
	[tilespmem:s7+$0xB0] =	vst v39  }
0x4eb: {  	v31 =	vld.idx.msk [tilespmem:v31+s1+$0x0], $0xffff;
	[tilespmem:s7+$0x130] =	vst v33;
	v33 =	vadd.s32 v15, v30  }
0x4ec: {  	v39 =	vadd.s32 v16, v26;
	[tilespmem:s7+$0xFFFFFE30] =	vst v41;
	v36 =	vld.idx.msk [tilespmem:v36+s1+$0x0], $0xffff  }
0x4ed: {  	v41 =	vld.idx.msk [tilespmem:v42+s1+$0x0], $0xffff;
	[tilespmem:s7+$0xFFFFFEC0] =	vst v34;
	v34 =	vadd.s32 v16, v25  }
0x4ee: {  	v35 =	vld.idx.msk [tilespmem:v35+s1+$0x0], $0xffff;
	[tilespmem:s7+$0xFFFFFF40] =	vst v32;
	v32 =	vadd.s32 v16, v24  }
0x4ef: {  	v42 =	vadd.s32 v16, v23;
	v40 =	vld.idx.msk [tilespmem:v40+s1+$0x0], $0xffff;
	[tilespmem:s7+$0x1D0] =	vst v37  }
0x4f0: {  	v37 =	vadd.s32 v16, v22;
	[tilespmem:s7+$0xFFFFFFC0] =	vst v38;
	v33 =	vld.idx.msk [tilespmem:v33+s1+$0x0], $0xffff  }
0x4f1: {  	v38 =	vadd.s32 v15, v29;
	v39 =	vld.idx.msk [tilespmem:v39+s1+$0x0], $0xffff;
	[tilespmem:s7+$0x40] =	vst v27  }
0x4f2: {  	v30 =	vadd.s32 v14, v30;
	v34 =	vld.idx.msk [tilespmem:v34+s1+$0x0], $0xffff;
	[tilespmem:s7+$0xC0] =	vst v31  }
0x4f3: {  	v43 =	vadd.s32 v15, v28;
	v44 =	vld.idx.msk [tilespmem:v32+s1+$0x0], $0xffff;
	[tilespmem:s7+$0x140] =	vst v36  }
0x4f4: {  	v27 =	vmov s13;
	v32 =	vadd.s32 v15, v26;
	[tilespmem:s7+$0xFFFFFE40] =	vst v41;
	v45 =	vld.idx.msk [tilespmem:v42+s1+$0x0], $0xffff  }
0x4f5: {  	v27 =	vmul.u32 $0xD0, v27;
	v36 =	vld.idx.msk [tilespmem:v37+s1+$0x0], $0xffff;
	[tilespmem:s7+$0xFFFFFED0] =	vst v35;
	v35 =	vadd.s32 v15, v25  }
0x4f6: {  	v46 =	vadd.s32 v15, v24;
	v31 =	vld.idx.msk [tilespmem:v38+s1+$0x0], $0xffff;
	[tilespmem:s7+$0x1E0] =	vst v33  }
.Ltmp3:
0x4f7: {  	v27 =	vbroadcast v27, $0x0;
	v41 =	vadd.s32 v15, v23;
	[tilespmem:s7+$0xFFFFFF50] =	vst v40;
	v37 =	vld.idx.msk [tilespmem:v30+s1+$0x0], $0xffff;
	(pc) =	sbr.rel @p0 .LBB2_9-.Ltmp3, $4  }
0x4f8: {  	v38 =	vadd.s32 v15, v22;
	v33 =	vld.idx.msk [tilespmem:v43+s1+$0x0], $0xffff;
	[tilespmem:s7+$0xFFFFFFD0] =	vst v39  }
0x4f9: {  	s14 =	sadd.s32 $0x1, s13;
	v30 =	vadd.s32 v21, v27;
	v32 =	vld.idx.msk [tilespmem:v32+s1+$0x0], $0xffff;
	[tilespmem:s7+$0x50] =	vst v34  }
0x4fa: {  	s15 =	sadd.s32 $0x3, s13;
	v42 =	vmov s14;
	s14 =	sadd.s32 $0x2, s13;
	v39 =	vadd.s32 v14, v29;
	v34 =	vld.idx.msk [tilespmem:v35+s1+$0x0], $0xffff;
	[tilespmem:s7+$0xD0] =	vst v44  }
0x4fb: {  	v28 =	vadd.s32 v14, v28;
	s13 =	sadd.s32 $0x8, s13;
	v40 =	vmov s15;
	s15 =	sadd.s32 $0x4, s9;
	v29 =	vmov s14;
	s14 =	sadd.s32 $0x7, s9;
	v35 =	vld.idx.msk [tilespmem:v46+s1+$0x0], $0xffff;
	[tilespmem:s7+$0x150] =	vst v45  }
0x4fc: {  	_ =	sdelay $0x2  }
0x4fd: {  	[tilespmem:s7+$0xFFFFFE50] =	vst v36;
	v59 =	vmov s15;
	v43 =	vmov s14  }
0x4fe: {  	v26 =	vadd.s32 v14, v26;
	[tilespmem:s7+$0x1F0] =	vst v37;
	v60 =	vld.idx.msk [tilespmem:v41+s1+$0x0], $0xffff;
	v25 =	vadd.s32 v14, v25;
	v62 =	vmul.u32 $0xD0, v42  }
0x4ff: {  	s13 =	sadd.s32 $0x5, s9;
	[tilespmem:s7+$0xFFFFFEE0] =	vst v31;
	v44 =	vadd.s32 v14, v24;
	v24 =	vmul.u32 $0xD0, v29;
	v48 =	vadd.s32 v14, v23;
	v30 =	vld.idx.msk [tilespmem:v30+s1+$0x0], $0xffff  }
0x500: {  	v49 =	vmul.u32 $0xD0, v40;
	v50 =	vadd.s32 v14, v22;
	v61 =	vmov s13;
	v31 =	vld.idx.msk [tilespmem:v38+s1+$0x0], $0xffff;
	[tilespmem:s7+$0xFFFFFF60] =	vst v33  }
0x501: {  	s14 =	sadd.s32 $0x6, s9;
	v43 =	vmul.u32 $0xD0, v43;
	v47 =	vld.idx.msk [tilespmem:v39+s1+$0x0], $0xffff;
	[tilespmem:s7+$0xFFFFFFE0] =	vst v32;
	v23 =	vbroadcast v62, $0x0;
	v22 =	vbroadcast v24, $0x0  }
0x502: {  	v63 =	vmov s14;
	v51 =	vld.idx.msk [tilespmem:v28+s1+$0x0], $0xffff;
	v28 =	vmul.u32 $0xD0, v59;
	v24 =	vbroadcast v49, $0x0;
	[tilespmem:s7+$0x60] =	vst v34  }
0x503: {  	v29 =	vbroadcast v43, $0x0;
	[tilespmem:s7+$0xE0] =	vst v35;
	v54 =	vadd.s32 v21, v23;
	v56 =	vadd.s32 v21, v22;
	v53 =	vld.idx.msk [tilespmem:v26+s1+$0x0], $0xffff  }
0x504: {  	s15 =	sadd.s32 $0x400, s7;
	v62 =	vadd.s32 v20, v23;
	v43 =	vadd.s32 v20, v24;
	v26 =	vmul.u32 $0xD0, v61;
	v55 =	vld.idx.msk [tilespmem:v25+s1+$0x0], $0xffff;
	[tilespmem:s7+$0x160] =	vst v60  }
0x505: {  	v52 =	vadd.s32 v21, v29;
	v25 =	vbroadcast v28, $0x0;
	v28 =	vmul.u32 $0xD0, v63;
	v57 =	vld.idx.msk [tilespmem:v44+s1+$0x0], $0xffff;
	[tilespmem:s15+$0xFFFFFE00] =	vst v30  }
0x506: {  	v61 =	vadd.s32 v20, v29;
	[tilespmem:s7+$0xFFFFFE60] =	vst v31;
	v31 =	vadd.s32 v21, v24;
	v39 =	vld.idx.msk [tilespmem:v48+s1+$0x0], $0xffff;
	v26 =	vbroadcast v26, $0x0  }
0x507: {  	v63 =	vadd.s32 v20, v22;
	[tilespmem:s7+$0xFFFFFEF0] =	vst v47;
	v58 =	vadd.s32 v21, v25;
	v28 =	vbroadcast v28, $0x0;
	v38 =	vld.idx.msk [tilespmem:v50+s1+$0x0], $0xffff  }
0x508: {  	[tilespmem:s7+$0xFFFFFF70] =	vst v51;
	v44 =	vadd.s32 v20, v25;
	v59 =	vadd.s32 v21, v26;
	v35 =	vld.idx.msk [tilespmem:v54+s1+$0x0], $0xffff  }
0x509: {  	v21 =	vadd.s32 v21, v28;
	v60 =	vld.idx.msk [tilespmem:v56+s1+$0x0], $0xffff;
	v45 =	vadd.s32 v20, v26;
	[tilespmem:s7+$0xFFFFFFF0] =	vst v53  }
0x50a: {  	v47 =	vadd.s32 v20, v28;
	v20 =	vadd.s32 v20, v27;
	v34 =	vld.idx.msk [tilespmem:v52+s1+$0x0], $0xffff;
	[tilespmem:s7+$0x70] =	vst v55  }
0x50b: {  	[tilespmem:s7+$0xF0] =	vst v57;
	v31 =	vld.idx.msk [tilespmem:v31+s1+$0x0], $0xffff  }
0x50c: {  	v33 =	vld.idx.msk [tilespmem:v58+s1+$0x0], $0xffff;
	[tilespmem:s7+$0xFFFFFE70] =	vst v38  }
0x50d: {  	v42 =	vld.idx.msk [tilespmem:v59+s1+$0x0], $0xffff;
	[tilespmem:s15+$0xFFFFFE80] =	vst v35  }
0x50e: {  	v21 =	vld.idx.msk [tilespmem:v21+s1+$0x0], $0xffff;
	[tilespmem:s15+$0xFFFFFF00] =	vst v60  }
0x50f: {  	v20 =	vld.idx.msk [tilespmem:v20+s1+$0x0], $0xffff;
	[tilespmem:s15+$0x180] =	vst v34  }
0x510: {  	v38 =	vld.idx.msk [tilespmem:v63+s1+$0x0], $0xffff;
	[tilespmem:s15+$0xFFFFFF80] =	vst v31  }
0x511: {  	v31 =	vld.idx.msk [tilespmem:v62+s1+$0x0], $0xffff;
	[tilespmem:s15+$0x0] =	vst v33  }
0x512: {  	v48 =	vadd.s32 v19, v22;
	v36 =	vld.idx.msk [tilespmem:v61+s1+$0x0], $0xffff;
	[tilespmem:s15+$0x80] =	vst v42  }
0x513: {  	v46 =	vadd.s32 v19, v29;
	v34 =	vld.idx.msk [tilespmem:v43+s1+$0x0], $0xffff;
	[tilespmem:s15+$0x100] =	vst v21  }
0x514: {  	v30 =	vadd.s32 v19, v24;
	v35 =	vld.idx.msk [tilespmem:v44+s1+$0x0], $0xffff;
	[tilespmem:s15+$0xFFFFFE10] =	vst v20  }
0x515: {  	v21 =	vadd.s32 v19, v23;
	v32 =	vld.idx.msk [tilespmem:v45+s1+$0x0], $0xffff;
	[tilespmem:s15+$0xFFFFFF10] =	vst v38  }
0x516: {  	v49 =	vadd.s32 v19, v25;
	v51 =	vadd.s32 v19, v26;
	[tilespmem:s15+$0xFFFFFE90] =	vst v31;
	v31 =	vld.idx.msk [tilespmem:v47+s1+$0x0], $0xffff  }
0x517: {  	v53 =	vadd.s32 v19, v28;
	v19 =	vadd.s32 v19, v27;
	[tilespmem:s15+$0x190] =	vst v36;
	v52 =	vld.idx.msk [tilespmem:v48+s1+$0x0], $0xffff  }
0x518: {  	v37 =	vld.idx.msk [tilespmem:v46+s1+$0x0], $0xffff;
	[tilespmem:s15+$0xFFFFFF90] =	vst v34  }
0x519: {  	v50 =	vadd.s32 v18, v29;
	[tilespmem:s15+$0x10] =	vst v35;
	v30 =	vld.idx.msk [tilespmem:v30+s1+$0x0], $0xffff  }
0x51a: {  	v21 =	vld.idx.msk [tilespmem:v21+s1+$0x0], $0xffff;
	[tilespmem:s15+$0x90] =	vst v32  }
0x51b: {  	v55 =	vadd.s32 v18, v24;
	v33 =	vld.idx.msk [tilespmem:v49+s1+$0x0], $0xffff;
	[tilespmem:s15+$0x110] =	vst v31  }
0x51c: {  	v54 =	vadd.s32 v18, v23;
	v57 =	vadd.s32 v18, v25;
	v19 =	vld.idx.msk [tilespmem:v19+s1+$0x0], $0xffff;
	[tilespmem:s15+$0xFFFFFF20] =	vst v52  }
0x51d: {  	v58 =	vadd.s32 v18, v26;
	v31 =	vadd.s32 v18, v22;
	v20 =	vld.idx.msk [tilespmem:v51+s1+$0x0], $0xffff;
	[tilespmem:s15+$0x1A0] =	vst v37  }
0x51e: {  	v59 =	vadd.s32 v18, v28;
	v18 =	vadd.s32 v18, v27;
	v37 =	vld.idx.msk [tilespmem:v50+s1+$0x0], $0xffff;
	[tilespmem:s15+$0xFFFFFFA0] =	vst v30  }
0x51f: {  	[tilespmem:s15+$0xFFFFFEA0] =	vst v21;
	v21 =	vld.idx.msk [tilespmem:v53+s1+$0x0], $0xffff  }
0x520: {  	v56 =	vadd.s32 v17, v29;
	[tilespmem:s15+$0x20] =	vst v33;
	v34 =	vld.idx.msk [tilespmem:v55+s1+$0x0], $0xffff  }
0x521: {  	[tilespmem:s15+$0xFFFFFE20] =	vst v19;
	v30 =	vld.idx.msk [tilespmem:v54+s1+$0x0], $0xffff  }
0x522: {  	v31 =	vld.idx.msk [tilespmem:v31+s1+$0x0], $0xffff;
	[tilespmem:s15+$0xA0] =	vst v20  }
0x523: {  	v20 =	vadd.s32 v17, v23;
	v18 =	vld.idx.msk [tilespmem:v18+s1+$0x0], $0xffff;
	[tilespmem:s15+$0x1B0] =	vst v37  }
0x524: {  	v60 =	vadd.s32 v17, v22;
	v19 =	vld.idx.msk [tilespmem:v58+s1+$0x0], $0xffff;
	[tilespmem:s15+$0x120] =	vst v21  }
0x525: {  	v62 =	vadd.s32 v17, v26;
	v36 =	vld.idx.msk [tilespmem:v56+s1+$0x0], $0xffff;
	[tilespmem:s15+$0xFFFFFFB0] =	vst v34  }
0x526: {  	v61 =	vadd.s32 v16, v29;
	v21 =	vld.idx.msk [tilespmem:v57+s1+$0x0], $0xffff;
	[tilespmem:s15+$0xFFFFFEB0] =	vst v30  }
0x527: {  	v30 =	vadd.s32 v17, v24;
	v33 =	vld.idx.msk [tilespmem:v59+s1+$0x0], $0xffff;
	[tilespmem:s15+$0xFFFFFF30] =	vst v31  }
0x528: {  	v31 =	vadd.s32 v17, v25;
	v20 =	vld.idx.msk [tilespmem:v20+s1+$0x0], $0xffff;
	[tilespmem:s15+$0xFFFFFE30] =	vst v18  }
0x529: {  	v63 =	vadd.s32 v17, v28;
	v35 =	vld.idx.msk [tilespmem:v60+s1+$0x0], $0xffff;
	[tilespmem:s15+$0xB0] =	vst v19  }
0x52a: {  	v17 =	vadd.s32 v17, v27;
	v40 =	vld.idx.msk [tilespmem:v62+s1+$0x0], $0xffff;
	[tilespmem:s15+$0x1C0] =	vst v36  }
0x52b: {  	v18 =	vadd.s32 v16, v22;
	[tilespmem:s15+$0x30] =	vst v21;
	v21 =	vld.idx.msk [tilespmem:v61+s1+$0x0], $0xffff  }
0x52c: {  	[tilespmem:s7+$0x170] =	vst v39;
	v19 =	vld.idx.msk [tilespmem:v30+s1+$0x0], $0xffff;
	v30 =	vadd.s32 v16, v23  }
0x52d: {  	[tilespmem:s15+$0x130] =	vst v33;
	v31 =	vld.idx.msk [tilespmem:v31+s1+$0x0], $0xffff  }
0x52e: {  	v39 =	vadd.s32 v15, v29;
	[tilespmem:s15+$0xFFFFFEC0] =	vst v20;
	v41 =	vld.idx.msk [tilespmem:v63+s1+$0x0], $0xffff  }
0x52f: {  	v20 =	vadd.s32 v16, v24;
	v17 =	vld.idx.msk [tilespmem:v17+s1+$0x0], $0xffff;
	[tilespmem:s15+$0xFFFFFF40] =	vst v35  }
0x530: {  	v42 =	vadd.s32 v16, v25;
	v18 =	vld.idx.msk [tilespmem:v18+s1+$0x0], $0xffff;
	[tilespmem:s15+$0xC0] =	vst v40  }
0x531: {  	[tilespmem:s15+$0x1D0] =	vst v21;
	v21 =	vld.idx.msk [tilespmem:v30+s1+$0x0], $0xffff;
	v30 =	vadd.s32 v16, v26  }
0x532: {  	[tilespmem:s15+$0xFFFFFFC0] =	vst v19;
	v19 =	vadd.s32 v16, v28  }
0x533: {  	v16 =	vadd.s32 v16, v27;
	v32 =	vld.idx.msk [tilespmem:v39+s1+$0x0], $0xffff;
	[tilespmem:s15+$0x40] =	vst v31  }
0x534: {  	v20 =	vld.idx.msk [tilespmem:v20+s1+$0x0], $0xffff;
	[tilespmem:s15+$0x140] =	vst v41;
	v31 =	vadd.s32 v15, v23  }
0x535: {  	[tilespmem:s15+$0xFFFFFE40] =	vst v17;
	v17 =	vadd.s32 v15, v22;
	v43 =	vld.idx.msk [tilespmem:v42+s1+$0x0], $0xffff  }
0x536: {  	v29 =	vadd.s32 v14, v29;
	[tilespmem:s15+$0xFFFFFF50] =	vst v18;
	v30 =	vld.idx.msk [tilespmem:v30+s1+$0x0], $0xffff  }
0x537: {  	[tilespmem:s15+$0xFFFFFED0] =	vst v21;
	v21 =	vadd.s32 v15, v24;
	v19 =	vld.idx.msk [tilespmem:v19+s1+$0x0], $0xffff  }
0x538: {  	v44 =	vadd.s32 v15, v25;
	v16 =	vld.idx.msk [tilespmem:v16+s1+$0x0], $0xffff;
	[tilespmem:s15+$0x1E0] =	vst v32  }
0x539: {  	v18 =	vadd.s32 v15, v26;
	[tilespmem:s15+$0xFFFFFFD0] =	vst v20;
	v20 =	vld.idx.msk [tilespmem:v31+s1+$0x0], $0xffff  }
0x53a: {  	v31 =	vadd.s32 v15, v28;
	v17 =	vld.idx.msk [tilespmem:v17+s1+$0x0], $0xffff;
	[tilespmem:s15+$0x50] =	vst v43  }
0x53b: {  	v15 =	vadd.s32 v15, v27;
	v29 =	vld.idx.msk [tilespmem:v29+s1+$0x0], $0xffff;
	[tilespmem:s15+$0xD0] =	vst v30  }
0x53c: {  	v23 =	vadd.s32 v14, v23;
	v21 =	vld.idx.msk [tilespmem:v21+s1+$0x0], $0xffff;
	[tilespmem:s15+$0x150] =	vst v19  }
0x53d: {  	v22 =	vadd.s32 v14, v22;
	v19 =	vld.idx.msk [tilespmem:v44+s1+$0x0], $0xffff;
	[tilespmem:s15+$0xFFFFFE50] =	vst v16  }
0x53e: {  	v16 =	vld.idx.msk [tilespmem:v18+s1+$0x0], $0xffff;
	v18 =	vadd.s32 v14, v24;
	[tilespmem:s15+$0xFFFFFEE0] =	vst v20  }
0x53f: {  	v25 =	vadd.s32 v14, v25;
	v24 =	vld.idx.msk [tilespmem:v31+s1+$0x0], $0xffff;
	[tilespmem:s15+$0xFFFFFF60] =	vst v17  }
0x540: {  	v15 =	vld.idx.msk [tilespmem:v15+s1+$0x0], $0xffff;
	v20 =	vadd.s32 v14, v26;
	[tilespmem:s15+$0x1F0] =	vst v29  }
0x541: {  	v17 =	vld.idx.msk [tilespmem:v23+s1+$0x0], $0xffff;
	v23 =	vadd.s32 v14, v28;
	[tilespmem:s15+$0xFFFFFFE0] =	vst v21  }
0x542: {  	v14 =	vadd.s32 v14, v27;
	v21 =	vld.idx.msk [tilespmem:v22+s1+$0x0], $0xffff;
	[tilespmem:s15+$0x60] =	vst v19  }
0x543: {  	v18 =	vld.idx.msk [tilespmem:v18+s1+$0x0], $0xffff;
	[tilespmem:s15+$0xE0] =	vst v16  }
0x544: {  	v16 =	vld.idx.msk [tilespmem:v25+s1+$0x0], $0xffff;
	[tilespmem:s15+$0x160] =	vst v24  }
0x545: {  	[tilespmem:s15+$0xFFFFFE60] =	vst v15;
	v19 =	vld.idx.msk [tilespmem:v20+s1+$0x0], $0xffff  }
0x546: {  	v15 =	vld.idx.msk [tilespmem:v23+s1+$0x0], $0xffff;
	[tilespmem:s15+$0xFFFFFEF0] =	vst v17  }
0x547: {  	v14 =	vld.idx.msk [tilespmem:v14+s1+$0x0], $0xffff;
	[tilespmem:s15+$0xFFFFFF70] =	vst v21  }
0x548: {  	[tilespmem:s15+$0xFFFFFFF0] =	vst v18  }
0x549: {  	s9 =	sshll.u32 s0, $0x13;
	[tilespmem:s15+$0x70] =	vst v16  }
0x54a: {  	s19 =	sor.u32 s4, s9;
	[tilespmem:s15+$0xF0] =	vst v19  }
0x54b: {  	s13 =	sshrl.u32 s19, $0x3;
	[tilespmem:s15+$0x170] =	vst v15  }
0x54c: {  	s14 =	sadd.s32 s2, s13;
	s13 =	simm.s32 $0x0;
	[tilespmem:s15+$0xFFFFFE70] =	vst v14;
	s15 =	sor.u32 s6, s9  }
0x54d: {  	[hbm4b:s14+s13] =	stream.linear.scatter [tilespmem:s20], [sflag:$0x1], $0x400, $0x38;
	[tilespmem:$0x14F08] =	vst v63  }
0x54e: {  	s7 =	sshrl.u32 s15, $0x3  }
0x54f: {  	s19 =	sor.u32 s10, s9;
	s7 =	sadd.s32 s2, s7  }
0x550: {  	[hbm4b:s7+s13] =	stream.linear.scatter [tilespmem:s21], [sflag:$0x1], $0x400, $0x38;
	[tilespmem:$0x14F08] =	vst v63  }
0x551: {  	s7 =	sshrl.u32 s19, $0x3  }
0x552: {  	s14 =	sor.u32 s11, s9;
	s7 =	sadd.s32 s2, s7  }
0x553: {  	[hbm4b:s7+s13] =	stream.linear.scatter [tilespmem:s22], [sflag:$0x1], $0x400, $0x38;
	[tilespmem:$0x14F08] =	vst v63  }
0x554: {  	s7 =	sshrl.u32 s14, $0x3  }
0x555: {  	s15 =	sor.u32 s12, s9;
	s7 =	sadd.s32 s2, s7  }
0x556: {  	[hbm4b:s7+s13] =	stream.linear.scatter [tilespmem:s23], [sflag:$0x1], $0x400, $0x38;
	[tilespmem:$0x14F08] =	vst v63  }
0x557: {  	s7 =	sshrl.u32 s15, $0x3  }
0x558: {  	s19 =	sor.u32 s16, s9;
	s7 =	sadd.s32 s2, s7  }
0x559: {  	[hbm4b:s7+s13] =	stream.linear.scatter [tilespmem:s24], [sflag:$0x1], $0x400, $0x38;
	[tilespmem:$0x14F08] =	vst v63  }
0x55a: {  	s7 =	sshrl.u32 s19, $0x3  }
0x55b: {  	s14 =	sor.u32 s17, s9;
	s7 =	sadd.s32 s2, s7  }
0x55c: {  	[hbm4b:s7+s13] =	stream.linear.scatter [tilespmem:s25], [sflag:$0x1], $0x400, $0x38;
	[tilespmem:$0x14F08] =	vst v63  }
0x55d: {  	s7 =	sshrl.u32 s14, $0x3  }
0x55e: {  	s15 =	sor.u32 s18, s9;
	s7 =	sadd.s32 s2, s7  }
0x55f: {  	[hbm4b:s7+s13] =	stream.linear.scatter [tilespmem:s26], [sflag:$0x1], $0x400, $0x38;
	[tilespmem:$0x14F08] =	vst v63  }
0x560: {  	s7 =	sshrl.u32 s15, $0x3  }
0x561: {  	s7 =	sadd.s32 s2, s7  }
0x562: {  	[hbm4b:s7+s13] =	stream.linear.scatter [tilespmem:s28], [sflag:$0x1], $0x400, $0x38;
	[tilespmem:$0x14F08] =	vst v63  }
0x563: {  	_ =	swait.ge [sflag:s8], $0x400  }
0x564: {  	[sflag:s8] =	ssyncset.done $0x0  }
0x565: {  	[sflag:s8] =	ssyncadd.s32 $0xFFFFFC00  }
0x566: {  	_ =	swait.ge [sflag:s8], $0x400  }
0x567: {  	[sflag:s8] =	ssyncset.done $0x0  }
0x568: {  	[sflag:s8] =	ssyncadd.s32 $0xFFFFFC00  }
0x569: {  	_ =	swait.ge [sflag:s8], $0x400  }
0x56a: {  	[sflag:s8] =	ssyncset.done $0x0  }
0x56b: {  	[sflag:s8] =	ssyncadd.s32 $0xFFFFFC00  }
0x56c: {  	_ =	swait.ge [sflag:s8], $0x400  }
0x56d: {  	[sflag:s8] =	ssyncset.done $0x0  }
0x56e: {  	[sflag:s8] =	ssyncadd.s32 $0xFFFFFC00  }
0x56f: {  	_ =	swait.ge [sflag:s8], $0x400  }
0x570: {  	[sflag:s8] =	ssyncset.done $0x0  }
0x571: {  	[sflag:s8] =	ssyncadd.s32 $0xFFFFFC00  }
0x572: {  	_ =	swait.ge [sflag:s8], $0x400  }
0x573: {  	[sflag:s8] =	ssyncset.done $0x0  }
0x574: {  	[sflag:s8] =	ssyncadd.s32 $0xFFFFFC00  }
0x575: {  	_ =	swait.ge [sflag:s8], $0x400  }
0x576: {  	[sflag:s8] =	ssyncset.done $0x0  }
0x577: {  	s7 =	sshllo.u32 s0, $0x1;
	[sflag:s8] =	ssyncadd.s32 $0xFFFFFC00  }
0x578: {  	s19 =	smul.u32 $0x220, s7;
	_ =	swait.ge [sflag:s8], $0x400  }
0x579: {  	v14 =	vmov s13;
	[sflag:s8] =	ssyncset.done $0x0  }
0x57a: {  	v14 =	vmul.u32 $0xD0, v14;
	s9 =	sshra.s32 s19, $0x2;
	[sflag:s8] =	ssyncadd.s32 $0xFFFFFC00  }
0x57b: {  	s14 =	simm.s32 $0x7;
	s15 =	simm.s32 $0x1;
	v21 =	vld [tilespmem:s9+$0x6408]  }
0x57c: {  	v22 =	vbroadcast v14, $0x0;
	v14 =	vmov s14;
	s14 =	simm.s32 $0x3;
	v15 =	vmov s15  }
0x57d: {  	v14 =	vmul.u32 $0xD0, v14;
	v17 =	vmov s14;
	s14 =	simm.s32 $0x5;
	v15 =	vmul.u32 $0xD0, v15;
	s19 =	simm.s32 $0x2  }
0x57e: {  	v25 =	vmov s14;
	v16 =	vmov s19;
	v20 =	vld [tilespmem:s9+$0x6418]  }
0x57f: {  	v27 =	vbroadcast v14, $0x0;
	v29 =	vbroadcast v15, $0x0;
	s19 =	simm.s32 $0x4;
	v16 =	vmul.u32 $0xD0, v16;
	v19 =	vld [tilespmem:s9+$0x6428]  }
0x580: {  	v15 =	vmul.u32 $0xD0, v17;
	v24 =	vmov s19;
	v18 =	vld [tilespmem:s9+$0x6438];
	v23 =	vadd.s32 v21, v22  }
0x581: {  	v24 =	vmul.u32 $0xD0, v24;
	v28 =	vbroadcast v16, $0x0;
	v17 =	vld [tilespmem:s9+$0x6448];
	v30 =	vadd.s32 v21, v27  }
0x582: {  	s15 =	simm.s32 $0x6;
	v45 =	vmul.u32 $0xD0, v25;
	v26 =	vbroadcast v15, $0x0;
	v16 =	vld [tilespmem:s9+$0x6458];
	v31 =	vadd.s32 v21, v29  }
0x583: {  	v14 =	vmov s15;
	v25 =	vbroadcast v24, $0x0;
	v15 =	vld [tilespmem:s9+$0x6468];
	v46 =	vadd.s32 v21, v28  }
0x584: {  	v47 =	vmul.u32 $0xD0, v14;
	v24 =	vbroadcast v45, $0x0;
	v14 =	vld [tilespmem:s9+$0x6478];
	v48 =	vadd.s32 v21, v26  }
0x585: {  	v50 =	vadd.s32 v21, v25;
	v49 =	vld.idx.msk [tilespmem:v23+s1+$0x0], $0xffff  }
0x586: {  	v51 =	vadd.s32 v21, v24;
	v30 =	vld.idx.msk [tilespmem:v30+s1+$0x0], $0xffff  }
0x587: {  	v53 =	vadd.s32 v20, v27;
	v31 =	vld.idx.msk [tilespmem:v31+s1+$0x0], $0xffff  }
0x588: {  	v54 =	vadd.s32 v20, v29;
	v33 =	vld.idx.msk [tilespmem:v46+s1+$0x0], $0xffff  }
0x589: {  	v55 =	vadd.s32 v20, v28;
	v35 =	vld.idx.msk [tilespmem:v48+s1+$0x0], $0xffff  }
0x58a: {  	s9 =	simm.s32 $0x132F8;
	v56 =	vadd.s32 v20, v26;
	v36 =	vld.idx.msk [tilespmem:v50+s1+$0x0], $0xffff  }
0x58b: {  	v57 =	vadd.s32 v20, v25;
	v23 =	vbroadcast v47, $0x0;
	v34 =	vld.idx.msk [tilespmem:v51+s1+$0x0], $0xffff;
	[tilespmem:s9+$0xFFFFFF90] =	vst v30  }
0x58c: {  	v62 =	vadd.s32 v20, v22;
	[tilespmem:s9+$0xFFFFFC90] =	vst v31;
	v31 =	vld.idx.msk [tilespmem:v53+s1+$0x0], $0xffff  }
0x58d: {  	v52 =	vadd.s32 v21, v23;
	[tilespmem:s9+$0xFFFFFD10] =	vst v33;
	v58 =	vld.idx.msk [tilespmem:v54+s1+$0x0], $0xffff  }
0x58e: {  	v30 =	vadd.s32 v20, v24;
	[tilespmem:s9+$0xFFFFFD90] =	vst v35;
	v60 =	vld.idx.msk [tilespmem:v55+s1+$0x0], $0xffff  }
0x58f: {  	v61 =	vadd.s32 v19, v27;
	[tilespmem:s9+$0xFFFFFE10] =	vst v36;
	v41 =	vld.idx.msk [tilespmem:v56+s1+$0x0], $0xffff  }
0x590: {  	v63 =	vadd.s32 v19, v29;
	[tilespmem:s9+$0xFFFFFC10] =	vst v49;
	v42 =	vld.idx.msk [tilespmem:v57+s1+$0x0], $0xffff  }
0x591: {  	v43 =	vadd.s32 v19, v28;
	[tilespmem:s9+$0xFFFFFE90] =	vst v34;
	v46 =	vld.idx.msk [tilespmem:v62+s1+$0x0], $0xffff  }
0x592: {  	v44 =	vadd.s32 v19, v26;
	v37 =	vld.idx.msk [tilespmem:v52+s1+$0x0], $0xffff;
	[tilespmem:s9+$0xFFFFFFA0] =	vst v31  }
0x593: {  	v50 =	vadd.s32 v19, v22;
	v30 =	vld.idx.msk [tilespmem:v30+s1+$0x0], $0xffff;
	[tilespmem:s9+$0xFFFFFCA0] =	vst v58  }
0x594: {  	v59 =	vadd.s32 v20, v23;
	[tilespmem:s9+$0xFFFFFD20] =	vst v60;
	v45 =	vld.idx.msk [tilespmem:v61+s1+$0x0], $0xffff  }
0x595: {  	v31 =	vadd.s32 v19, v25;
	[tilespmem:s9+$0xFFFFFDA0] =	vst v41;
	v36 =	vld.idx.msk [tilespmem:v63+s1+$0x0], $0xffff  }
0x596: {  	v47 =	vadd.s32 v19, v24;
	[tilespmem:s9+$0xFFFFFC20] =	vst v46;
	v34 =	vld.idx.msk [tilespmem:v43+s1+$0x0], $0xffff  }
0x597: {  	v48 =	vadd.s32 v18, v27;
	[tilespmem:s9+$0xFFFFFF10] =	vst v37;
	v37 =	vld.idx.msk [tilespmem:v44+s1+$0x0], $0xffff  }
0x598: {  	v51 =	vadd.s32 v18, v29;
	[tilespmem:s9+$0xFFFFFE20] =	vst v42;
	v56 =	vld.idx.msk [tilespmem:v50+s1+$0x0], $0xffff  }
0x599: {  	v52 =	vadd.s32 v18, v26;
	v33 =	vld.idx.msk [tilespmem:v59+s1+$0x0], $0xffff;
	[tilespmem:s9+$0xFFFFFEA0] =	vst v30  }
0x59a: {  	v61 =	vadd.s32 v18, v22;
	v31 =	vld.idx.msk [tilespmem:v31+s1+$0x0], $0xffff;
	[tilespmem:s9+$0xFFFFFFB0] =	vst v45  }
0x59b: {  	v49 =	vadd.s32 v19, v23;
	v38 =	vld.idx.msk [tilespmem:v47+s1+$0x0], $0xffff;
	[tilespmem:s9+$0xFFFFFCB0] =	vst v36  }
0x59c: {  	v30 =	vadd.s32 v18, v28;
	[tilespmem:s9+$0xFFFFFD30] =	vst v34;
	v53 =	vld.idx.msk [tilespmem:v48+s1+$0x0], $0xffff  }
0x59d: {  	v54 =	vadd.s32 v18, v25;
	[tilespmem:s9+$0xFFFFFDB0] =	vst v37;
	v58 =	vld.idx.msk [tilespmem:v51+s1+$0x0], $0xffff  }
0x59e: {  	v59 =	vadd.s32 v18, v24;
	[tilespmem:s9+$0xFFFFFC30] =	vst v56;
	v32 =	vld.idx.msk [tilespmem:v52+s1+$0x0], $0xffff  }
0x59f: {  	v57 =	vadd.s32 v17, v27;
	[tilespmem:s9+$0xFFFFFF20] =	vst v33;
	v40 =	vld.idx.msk [tilespmem:v61+s1+$0x0], $0xffff  }
0x5a0: {  	v63 =	vadd.s32 v17, v26;
	v55 =	vld.idx.msk [tilespmem:v49+s1+$0x0], $0xffff;
	[tilespmem:s9+$0xFFFFFE30] =	vst v31  }
0x5a1: {  	v48 =	vadd.s32 v17, v22;
	v30 =	vld.idx.msk [tilespmem:v30+s1+$0x0], $0xffff;
	[tilespmem:s9+$0xFFFFFEB0] =	vst v38  }
0x5a2: {  	v60 =	vadd.s32 v18, v23;
	v35 =	vld.idx.msk [tilespmem:v54+s1+$0x0], $0xffff;
	[tilespmem:s9+$0xFFFFFFC0] =	vst v53  }
0x5a3: {  	v31 =	vadd.s32 v17, v29;
	v34 =	vld.idx.msk [tilespmem:v59+s1+$0x0], $0xffff;
	[tilespmem:s9+$0xFFFFFCC0] =	vst v58  }
0x5a4: {  	v62 =	vadd.s32 v17, v28;
	[tilespmem:s9+$0xFFFFFDC0] =	vst v32;
	v36 =	vld.idx.msk [tilespmem:v57+s1+$0x0], $0xffff  }
0x5a5: {  	v46 =	vadd.s32 v17, v25;
	[tilespmem:s9+$0xFFFFFC40] =	vst v40;
	v38 =	vld.idx.msk [tilespmem:v63+s1+$0x0], $0xffff  }
0x5a6: {  	v45 =	vadd.s32 v16, v27;
	[tilespmem:s9+$0xFFFFFF30] =	vst v55;
	v40 =	vld.idx.msk [tilespmem:v48+s1+$0x0], $0xffff  }
0x5a7: {  	v37 =	vld.idx.msk [tilespmem:v60+s1+$0x0], $0xffff;
	[tilespmem:s9+$0xFFFFFD40] =	vst v30;
	v30 =	vadd.s32 v17, v24  }
0x5a8: {  	v53 =	vadd.s32 v16, v26;
	v31 =	vld.idx.msk [tilespmem:v31+s1+$0x0], $0xffff;
	[tilespmem:s9+$0xFFFFFE40] =	vst v35  }
0x5a9: {  	v57 =	vadd.s32 v16, v22;
	v33 =	vld.idx.msk [tilespmem:v62+s1+$0x0], $0xffff;
	[tilespmem:s9+$0xFFFFFEC0] =	vst v34  }
0x5aa: {  	v47 =	vadd.s32 v17, v23;
	v41 =	vld.idx.msk [tilespmem:v46+s1+$0x0], $0xffff;
	[tilespmem:s9+$0xFFFFFFD0] =	vst v36  }
0x5ab: {  	v49 =	vadd.s32 v16, v29;
	[tilespmem:s9+$0xFFFFFDD0] =	vst v38;
	v50 =	vld.idx.msk [tilespmem:v45+s1+$0x0], $0xffff  }
0x5ac: {  	v52 =	vadd.s32 v15, v27;
	[tilespmem:s9+$0xFFFFFC50] =	vst v40;
	v30 =	vld.idx.msk [tilespmem:v30+s1+$0x0], $0xffff  }
0x5ad: {  	v51 =	vadd.s32 v16, v28;
	[tilespmem:s9+$0xFFFFFF40] =	vst v37;
	v59 =	vld.idx.msk [tilespmem:v53+s1+$0x0], $0xffff  }
0x5ae: {  	v36 =	vld.idx.msk [tilespmem:v57+s1+$0x0], $0xffff;
	[tilespmem:s9+$0xFFFFFCD0] =	vst v31;
	v31 =	vadd.s32 v16, v25  }
0x5af: {  	v55 =	vadd.s32 v16, v24;
	v32 =	vld.idx.msk [tilespmem:v47+s1+$0x0], $0xffff  }
0x5b0: {  	v61 =	vadd.s32 v15, v26;
	v54 =	vld.idx.msk [tilespmem:v49+s1+$0x0], $0xffff;
	[tilespmem:s9+$0xFFFFFFE0] =	vst v50  }
0x5b1: {  	v56 =	vadd.s32 v16, v23;
	[tilespmem:s9+$0xFFFFFD50] =	vst v33;
	v34 =	vld.idx.msk [tilespmem:v52+s1+$0x0], $0xffff  }
0x5b2: {  	v27 =	vadd.s32 v14, v27;
	v39 =	vld.idx.msk [tilespmem:v51+s1+$0x0], $0xffff;
	[tilespmem:s9+$0xFFFFFE50] =	vst v41  }
0x5b3: {  	s13 =	simm.s32 $0x8;
	v58 =	vadd.s32 v15, v29;
	[tilespmem:s9+$0xFFFFFED0] =	vst v30;
	v60 =	vld.idx.msk [tilespmem:v31+s1+$0x0], $0xffff  }
0x5b4: {  	v30 =	vadd.s32 v15, v28;
	[tilespmem:s9+$0xFFFFFDE0] =	vst v59;
	v45 =	vld.idx.msk [tilespmem:v55+s1+$0x0], $0xffff;
	v31 =	vmov s13  }
0x5b5: {  	v62 =	vadd.s32 v15, v25;
	[tilespmem:s9+$0xFFFFFF50] =	vst v32;
	v32 =	vld.idx.msk [tilespmem:v61+s1+$0x0], $0xffff;
	v63 =	vmul.u32 $0xD0, v31  }
0x5b6: {  	v47 =	vadd.s32 v15, v24;
	v46 =	vld.idx.msk [tilespmem:v56+s1+$0x0], $0xffff;
	[tilespmem:s9+$0xFFFFFFF0] =	vst v34  }
0x5b7: {  	v41 =	vadd.s32 v15, v23;
	[tilespmem:s9+$0xFFFFFCE0] =	vst v54;
	v37 =	vld.idx.msk [tilespmem:v27+s1+$0x0], $0xffff;
	v27 =	vbroadcast v63, $0x0  }
0x5b8: {  	v38 =	vadd.s32 v15, v22;
	[tilespmem:s9+$0xFFFFFD60] =	vst v39;
	v31 =	vld.idx.msk [tilespmem:v58+s1+$0x0], $0xffff  }
0x5b9: {  	s19 =	simm.s32 $0x9;
	v33 =	vld.idx.msk [tilespmem:v30+s1+$0x0], $0xffff;
	[tilespmem:s9+$0xFFFFFE60] =	vst v60;
	v30 =	vadd.s32 v21, v27  }
0x5ba: {  	s15 =	simm.s32 $0xA;
	v42 =	vmov s19;
	s19 =	simm.s32 $0xB;
	v39 =	vadd.s32 v14, v29;
	[tilespmem:s9+$0xFFFFFEE0] =	vst v45;
	v34 =	vld.idx.msk [tilespmem:v62+s1+$0x0], $0xffff  }
0x5bb: {  	s14 =	simm.s32 $0x10;
	v40 =	vmov s19;
	s19 =	simm.s32 $0xC;
	v28 =	vadd.s32 v14, v28;
	v29 =	vmov s15;
	s15 =	simm.s32 $0xF;
	v35 =	vld.idx.msk [tilespmem:v47+s1+$0x0], $0xffff;
	[tilespmem:s9+$0xFFFFFF60] =	vst v46  }
.LBB2_11:
0x5bc: {  	p0 =	slt.u32 s14, $0x38;
	v43 =	vmov s19;
	s19 =	sadd.s32 $0x5, s13;
	v44 =	vmov s15;
	[tilespmem:s9+$0xFFFFFC60] =	vst v36;
	v26 =	vadd.s32 v14, v26;
	v36 =	vld.idx.msk [tilespmem:v41+s1+$0x0], $0xffff  }
0x5bd: {  	s15 =	sadd.s32 $0x6, s13;
	v25 =	vadd.s32 v14, v25;
	s13 =	smov.u32 s14;
	v41 =	vmov s19;
	v44 =	vmul.u32 $0xD0, v44;
	v38 =	vld.idx.msk [tilespmem:v38+s1+$0x0], $0xffff;
	[tilespmem:s9+$0x0] =	vst v37  }
0x5be: {  	v42 =	vmul.u32 $0xD0, v42;
	v24 =	vadd.s32 v14, v24;
	v45 =	vmov s15;
	v37 =	vld.idx.msk [tilespmem:v30+s1+$0x0], $0xffff;
	[tilespmem:s9+$0xFFFFFCF0] =	vst v31  }
0x5bf: {  	v23 =	vadd.s32 v14, v23;
	v31 =	vmul.u32 $0xD0, v29;
	v30 =	vbroadcast v44, $0x0;
	v39 =	vld.idx.msk [tilespmem:v39+s1+$0x0], $0xffff;
	[tilespmem:s9+$0xFFFFFD70] =	vst v33  }
0x5c0: {  	v29 =	vbroadcast v42, $0x0;
	v33 =	vmul.u32 $0xD0, v40;
	v40 =	vadd.s32 v14, v22;
	v22 =	vmovc v27;
	v42 =	vld.idx.msk [tilespmem:v28+s1+$0x0], $0xffff;
	[tilespmem:s9+$0xFFFFFDF0] =	vst v32  }
0x5c1: {  	v27 =	vmul.u32 $0xD0, v43;
	v28 =	vbroadcast v31, $0x0;
	v31 =	vadd.s32 v21, v30;
	v32 =	vld.idx.msk [tilespmem:v26+s1+$0x0], $0xffff;
	[tilespmem:s9+$0xFFFFFE70] =	vst v34  }
0x5c2: {  	v34 =	vadd.s32 v21, v29;
	v26 =	vbroadcast v33, $0x0;
	v33 =	vmul.u32 $0xD0, v41;
	v41 =	vld.idx.msk [tilespmem:v25+s1+$0x0], $0xffff;
	[tilespmem:s9+$0xFFFFFEF0] =	vst v35  }
0x5c3: {  	v35 =	vadd.s32 v21, v28;
	v25 =	vbroadcast v27, $0x0;
	v27 =	vmul.u32 $0xD0, v45;
	v43 =	vld.idx.msk [tilespmem:v24+s1+$0x0], $0xffff;
	[tilespmem:s9+$0xFFFFFF70] =	vst v36  }
0x5c4: {  	v36 =	vadd.s32 v21, v26;
	v24 =	vbroadcast v33, $0x0;
	[tilespmem:s9+$0xFFFFFC70] =	vst v38;
	v33 =	vld.idx.msk [tilespmem:v23+s1+$0x0], $0xffff  }
0x5c5: {  	v38 =	vadd.s32 v21, v25;
	v23 =	vbroadcast v27, $0x0;
	v27 =	vld.idx.msk [tilespmem:v40+s1+$0x0], $0xffff;
	[tilespmem:s9+$0xFFFFFD00] =	vst v39  }
0x5c6: {  	v39 =	vadd.s32 v21, v24;
	v31 =	vld.idx.msk [tilespmem:v31+s1+$0x0], $0xffff;
	[tilespmem:s9+$0xFFFFFD80] =	vst v42  }
0x5c7: {  	v40 =	vadd.s32 v21, v23;
	v34 =	vld.idx.msk [tilespmem:v34+s1+$0x0], $0xffff;
	[tilespmem:s9+$0xFFFFFE00] =	vst v32  }
0x5c8: {  	v32 =	vld.idx.msk [tilespmem:v35+s1+$0x0], $0xffff;
	v35 =	vadd.s32 v20, v30;
	[tilespmem:s9+$0xFFFFFE80] =	vst v41  }
0x5c9: {  	v41 =	vadd.s32 v20, v29;
	v36 =	vld.idx.msk [tilespmem:v36+s1+$0x0], $0xffff;
	[tilespmem:s9+$0xFFFFFF00] =	vst v43  }
0x5ca: {  	v42 =	vadd.s32 v20, v28;
	v38 =	vld.idx.msk [tilespmem:v38+s1+$0x0], $0xffff;
	[tilespmem:s9+$0xFFFFFF80] =	vst v33  }
0x5cb: {  	v33 =	vadd.s32 v20, v26;
	v39 =	vld.idx.msk [tilespmem:v39+s1+$0x0], $0xffff;
	[tilespmem:s9+$0xFFFFFC80] =	vst v27;
	s9 =	sadd.s32 $0x400, s9  }
0x5cc: {  	v27 =	vadd.s32 v20, v25;
	v40 =	vld.idx.msk [tilespmem:v40+s1+$0x0], $0xffff;
	[tilespmem:s9+$0xFFFFFF90] =	vst v31  }
0x5cd: {  	v31 =	vadd.s32 v20, v24;
	[tilespmem:s9+$0xFFFFFC90] =	vst v34;
	v34 =	vld.idx.msk [tilespmem:v35+s1+$0x0], $0xffff  }
0x5ce: {  	v35 =	vld.idx.msk [tilespmem:v41+s1+$0x0], $0xffff;
	[tilespmem:s9+$0xFFFFFD10] =	vst v32;
	v32 =	vadd.s32 v20, v23  }
0x5cf: {  	v41 =	vld.idx.msk [tilespmem:v42+s1+$0x0], $0xffff;
	[tilespmem:s9+$0xFFFFFD90] =	vst v36;
	v36 =	vadd.s32 v19, v30  }
0x5d0: {  	v42 =	vadd.s32 v20, v22;
	v33 =	vld.idx.msk [tilespmem:v33+s1+$0x0], $0xffff;
	[tilespmem:s9+$0xFFFFFE10] =	vst v38  }
0x5d1: {  	v38 =	vadd.s32 v19, v29;
	v27 =	vld.idx.msk [tilespmem:v27+s1+$0x0], $0xffff;
	[tilespmem:s9+$0xFFFFFE90] =	vst v39  }
0x5d2: {  	v39 =	vadd.s32 v19, v28;
	v31 =	vld.idx.msk [tilespmem:v31+s1+$0x0], $0xffff;
	[tilespmem:s9+$0xFFFFFF10] =	vst v40  }
0x5d3: {  	v40 =	vadd.s32 v19, v26;
	v32 =	vld.idx.msk [tilespmem:v32+s1+$0x0], $0xffff;
	[tilespmem:s9+$0xFFFFFFA0] =	vst v34  }
0x5d4: {  	v34 =	vadd.s32 v19, v25;
	[tilespmem:s9+$0xFFFFFC10] =	vst v37;
	v36 =	vld.idx.msk [tilespmem:v36+s1+$0x0], $0xffff  }
0x5d5: {  	v37 =	vld.idx.msk [tilespmem:v42+s1+$0x0], $0xffff;
	[tilespmem:s9+$0xFFFFFCA0] =	vst v35;
	v35 =	vadd.s32 v19, v24  }
0x5d6: {  	v38 =	vld.idx.msk [tilespmem:v38+s1+$0x0], $0xffff;
	[tilespmem:s9+$0xFFFFFD20] =	vst v41;
	v41 =	vadd.s32 v18, v30  }
0x5d7: {  	v39 =	vld.idx.msk [tilespmem:v39+s1+$0x0], $0xffff;
	[tilespmem:s9+$0xFFFFFDA0] =	vst v33;
	v33 =	vadd.s32 v19, v23  }
0x5d8: {  	v42 =	vadd.s32 v19, v22;
	v40 =	vld.idx.msk [tilespmem:v40+s1+$0x0], $0xffff;
	[tilespmem:s9+$0xFFFFFE20] =	vst v27  }
0x5d9: {  	v27 =	vadd.s32 v18, v29;
	v34 =	vld.idx.msk [tilespmem:v34+s1+$0x0], $0xffff;
	[tilespmem:s9+$0xFFFFFEA0] =	vst v31  }
0x5da: {  	v31 =	vadd.s32 v18, v28;
	v35 =	vld.idx.msk [tilespmem:v35+s1+$0x0], $0xffff;
	[tilespmem:s9+$0xFFFFFFB0] =	vst v36  }
0x5db: {  	v36 =	vadd.s32 v18, v26;
	[tilespmem:s9+$0xFFFFFF20] =	vst v32;
	v32 =	vld.idx.msk [tilespmem:v41+s1+$0x0], $0xffff  }
0x5dc: {  	[tilespmem:s9+$0xFFFFFC20] =	vst v37;
	v37 =	vadd.s32 v18, v25;
	v33 =	vld.idx.msk [tilespmem:v33+s1+$0x0], $0xffff  }
0x5dd: {  	v41 =	vld.idx.msk [tilespmem:v42+s1+$0x0], $0xffff;
	[tilespmem:s9+$0xFFFFFCB0] =	vst v38;
	v38 =	vadd.s32 v17, v30  }
0x5de: {  	v27 =	vld.idx.msk [tilespmem:v27+s1+$0x0], $0xffff;
	[tilespmem:s9+$0xFFFFFD30] =	vst v39;
	v39 =	vadd.s32 v18, v24  }
0x5df: {  	v31 =	vld.idx.msk [tilespmem:v31+s1+$0x0], $0xffff;
	[tilespmem:s9+$0xFFFFFDB0] =	vst v40;
	v40 =	vadd.s32 v18, v23  }
0x5e0: {  	v42 =	vadd.s32 v18, v22;
	v36 =	vld.idx.msk [tilespmem:v36+s1+$0x0], $0xffff;
	[tilespmem:s9+$0xFFFFFE30] =	vst v34  }
0x5e1: {  	v34 =	vadd.s32 v17, v29;
	v37 =	vld.idx.msk [tilespmem:v37+s1+$0x0], $0xffff;
	[tilespmem:s9+$0xFFFFFFC0] =	vst v32  }
0x5e2: {  	v32 =	vadd.s32 v17, v28;
	[tilespmem:s9+$0xFFFFFEB0] =	vst v35;
	v35 =	vld.idx.msk [tilespmem:v38+s1+$0x0], $0xffff  }
0x5e3: {  	v38 =	vadd.s32 v17, v26;
	v39 =	vld.idx.msk [tilespmem:v39+s1+$0x0], $0xffff;
	[tilespmem:s9+$0xFFFFFF30] =	vst v33  }
0x5e4: {  	[tilespmem:s9+$0xFFFFFC30] =	vst v41;
	v33 =	vld.idx.msk [tilespmem:v40+s1+$0x0], $0xffff;
	v40 =	vadd.s32 v16, v30  }
0x5e5: {  	v41 =	vld.idx.msk [tilespmem:v42+s1+$0x0], $0xffff;
	[tilespmem:s9+$0xFFFFFCC0] =	vst v27;
	v27 =	vadd.s32 v17, v25  }
0x5e6: {  	v34 =	vld.idx.msk [tilespmem:v34+s1+$0x0], $0xffff;
	[tilespmem:s9+$0xFFFFFD40] =	vst v31;
	v31 =	vadd.s32 v17, v24  }
0x5e7: {  	v32 =	vld.idx.msk [tilespmem:v32+s1+$0x0], $0xffff;
	[tilespmem:s9+$0xFFFFFDC0] =	vst v36;
	v36 =	vadd.s32 v17, v23  }
0x5e8: {  	v42 =	vadd.s32 v17, v22;
	v38 =	vld.idx.msk [tilespmem:v38+s1+$0x0], $0xffff;
	[tilespmem:s9+$0xFFFFFFD0] =	vst v35  }
0x5e9: {  	v35 =	vadd.s32 v16, v29;
	[tilespmem:s9+$0xFFFFFE40] =	vst v37;
	v37 =	vld.idx.msk [tilespmem:v40+s1+$0x0], $0xffff  }
0x5ea: {  	v40 =	vadd.s32 v16, v28;
	v27 =	vld.idx.msk [tilespmem:v27+s1+$0x0], $0xffff;
	[tilespmem:s9+$0xFFFFFEC0] =	vst v39  }
0x5eb: {  	v31 =	vld.idx.msk [tilespmem:v31+s1+$0x0], $0xffff;
	[tilespmem:s9+$0xFFFFFF40] =	vst v33;
	v33 =	vadd.s32 v15, v30  }
0x5ec: {  	v39 =	vadd.s32 v16, v26;
	[tilespmem:s9+$0xFFFFFC40] =	vst v41;
	v36 =	vld.idx.msk [tilespmem:v36+s1+$0x0], $0xffff  }
0x5ed: {  	v41 =	vld.idx.msk [tilespmem:v42+s1+$0x0], $0xffff;
	[tilespmem:s9+$0xFFFFFCD0] =	vst v34;
	v34 =	vadd.s32 v16, v25  }
0x5ee: {  	v35 =	vld.idx.msk [tilespmem:v35+s1+$0x0], $0xffff;
	[tilespmem:s9+$0xFFFFFD50] =	vst v32;
	v32 =	vadd.s32 v16, v24  }
0x5ef: {  	v42 =	vadd.s32 v16, v23;
	v40 =	vld.idx.msk [tilespmem:v40+s1+$0x0], $0xffff;
	[tilespmem:s9+$0xFFFFFFE0] =	vst v37  }
0x5f0: {  	v37 =	vadd.s32 v16, v22;
	[tilespmem:s9+$0xFFFFFDD0] =	vst v38;
	v33 =	vld.idx.msk [tilespmem:v33+s1+$0x0], $0xffff  }
0x5f1: {  	v38 =	vadd.s32 v15, v29;
	v39 =	vld.idx.msk [tilespmem:v39+s1+$0x0], $0xffff;
	[tilespmem:s9+$0xFFFFFE50] =	vst v27  }
0x5f2: {  	v30 =	vadd.s32 v14, v30;
	v34 =	vld.idx.msk [tilespmem:v34+s1+$0x0], $0xffff;
	[tilespmem:s9+$0xFFFFFED0] =	vst v31  }
0x5f3: {  	v43 =	vadd.s32 v15, v28;
	v44 =	vld.idx.msk [tilespmem:v32+s1+$0x0], $0xffff;
	[tilespmem:s9+$0xFFFFFF50] =	vst v36  }
0x5f4: {  	v27 =	vmov s14;
	v32 =	vadd.s32 v15, v26;
	[tilespmem:s9+$0xFFFFFC50] =	vst v41;
	v45 =	vld.idx.msk [tilespmem:v42+s1+$0x0], $0xffff  }
0x5f5: {  	v27 =	vmul.u32 $0xD0, v27;
	v36 =	vld.idx.msk [tilespmem:v37+s1+$0x0], $0xffff;
	[tilespmem:s9+$0xFFFFFCE0] =	vst v35;
	v35 =	vadd.s32 v15, v25  }
0x5f6: {  	v46 =	vadd.s32 v15, v24;
	v31 =	vld.idx.msk [tilespmem:v38+s1+$0x0], $0xffff;
	[tilespmem:s9+$0xFFFFFFF0] =	vst v33  }
.Ltmp4:
0x5f7: {  	v27 =	vbroadcast v27, $0x0;
	v41 =	vadd.s32 v15, v23;
	[tilespmem:s9+$0xFFFFFD60] =	vst v40;
	v37 =	vld.idx.msk [tilespmem:v30+s1+$0x0], $0xffff;
	(pc) =	sbr.rel @p0 .LBB2_11-.Ltmp4, $4  }
0x5f8: {  	v38 =	vadd.s32 v15, v22;
	v33 =	vld.idx.msk [tilespmem:v43+s1+$0x0], $0xffff;
	[tilespmem:s9+$0xFFFFFDE0] =	vst v39  }
0x5f9: {  	s15 =	sadd.s32 $0x1, s14;
	v30 =	vadd.s32 v21, v27;
	v32 =	vld.idx.msk [tilespmem:v32+s1+$0x0], $0xffff;
	[tilespmem:s9+$0xFFFFFE60] =	vst v34  }
0x5fa: {  	s19 =	sadd.s32 $0x3, s14;
	v42 =	vmov s15;
	s15 =	sadd.s32 $0x2, s14;
	v39 =	vadd.s32 v14, v29;
	v34 =	vld.idx.msk [tilespmem:v35+s1+$0x0], $0xffff;
	[tilespmem:s9+$0xFFFFFEE0] =	vst v44  }
0x5fb: {  	v28 =	vadd.s32 v14, v28;
	s14 =	sadd.s32 $0x8, s14;
	v40 =	vmov s19;
	s19 =	sadd.s32 $0x4, s13;
	v29 =	vmov s15;
	s15 =	sadd.s32 $0x7, s13;
	v35 =	vld.idx.msk [tilespmem:v46+s1+$0x0], $0xffff;
	[tilespmem:s9+$0xFFFFFF60] =	vst v45  }
0x5fc: {  	_ =	sdelay $0x1  }
0x5fd: {  	[tilespmem:s9+$0xFFFFFC60] =	vst v36  }
0x5fe: {  	v57 =	vmov s19;
	[tilespmem:s9+$0x0] =	vst v37  }
0x5ff: {  	v43 =	vmov s15;
	v26 =	vadd.s32 v14, v26;
	v58 =	vld.idx.msk [tilespmem:v41+s1+$0x0], $0xffff;
	v25 =	vadd.s32 v14, v25;
	[tilespmem:s9+$0xFFFFFCF0] =	vst v31  }
0x600: {  	v61 =	vmul.u32 $0xD0, v42;
	v44 =	vadd.s32 v14, v24;
	v63 =	vmul.u32 $0xD0, v29;
	v30 =	vld.idx.msk [tilespmem:v30+s1+$0x0], $0xffff;
	[tilespmem:s9+$0xFFFFFD70] =	vst v33  }
0x601: {  	s14 =	sadd.s32 $0x5, s13;
	v46 =	vadd.s32 v14, v23;
	v47 =	vmul.u32 $0xD0, v40;
	v48 =	vadd.s32 v14, v22;
	v60 =	vld.idx.msk [tilespmem:v38+s1+$0x0], $0xffff;
	[tilespmem:s9+$0xFFFFFDF0] =	vst v32  }
0x602: {  	s19 =	sadd.s32 $0x6, s13;
	v59 =	vmov s14;
	v43 =	vmul.u32 $0xD0, v43;
	v45 =	vld.idx.msk [tilespmem:v39+s1+$0x0], $0xffff;
	v23 =	vbroadcast v61, $0x0;
	[tilespmem:s9+$0xFFFFFE70] =	vst v34  }
0x603: {  	v62 =	vmov s19;
	v50 =	vmul.u32 $0xD0, v57;
	v49 =	vld.idx.msk [tilespmem:v28+s1+$0x0], $0xffff;
	v22 =	vbroadcast v63, $0x0;
	[tilespmem:s9+$0xFFFFFEF0] =	vst v35  }
0x604: {  	s14 =	sadd.s32 $0x400, s9;
	v24 =	vbroadcast v47, $0x0;
	v57 =	vmul.u32 $0xD0, v62;
	v53 =	vadd.s32 v21, v23;
	v52 =	vld.idx.msk [tilespmem:v26+s1+$0x0], $0xffff;
	[tilespmem:s9+$0xFFFFFF70] =	vst v58  }
0x605: {  	v29 =	vbroadcast v43, $0x0;
	v56 =	vadd.s32 v21, v22;
	v55 =	vld.idx.msk [tilespmem:v25+s1+$0x0], $0xffff;
	[tilespmem:s14+$0xFFFFFC10] =	vst v30  }
0x606: {  	v54 =	vmul.u32 $0xD0, v59;
	v59 =	vadd.s32 v21, v24;
	v28 =	vbroadcast v57, $0x0;
	v58 =	vld.idx.msk [tilespmem:v44+s1+$0x0], $0xffff;
	[tilespmem:s9+$0xFFFFFC70] =	vst v60  }
0x607: {  	v51 =	vadd.s32 v21, v29;
	v25 =	vbroadcast v50, $0x0;
	v39 =	vld.idx.msk [tilespmem:v46+s1+$0x0], $0xffff;
	[tilespmem:s9+$0xFFFFFD00] =	vst v45  }
0x608: {  	v26 =	vbroadcast v54, $0x0;
	v62 =	vadd.s32 v21, v28;
	v38 =	vld.idx.msk [tilespmem:v48+s1+$0x0], $0xffff;
	[tilespmem:s9+$0xFFFFFD80] =	vst v49  }
0x609: {  	v60 =	vadd.s32 v21, v25;
	v35 =	vld.idx.msk [tilespmem:v53+s1+$0x0], $0xffff;
	[tilespmem:s9+$0xFFFFFE00] =	vst v52  }
0x60a: {  	v61 =	vadd.s32 v21, v26;
	v63 =	vld.idx.msk [tilespmem:v56+s1+$0x0], $0xffff;
	[tilespmem:s9+$0xFFFFFE80] =	vst v55  }
0x60b: {  	v43 =	vadd.s32 v20, v23;
	v31 =	vld.idx.msk [tilespmem:v59+s1+$0x0], $0xffff;
	[tilespmem:s9+$0xFFFFFF00] =	vst v58  }
0x60c: {  	v44 =	vadd.s32 v20, v22;
	v34 =	vld.idx.msk [tilespmem:v51+s1+$0x0], $0xffff;
	[tilespmem:s9+$0xFFFFFF80] =	vst v39  }
0x60d: {  	v46 =	vadd.s32 v20, v24;
	v21 =	vld.idx.msk [tilespmem:v62+s1+$0x0], $0xffff;
	[tilespmem:s9+$0xFFFFFC80] =	vst v38  }
0x60e: {  	v52 =	vadd.s32 v20, v27;
	v33 =	vld.idx.msk [tilespmem:v60+s1+$0x0], $0xffff;
	[tilespmem:s14+$0xFFFFFC90] =	vst v35  }
0x60f: {  	v42 =	vadd.s32 v20, v29;
	v45 =	vld.idx.msk [tilespmem:v61+s1+$0x0], $0xffff;
	[tilespmem:s14+$0xFFFFFD10] =	vst v63  }
0x610: {  	v51 =	vadd.s32 v20, v28;
	[tilespmem:s14+$0xFFFFFD90] =	vst v31;
	v49 =	vld.idx.msk [tilespmem:v43+s1+$0x0], $0xffff  }
0x611: {  	v47 =	vadd.s32 v20, v25;
	[tilespmem:s14+$0xFFFFFF90] =	vst v34;
	v38 =	vld.idx.msk [tilespmem:v44+s1+$0x0], $0xffff  }
0x612: {  	v48 =	vadd.s32 v20, v26;
	v34 =	vld.idx.msk [tilespmem:v46+s1+$0x0], $0xffff;
	[tilespmem:s14+$0xFFFFFF10] =	vst v21  }
0x613: {  	v53 =	vadd.s32 v19, v23;
	v20 =	vld.idx.msk [tilespmem:v52+s1+$0x0], $0xffff;
	[tilespmem:s14+$0xFFFFFE10] =	vst v33  }
0x614: {  	v54 =	vadd.s32 v19, v22;
	v36 =	vld.idx.msk [tilespmem:v42+s1+$0x0], $0xffff;
	[tilespmem:s14+$0xFFFFFE90] =	vst v45  }
0x615: {  	v55 =	vadd.s32 v19, v24;
	v56 =	vld.idx.msk [tilespmem:v51+s1+$0x0], $0xffff;
	[tilespmem:s14+$0xFFFFFCA0] =	vst v49  }
0x616: {  	v62 =	vadd.s32 v19, v27;
	v35 =	vld.idx.msk [tilespmem:v47+s1+$0x0], $0xffff;
	[tilespmem:s14+$0xFFFFFD20] =	vst v38  }
0x617: {  	v50 =	vadd.s32 v19, v29;
	v32 =	vld.idx.msk [tilespmem:v48+s1+$0x0], $0xffff;
	[tilespmem:s14+$0xFFFFFDA0] =	vst v34  }
0x618: {  	v61 =	vadd.s32 v19, v28;
	[tilespmem:s14+$0xFFFFFC20] =	vst v20;
	v21 =	vld.idx.msk [tilespmem:v53+s1+$0x0], $0xffff  }
0x619: {  	v57 =	vadd.s32 v19, v25;
	[tilespmem:s14+$0xFFFFFFA0] =	vst v36;
	v60 =	vld.idx.msk [tilespmem:v54+s1+$0x0], $0xffff  }
0x61a: {  	v59 =	vadd.s32 v19, v26;
	v30 =	vld.idx.msk [tilespmem:v55+s1+$0x0], $0xffff;
	[tilespmem:s14+$0xFFFFFF20] =	vst v56  }
0x61b: {  	v63 =	vadd.s32 v18, v23;
	v19 =	vld.idx.msk [tilespmem:v62+s1+$0x0], $0xffff;
	[tilespmem:s14+$0xFFFFFE20] =	vst v35  }
0x61c: {  	v40 =	vadd.s32 v18, v22;
	v37 =	vld.idx.msk [tilespmem:v50+s1+$0x0], $0xffff;
	[tilespmem:s14+$0xFFFFFEA0] =	vst v32  }
0x61d: {  	v42 =	vadd.s32 v18, v24;
	v43 =	vld.idx.msk [tilespmem:v61+s1+$0x0], $0xffff;
	[tilespmem:s14+$0xFFFFFCB0] =	vst v21  }
0x61e: {  	v49 =	vadd.s32 v18, v27;
	v33 =	vld.idx.msk [tilespmem:v57+s1+$0x0], $0xffff;
	[tilespmem:s14+$0xFFFFFD30] =	vst v60  }
0x61f: {  	v58 =	vadd.s32 v18, v29;
	v41 =	vld.idx.msk [tilespmem:v59+s1+$0x0], $0xffff;
	[tilespmem:s14+$0xFFFFFDB0] =	vst v30  }
0x620: {  	v48 =	vadd.s32 v18, v28;
	[tilespmem:s14+$0xFFFFFC30] =	vst v19;
	v46 =	vld.idx.msk [tilespmem:v63+s1+$0x0], $0xffff  }
0x621: {  	v45 =	vadd.s32 v18, v25;
	[tilespmem:s14+$0xFFFFFFB0] =	vst v37;
	v31 =	vld.idx.msk [tilespmem:v40+s1+$0x0], $0xffff  }
0x622: {  	v47 =	vadd.s32 v18, v26;
	v34 =	vld.idx.msk [tilespmem:v42+s1+$0x0], $0xffff;
	[tilespmem:s14+$0xFFFFFF30] =	vst v43  }
0x623: {  	v50 =	vadd.s32 v17, v23;
	v18 =	vld.idx.msk [tilespmem:v49+s1+$0x0], $0xffff;
	[tilespmem:s14+$0xFFFFFE30] =	vst v33  }
0x624: {  	v52 =	vadd.s32 v17, v22;
	v37 =	vld.idx.msk [tilespmem:v58+s1+$0x0], $0xffff;
	[tilespmem:s14+$0xFFFFFEB0] =	vst v41  }
0x625: {  	v55 =	vadd.s32 v17, v24;
	v33 =	vld.idx.msk [tilespmem:v48+s1+$0x0], $0xffff;
	[tilespmem:s14+$0xFFFFFCC0] =	vst v46  }
0x626: {  	v59 =	vadd.s32 v17, v27;
	v51 =	vld.idx.msk [tilespmem:v45+s1+$0x0], $0xffff;
	[tilespmem:s14+$0xFFFFFD40] =	vst v31  }
0x627: {  	v44 =	vadd.s32 v17, v29;
	v53 =	vld.idx.msk [tilespmem:v47+s1+$0x0], $0xffff;
	[tilespmem:s14+$0xFFFFFDC0] =	vst v34  }
0x628: {  	v58 =	vadd.s32 v17, v28;
	[tilespmem:s14+$0xFFFFFC40] =	vst v18;
	v20 =	vld.idx.msk [tilespmem:v50+s1+$0x0], $0xffff  }
0x629: {  	v56 =	vadd.s32 v17, v25;
	[tilespmem:s14+$0xFFFFFFC0] =	vst v37;
	v35 =	vld.idx.msk [tilespmem:v52+s1+$0x0], $0xffff  }
0x62a: {  	v57 =	vadd.s32 v17, v26;
	v61 =	vld.idx.msk [tilespmem:v55+s1+$0x0], $0xffff;
	[tilespmem:s14+$0xFFFFFF40] =	vst v33  }
0x62b: {  	v62 =	vadd.s32 v16, v23;
	v17 =	vld.idx.msk [tilespmem:v59+s1+$0x0], $0xffff;
	[tilespmem:s14+$0xFFFFFE40] =	vst v51  }
0x62c: {  	v37 =	vadd.s32 v16, v22;
	v36 =	vld.idx.msk [tilespmem:v44+s1+$0x0], $0xffff;
	[tilespmem:s14+$0xFFFFFEC0] =	vst v53  }
0x62d: {  	v39 =	vadd.s32 v16, v24;
	v40 =	vld.idx.msk [tilespmem:v58+s1+$0x0], $0xffff;
	[tilespmem:s14+$0xFFFFFCD0] =	vst v20  }
0x62e: {  	v45 =	vadd.s32 v16, v27;
	v31 =	vld.idx.msk [tilespmem:v56+s1+$0x0], $0xffff;
	[tilespmem:s14+$0xFFFFFD50] =	vst v35  }
0x62f: {  	v54 =	vadd.s32 v16, v29;
	v38 =	vld.idx.msk [tilespmem:v57+s1+$0x0], $0xffff;
	[tilespmem:s14+$0xFFFFFDD0] =	vst v61  }
0x630: {  	v44 =	vadd.s32 v16, v28;
	[tilespmem:s14+$0xFFFFFC50] =	vst v17;
	v42 =	vld.idx.msk [tilespmem:v62+s1+$0x0], $0xffff  }
0x631: {  	v41 =	vadd.s32 v16, v25;
	[tilespmem:s14+$0xFFFFFFD0] =	vst v36;
	v18 =	vld.idx.msk [tilespmem:v37+s1+$0x0], $0xffff  }
0x632: {  	v43 =	vadd.s32 v16, v26;
	v20 =	vld.idx.msk [tilespmem:v39+s1+$0x0], $0xffff;
	[tilespmem:s14+$0xFFFFFF50] =	vst v40  }
0x633: {  	v63 =	vadd.s32 v15, v29;
	v46 =	vadd.s32 v15, v23;
	v16 =	vld.idx.msk [tilespmem:v45+s1+$0x0], $0xffff;
	[tilespmem:s14+$0xFFFFFE50] =	vst v31  }
0x634: {  	v49 =	vadd.s32 v15, v24;
	v48 =	vadd.s32 v15, v22;
	v60 =	vld.idx.msk [tilespmem:v54+s1+$0x0], $0xffff;
	[tilespmem:s14+$0xFFFFFED0] =	vst v38  }
0x635: {  	v50 =	vadd.s32 v15, v25;
	v51 =	vadd.s32 v15, v26;
	v19 =	vld.idx.msk [tilespmem:v44+s1+$0x0], $0xffff;
	[tilespmem:s14+$0xFFFFFCE0] =	vst v42  }
0x636: {  	v53 =	vadd.s32 v15, v28;
	v15 =	vadd.s32 v15, v27;
	v47 =	vld.idx.msk [tilespmem:v41+s1+$0x0], $0xffff;
	[tilespmem:s14+$0xFFFFFD60] =	vst v18  }
0x637: {  	v30 =	vld.idx.msk [tilespmem:v43+s1+$0x0], $0xffff;
	[tilespmem:s14+$0xFFFFFDE0] =	vst v20  }
0x638: {  	[tilespmem:s14+$0xFFFFFC60] =	vst v16;
	v52 =	vld.idx.msk [tilespmem:v46+s1+$0x0], $0xffff  }
0x639: {  	[tilespmem:s14+$0xFFFFFFE0] =	vst v60;
	v17 =	vld.idx.msk [tilespmem:v48+s1+$0x0], $0xffff  }
0x63a: {  	v21 =	vld.idx.msk [tilespmem:v49+s1+$0x0], $0xffff;
	[tilespmem:s14+$0xFFFFFF60] =	vst v19  }
0x63b: {  	v29 =	vadd.s32 v14, v29;
	v23 =	vadd.s32 v14, v23;
	v15 =	vld.idx.msk [tilespmem:v15+s1+$0x0], $0xffff;
	[tilespmem:s14+$0xFFFFFE60] =	vst v47  }
0x63c: {  	v22 =	vadd.s32 v14, v22;
	v25 =	vadd.s32 v14, v25;
	v32 =	vld.idx.msk [tilespmem:v63+s1+$0x0], $0xffff;
	[tilespmem:s14+$0xFFFFFEE0] =	vst v30  }
0x63d: {  	v58 =	vadd.s32 v14, v26;
	v56 =	vadd.s32 v14, v24;
	v57 =	vld.idx.msk [tilespmem:v53+s1+$0x0], $0xffff;
	[tilespmem:s14+$0xFFFFFCF0] =	vst v52  }
0x63e: {  	v60 =	vadd.s32 v14, v28;
	v14 =	vadd.s32 v14, v27;
	v54 =	vld.idx.msk [tilespmem:v50+s1+$0x0], $0xffff;
	[tilespmem:s14+$0xFFFFFD70] =	vst v17  }
0x63f: {  	v55 =	vld.idx.msk [tilespmem:v51+s1+$0x0], $0xffff;
	[tilespmem:s14+$0xFFFFFDF0] =	vst v21  }
0x640: {  	[tilespmem:s14+$0xFFFFFC70] =	vst v15;
	v59 =	vld.idx.msk [tilespmem:v23+s1+$0x0], $0xffff  }
0x641: {  	[tilespmem:s14+$0xFFFFFFF0] =	vst v32;
	v61 =	vld.idx.msk [tilespmem:v22+s1+$0x0], $0xffff  }
0x642: {  	v18 =	vld.idx.msk [tilespmem:v56+s1+$0x0], $0xffff;
	[tilespmem:s14+$0xFFFFFF70] =	vst v57  }
0x643: {  	v14 =	vld.idx.msk [tilespmem:v14+s1+$0x0], $0xffff;
	[tilespmem:s14+$0xFFFFFE70] =	vst v54  }
0x644: {  	v29 =	vld.idx.msk [tilespmem:v29+s1+$0x0], $0xffff;
	[tilespmem:s14+$0xFFFFFEF0] =	vst v55  }
0x645: {  	v15 =	vld.idx.msk [tilespmem:v60+s1+$0x0], $0xffff;
	[tilespmem:s14+$0xFFFFFD00] =	vst v59  }
0x646: {  	v62 =	vld.idx.msk [tilespmem:v25+s1+$0x0], $0xffff;
	[tilespmem:s14+$0xFFFFFD80] =	vst v61  }
0x647: {  	v63 =	vld.idx.msk [tilespmem:v58+s1+$0x0], $0xffff;
	[tilespmem:s14+$0xFFFFFE00] =	vst v18  }
0x648: {  	s7 =	sshll.u32 s7, $0x12;
	[tilespmem:s14+$0xFFFFFC80] =	vst v14  }
0x649: {  	s15 =	sor.u32 s4, s7;
	[tilespmem:s14+$0x0] =	vst v29  }
0x64a: {  	s13 =	sshrl.u32 s15, $0x3;
	[tilespmem:s14+$0xFFFFFF80] =	vst v15  }
0x64b: {  	s19 =	sadd.s32 s2, s13;
	s13 =	sor.u32 s6, s7;
	[tilespmem:s14+$0xFFFFFE80] =	vst v62  }
0x64c: {  	s9 =	sshrl.u32 s13, $0x3;
	[tilespmem:s14+$0xFFFFFF00] =	vst v63  }
0x64d: {  	[hbm4b:s19+s3] =	stream.linear.scatter [tilespmem:s29], [sflag:$0x2], $0x400, $0x38;
	[tilespmem:$0x14F08] =	vst v63  }
0x64e: {  	s15 =	sor.u32 s10, s7;
	s9 =	sadd.s32 s2, s9;
	s14 =	simm.s32 $0x13308  }
0x64f: {  	[hbm4b:s9+s3] =	stream.linear.scatter [tilespmem:s14], [sflag:$0x2], $0x400, $0x38;
	[tilespmem:$0x14F08] =	vst v63  }
0x650: {  	s9 =	sshrl.u32 s15, $0x3  }
0x651: {  	s13 =	sor.u32 s11, s7;
	s19 =	simm.s32 $0x13708;
	s9 =	sadd.s32 s2, s9  }
0x652: {  	[hbm4b:s9+s3] =	stream.linear.scatter [tilespmem:s19], [sflag:$0x2], $0x400, $0x38;
	[tilespmem:$0x14F08] =	vst v63  }
0x653: {  	s9 =	sshrl.u32 s13, $0x3  }
0x654: {  	s14 =	simm.s32 $0x13B08;
	s15 =	sor.u32 s12, s7;
	s9 =	sadd.s32 s2, s9  }
0x655: {  	[hbm4b:s9+s3] =	stream.linear.scatter [tilespmem:s14], [sflag:$0x2], $0x400, $0x38;
	[tilespmem:$0x14F08] =	vst v63  }
0x656: {  	s0 =	sadd.s32 $0x1, s0;
	s9 =	sshrl.u32 s15, $0x3  }
0x657: {  	s19 =	simm.s32 $0x13F08;
	s13 =	sor.u32 s16, s7;
	s9 =	sadd.s32 s2, s9  }
0x658: {  	[hbm4b:s9+s3] =	stream.linear.scatter [tilespmem:s19], [sflag:$0x2], $0x400, $0x38;
	[tilespmem:$0x14F08] =	vst v63  }
0x659: {  	p0 =	sne.s32 s0, $0x64;
	s9 =	sshrl.u32 s13, $0x3  }
0x65a: {  	s14 =	simm.s32 $0x14308;
	s15 =	sor.u32 s17, s7;
	s9 =	sadd.s32 s2, s9  }
0x65b: {  	[hbm4b:s9+s3] =	stream.linear.scatter [tilespmem:s14], [sflag:$0x2], $0x400, $0x38;
	[tilespmem:$0x14F08] =	vst v63  }
.Ltmp5:
0x65c: {  	s7 =	sor.u32 s18, s7;
	s9 =	sshrl.u32 s15, $0x3;
	(pc) =	sbr.rel @p0 .LBB2_8-.Ltmp5, $4  }
0x65d: {  	s7 =	sshrl.u32 s7, $0x3;
	s19 =	simm.s32 $0x14708;
	s9 =	sadd.s32 s2, s9  }
0x65e: {  	[hbm4b:s9+s3] =	stream.linear.scatter [tilespmem:s19], [sflag:$0x2], $0x400, $0x38;
	[tilespmem:$0x14F08] =	vst v63  }
0x65f: {  	s7 =	sadd.s32 s2, s7  }
0x660: {  	[hbm4b:s7+s3] =	stream.linear.scatter [tilespmem:s30], [sflag:$0x2], $0x400, $0x38;
	[tilespmem:$0x14F08] =	vst v63  }
0x661: {  	_ =	swait.ge [sflag:s31], $0x400  }
0x662: {  	[sflag:s31] =	ssyncset.done $0x0  }
0x663: {  	[sflag:s31] =	ssyncadd.s32 $0xFFFFFC00  }
0x664: {  	_ =	swait.ge [sflag:s31], $0x400  }
0x665: {  	[sflag:s31] =	ssyncset.done $0x0  }
0x666: {  	[sflag:s31] =	ssyncadd.s32 $0xFFFFFC00  }
0x667: {  	_ =	swait.ge [sflag:s31], $0x400  }
0x668: {  	[sflag:s31] =	ssyncset.done $0x0  }
0x669: {  	[sflag:s31] =	ssyncadd.s32 $0xFFFFFC00  }
0x66a: {  	_ =	swait.ge [sflag:s31], $0x400  }
0x66b: {  	[sflag:s31] =	ssyncset.done $0x0  }
0x66c: {  	[sflag:s31] =	ssyncadd.s32 $0xFFFFFC00  }
0x66d: {  	_ =	swait.ge [sflag:s31], $0x400  }
0x66e: {  	[sflag:s31] =	ssyncset.done $0x0  }
0x66f: {  	[sflag:s31] =	ssyncadd.s32 $0xFFFFFC00  }
0x670: {  	_ =	swait.ge [sflag:s31], $0x400  }
0x671: {  	[sflag:s31] =	ssyncset.done $0x0  }
0x672: {  	[sflag:s31] =	ssyncadd.s32 $0xFFFFFC00  }
0x673: {  	_ =	swait.ge [sflag:s31], $0x400  }
0x674: {  	[sflag:s31] =	ssyncset.done $0x0  }
0x675: {  	[sflag:s31] =	ssyncadd.s32 $0xFFFFFC00  }
0x676: {  	_ =	swait.ge [sflag:s31], $0x400  }
0x677: {  	[sflag:s31] =	ssyncset.done $0x0  }
0x678: {  	[sflag:s31] =	ssyncadd.s32 $0xFFFFFC00  }
0x679: {  	_ =	swait.ge [sflag:s8], $0x400  }
0x67a: {  	[sflag:s8] =	ssyncset.done $0x0  }
0x67b: {  	[sflag:s8] =	ssyncadd.s32 $0xFFFFFC00  }
0x67c: {  	_ =	swait.ge [sflag:s8], $0x400  }
0x67d: {  	[sflag:s8] =	ssyncset.done $0x0  }
0x67e: {  	[sflag:s8] =	ssyncadd.s32 $0xFFFFFC00  }
0x67f: {  	_ =	swait.ge [sflag:s8], $0x400  }
0x680: {  	[sflag:s8] =	ssyncset.done $0x0  }
0x681: {  	[sflag:s8] =	ssyncadd.s32 $0xFFFFFC00  }
0x682: {  	_ =	swait.ge [sflag:s8], $0x400  }
0x683: {  	[sflag:s8] =	ssyncset.done $0x0  }
0x684: {  	[sflag:s8] =	ssyncadd.s32 $0xFFFFFC00  }
0x685: {  	_ =	swait.ge [sflag:s8], $0x400  }
0x686: {  	[sflag:s8] =	ssyncset.done $0x0  }
0x687: {  	[sflag:s8] =	ssyncadd.s32 $0xFFFFFC00  }
0x688: {  	_ =	swait.ge [sflag:s8], $0x400  }
0x689: {  	[sflag:s8] =	ssyncset.done $0x0  }
0x68a: {  	[sflag:s8] =	ssyncadd.s32 $0xFFFFFC00  }
0x68b: {  	_ =	swait.ge [sflag:s8], $0x400  }
0x68c: {  	[sflag:s8] =	ssyncset.done $0x0  }
0x68d: {  	[sflag:s8] =	ssyncadd.s32 $0xFFFFFC00  }
0x68e: {  	_ =	swait.ge [sflag:s8], $0x400  }
0x68f: {  	s7 =	rddreg [dreg:$0x16]  }
0x690: {  	s0 =	rddreg [dreg:$0x10];
	s7 =	sadd.s32 $0x1, s7  }
0x691: {  	p0 =	sne.s32 s7, s0  }
.Ltmp6:
0x692: {  	_ = 	snop;
	(pc) =	sbr.rel @p0 .LBB2_1-.Ltmp6, $3  }
0x693: {  	_ =	sdelay $0x1  }
0x694: {  	[sflag:s8] =	ssyncset.done $0x0  }
0x695: {  	[sflag:s8] =	ssyncadd.s32 $0xFFFFFC00  }
0x696: {  	_ =	sfence.sel $0x180000  }
0x697: {  	[bflag:$0x0] =	sbarrier.arrive $0xFFFF  }
0x698: {  	_ =	strace $0x90000047  }
0x699: {  	s0 =	stileid.u32;
	[bflag:$0x2] =	sbarrier.arrive $0xFFFF  }
0x69a: {  	p0 =	sne.s32 s0, $0x0;
	s0 =	rddreg [dreg:$0x2]  }
0x69b: {  	s0 =	sadd.s32 @!p0 $0x100000, s0  }
0x69c: {  	[sflag:s0] =	ssyncadd.tile.s32 @!p0 $0x1;
	_ =	shalt  }
.Lfunc_end2:
_tile_overlayer_lowered:
.L_overlay_start_2:
0x69d: {  	(tag) =	ssettag $0x2  }
0x69e: {  	s0 =	rddreg [dreg:$0x0];
	s2 =	stileid.u32  }
0x69f: {  	s1 =	rddreg [dreg:$0x1];
	p0 =	sne.s32 s2, $0x0  }
0x6a0: {  	s3 =	rddreg [dreg:$0x2];
	[bflag:$0x3] =	sbarrier.arrive $0xFFFF;
	s2 =	simm.s32 @!p0 $0x1C03  }
0x6a1: {  	[timem:s3], [sflag:s2] =	dma.local @!p0 [hbm:s0], s1  }
0x6a2: {  	s0 =	simm.s32 @!p0 $0x3  }
0x6a3: {  	_ =	swait.ge @!p0 [sflag:s0], s1  }
0x6a4: {  	s1 =	ssub.s32 @!p0 $0x0, s1;
	[sflag:s0] =	ssyncset.done @!p0 $0x0  }
0x6a5: {  	[sflag:s0] =	ssyncadd.s32 @!p0 s1  }
0x6a6: {  	[bflag:$0x3] =	sbarrier.arrive $0xFFFF  }
0x6a7: {  	_ =	shalt  }

</sc_bundles>
